<compile_context>
chip_gen: v7x
topology: tpu7x:2x2x1
jax: 0.10.2.dev20260603
libtpu: 0.0.44.dev20260713+nightly
codegen_flags: <defaults>
</compile_context>

<pallas_src>
import functools

import jax
import jax.numpy as jnp
from jax import lax
from jax.experimental import pallas as pl
from jax.experimental.pallas import tpu as pltpu
from jax.experimental.pallas import tpu_sc as plsc

N = 10000
D = 128
E = 320000

NC = 2
NS = 16
NW = NC * NS
C = 128
NB = 2
CH = 80
EPAD = C * CH * NW
NPAD = 10240
RPT = NPAD // NS


def _make_agg(with_cnt: bool):
    mesh = plsc.VectorSubcoreMesh(core_axis_name="c", subcore_axis_name="s")
    out_type = [jax.ShapeDtypeStruct((NC, NPAD, D), jnp.float32)]
    scratch = [
        pltpu.VMEM((NB, C), jnp.int32),
        pltpu.VMEM((NB, C), jnp.int32),
        pltpu.VMEM((NB, C, D), jnp.float32),
        pltpu.VMEM_SHARED((NPAD, D), jnp.float32),
    ] + [pltpu.SemaphoreType.DMA] * (3 * NB)
    if with_cnt:
        out_type.append(jax.ShapeDtypeStruct((NC, NPAD), jnp.float32))
        scratch += [
            pltpu.VMEM((C,), jnp.float32),
            pltpu.VMEM((RPT,), jnp.float32),
            pltpu.VMEM_SHARED((NPAD,), jnp.float32),
        ]

    def body(h_hbm, srcr_hbm, dstr_hbm, out_hbm, *rest):
        if with_cnt:
            (cnt_hbm, src_v, dst_v, rows_v, accum_sh, *sems,
             ones_v, zc_v, cnt_sh) = rest
        else:
            (src_v, dst_v, rows_v, accum_sh, *sems) = rest
        cid = lax.axis_index("c")
        sid = lax.axis_index("s")

        z16 = jnp.zeros((16,), jnp.float32)

        def zrow(i, carry):
            for j in range(D // 16):
                rows_v[0, i, pl.ds(j * 16, 16)] = z16
            return carry

        lax.fori_loop(0, C, zrow, 0)
        for k in range(RPT // C):
            pltpu.sync_copy(rows_v.at[0],
                            accum_sh.at[pl.ds(sid * RPT + k * C, C)])

        if with_cnt:
            one16 = jnp.ones((16,), jnp.float32)

            def fill(i, carry):
                ones_v[pl.ds(i * 16, 16)] = one16
                return carry

            lax.fori_loop(0, C // 16, fill, 0)

            def zfill(i, carry):
                zc_v[pl.ds(i * 16, 16)] = z16
                return carry

            lax.fori_loop(0, RPT // 16, zfill, 0)
            pltpu.sync_copy(zc_v, cnt_sh.at[pl.ds(sid * RPT, RPT)])

        plsc.subcore_barrier()

        semg = sems[0:NB]
        sems_i = sems[NB:2 * NB]
        semd = sems[2 * NB:3 * NB]

        def gather(b):
            pltpu.make_async_copy(
                h_hbm.at[src_v.at[b]], rows_v.at[b], semg[b]).start()
        w = sid * NC + cid
        my_src = srcr_hbm.at[w]
        my_dst = dstr_hbm.at[w]

        for b in range(NB):
            pltpu.sync_copy(my_src.at[b], src_v.at[b])
            pltpu.sync_copy(my_dst.at[b], dst_v.at[b])
            gather(b)

        def group(g, carry):
            for b in range(NB):
                i = g * NB + b
                pltpu.make_async_copy(
                    h_hbm.at[src_v.at[b]], rows_v.at[b], semg[b]).wait()

                @pl.when(i + NB < CH)
                def _():
                    pltpu.make_async_copy(
                        my_src.at[i + NB], src_v.at[b], sems_i[b]).start()

                @pl.when(i >= NB)
                def _():
                    pltpu.make_async_copy(
                        my_dst.at[0], dst_v.at[b], semd[b]).wait()

                pltpu.sync_copy(rows_v.at[b], accum_sh.at[dst_v.at[b]],
                                add=True)
                if with_cnt:
                    pltpu.sync_copy(ones_v, cnt_sh.at[dst_v.at[b]],
                                    add=True)

                @pl.when(i + NB < CH)
                def _():
                    pltpu.make_async_copy(
                        my_dst.at[i + NB], dst_v.at[b], semd[b]).start()
                    pltpu.make_async_copy(
                        my_src.at[0], src_v.at[b], sems_i[b]).wait()
                    gather(b)
            return carry

        lax.fori_loop(0, CH // NB, group, 0)

        plsc.subcore_barrier()

        pltpu.sync_copy(accum_sh.at[pl.ds(sid * RPT, RPT)],
                        out_hbm.at[cid].at[pl.ds(sid * RPT, RPT)])
        if with_cnt:
            pltpu.sync_copy(cnt_sh.at[pl.ds(sid * RPT, RPT)],
                            cnt_hbm.at[cid].at[pl.ds(sid * RPT, RPT)])

    return pl.kernel(body, out_type=out_type, mesh=mesh, scratch_types=scratch)


_agg_cnt = _make_agg(True)
_agg = _make_agg(False)

BR = 1024


def _dense_body(final, p_ref, cnt_ref, h_ref, wn_ref, ws_ref, b_ref, o_ref):
    c = cnt_ref[0] + cnt_ref[1]
    inv = 1.0 / jnp.maximum(c, 1.0)
    mean = (p_ref[0] + p_ref[1]) * inv
    y = (jnp.dot(mean, wn_ref[...], preferred_element_type=jnp.float32)
         + jnp.dot(h_ref[...], ws_ref[...], preferred_element_type=jnp.float32)
         + b_ref[...])
    z = jnp.maximum(y, 0.0)
    if final:
        m = jnp.max(z, axis=1, keepdims=True)
        e = jnp.exp(z - m)
        s = jnp.sum(e, axis=1, keepdims=True)
        z = z - m - jnp.log(s)
    o_ref[...] = z


def _dense(p, cnt3, h, Wn, Ws, b, final):
    return pl.pallas_call(
        functools.partial(_dense_body, final),
        grid=(NPAD // BR,),
        in_specs=[
            pl.BlockSpec((NC, BR, D), lambda i: (0, i, 0)),
            pl.BlockSpec((NC, BR, 1), lambda i: (0, i, 0)),
            pl.BlockSpec((BR, D), lambda i: (i, 0)),
            pl.BlockSpec((D, D), lambda i: (0, 0)),
            pl.BlockSpec((D, D), lambda i: (0, 0)),
            pl.BlockSpec((1, D), lambda i: (0, 0)),
        ],
        out_specs=pl.BlockSpec((BR, D), lambda i: (i, 0)),
        out_shape=jax.ShapeDtypeStruct((NPAD, D), jnp.float32),
    )(p, cnt3, h, Wn, Ws, b.reshape(1, D))


def kernel(x, edge_index, W1n, W1s, b1, W2n, W2s, b2, W3n, W3s, b3):
    src = edge_index[0]
    dst = edge_index[1]
    pad = EPAD - E
    pad_dst = N + (jnp.arange(pad, dtype=jnp.int32) % (NPAD - N))
    src_p = jnp.concatenate([src, jnp.zeros((pad,), jnp.int32)])
    dst_p = jnp.concatenate([dst, pad_dst])
    srcr = src_p.reshape(NW, CH, C)
    dstr = dst_p.reshape(NW, CH, C)
    x_pad = jnp.concatenate(
        [x, jnp.zeros((NPAD - N, D), jnp.float32)], axis=0)

    p1, cnt = _agg_cnt(x_pad, srcr, dstr)
    cnt3 = cnt[:, :, None]
    h1 = _dense(p1, cnt3, x_pad, W1n, W1s, b1, final=False)
    [p2] = _agg(h1, srcr, dstr)
    h2 = _dense(p2, cnt3, h1, W2n, W2s, b2, final=False)
    [p3] = _agg(h2, srcr, dstr)
    out = _dense(p3, cnt3, h2, W3n, W3s, b3, final=True)
    return out[:N]

# --- scband reference (transcript-rebuilt; emitter-appended) ---
"""Pipeline reference for scband-graph-sage-66709432041918 (READ-ONLY COPY).

The authoritative reference and input builder live on the scoring server;
editing this copy changes nothing except your own understanding.
"""

import jax, jax.numpy as jnp
import numpy as np

N = 10000
E = 320000
DIN = 128
DH = 128
DOUT = 128


def setup_inputs(seed: int = 0) -> dict:
    key = jax.random.key(seed)
    ks = jax.random.split(key, 12)
    x = jax.random.normal(ks[0], (N, DIN), dtype=jnp.float32)
    edge_index = jax.random.randint(ks[1], (2, E), 0, N, dtype=jnp.int32)
    s1 = 1.0 / np.sqrt(DIN)
    s2 = 1.0 / np.sqrt(DH)
    W1n = jax.random.uniform(ks[2], (DIN, DH), jnp.float32, -s1, s1)
    W1s = jax.random.uniform(ks[3], (DIN, DH), jnp.float32, -s1, s1)
    b1 = jax.random.uniform(ks[4], (DH,), jnp.float32, -s1, s1)
    W2n = jax.random.uniform(ks[5], (DH, DH), jnp.float32, -s2, s2)
    W2s = jax.random.uniform(ks[6], (DH, DH), jnp.float32, -s2, s2)
    b2 = jax.random.uniform(ks[7], (DH,), jnp.float32, -s2, s2)
    W3n = jax.random.uniform(ks[8], (DH, DOUT), jnp.float32, -s2, s2)
    W3s = jax.random.uniform(ks[9], (DH, DOUT), jnp.float32, -s2, s2)
    b3 = jax.random.uniform(ks[10], (DOUT,), jnp.float32, -s2, s2)
    return {"x": x, "edge_index": edge_index, "W1n": W1n, "W1s": W1s, "b1": b1,
            "W2n": W2n, "W2s": W2s, "b2": b2, "W3n": W3n, "W3s": W3s, "b3": b3}


def _sage_conv(h, edge_index, Wn, Ws, b):
    # PyG SAGEConv with mean aggregation: out = mean_agg(x_j) @ Wn + x_i @ Ws + b
    src = edge_index[0]
    dst = edge_index[1]
    msg = jnp.take(h, src, axis=0)                              # gather (SparseCore)
    agg = jax.ops.segment_sum(msg, dst, num_segments=N)         # scatter-add
    cnt = jax.ops.segment_sum(jnp.ones((E,), jnp.float32), dst, num_segments=N)
    mean = agg / jnp.clip(cnt, 1.0, None)[:, None]
    return mean @ Wn + h @ Ws + b


def reference(x, edge_index, W1n, W1s, b1, W2n, W2s, b2, W3n, W3s, b3):
    # Dropout is identity in eval mode (deterministic reference).
    h = jax.nn.relu(_sage_conv(x, edge_index, W1n, W1s, b1))
    h = jax.nn.relu(_sage_conv(h, edge_index, W2n, W2s, b2))
    h = jax.nn.relu(_sage_conv(h, edge_index, W3n, W3s, b3))
    return jax.nn.log_softmax(h, axis=1)

if __name__ == "__main__":
    import jax
    _d = setup_inputs()
    print(jax.jit(kernel)(*tuple(_d.values())))

</pallas_src>

<mosaic_0001>
#map = affine_map<(d0, d1) -> (0, 0)>
#map1 = affine_map<(d0, d1) -> (0, 0, 0)>
module attributes {stable_mosaic.version = 14 : i64} {
  func.func @body(%arg0: i32, %arg1: i32, %arg2: memref<10240x128xf32, #tpu.memory_space<hbm>>, %arg3: memref<32x80x128xi32, #tpu.memory_space<hbm>>, %arg4: memref<32x80x128xi32, #tpu.memory_space<hbm>>, %arg5: memref<2x10240x128xf32, #tpu.memory_space<hbm>>, %arg6: memref<2x10240xf32, #tpu.memory_space<hbm>>, %arg7: memref<2x128xi32, #tpu.memory_space<vmem>>, %arg8: memref<2x128xi32, #tpu.memory_space<vmem>>, %arg9: memref<2x128x128xf32, #tpu.memory_space<vmem>>, %arg10: memref<10240x128xf32, #tpu.memory_space<vmem_shared>>, %arg11: memref<!tpu.dma_semaphore, #tpu.memory_space<semaphore_mem>>, %arg12: memref<!tpu.dma_semaphore, #tpu.memory_space<semaphore_mem>>, %arg13: memref<!tpu.dma_semaphore, #tpu.memory_space<semaphore_mem>>, %arg14: memref<!tpu.dma_semaphore, #tpu.memory_space<semaphore_mem>>, %arg15: memref<!tpu.dma_semaphore, #tpu.memory_space<semaphore_mem>>, %arg16: memref<!tpu.dma_semaphore, #tpu.memory_space<semaphore_mem>>, %arg17: memref<128xf32, #tpu.memory_space<vmem>>, %arg18: memref<640xf32, #tpu.memory_space<vmem>>, %arg19: memref<10240xf32, #tpu.memory_space<vmem_shared>>) attributes {dimension_semantics = [#tpu.dimension_semantics<core_parallel>, #tpu.dimension_semantics<subcore_parallel>], iteration_bounds = array<i64: 2, 16>, scalar_prefetch = 0 : i64, scratch_operands = 13 : i64, tpu.core_type = #tpu.core_type<sc_vector_subcore>, window_params = [{transform_indices = #map}, {transform_indices = #map1}, {transform_indices = #map1}, {transform_indices = #map1}, {transform_indices = #map}]} {
    %broadcast_in_dim3A = arith.constant 0.000000e+00 : f32
    %broadcast_in_dim3A_0 = vector.broadcast %broadcast_in_dim3A : f32 to vector<16xf32>
    %scan3A = arith.constant 0 : i32
    %scan3A_1 = arith.constant 0 : i32
    %scan3A_2 = arith.constant 128 : i32
    %scan3A_3 = arith.addi %scan3A_1, %scan3A_2 : i32
    %scan3A_4 = arith.constant 1 : i32
    scf.for %scan3A_93 = %scan3A_1 to %scan3A_3 step %scan3A_4  : i32 {
      %swap3A = arith.constant 0 : i32
      %swap3A_94 = arith.index_cast %swap3A : i32 to index
      %swap3A_95 = arith.index_cast %scan3A_93 : i32 to index
      %swap3A_96 = arith.constant 0 : index
      %swap3A_97 = tpu.vector_load %arg9[%swap3A_94, %swap3A_95, %swap3A_96] {strides = array<i32>} : memref<2x128x128xf32, #tpu.memory_space<vmem>>, vector<1x1x16xf32>,
      %swap3A_98 = vector.shape_cast %swap3A_97 : vector<1x1x16xf32> to vector<16xf32>
      %swap3A_99 = vector.shape_cast %broadcast_in_dim3A_0 : vector<16xf32> to vector<1x1x16xf32>
      tpu.vector_store %arg9[%swap3A_94, %swap3A_95, %swap3A_96], %swap3A_99 {strides = array<i32>} : memref<2x128x128xf32, #tpu.memory_space<vmem>>, vector<1x1x16xf32>,
      %swap3A_100 = arith.constant 0 : i32
      %swap3A_101 = arith.index_cast %swap3A_100 : i32 to index
      %swap3A_102 = arith.index_cast %scan3A_93 : i32 to index
      %swap3A_103 = arith.constant 16 : index
      %swap3A_104 = tpu.vector_load %arg9[%swap3A_101, %swap3A_102, %swap3A_103] {strides = array<i32>} : memref<2x128x128xf32, #tpu.memory_space<vmem>>, vector<1x1x16xf32>,
      %swap3A_105 = vector.shape_cast %swap3A_104 : vector<1x1x16xf32> to vector<16xf32>
      %swap3A_106 = vector.shape_cast %broadcast_in_dim3A_0 : vector<16xf32> to vector<1x1x16xf32>
      tpu.vector_store %arg9[%swap3A_101, %swap3A_102, %swap3A_103], %swap3A_106 {strides = array<i32>} : memref<2x128x128xf32, #tpu.memory_space<vmem>>, vector<1x1x16xf32>,
      %swap3A_107 = arith.constant 0 : i32
      %swap3A_108 = arith.index_cast %swap3A_107 : i32 to index
      %swap3A_109 = arith.index_cast %scan3A_93 : i32 to index
      %swap3A_110 = arith.constant 32 : index
      %swap3A_111 = tpu.vector_load %arg9[%swap3A_108, %swap3A_109, %swap3A_110] {strides = array<i32>} : memref<2x128x128xf32, #tpu.memory_space<vmem>>, vector<1x1x16xf32>,
      %swap3A_112 = vector.shape_cast %swap3A_111 : vector<1x1x16xf32> to vector<16xf32>
      %swap3A_113 = vector.shape_cast %broadcast_in_dim3A_0 : vector<16xf32> to vector<1x1x16xf32>
      tpu.vector_store %arg9[%swap3A_108, %swap3A_109, %swap3A_110], %swap3A_113 {strides = array<i32>} : memref<2x128x128xf32, #tpu.memory_space<vmem>>, vector<1x1x16xf32>,
      %swap3A_114 = arith.constant 0 : i32
      %swap3A_115 = arith.index_cast %swap3A_114 : i32 to index
      %swap3A_116 = arith.index_cast %scan3A_93 : i32 to index
      %swap3A_117 = arith.constant 48 : index
      %swap3A_118 = tpu.vector_load %arg9[%swap3A_115, %swap3A_116, %swap3A_117] {strides = array<i32>} : memref<2x128x128xf32, #tpu.memory_space<vmem>>, vector<1x1x16xf32>,
      %swap3A_119 = vector.shape_cast %swap3A_118 : vector<1x1x16xf32> to vector<16xf32>
      %swap3A_120 = vector.shape_cast %broadcast_in_dim3A_0 : vector<16xf32> to vector<1x1x16xf32>
      tpu.vector_store %arg9[%swap3A_115, %swap3A_116, %swap3A_117], %swap3A_120 {strides = array<i32>} : memref<2x128x128xf32, #tpu.memory_space<vmem>>, vector<1x1x16xf32>,
      %swap3A_121 = arith.constant 0 : i32
      %swap3A_122 = arith.index_cast %swap3A_121 : i32 to index
      %swap3A_123 = arith.index_cast %scan3A_93 : i32 to index
      %swap3A_124 = arith.constant 64 : index
      %swap3A_125 = tpu.vector_load %arg9[%swap3A_122, %swap3A_123, %swap3A_124] {strides = array<i32>} : memref<2x128x128xf32, #tpu.memory_space<vmem>>, vector<1x1x16xf32>,
      %swap3A_126 = vector.shape_cast %swap3A_125 : vector<1x1x16xf32> to vector<16xf32>
      %swap3A_127 = vector.shape_cast %broadcast_in_dim3A_0 : vector<16xf32> to vector<1x1x16xf32>
      tpu.vector_store %arg9[%swap3A_122, %swap3A_123, %swap3A_124], %swap3A_127 {strides = array<i32>} : memref<2x128x128xf32, #tpu.memory_space<vmem>>, vector<1x1x16xf32>,
      %swap3A_128 = arith.constant 0 : i32
      %swap3A_129 = arith.index_cast %swap3A_128 : i32 to index
      %swap3A_130 = arith.index_cast %scan3A_93 : i32 to index
      %swap3A_131 = arith.constant 80 : index
      %swap3A_132 = tpu.vector_load %arg9[%swap3A_129, %swap3A_130, %swap3A_131] {strides = array<i32>} : memref<2x128x128xf32, #tpu.memory_space<vmem>>, vector<1x1x16xf32>,
      %swap3A_133 = vector.shape_cast %swap3A_132 : vector<1x1x16xf32> to vector<16xf32>
      %swap3A_134 = vector.shape_cast %broadcast_in_dim3A_0 : vector<16xf32> to vector<1x1x16xf32>
      tpu.vector_store %arg9[%swap3A_129, %swap3A_130, %swap3A_131], %swap3A_134 {strides = array<i32>} : memref<2x128x128xf32, #tpu.memory_space<vmem>>, vector<1x1x16xf32>,
      %swap3A_135 = arith.constant 0 : i32
      %swap3A_136 = arith.index_cast %swap3A_135 : i32 to index
      %swap3A_137 = arith.index_cast %scan3A_93 : i32 to index
      %swap3A_138 = arith.constant 96 : index
      %swap3A_139 = tpu.vector_load %arg9[%swap3A_136, %swap3A_137, %swap3A_138] {strides = array<i32>} : memref<2x128x128xf32, #tpu.memory_space<vmem>>, vector<1x1x16xf32>,
      %swap3A_140 = vector.shape_cast %swap3A_139 : vector<1x1x16xf32> to vector<16xf32>
      %swap3A_141 = vector.shape_cast %broadcast_in_dim3A_0 : vector<16xf32> to vector<1x1x16xf32>
      tpu.vector_store %arg9[%swap3A_136, %swap3A_137, %swap3A_138], %swap3A_141 {strides = array<i32>} : memref<2x128x128xf32, #tpu.memory_space<vmem>>, vector<1x1x16xf32>,
      %swap3A_142 = arith.constant 0 : i32
      %swap3A_143 = arith.index_cast %swap3A_142 : i32 to index
      %swap3A_144 = arith.index_cast %scan3A_93 : i32 to index
      %swap3A_145 = arith.constant 112 : index
      %swap3A_146 = tpu.vector_load %arg9[%swap3A_143, %swap3A_144, %swap3A_145] {strides = array<i32>} : memref<2x128x128xf32, #tpu.memory_space<vmem>>, vector<1x1x16xf32>,
      %swap3A_147 = vector.shape_cast %swap3A_146 : vector<1x1x16xf32> to vector<16xf32>
      %swap3A_148 = vector.shape_cast %broadcast_in_dim3A_0 : vector<16xf32> to vector<1x1x16xf32>
      tpu.vector_store %arg9[%swap3A_143, %swap3A_144, %swap3A_145], %swap3A_148 {strides = array<i32>} : memref<2x128x128xf32, #tpu.memory_space<vmem>>, vector<1x1x16xf32>,
    }
    %scan3A_5 = arith.constant 128 : i32
    %mul3A = arith.constant 640 : i32
    %mul3A_6 = arith.muli %arg1, %mul3A : i32
    %add3A = arith.constant 0 : i32
    %add3A_7 = arith.addi %mul3A_6, %add3A : i32
    %run_scoped3A = arith.constant 0 : i32
    "tpu.region"() ({
      %run_scoped3A_93 = tpu.sem_alloc : memref<!tpu.dma_semaphore, #tpu.memory_space<semaphore_mem>>
      %dma_start3A_94 = arith.constant 0 : i32
      %dma_start3A_95 = arith.constant 0 : i32
      %dma_start3A_96 = tpu.memref_slice %arg9[%run_scoped3A, %dma_start3A_94, %dma_start3A_95] : memref<2x128x128xf32, #tpu.memory_space<vmem>> -> memref<1x128x128xf32, #tpu.memory_space<vmem>>
      %dma_start3A_97 = tpu.memref_squeeze %dma_start3A_96 : memref<1x128x128xf32, #tpu.memory_space<vmem>> -> memref<128x128xf32, #tpu.memory_space<vmem>>
      %dma_start3A_98 = arith.constant 0 : i32
      %dma_start3A_99 = tpu.memref_slice %arg10[%add3A_7, %dma_start3A_98] : memref<10240x128xf32, #tpu.memory_space<vmem_shared>> -> memref<128x128xf32, #tpu.memory_space<vmem_shared>>
      %dma_start3A_100 = arith.constant 0 : i32
      %dma_start3A_101 = tpu.memref_slice %arg10[%add3A_7, %dma_start3A_100] : memref<10240x128xf32, #tpu.memory_space<vmem_shared>> -> memref<128x128xf32, #tpu.memory_space<vmem_shared>>
      %dma_start3A_102 = arith.constant 0 : i32
      %dma_start3A_103 = arith.constant 0 : i32
      %dma_start3A_104 = tpu.memref_slice %arg9[%run_scoped3A, %dma_start3A_102, %dma_start3A_103] : memref<2x128x128xf32, #tpu.memory_space<vmem>> -> memref<1x128x128xf32, #tpu.memory_space<vmem>>
      %dma_start3A_105 = tpu.memref_squeeze %dma_start3A_104 : memref<1x128x128xf32, #tpu.memory_space<vmem>> -> memref<128x128xf32, #tpu.memory_space<vmem>>
      tpu.enqueue_dma source(%dma_start3A_105 : memref<128x128xf32, #tpu.memory_space<vmem>>) target(%dma_start3A_101 : memref<128x128xf32, #tpu.memory_space<vmem_shared>>) target_semaphore(%run_scoped3A_93 : memref<!tpu.dma_semaphore, #tpu.memory_space<semaphore_mem>>)
      %dma_wait3A = arith.constant 0 : i32
      %dma_wait3A_106 = arith.constant 0 : i32
      %dma_wait3A_107 = tpu.memref_slice %arg9[%run_scoped3A, %dma_wait3A, %dma_wait3A_106] : memref<2x128x128xf32, #tpu.memory_space<vmem>> -> memref<1x128x128xf32, #tpu.memory_space<vmem>>
      %dma_wait3A_108 = tpu.memref_squeeze %dma_wait3A_107 : memref<1x128x128xf32, #tpu.memory_space<vmem>> -> memref<128x128xf32, #tpu.memory_space<vmem>>
      %dma_wait3A_109 = arith.constant 0 : i32
      %dma_wait3A_110 = tpu.memref_slice %arg10[%add3A_7, %dma_wait3A_109] : memref<10240x128xf32, #tpu.memory_space<vmem_shared>> -> memref<128x128xf32, #tpu.memory_space<vmem_shared>>
      %dma_wait3A_111 = arith.constant 0 : i32
      %dma_wait3A_112 = tpu.memref_slice %arg10[%add3A_7, %dma_wait3A_111] : memref<10240x128xf32, #tpu.memory_space<vmem_shared>> -> memref<128x128xf32, #tpu.memory_space<vmem_shared>>
      %dma_wait3A_113 = arith.constant 0 : i32
      %dma_wait3A_114 = arith.constant 0 : i32
      %dma_wait3A_115 = tpu.memref_slice %arg9[%run_scoped3A, %dma_wait3A_113, %dma_wait3A_114] : memref<2x128x128xf32, #tpu.memory_space<vmem>> -> memref<1x128x128xf32, #tpu.memory_space<vmem>>
      %dma_wait3A_116 = tpu.memref_squeeze %dma_wait3A_115 : memref<1x128x128xf32, #tpu.memory_space<vmem>> -> memref<128x128xf32, #tpu.memory_space<vmem>>
      tpu.wait_dma2 semaphore(%run_scoped3A_93 : memref<!tpu.dma_semaphore, #tpu.memory_space<semaphore_mem>>) src(%dma_wait3A_116 : memref<128x128xf32, #tpu.memory_space<vmem>>) dst(%dma_wait3A_112 : memref<128x128xf32, #tpu.memory_space<vmem_shared>>)
      tpu.yield
    }) : () -> ()
    %mul3A_8 = arith.constant 640 : i32
    %mul3A_9 = arith.muli %arg1, %mul3A_8 : i32
    %add3A_10 = arith.constant 128 : i32
    %add3A_11 = arith.addi %mul3A_9, %add3A_10 : i32
    %run_scoped3A_12 = arith.constant 0 : i32
    "tpu.region"() ({
      %run_scoped3A_93 = tpu.sem_alloc : memref<!tpu.dma_semaphore, #tpu.memory_space<semaphore_mem>>
      %dma_start3A_94 = arith.constant 0 : i32
      %dma_start3A_95 = arith.constant 0 : i32
      %dma_start3A_96 = tpu.memref_slice %arg9[%run_scoped3A_12, %dma_start3A_94, %dma_start3A_95] : memref<2x128x128xf32, #tpu.memory_space<vmem>> -> memref<1x128x128xf32, #tpu.memory_space<vmem>>
      %dma_start3A_97 = tpu.memref_squeeze %dma_start3A_96 : memref<1x128x128xf32, #tpu.memory_space<vmem>> -> memref<128x128xf32, #tpu.memory_space<vmem>>
      %dma_start3A_98 = arith.constant 0 : i32
      %dma_start3A_99 = tpu.memref_slice %arg10[%add3A_11, %dma_start3A_98] : memref<10240x128xf32, #tpu.memory_space<vmem_shared>> -> memref<128x128xf32, #tpu.memory_space<vmem_shared>>
      %dma_start3A_100 = arith.constant 0 : i32
      %dma_start3A_101 = tpu.memref_slice %arg10[%add3A_11, %dma_start3A_100] : memref<10240x128xf32, #tpu.memory_space<vmem_shared>> -> memref<128x128xf32, #tpu.memory_space<vmem_shared>>
      %dma_start3A_102 = arith.constant 0 : i32
      %dma_start3A_103 = arith.constant 0 : i32
      %dma_start3A_104 = tpu.memref_slice %arg9[%run_scoped3A_12, %dma_start3A_102, %dma_start3A_103] : memref<2x128x128xf32, #tpu.memory_space<vmem>> -> memref<1x128x128xf32, #tpu.memory_space<vmem>>
      %dma_start3A_105 = tpu.memref_squeeze %dma_start3A_104 : memref<1x128x128xf32, #tpu.memory_space<vmem>> -> memref<128x128xf32, #tpu.memory_space<vmem>>
      tpu.enqueue_dma source(%dma_start3A_105 : memref<128x128xf32, #tpu.memory_space<vmem>>) target(%dma_start3A_101 : memref<128x128xf32, #tpu.memory_space<vmem_shared>>) target_semaphore(%run_scoped3A_93 : memref<!tpu.dma_semaphore, #tpu.memory_space<semaphore_mem>>)
      %dma_wait3A = arith.constant 0 : i32
      %dma_wait3A_106 = arith.constant 0 : i32
      %dma_wait3A_107 = tpu.memref_slice %arg9[%run_scoped3A_12, %dma_wait3A, %dma_wait3A_106] : memref<2x128x128xf32, #tpu.memory_space<vmem>> -> memref<1x128x128xf32, #tpu.memory_space<vmem>>
      %dma_wait3A_108 = tpu.memref_squeeze %dma_wait3A_107 : memref<1x128x128xf32, #tpu.memory_space<vmem>> -> memref<128x128xf32, #tpu.memory_space<vmem>>
      %dma_wait3A_109 = arith.constant 0 : i32
      %dma_wait3A_110 = tpu.memref_slice %arg10[%add3A_11, %dma_wait3A_109] : memref<10240x128xf32, #tpu.memory_space<vmem_shared>> -> memref<128x128xf32, #tpu.memory_space<vmem_shared>>
      %dma_wait3A_111 = arith.constant 0 : i32
      %dma_wait3A_112 = tpu.memref_slice %arg10[%add3A_11, %dma_wait3A_111] : memref<10240x128xf32, #tpu.memory_space<vmem_shared>> -> memref<128x128xf32, #tpu.memory_space<vmem_shared>>
      %dma_wait3A_113 = arith.constant 0 : i32
      %dma_wait3A_114 = arith.constant 0 : i32
      %dma_wait3A_115 = tpu.memref_slice %arg9[%run_scoped3A_12, %dma_wait3A_113, %dma_wait3A_114] : memref<2x128x128xf32, #tpu.memory_space<vmem>> -> memref<1x128x128xf32, #tpu.memory_space<vmem>>
      %dma_wait3A_116 = tpu.memref_squeeze %dma_wait3A_115 : memref<1x128x128xf32, #tpu.memory_space<vmem>> -> memref<128x128xf32, #tpu.memory_space<vmem>>
      tpu.wait_dma2 semaphore(%run_scoped3A_93 : memref<!tpu.dma_semaphore, #tpu.memory_space<semaphore_mem>>) src(%dma_wait3A_116 : memref<128x128xf32, #tpu.memory_space<vmem>>) dst(%dma_wait3A_112 : memref<128x128xf32, #tpu.memory_space<vmem_shared>>)
      tpu.yield
    }) : () -> ()
    %mul3A_13 = arith.constant 640 : i32
    %mul3A_14 = arith.muli %arg1, %mul3A_13 : i32
    %add3A_15 = arith.constant 256 : i32
    %add3A_16 = arith.addi %mul3A_14, %add3A_15 : i32
    %run_scoped3A_17 = arith.constant 0 : i32
    "tpu.region"() ({
      %run_scoped3A_93 = tpu.sem_alloc : memref<!tpu.dma_semaphore, #tpu.memory_space<semaphore_mem>>
      %dma_start3A_94 = arith.constant 0 : i32
      %dma_start3A_95 = arith.constant 0 : i32
      %dma_start3A_96 = tpu.memref_slice %arg9[%run_scoped3A_17, %dma_start3A_94, %dma_start3A_95] : memref<2x128x128xf32, #tpu.memory_space<vmem>> -> memref<1x128x128xf32, #tpu.memory_space<vmem>>
      %dma_start3A_97 = tpu.memref_squeeze %dma_start3A_96 : memref<1x128x128xf32, #tpu.memory_space<vmem>> -> memref<128x128xf32, #tpu.memory_space<vmem>>
      %dma_start3A_98 = arith.constant 0 : i32
      %dma_start3A_99 = tpu.memref_slice %arg10[%add3A_16, %dma_start3A_98] : memref<10240x128xf32, #tpu.memory_space<vmem_shared>> -> memref<128x128xf32, #tpu.memory_space<vmem_shared>>
      %dma_start3A_100 = arith.constant 0 : i32
      %dma_start3A_101 = tpu.memref_slice %arg10[%add3A_16, %dma_start3A_100] : memref<10240x128xf32, #tpu.memory_space<vmem_shared>> -> memref<128x128xf32, #tpu.memory_space<vmem_shared>>
      %dma_start3A_102 = arith.constant 0 : i32
      %dma_start3A_103 = arith.constant 0 : i32
      %dma_start3A_104 = tpu.memref_slice %arg9[%run_scoped3A_17, %dma_start3A_102, %dma_start3A_103] : memref<2x128x128xf32, #tpu.memory_space<vmem>> -> memref<1x128x128xf32, #tpu.memory_space<vmem>>
      %dma_start3A_105 = tpu.memref_squeeze %dma_start3A_104 : memref<1x128x128xf32, #tpu.memory_space<vmem>> -> memref<128x128xf32, #tpu.memory_space<vmem>>
      tpu.enqueue_dma source(%dma_start3A_105 : memref<128x128xf32, #tpu.memory_space<vmem>>) target(%dma_start3A_101 : memref<128x128xf32, #tpu.memory_space<vmem_shared>>) target_semaphore(%run_scoped3A_93 : memref<!tpu.dma_semaphore, #tpu.memory_space<semaphore_mem>>)
      %dma_wait3A = arith.constant 0 : i32
      %dma_wait3A_106 = arith.constant 0 : i32
      %dma_wait3A_107 = tpu.memref_slice %arg9[%run_scoped3A_17, %dma_wait3A, %dma_wait3A_106] : memref<2x128x128xf32, #tpu.memory_space<vmem>> -> memref<1x128x128xf32, #tpu.memory_space<vmem>>
      %dma_wait3A_108 = tpu.memref_squeeze %dma_wait3A_107 : memref<1x128x128xf32, #tpu.memory_space<vmem>> -> memref<128x128xf32, #tpu.memory_space<vmem>>
      %dma_wait3A_109 = arith.constant 0 : i32
      %dma_wait3A_110 = tpu.memref_slice %arg10[%add3A_16, %dma_wait3A_109] : memref<10240x128xf32, #tpu.memory_space<vmem_shared>> -> memref<128x128xf32, #tpu.memory_space<vmem_shared>>
      %dma_wait3A_111 = arith.constant 0 : i32
      %dma_wait3A_112 = tpu.memref_slice %arg10[%add3A_16, %dma_wait3A_111] : memref<10240x128xf32, #tpu.memory_space<vmem_shared>> -> memref<128x128xf32, #tpu.memory_space<vmem_shared>>
      %dma_wait3A_113 = arith.constant 0 : i32
      %dma_wait3A_114 = arith.constant 0 : i32
      %dma_wait3A_115 = tpu.memref_slice %arg9[%run_scoped3A_17, %dma_wait3A_113, %dma_wait3A_114] : memref<2x128x128xf32, #tpu.memory_space<vmem>> -> memref<1x128x128xf32, #tpu.memory_space<vmem>>
      %dma_wait3A_116 = tpu.memref_squeeze %dma_wait3A_115 : memref<1x128x128xf32, #tpu.memory_space<vmem>> -> memref<128x128xf32, #tpu.memory_space<vmem>>
      tpu.wait_dma2 semaphore(%run_scoped3A_93 : memref<!tpu.dma_semaphore, #tpu.memory_space<semaphore_mem>>) src(%dma_wait3A_116 : memref<128x128xf32, #tpu.memory_space<vmem>>) dst(%dma_wait3A_112 : memref<128x128xf32, #tpu.memory_space<vmem_shared>>)
      tpu.yield
    }) : () -> ()
    %mul3A_18 = arith.constant 640 : i32
    %mul3A_19 = arith.muli %arg1, %mul3A_18 : i32
    %add3A_20 = arith.constant 384 : i32
    %add3A_21 = arith.addi %mul3A_19, %add3A_20 : i32
    %run_scoped3A_22 = arith.constant 0 : i32
    "tpu.region"() ({
      %run_scoped3A_93 = tpu.sem_alloc : memref<!tpu.dma_semaphore, #tpu.memory_space<semaphore_mem>>
      %dma_start3A_94 = arith.constant 0 : i32
      %dma_start3A_95 = arith.constant 0 : i32
      %dma_start3A_96 = tpu.memref_slice %arg9[%run_scoped3A_22, %dma_start3A_94, %dma_start3A_95] : memref<2x128x128xf32, #tpu.memory_space<vmem>> -> memref<1x128x128xf32, #tpu.memory_space<vmem>>
      %dma_start3A_97 = tpu.memref_squeeze %dma_start3A_96 : memref<1x128x128xf32, #tpu.memory_space<vmem>> -> memref<128x128xf32, #tpu.memory_space<vmem>>
      %dma_start3A_98 = arith.constant 0 : i32
      %dma_start3A_99 = tpu.memref_slice %arg10[%add3A_21, %dma_start3A_98] : memref<10240x128xf32, #tpu.memory_space<vmem_shared>> -> memref<128x128xf32, #tpu.memory_space<vmem_shared>>
      %dma_start3A_100 = arith.constant 0 : i32
      %dma_start3A_101 = tpu.memref_slice %arg10[%add3A_21, %dma_start3A_100] : memref<10240x128xf32, #tpu.memory_space<vmem_shared>> -> memref<128x128xf32, #tpu.memory_space<vmem_shared>>
      %dma_start3A_102 = arith.constant 0 : i32
      %dma_start3A_103 = arith.constant 0 : i32
      %dma_start3A_104 = tpu.memref_slice %arg9[%run_scoped3A_22, %dma_start3A_102, %dma_start3A_103] : memref<2x128x128xf32, #tpu.memory_space<vmem>> -> memref<1x128x128xf32, #tpu.memory_space<vmem>>
      %dma_start3A_105 = tpu.memref_squeeze %dma_start3A_104 : memref<1x128x128xf32, #tpu.memory_space<vmem>> -> memref<128x128xf32, #tpu.memory_space<vmem>>
      tpu.enqueue_dma source(%dma_start3A_105 : memref<128x128xf32, #tpu.memory_space<vmem>>) target(%dma_start3A_101 : memref<128x128xf32, #tpu.memory_space<vmem_shared>>) target_semaphore(%run_scoped3A_93 : memref<!tpu.dma_semaphore, #tpu.memory_space<semaphore_mem>>)
      %dma_wait3A = arith.constant 0 : i32
      %dma_wait3A_106 = arith.constant 0 : i32
      %dma_wait3A_107 = tpu.memref_slice %arg9[%run_scoped3A_22, %dma_wait3A, %dma_wait3A_106] : memref<2x128x128xf32, #tpu.memory_space<vmem>> -> memref<1x128x128xf32, #tpu.memory_space<vmem>>
      %dma_wait3A_108 = tpu.memref_squeeze %dma_wait3A_107 : memref<1x128x128xf32, #tpu.memory_space<vmem>> -> memref<128x128xf32, #tpu.memory_space<vmem>>
      %dma_wait3A_109 = arith.constant 0 : i32
      %dma_wait3A_110 = tpu.memref_slice %arg10[%add3A_21, %dma_wait3A_109] : memref<10240x128xf32, #tpu.memory_space<vmem_shared>> -> memref<128x128xf32, #tpu.memory_space<vmem_shared>>
      %dma_wait3A_111 = arith.constant 0 : i32
      %dma_wait3A_112 = tpu.memref_slice %arg10[%add3A_21, %dma_wait3A_111] : memref<10240x128xf32, #tpu.memory_space<vmem_shared>> -> memref<128x128xf32, #tpu.memory_space<vmem_shared>>
      %dma_wait3A_113 = arith.constant 0 : i32
      %dma_wait3A_114 = arith.constant 0 : i32
      %dma_wait3A_115 = tpu.memref_slice %arg9[%run_scoped3A_22, %dma_wait3A_113, %dma_wait3A_114] : memref<2x128x128xf32, #tpu.memory_space<vmem>> -> memref<1x128x128xf32, #tpu.memory_space<vmem>>
      %dma_wait3A_116 = tpu.memref_squeeze %dma_wait3A_115 : memref<1x128x128xf32, #tpu.memory_space<vmem>> -> memref<128x128xf32, #tpu.memory_space<vmem>>
      tpu.wait_dma2 semaphore(%run_scoped3A_93 : memref<!tpu.dma_semaphore, #tpu.memory_space<semaphore_mem>>) src(%dma_wait3A_116 : memref<128x128xf32, #tpu.memory_space<vmem>>) dst(%dma_wait3A_112 : memref<128x128xf32, #tpu.memory_space<vmem_shared>>)
      tpu.yield
    }) : () -> ()
    %mul3A_23 = arith.constant 640 : i32
    %mul3A_24 = arith.muli %arg1, %mul3A_23 : i32
    %add3A_25 = arith.constant 512 : i32
    %add3A_26 = arith.addi %mul3A_24, %add3A_25 : i32
    %run_scoped3A_27 = arith.constant 0 : i32
    "tpu.region"() ({
      %run_scoped3A_93 = tpu.sem_alloc : memref<!tpu.dma_semaphore, #tpu.memory_space<semaphore_mem>>
      %dma_start3A_94 = arith.constant 0 : i32
      %dma_start3A_95 = arith.constant 0 : i32
      %dma_start3A_96 = tpu.memref_slice %arg9[%run_scoped3A_27, %dma_start3A_94, %dma_start3A_95] : memref<2x128x128xf32, #tpu.memory_space<vmem>> -> memref<1x128x128xf32, #tpu.memory_space<vmem>>
      %dma_start3A_97 = tpu.memref_squeeze %dma_start3A_96 : memref<1x128x128xf32, #tpu.memory_space<vmem>> -> memref<128x128xf32, #tpu.memory_space<vmem>>
      %dma_start3A_98 = arith.constant 0 : i32
      %dma_start3A_99 = tpu.memref_slice %arg10[%add3A_26, %dma_start3A_98] : memref<10240x128xf32, #tpu.memory_space<vmem_shared>> -> memref<128x128xf32, #tpu.memory_space<vmem_shared>>
      %dma_start3A_100 = arith.constant 0 : i32
      %dma_start3A_101 = tpu.memref_slice %arg10[%add3A_26, %dma_start3A_100] : memref<10240x128xf32, #tpu.memory_space<vmem_shared>> -> memref<128x128xf32, #tpu.memory_space<vmem_shared>>
      %dma_start3A_102 = arith.constant 0 : i32
      %dma_start3A_103 = arith.constant 0 : i32
      %dma_start3A_104 = tpu.memref_slice %arg9[%run_scoped3A_27, %dma_start3A_102, %dma_start3A_103] : memref<2x128x128xf32, #tpu.memory_space<vmem>> -> memref<1x128x128xf32, #tpu.memory_space<vmem>>
      %dma_start3A_105 = tpu.memref_squeeze %dma_start3A_104 : memref<1x128x128xf32, #tpu.memory_space<vmem>> -> memref<128x128xf32, #tpu.memory_space<vmem>>
      tpu.enqueue_dma source(%dma_start3A_105 : memref<128x128xf32, #tpu.memory_space<vmem>>) target(%dma_start3A_101 : memref<128x128xf32, #tpu.memory_space<vmem_shared>>) target_semaphore(%run_scoped3A_93 : memref<!tpu.dma_semaphore, #tpu.memory_space<semaphore_mem>>)
      %dma_wait3A = arith.constant 0 : i32
      %dma_wait3A_106 = arith.constant 0 : i32
      %dma_wait3A_107 = tpu.memref_slice %arg9[%run_scoped3A_27, %dma_wait3A, %dma_wait3A_106] : memref<2x128x128xf32, #tpu.memory_space<vmem>> -> memref<1x128x128xf32, #tpu.memory_space<vmem>>
      %dma_wait3A_108 = tpu.memref_squeeze %dma_wait3A_107 : memref<1x128x128xf32, #tpu.memory_space<vmem>> -> memref<128x128xf32, #tpu.memory_space<vmem>>
      %dma_wait3A_109 = arith.constant 0 : i32
      %dma_wait3A_110 = tpu.memref_slice %arg10[%add3A_26, %dma_wait3A_109] : memref<10240x128xf32, #tpu.memory_space<vmem_shared>> -> memref<128x128xf32, #tpu.memory_space<vmem_shared>>
      %dma_wait3A_111 = arith.constant 0 : i32
      %dma_wait3A_112 = tpu.memref_slice %arg10[%add3A_26, %dma_wait3A_111] : memref<10240x128xf32, #tpu.memory_space<vmem_shared>> -> memref<128x128xf32, #tpu.memory_space<vmem_shared>>
      %dma_wait3A_113 = arith.constant 0 : i32
      %dma_wait3A_114 = arith.constant 0 : i32
      %dma_wait3A_115 = tpu.memref_slice %arg9[%run_scoped3A_27, %dma_wait3A_113, %dma_wait3A_114] : memref<2x128x128xf32, #tpu.memory_space<vmem>> -> memref<1x128x128xf32, #tpu.memory_space<vmem>>
      %dma_wait3A_116 = tpu.memref_squeeze %dma_wait3A_115 : memref<1x128x128xf32, #tpu.memory_space<vmem>> -> memref<128x128xf32, #tpu.memory_space<vmem>>
      tpu.wait_dma2 semaphore(%run_scoped3A_93 : memref<!tpu.dma_semaphore, #tpu.memory_space<semaphore_mem>>) src(%dma_wait3A_116 : memref<128x128xf32, #tpu.memory_space<vmem>>) dst(%dma_wait3A_112 : memref<128x128xf32, #tpu.memory_space<vmem_shared>>)
      tpu.yield
    }) : () -> ()
    %broadcast_in_dim3A_28 = arith.constant 1.000000e+00 : f32
    %broadcast_in_dim3A_29 = vector.broadcast %broadcast_in_dim3A_28 : f32 to vector<16xf32>
    %scan3A_30 = arith.constant 0 : i32
    %scan3A_31 = arith.constant 0 : i32
    %scan3A_32 = arith.constant 8 : i32
    %scan3A_33 = arith.addi %scan3A_31, %scan3A_32 : i32
    %scan3A_34 = arith.constant 1 : i32
    scf.for %scan3A_93 = %scan3A_31 to %scan3A_33 step %scan3A_34  : i32 {
      %mul3A_94 = arith.constant 16 : i32
      %mul3A_95 = arith.muli %scan3A_93, %mul3A_94 : i32
      %swap3A = arith.index_cast %mul3A_95 : i32 to index
      %swap3A_96 = tpu.vector_load %arg17[%swap3A] {strides = array<i32>} : memref<128xf32, #tpu.memory_space<vmem>>, vector<16xf32>,
      %swap3A_97 = vector.shape_cast %swap3A_96 : vector<16xf32> to vector<16xf32>
      %swap3A_98 = vector.shape_cast %broadcast_in_dim3A_29 : vector<16xf32> to vector<16xf32>
      tpu.vector_store %arg17[%swap3A], %swap3A_98 {strides = array<i32>} : memref<128xf32, #tpu.memory_space<vmem>>, vector<16xf32>,
    }
    %scan3A_35 = arith.constant 8 : i32
    %scan3A_36 = arith.constant 0 : i32
    %scan3A_37 = arith.constant 0 : i32
    %scan3A_38 = arith.constant 40 : i32
    %scan3A_39 = arith.addi %scan3A_37, %scan3A_38 : i32
    %scan3A_40 = arith.constant 1 : i32
    scf.for %scan3A_93 = %scan3A_37 to %scan3A_39 step %scan3A_40  : i32 {
      %mul3A_94 = arith.constant 16 : i32
      %mul3A_95 = arith.muli %scan3A_93, %mul3A_94 : i32
      %swap3A = arith.index_cast %mul3A_95 : i32 to index
      %swap3A_96 = tpu.vector_load %arg18[%swap3A] {strides = array<i32>} : memref<640xf32, #tpu.memory_space<vmem>>, vector<16xf32>,
      %swap3A_97 = vector.shape_cast %swap3A_96 : vector<16xf32> to vector<16xf32>
      %swap3A_98 = vector.shape_cast %broadcast_in_dim3A_0 : vector<16xf32> to vector<16xf32>
      tpu.vector_store %arg18[%swap3A], %swap3A_98 {strides = array<i32>} : memref<640xf32, #tpu.memory_space<vmem>>, vector<16xf32>,
    }
    %scan3A_41 = arith.constant 40 : i32
    %mul3A_42 = arith.constant 640 : i32
    %mul3A_43 = arith.muli %arg1, %mul3A_42 : i32
    "tpu.region"() ({
      %run_scoped3A_93 = tpu.sem_alloc : memref<!tpu.dma_semaphore, #tpu.memory_space<semaphore_mem>>
      %dma_start3A_94 = tpu.memref_slice %arg19[%mul3A_43] : memref<10240xf32, #tpu.memory_space<vmem_shared>> -> memref<640xf32, #tpu.memory_space<vmem_shared>>
      %dma_start3A_95 = tpu.memref_slice %arg19[%mul3A_43] : memref<10240xf32, #tpu.memory_space<vmem_shared>> -> memref<640xf32, #tpu.memory_space<vmem_shared>>
      tpu.enqueue_dma source(%arg18 : memref<640xf32, #tpu.memory_space<vmem>>) target(%dma_start3A_95 : memref<640xf32, #tpu.memory_space<vmem_shared>>) target_semaphore(%run_scoped3A_93 : memref<!tpu.dma_semaphore, #tpu.memory_space<semaphore_mem>>)
      %dma_wait3A = tpu.memref_slice %arg19[%mul3A_43] : memref<10240xf32, #tpu.memory_space<vmem_shared>> -> memref<640xf32, #tpu.memory_space<vmem_shared>>
      %dma_wait3A_96 = tpu.memref_slice %arg19[%mul3A_43] : memref<10240xf32, #tpu.memory_space<vmem_shared>> -> memref<640xf32, #tpu.memory_space<vmem_shared>>
      tpu.wait_dma2 semaphore(%run_scoped3A_93 : memref<!tpu.dma_semaphore, #tpu.memory_space<semaphore_mem>>) src(%arg18 : memref<640xf32, #tpu.memory_space<vmem>>) dst(%dma_wait3A_96 : memref<640xf32, #tpu.memory_space<vmem_shared>>)
      tpu.yield
    }) : () -> ()
    %barrier3A = arith.constant 0 : index
    tpu.barrier barrier_id(%barrier3A)
    %mul3A_44 = arith.constant 2 : i32
    %mul3A_45 = arith.muli %arg1, %mul3A_44 : i32
    %add3A_46 = arith.addi %mul3A_45, %arg0 : i32
    %run_scoped3A_47 = arith.constant 0 : i32
    %run_scoped3A_48 = arith.constant 0 : i32
    "tpu.region"() ({
      %run_scoped3A_93 = tpu.sem_alloc : memref<!tpu.dma_semaphore, #tpu.memory_space<semaphore_mem>>
      %dma_start3A_94 = arith.constant 0 : i32
      %dma_start3A_95 = tpu.memref_slice %arg7[%run_scoped3A_48, %dma_start3A_94] : memref<2x128xi32, #tpu.memory_space<vmem>> -> memref<1x128xi32, #tpu.memory_space<vmem>>
      %dma_start3A_96 = tpu.memref_squeeze %dma_start3A_95 : memref<1x128xi32, #tpu.memory_space<vmem>> -> memref<128xi32, #tpu.memory_space<vmem>>
      %dma_start3A_97 = arith.constant 0 : i32
      %dma_start3A_98 = arith.constant 0 : i32
      %dma_start3A_99 = tpu.memref_slice %arg3[%add3A_46, %dma_start3A_97, %dma_start3A_98] : memref<32x80x128xi32, #tpu.memory_space<hbm>> -> memref<1x80x128xi32, #tpu.memory_space<hbm>>
      %dma_start3A_100 = tpu.memref_squeeze %dma_start3A_99 : memref<1x80x128xi32, #tpu.memory_space<hbm>> -> memref<80x128xi32, #tpu.memory_space<hbm>>
      %dma_start3A_101 = arith.constant 0 : i32
      %dma_start3A_102 = tpu.memref_slice %dma_start3A_100[%run_scoped3A_47, %dma_start3A_101] : memref<80x128xi32, #tpu.memory_space<hbm>> -> memref<1x128xi32, #tpu.memory_space<hbm>>
      %dma_start3A_103 = tpu.memref_squeeze %dma_start3A_102 : memref<1x128xi32, #tpu.memory_space<hbm>> -> memref<128xi32, #tpu.memory_space<hbm>>
      %dma_start3A_104 = arith.constant 0 : i32
      %dma_start3A_105 = tpu.memref_slice %arg7[%run_scoped3A_48, %dma_start3A_104] : memref<2x128xi32, #tpu.memory_space<vmem>> -> memref<1x128xi32, #tpu.memory_space<vmem>>
      %dma_start3A_106 = tpu.memref_squeeze %dma_start3A_105 : memref<1x128xi32, #tpu.memory_space<vmem>> -> memref<128xi32, #tpu.memory_space<vmem>>
      %dma_start3A_107 = arith.constant 0 : i32
      %dma_start3A_108 = arith.constant 0 : i32
      %dma_start3A_109 = tpu.memref_slice %arg3[%add3A_46, %dma_start3A_107, %dma_start3A_108] : memref<32x80x128xi32, #tpu.memory_space<hbm>> -> memref<1x80x128xi32, #tpu.memory_space<hbm>>
      %dma_start3A_110 = tpu.memref_squeeze %dma_start3A_109 : memref<1x80x128xi32, #tpu.memory_space<hbm>> -> memref<80x128xi32, #tpu.memory_space<hbm>>
      %dma_start3A_111 = arith.constant 0 : i32
      %dma_start3A_112 = tpu.memref_slice %dma_start3A_110[%run_scoped3A_47, %dma_start3A_111] : memref<80x128xi32, #tpu.memory_space<hbm>> -> memref<1x128xi32, #tpu.memory_space<hbm>>
      %dma_start3A_113 = tpu.memref_squeeze %dma_start3A_112 : memref<1x128xi32, #tpu.memory_space<hbm>> -> memref<128xi32, #tpu.memory_space<hbm>>
      tpu.enqueue_dma source(%dma_start3A_113 : memref<128xi32, #tpu.memory_space<hbm>>) target(%dma_start3A_106 : memref<128xi32, #tpu.memory_space<vmem>>) target_semaphore(%run_scoped3A_93 : memref<!tpu.dma_semaphore, #tpu.memory_space<semaphore_mem>>)
      %dma_wait3A = arith.constant 0 : i32
      %dma_wait3A_114 = tpu.memref_slice %arg7[%run_scoped3A_48, %dma_wait3A] : memref<2x128xi32, #tpu.memory_space<vmem>> -> memref<1x128xi32, #tpu.memory_space<vmem>>
      %dma_wait3A_115 = tpu.memref_squeeze %dma_wait3A_114 : memref<1x128xi32, #tpu.memory_space<vmem>> -> memref<128xi32, #tpu.memory_space<vmem>>
      %dma_wait3A_116 = arith.constant 0 : i32
      %dma_wait3A_117 = arith.constant 0 : i32
      %dma_wait3A_118 = tpu.memref_slice %arg3[%add3A_46, %dma_wait3A_116, %dma_wait3A_117] : memref<32x80x128xi32, #tpu.memory_space<hbm>> -> memref<1x80x128xi32, #tpu.memory_space<hbm>>
      %dma_wait3A_119 = tpu.memref_squeeze %dma_wait3A_118 : memref<1x80x128xi32, #tpu.memory_space<hbm>> -> memref<80x128xi32, #tpu.memory_space<hbm>>
      %dma_wait3A_120 = arith.constant 0 : i32
      %dma_wait3A_121 = tpu.memref_slice %dma_wait3A_119[%run_scoped3A_47, %dma_wait3A_120] : memref<80x128xi32, #tpu.memory_space<hbm>> -> memref<1x128xi32, #tpu.memory_space<hbm>>
      %dma_wait3A_122 = tpu.memref_squeeze %dma_wait3A_121 : memref<1x128xi32, #tpu.memory_space<hbm>> -> memref<128xi32, #tpu.memory_space<hbm>>
      %dma_wait3A_123 = arith.constant 0 : i32
      %dma_wait3A_124 = tpu.memref_slice %arg7[%run_scoped3A_48, %dma_wait3A_123] : memref<2x128xi32, #tpu.memory_space<vmem>> -> memref<1x128xi32, #tpu.memory_space<vmem>>
      %dma_wait3A_125 = tpu.memref_squeeze %dma_wait3A_124 : memref<1x128xi32, #tpu.memory_space<vmem>> -> memref<128xi32, #tpu.memory_space<vmem>>
      %dma_wait3A_126 = arith.constant 0 : i32
      %dma_wait3A_127 = arith.constant 0 : i32
      %dma_wait3A_128 = tpu.memref_slice %arg3[%add3A_46, %dma_wait3A_126, %dma_wait3A_127] : memref<32x80x128xi32, #tpu.memory_space<hbm>> -> memref<1x80x128xi32, #tpu.memory_space<hbm>>
      %dma_wait3A_129 = tpu.memref_squeeze %dma_wait3A_128 : memref<1x80x128xi32, #tpu.memory_space<hbm>> -> memref<80x128xi32, #tpu.memory_space<hbm>>
      %dma_wait3A_130 = arith.constant 0 : i32
      %dma_wait3A_131 = tpu.memref_slice %dma_wait3A_129[%run_scoped3A_47, %dma_wait3A_130] : memref<80x128xi32, #tpu.memory_space<hbm>> -> memref<1x128xi32, #tpu.memory_space<hbm>>
      %dma_wait3A_132 = tpu.memref_squeeze %dma_wait3A_131 : memref<1x128xi32, #tpu.memory_space<hbm>> -> memref<128xi32, #tpu.memory_space<hbm>>
      tpu.wait_dma2 semaphore(%run_scoped3A_93 : memref<!tpu.dma_semaphore, #tpu.memory_space<semaphore_mem>>) src(%dma_wait3A_132 : memref<128xi32, #tpu.memory_space<hbm>>) dst(%dma_wait3A_125 : memref<128xi32, #tpu.memory_space<vmem>>)
      tpu.yield
    }) : () -> ()
    %run_scoped3A_49 = arith.constant 0 : i32
    %run_scoped3A_50 = arith.constant 0 : i32
    "tpu.region"() ({
      %run_scoped3A_93 = tpu.sem_alloc : memref<!tpu.dma_semaphore, #tpu.memory_space<semaphore_mem>>
      %dma_start3A_94 = arith.constant 0 : i32
      %dma_start3A_95 = tpu.memref_slice %arg8[%run_scoped3A_50, %dma_start3A_94] : memref<2x128xi32, #tpu.memory_space<vmem>> -> memref<1x128xi32, #tpu.memory_space<vmem>>
      %dma_start3A_96 = tpu.memref_squeeze %dma_start3A_95 : memref<1x128xi32, #tpu.memory_space<vmem>> -> memref<128xi32, #tpu.memory_space<vmem>>
      %dma_start3A_97 = arith.constant 0 : i32
      %dma_start3A_98 = arith.constant 0 : i32
      %dma_start3A_99 = tpu.memref_slice %arg4[%add3A_46, %dma_start3A_97, %dma_start3A_98] : memref<32x80x128xi32, #tpu.memory_space<hbm>> -> memref<1x80x128xi32, #tpu.memory_space<hbm>>
      %dma_start3A_100 = tpu.memref_squeeze %dma_start3A_99 : memref<1x80x128xi32, #tpu.memory_space<hbm>> -> memref<80x128xi32, #tpu.memory_space<hbm>>
      %dma_start3A_101 = arith.constant 0 : i32
      %dma_start3A_102 = tpu.memref_slice %dma_start3A_100[%run_scoped3A_49, %dma_start3A_101] : memref<80x128xi32, #tpu.memory_space<hbm>> -> memref<1x128xi32, #tpu.memory_space<hbm>>
      %dma_start3A_103 = tpu.memref_squeeze %dma_start3A_102 : memref<1x128xi32, #tpu.memory_space<hbm>> -> memref<128xi32, #tpu.memory_space<hbm>>
      %dma_start3A_104 = arith.constant 0 : i32
      %dma_start3A_105 = tpu.memref_slice %arg8[%run_scoped3A_50, %dma_start3A_104] : memref<2x128xi32, #tpu.memory_space<vmem>> -> memref<1x128xi32, #tpu.memory_space<vmem>>
      %dma_start3A_106 = tpu.memref_squeeze %dma_start3A_105 : memref<1x128xi32, #tpu.memory_space<vmem>> -> memref<128xi32, #tpu.memory_space<vmem>>
      %dma_start3A_107 = arith.constant 0 : i32
      %dma_start3A_108 = arith.constant 0 : i32
      %dma_start3A_109 = tpu.memref_slice %arg4[%add3A_46, %dma_start3A_107, %dma_start3A_108] : memref<32x80x128xi32, #tpu.memory_space<hbm>> -> memref<1x80x128xi32, #tpu.memory_space<hbm>>
      %dma_start3A_110 = tpu.memref_squeeze %dma_start3A_109 : memref<1x80x128xi32, #tpu.memory_space<hbm>> -> memref<80x128xi32, #tpu.memory_space<hbm>>
      %dma_start3A_111 = arith.constant 0 : i32
      %dma_start3A_112 = tpu.memref_slice %dma_start3A_110[%run_scoped3A_49, %dma_start3A_111] : memref<80x128xi32, #tpu.memory_space<hbm>> -> memref<1x128xi32, #tpu.memory_space<hbm>>
      %dma_start3A_113 = tpu.memref_squeeze %dma_start3A_112 : memref<1x128xi32, #tpu.memory_space<hbm>> -> memref<128xi32, #tpu.memory_space<hbm>>
      tpu.enqueue_dma source(%dma_start3A_113 : memref<128xi32, #tpu.memory_space<hbm>>) target(%dma_start3A_106 : memref<128xi32, #tpu.memory_space<vmem>>) target_semaphore(%run_scoped3A_93 : memref<!tpu.dma_semaphore, #tpu.memory_space<semaphore_mem>>)
      %dma_wait3A = arith.constant 0 : i32
      %dma_wait3A_114 = tpu.memref_slice %arg8[%run_scoped3A_50, %dma_wait3A] : memref<2x128xi32, #tpu.memory_space<vmem>> -> memref<1x128xi32, #tpu.memory_space<vmem>>
      %dma_wait3A_115 = tpu.memref_squeeze %dma_wait3A_114 : memref<1x128xi32, #tpu.memory_space<vmem>> -> memref<128xi32, #tpu.memory_space<vmem>>
      %dma_wait3A_116 = arith.constant 0 : i32
      %dma_wait3A_117 = arith.constant 0 : i32
      %dma_wait3A_118 = tpu.memref_slice %arg4[%add3A_46, %dma_wait3A_116, %dma_wait3A_117] : memref<32x80x128xi32, #tpu.memory_space<hbm>> -> memref<1x80x128xi32, #tpu.memory_space<hbm>>
      %dma_wait3A_119 = tpu.memref_squeeze %dma_wait3A_118 : memref<1x80x128xi32, #tpu.memory_space<hbm>> -> memref<80x128xi32, #tpu.memory_space<hbm>>
      %dma_wait3A_120 = arith.constant 0 : i32
      %dma_wait3A_121 = tpu.memref_slice %dma_wait3A_119[%run_scoped3A_49, %dma_wait3A_120] : memref<80x128xi32, #tpu.memory_space<hbm>> -> memref<1x128xi32, #tpu.memory_space<hbm>>
      %dma_wait3A_122 = tpu.memref_squeeze %dma_wait3A_121 : memref<1x128xi32, #tpu.memory_space<hbm>> -> memref<128xi32, #tpu.memory_space<hbm>>
      %dma_wait3A_123 = arith.constant 0 : i32
      %dma_wait3A_124 = tpu.memref_slice %arg8[%run_scoped3A_50, %dma_wait3A_123] : memref<2x128xi32, #tpu.memory_space<vmem>> -> memref<1x128xi32, #tpu.memory_space<vmem>>
      %dma_wait3A_125 = tpu.memref_squeeze %dma_wait3A_124 : memref<1x128xi32, #tpu.memory_space<vmem>> -> memref<128xi32, #tpu.memory_space<vmem>>
      %dma_wait3A_126 = arith.constant 0 : i32
      %dma_wait3A_127 = arith.constant 0 : i32
      %dma_wait3A_128 = tpu.memref_slice %arg4[%add3A_46, %dma_wait3A_126, %dma_wait3A_127] : memref<32x80x128xi32, #tpu.memory_space<hbm>> -> memref<1x80x128xi32, #tpu.memory_space<hbm>>
      %dma_wait3A_129 = tpu.memref_squeeze %dma_wait3A_128 : memref<1x80x128xi32, #tpu.memory_space<hbm>> -> memref<80x128xi32, #tpu.memory_space<hbm>>
      %dma_wait3A_130 = arith.constant 0 : i32
      %dma_wait3A_131 = tpu.memref_slice %dma_wait3A_129[%run_scoped3A_49, %dma_wait3A_130] : memref<80x128xi32, #tpu.memory_space<hbm>> -> memref<1x128xi32, #tpu.memory_space<hbm>>
      %dma_wait3A_132 = tpu.memref_squeeze %dma_wait3A_131 : memref<1x128xi32, #tpu.memory_space<hbm>> -> memref<128xi32, #tpu.memory_space<hbm>>
      tpu.wait_dma2 semaphore(%run_scoped3A_93 : memref<!tpu.dma_semaphore, #tpu.memory_space<semaphore_mem>>) src(%dma_wait3A_132 : memref<128xi32, #tpu.memory_space<hbm>>) dst(%dma_wait3A_125 : memref<128xi32, #tpu.memory_space<vmem>>)
      tpu.yield
    }) : () -> ()
    %dma_start3A = arith.constant 0 : i32
    %dma_start3A_51 = arith.constant 0 : i32
    %dma_start3A_52 = arith.constant 0 : i32
    %dma_start3A_53 = arith.constant 0 : i32
    %dma_start3A_54 = tpu.memref_slice %arg9[%dma_start3A_51, %dma_start3A_52, %dma_start3A_53] : memref<2x128x128xf32, #tpu.memory_space<vmem>> -> memref<1x128x128xf32, #tpu.memory_space<vmem>>
    %dma_start3A_55 = tpu.memref_squeeze %dma_start3A_54 : memref<1x128x128xf32, #tpu.memory_space<vmem>> -> memref<128x128xf32, #tpu.memory_space<vmem>>
    %dma_start3A_56 = arith.constant 0 : i32
    %dma_start3A_57 = tpu.memref_slice %arg7[%dma_start3A, %dma_start3A_56] : memref<2x128xi32, #tpu.memory_space<vmem>> -> memref<1x128xi32, #tpu.memory_space<vmem>>
    %dma_start3A_58 = tpu.memref_squeeze %dma_start3A_57 : memref<1x128xi32, #tpu.memory_space<vmem>> -> memref<128xi32, #tpu.memory_space<vmem>>
    %dma_start3A_59 = arith.constant 0 : i32
    %dma_start3A_60 = arith.constant 0 : i32
    %dma_start3A_61 = tpu.memref_slice %arg2[%dma_start3A_59, %dma_start3A_60] : memref<10240x128xf32, #tpu.memory_space<hbm>> -> memref<10240x128xf32, #tpu.memory_space<hbm>>
    tpu.enqueue_indirect_dma source(%dma_start3A_61 : memref<10240x128xf32, #tpu.memory_space<hbm>>) target(%dma_start3A_55 : memref<128x128xf32, #tpu.memory_space<vmem>>) offsets(%dma_start3A_58 : memref<128xi32, #tpu.memory_space<vmem>>) semaphore(%arg11 : memref<!tpu.dma_semaphore, #tpu.memory_space<semaphore_mem>>)
    %run_scoped3A_62 = arith.constant 1 : i32
    %run_scoped3A_63 = arith.constant 1 : i32
    "tpu.region"() ({
      %run_scoped3A_93 = tpu.sem_alloc : memref<!tpu.dma_semaphore, #tpu.memory_space<semaphore_mem>>
      %dma_start3A_94 = arith.constant 0 : i32
      %dma_start3A_95 = tpu.memref_slice %arg7[%run_scoped3A_63, %dma_start3A_94] : memref<2x128xi32, #tpu.memory_space<vmem>> -> memref<1x128xi32, #tpu.memory_space<vmem>>
      %dma_start3A_96 = tpu.memref_squeeze %dma_start3A_95 : memref<1x128xi32, #tpu.memory_space<vmem>> -> memref<128xi32, #tpu.memory_space<vmem>>
      %dma_start3A_97 = arith.constant 0 : i32
      %dma_start3A_98 = arith.constant 0 : i32
      %dma_start3A_99 = tpu.memref_slice %arg3[%add3A_46, %dma_start3A_97, %dma_start3A_98] : memref<32x80x128xi32, #tpu.memory_space<hbm>> -> memref<1x80x128xi32, #tpu.memory_space<hbm>>
      %dma_start3A_100 = tpu.memref_squeeze %dma_start3A_99 : memref<1x80x128xi32, #tpu.memory_space<hbm>> -> memref<80x128xi32, #tpu.memory_space<hbm>>
      %dma_start3A_101 = arith.constant 0 : i32
      %dma_start3A_102 = tpu.memref_slice %dma_start3A_100[%run_scoped3A_62, %dma_start3A_101] : memref<80x128xi32, #tpu.memory_space<hbm>> -> memref<1x128xi32, #tpu.memory_space<hbm>>
      %dma_start3A_103 = tpu.memref_squeeze %dma_start3A_102 : memref<1x128xi32, #tpu.memory_space<hbm>> -> memref<128xi32, #tpu.memory_space<hbm>>
      %dma_start3A_104 = arith.constant 0 : i32
      %dma_start3A_105 = tpu.memref_slice %arg7[%run_scoped3A_63, %dma_start3A_104] : memref<2x128xi32, #tpu.memory_space<vmem>> -> memref<1x128xi32, #tpu.memory_space<vmem>>
      %dma_start3A_106 = tpu.memref_squeeze %dma_start3A_105 : memref<1x128xi32, #tpu.memory_space<vmem>> -> memref<128xi32, #tpu.memory_space<vmem>>
      %dma_start3A_107 = arith.constant 0 : i32
      %dma_start3A_108 = arith.constant 0 : i32
      %dma_start3A_109 = tpu.memref_slice %arg3[%add3A_46, %dma_start3A_107, %dma_start3A_108] : memref<32x80x128xi32, #tpu.memory_space<hbm>> -> memref<1x80x128xi32, #tpu.memory_space<hbm>>
      %dma_start3A_110 = tpu.memref_squeeze %dma_start3A_109 : memref<1x80x128xi32, #tpu.memory_space<hbm>> -> memref<80x128xi32, #tpu.memory_space<hbm>>
      %dma_start3A_111 = arith.constant 0 : i32
      %dma_start3A_112 = tpu.memref_slice %dma_start3A_110[%run_scoped3A_62, %dma_start3A_111] : memref<80x128xi32, #tpu.memory_space<hbm>> -> memref<1x128xi32, #tpu.memory_space<hbm>>
      %dma_start3A_113 = tpu.memref_squeeze %dma_start3A_112 : memref<1x128xi32, #tpu.memory_space<hbm>> -> memref<128xi32, #tpu.memory_space<hbm>>
      tpu.enqueue_dma source(%dma_start3A_113 : memref<128xi32, #tpu.memory_space<hbm>>) target(%dma_start3A_106 : memref<128xi32, #tpu.memory_space<vmem>>) target_semaphore(%run_scoped3A_93 : memref<!tpu.dma_semaphore, #tpu.memory_space<semaphore_mem>>)
      %dma_wait3A = arith.constant 0 : i32
      %dma_wait3A_114 = tpu.memref_slice %arg7[%run_scoped3A_63, %dma_wait3A] : memref<2x128xi32, #tpu.memory_space<vmem>> -> memref<1x128xi32, #tpu.memory_space<vmem>>
      %dma_wait3A_115 = tpu.memref_squeeze %dma_wait3A_114 : memref<1x128xi32, #tpu.memory_space<vmem>> -> memref<128xi32, #tpu.memory_space<vmem>>
      %dma_wait3A_116 = arith.constant 0 : i32
      %dma_wait3A_117 = arith.constant 0 : i32
      %dma_wait3A_118 = tpu.memref_slice %arg3[%add3A_46, %dma_wait3A_116, %dma_wait3A_117] : memref<32x80x128xi32, #tpu.memory_space<hbm>> -> memref<1x80x128xi32, #tpu.memory_space<hbm>>
      %dma_wait3A_119 = tpu.memref_squeeze %dma_wait3A_118 : memref<1x80x128xi32, #tpu.memory_space<hbm>> -> memref<80x128xi32, #tpu.memory_space<hbm>>
      %dma_wait3A_120 = arith.constant 0 : i32
      %dma_wait3A_121 = tpu.memref_slice %dma_wait3A_119[%run_scoped3A_62, %dma_wait3A_120] : memref<80x128xi32, #tpu.memory_space<hbm>> -> memref<1x128xi32, #tpu.memory_space<hbm>>
      %dma_wait3A_122 = tpu.memref_squeeze %dma_wait3A_121 : memref<1x128xi32, #tpu.memory_space<hbm>> -> memref<128xi32, #tpu.memory_space<hbm>>
      %dma_wait3A_123 = arith.constant 0 : i32
      %dma_wait3A_124 = tpu.memref_slice %arg7[%run_scoped3A_63, %dma_wait3A_123] : memref<2x128xi32, #tpu.memory_space<vmem>> -> memref<1x128xi32, #tpu.memory_space<vmem>>
      %dma_wait3A_125 = tpu.memref_squeeze %dma_wait3A_124 : memref<1x128xi32, #tpu.memory_space<vmem>> -> memref<128xi32, #tpu.memory_space<vmem>>
      %dma_wait3A_126 = arith.constant 0 : i32
      %dma_wait3A_127 = arith.constant 0 : i32
      %dma_wait3A_128 = tpu.memref_slice %arg3[%add3A_46, %dma_wait3A_126, %dma_wait3A_127] : memref<32x80x128xi32, #tpu.memory_space<hbm>> -> memref<1x80x128xi32, #tpu.memory_space<hbm>>
      %dma_wait3A_129 = tpu.memref_squeeze %dma_wait3A_128 : memref<1x80x128xi32, #tpu.memory_space<hbm>> -> memref<80x128xi32, #tpu.memory_space<hbm>>
      %dma_wait3A_130 = arith.constant 0 : i32
      %dma_wait3A_131 = tpu.memref_slice %dma_wait3A_129[%run_scoped3A_62, %dma_wait3A_130] : memref<80x128xi32, #tpu.memory_space<hbm>> -> memref<1x128xi32, #tpu.memory_space<hbm>>
      %dma_wait3A_132 = tpu.memref_squeeze %dma_wait3A_131 : memref<1x128xi32, #tpu.memory_space<hbm>> -> memref<128xi32, #tpu.memory_space<hbm>>
      tpu.wait_dma2 semaphore(%run_scoped3A_93 : memref<!tpu.dma_semaphore, #tpu.memory_space<semaphore_mem>>) src(%dma_wait3A_132 : memref<128xi32, #tpu.memory_space<hbm>>) dst(%dma_wait3A_125 : memref<128xi32, #tpu.memory_space<vmem>>)
      tpu.yield
    }) : () -> ()
    %run_scoped3A_64 = arith.constant 1 : i32
    %run_scoped3A_65 = arith.constant 1 : i32
    "tpu.region"() ({
      %run_scoped3A_93 = tpu.sem_alloc : memref<!tpu.dma_semaphore, #tpu.memory_space<semaphore_mem>>
      %dma_start3A_94 = arith.constant 0 : i32
      %dma_start3A_95 = tpu.memref_slice %arg8[%run_scoped3A_65, %dma_start3A_94] : memref<2x128xi32, #tpu.memory_space<vmem>> -> memref<1x128xi32, #tpu.memory_space<vmem>>
      %dma_start3A_96 = tpu.memref_squeeze %dma_start3A_95 : memref<1x128xi32, #tpu.memory_space<vmem>> -> memref<128xi32, #tpu.memory_space<vmem>>
      %dma_start3A_97 = arith.constant 0 : i32
      %dma_start3A_98 = arith.constant 0 : i32
      %dma_start3A_99 = tpu.memref_slice %arg4[%add3A_46, %dma_start3A_97, %dma_start3A_98] : memref<32x80x128xi32, #tpu.memory_space<hbm>> -> memref<1x80x128xi32, #tpu.memory_space<hbm>>
      %dma_start3A_100 = tpu.memref_squeeze %dma_start3A_99 : memref<1x80x128xi32, #tpu.memory_space<hbm>> -> memref<80x128xi32, #tpu.memory_space<hbm>>
      %dma_start3A_101 = arith.constant 0 : i32
      %dma_start3A_102 = tpu.memref_slice %dma_start3A_100[%run_scoped3A_64, %dma_start3A_101] : memref<80x128xi32, #tpu.memory_space<hbm>> -> memref<1x128xi32, #tpu.memory_space<hbm>>
      %dma_start3A_103 = tpu.memref_squeeze %dma_start3A_102 : memref<1x128xi32, #tpu.memory_space<hbm>> -> memref<128xi32, #tpu.memory_space<hbm>>
      %dma_start3A_104 = arith.constant 0 : i32
      %dma_start3A_105 = tpu.memref_slice %arg8[%run_scoped3A_65, %dma_start3A_104] : memref<2x128xi32, #tpu.memory_space<vmem>> -> memref<1x128xi32, #tpu.memory_space<vmem>>
      %dma_start3A_106 = tpu.memref_squeeze %dma_start3A_105 : memref<1x128xi32, #tpu.memory_space<vmem>> -> memref<128xi32, #tpu.memory_space<vmem>>
      %dma_start3A_107 = arith.constant 0 : i32
      %dma_start3A_108 = arith.constant 0 : i32
      %dma_start3A_109 = tpu.memref_slice %arg4[%add3A_46, %dma_start3A_107, %dma_start3A_108] : memref<32x80x128xi32, #tpu.memory_space<hbm>> -> memref<1x80x128xi32, #tpu.memory_space<hbm>>
      %dma_start3A_110 = tpu.memref_squeeze %dma_start3A_109 : memref<1x80x128xi32, #tpu.memory_space<hbm>> -> memref<80x128xi32, #tpu.memory_space<hbm>>
      %dma_start3A_111 = arith.constant 0 : i32
      %dma_start3A_112 = tpu.memref_slice %dma_start3A_110[%run_scoped3A_64, %dma_start3A_111] : memref<80x128xi32, #tpu.memory_space<hbm>> -> memref<1x128xi32, #tpu.memory_space<hbm>>
      %dma_start3A_113 = tpu.memref_squeeze %dma_start3A_112 : memref<1x128xi32, #tpu.memory_space<hbm>> -> memref<128xi32, #tpu.memory_space<hbm>>
      tpu.enqueue_dma source(%dma_start3A_113 : memref<128xi32, #tpu.memory_space<hbm>>) target(%dma_start3A_106 : memref<128xi32, #tpu.memory_space<vmem>>) target_semaphore(%run_scoped3A_93 : memref<!tpu.dma_semaphore, #tpu.memory_space<semaphore_mem>>)
      %dma_wait3A = arith.constant 0 : i32
      %dma_wait3A_114 = tpu.memref_slice %arg8[%run_scoped3A_65, %dma_wait3A] : memref<2x128xi32, #tpu.memory_space<vmem>> -> memref<1x128xi32, #tpu.memory_space<vmem>>
      %dma_wait3A_115 = tpu.memref_squeeze %dma_wait3A_114 : memref<1x128xi32, #tpu.memory_space<vmem>> -> memref<128xi32, #tpu.memory_space<vmem>>
      %dma_wait3A_116 = arith.constant 0 : i32
      %dma_wait3A_117 = arith.constant 0 : i32
      %dma_wait3A_118 = tpu.memref_slice %arg4[%add3A_46, %dma_wait3A_116, %dma_wait3A_117] : memref<32x80x128xi32, #tpu.memory_space<hbm>> -> memref<1x80x128xi32, #tpu.memory_space<hbm>>
      %dma_wait3A_119 = tpu.memref_squeeze %dma_wait3A_118 : memref<1x80x128xi32, #tpu.memory_space<hbm>> -> memref<80x128xi32, #tpu.memory_space<hbm>>
      %dma_wait3A_120 = arith.constant 0 : i32
      %dma_wait3A_121 = tpu.memref_slice %dma_wait3A_119[%run_scoped3A_64, %dma_wait3A_120] : memref<80x128xi32, #tpu.memory_space<hbm>> -> memref<1x128xi32, #tpu.memory_space<hbm>>
      %dma_wait3A_122 = tpu.memref_squeeze %dma_wait3A_121 : memref<1x128xi32, #tpu.memory_space<hbm>> -> memref<128xi32, #tpu.memory_space<hbm>>
      %dma_wait3A_123 = arith.constant 0 : i32
      %dma_wait3A_124 = tpu.memref_slice %arg8[%run_scoped3A_65, %dma_wait3A_123] : memref<2x128xi32, #tpu.memory_space<vmem>> -> memref<1x128xi32, #tpu.memory_space<vmem>>
      %dma_wait3A_125 = tpu.memref_squeeze %dma_wait3A_124 : memref<1x128xi32, #tpu.memory_space<vmem>> -> memref<128xi32, #tpu.memory_space<vmem>>
      %dma_wait3A_126 = arith.constant 0 : i32
      %dma_wait3A_127 = arith.constant 0 : i32
      %dma_wait3A_128 = tpu.memref_slice %arg4[%add3A_46, %dma_wait3A_126, %dma_wait3A_127] : memref<32x80x128xi32, #tpu.memory_space<hbm>> -> memref<1x80x128xi32, #tpu.memory_space<hbm>>
      %dma_wait3A_129 = tpu.memref_squeeze %dma_wait3A_128 : memref<1x80x128xi32, #tpu.memory_space<hbm>> -> memref<80x128xi32, #tpu.memory_space<hbm>>
      %dma_wait3A_130 = arith.constant 0 : i32
      %dma_wait3A_131 = tpu.memref_slice %dma_wait3A_129[%run_scoped3A_64, %dma_wait3A_130] : memref<80x128xi32, #tpu.memory_space<hbm>> -> memref<1x128xi32, #tpu.memory_space<hbm>>
      %dma_wait3A_132 = tpu.memref_squeeze %dma_wait3A_131 : memref<1x128xi32, #tpu.memory_space<hbm>> -> memref<128xi32, #tpu.memory_space<hbm>>
      tpu.wait_dma2 semaphore(%run_scoped3A_93 : memref<!tpu.dma_semaphore, #tpu.memory_space<semaphore_mem>>) src(%dma_wait3A_132 : memref<128xi32, #tpu.memory_space<hbm>>) dst(%dma_wait3A_125 : memref<128xi32, #tpu.memory_space<vmem>>)
      tpu.yield
    }) : () -> ()
    %dma_start3A_66 = arith.constant 1 : i32
    %dma_start3A_67 = arith.constant 1 : i32
    %dma_start3A_68 = arith.constant 0 : i32
    %dma_start3A_69 = arith.constant 0 : i32
    %dma_start3A_70 = tpu.memref_slice %arg9[%dma_start3A_67, %dma_start3A_68, %dma_start3A_69] : memref<2x128x128xf32, #tpu.memory_space<vmem>> -> memref<1x128x128xf32, #tpu.memory_space<vmem>>
    %dma_start3A_71 = tpu.memref_squeeze %dma_start3A_70 : memref<1x128x128xf32, #tpu.memory_space<vmem>> -> memref<128x128xf32, #tpu.memory_space<vmem>>
    %dma_start3A_72 = arith.constant 0 : i32
    %dma_start3A_73 = tpu.memref_slice %arg7[%dma_start3A_66, %dma_start3A_72] : memref<2x128xi32, #tpu.memory_space<vmem>> -> memref<1x128xi32, #tpu.memory_space<vmem>>
    %dma_start3A_74 = tpu.memref_squeeze %dma_start3A_73 : memref<1x128xi32, #tpu.memory_space<vmem>> -> memref<128xi32, #tpu.memory_space<vmem>>
    %dma_start3A_75 = arith.constant 0 : i32
    %dma_start3A_76 = arith.constant 0 : i32
    %dma_start3A_77 = tpu.memref_slice %arg2[%dma_start3A_75, %dma_start3A_76] : memref<10240x128xf32, #tpu.memory_space<hbm>> -> memref<10240x128xf32, #tpu.memory_space<hbm>>
    tpu.enqueue_indirect_dma source(%dma_start3A_77 : memref<10240x128xf32, #tpu.memory_space<hbm>>) target(%dma_start3A_71 : memref<128x128xf32, #tpu.memory_space<vmem>>) offsets(%dma_start3A_74 : memref<128xi32, #tpu.memory_space<vmem>>) semaphore(%arg12 : memref<!tpu.dma_semaphore, #tpu.memory_space<semaphore_mem>>)
    %scan3A_78 = arith.constant 0 : i32
    %scan3A_79 = arith.constant 0 : i32
    %scan3A_80 = arith.constant 40 : i32
    %scan3A_81 = arith.addi %scan3A_79, %scan3A_80 : i32
    %scan3A_82 = arith.constant 1 : i32
    scf.for %scan3A_93 = %scan3A_79 to %scan3A_81 step %scan3A_82  : i32 {
      %mul3A_94 = arith.constant 2 : i32
      %mul3A_95 = arith.muli %scan3A_93, %mul3A_94 : i32
      %add3A_96 = arith.constant 0 : i32
      %add3A_97 = arith.addi %mul3A_95, %add3A_96 : i32
      %dma_wait3A = arith.constant 0 : i32
      %dma_wait3A_98 = arith.constant 0 : i32
      %dma_wait3A_99 = arith.constant 0 : i32
      %dma_wait3A_100 = arith.constant 0 : i32
      %dma_wait3A_101 = tpu.memref_slice %arg9[%dma_wait3A_98, %dma_wait3A_99, %dma_wait3A_100] : memref<2x128x128xf32, #tpu.memory_space<vmem>> -> memref<1x128x128xf32, #tpu.memory_space<vmem>>
      %dma_wait3A_102 = tpu.memref_squeeze %dma_wait3A_101 : memref<1x128x128xf32, #tpu.memory_space<vmem>> -> memref<128x128xf32, #tpu.memory_space<vmem>>
      %dma_wait3A_103 = arith.constant 0 : i32
      %dma_wait3A_104 = tpu.memref_slice %arg7[%dma_wait3A, %dma_wait3A_103] : memref<2x128xi32, #tpu.memory_space<vmem>> -> memref<1x128xi32, #tpu.memory_space<vmem>>
      %dma_wait3A_105 = tpu.memref_squeeze %dma_wait3A_104 : memref<1x128xi32, #tpu.memory_space<vmem>> -> memref<128xi32, #tpu.memory_space<vmem>>
      %dma_wait3A_106 = arith.constant 0 : i32
      %dma_wait3A_107 = arith.constant 0 : i32
      %dma_wait3A_108 = tpu.memref_slice %arg2[%dma_wait3A_106, %dma_wait3A_107] : memref<10240x128xf32, #tpu.memory_space<hbm>> -> memref<10240x128xf32, #tpu.memory_space<hbm>>
      tpu.wait_indirect_dma semaphore(%arg11 : memref<!tpu.dma_semaphore, #tpu.memory_space<semaphore_mem>>) src(%dma_wait3A_108 : memref<10240x128xf32, #tpu.memory_space<hbm>>) dst(%dma_wait3A_102 : memref<128x128xf32, #tpu.memory_space<vmem>>)
      %add3A_109 = arith.constant 2 : i32
      %add3A_110 = arith.addi %add3A_97, %add3A_109 : i32
      %lt3A = arith.constant 80 : i32
      %lt3A_111 = arith.cmpi slt, %add3A_110, %lt3A : i32
      %convert_element_type3A = arith.extui %lt3A_111 : i1 to i32
      %cond3A = arith.constant 0 : i32
      %cond3A_112 = arith.cmpi ne, %convert_element_type3A, %cond3A : i32
      scf.if %cond3A_112 {
        %add3A_165 = arith.constant 2 : i32
        %add3A_166 = arith.addi %add3A_97, %add3A_165 : i32
        %dma_start3A_167 = arith.constant 0 : i32
        %dma_start3A_168 = arith.constant 0 : i32
        %dma_start3A_169 = tpu.memref_slice %arg7[%dma_start3A_167, %dma_start3A_168] : memref<2x128xi32, #tpu.memory_space<vmem>> -> memref<1x128xi32, #tpu.memory_space<vmem>>
        %dma_start3A_170 = tpu.memref_squeeze %dma_start3A_169 : memref<1x128xi32, #tpu.memory_space<vmem>> -> memref<128xi32, #tpu.memory_space<vmem>>
        %dma_start3A_171 = arith.constant 0 : i32
        %dma_start3A_172 = arith.constant 0 : i32
        %dma_start3A_173 = tpu.memref_slice %arg3[%add3A_46, %dma_start3A_171, %dma_start3A_172] : memref<32x80x128xi32, #tpu.memory_space<hbm>> -> memref<1x80x128xi32, #tpu.memory_space<hbm>>
        %dma_start3A_174 = tpu.memref_squeeze %dma_start3A_173 : memref<1x80x128xi32, #tpu.memory_space<hbm>> -> memref<80x128xi32, #tpu.memory_space<hbm>>
        %dma_start3A_175 = arith.constant 0 : i32
        %dma_start3A_176 = tpu.memref_slice %dma_start3A_174[%add3A_166, %dma_start3A_175] : memref<80x128xi32, #tpu.memory_space<hbm>> -> memref<1x128xi32, #tpu.memory_space<hbm>>
        %dma_start3A_177 = tpu.memref_squeeze %dma_start3A_176 : memref<1x128xi32, #tpu.memory_space<hbm>> -> memref<128xi32, #tpu.memory_space<hbm>>
        %dma_start3A_178 = arith.constant 0 : i32
        %dma_start3A_179 = tpu.memref_slice %arg7[%dma_start3A_167, %dma_start3A_178] : memref<2x128xi32, #tpu.memory_space<vmem>> -> memref<1x128xi32, #tpu.memory_space<vmem>>
        %dma_start3A_180 = tpu.memref_squeeze %dma_start3A_179 : memref<1x128xi32, #tpu.memory_space<vmem>> -> memref<128xi32, #tpu.memory_space<vmem>>
        %dma_start3A_181 = arith.constant 0 : i32
        %dma_start3A_182 = arith.constant 0 : i32
        %dma_start3A_183 = tpu.memref_slice %arg3[%add3A_46, %dma_start3A_181, %dma_start3A_182] : memref<32x80x128xi32, #tpu.memory_space<hbm>> -> memref<1x80x128xi32, #tpu.memory_space<hbm>>
        %dma_start3A_184 = tpu.memref_squeeze %dma_start3A_183 : memref<1x80x128xi32, #tpu.memory_space<hbm>> -> memref<80x128xi32, #tpu.memory_space<hbm>>
        %dma_start3A_185 = arith.constant 0 : i32
        %dma_start3A_186 = tpu.memref_slice %dma_start3A_184[%add3A_166, %dma_start3A_185] : memref<80x128xi32, #tpu.memory_space<hbm>> -> memref<1x128xi32, #tpu.memory_space<hbm>>
        %dma_start3A_187 = tpu.memref_squeeze %dma_start3A_186 : memref<1x128xi32, #tpu.memory_space<hbm>> -> memref<128xi32, #tpu.memory_space<hbm>>
        tpu.enqueue_dma source(%dma_start3A_187 : memref<128xi32, #tpu.memory_space<hbm>>) target(%dma_start3A_180 : memref<128xi32, #tpu.memory_space<vmem>>) target_semaphore(%arg13 : memref<!tpu.dma_semaphore, #tpu.memory_space<semaphore_mem>>)
      } else {
      }
      %ge3A = arith.constant 2 : i32
      %ge3A_113 = arith.cmpi sge, %add3A_97, %ge3A : i32
      %convert_element_type3A_114 = arith.extui %ge3A_113 : i1 to i32
      %cond3A_115 = arith.constant 0 : i32
      %cond3A_116 = arith.cmpi ne, %convert_element_type3A_114, %cond3A_115 : i32
      scf.if %cond3A_116 {
        %dma_wait3A_165 = arith.constant 0 : i32
        %dma_wait3A_166 = arith.constant 0 : i32
        %dma_wait3A_167 = arith.constant 0 : i32
        %dma_wait3A_168 = tpu.memref_slice %arg8[%dma_wait3A_166, %dma_wait3A_167] : memref<2x128xi32, #tpu.memory_space<vmem>> -> memref<1x128xi32, #tpu.memory_space<vmem>>
        %dma_wait3A_169 = tpu.memref_squeeze %dma_wait3A_168 : memref<1x128xi32, #tpu.memory_space<vmem>> -> memref<128xi32, #tpu.memory_space<vmem>>
        %dma_wait3A_170 = arith.constant 0 : i32
        %dma_wait3A_171 = arith.constant 0 : i32
        %dma_wait3A_172 = tpu.memref_slice %arg4[%add3A_46, %dma_wait3A_170, %dma_wait3A_171] : memref<32x80x128xi32, #tpu.memory_space<hbm>> -> memref<1x80x128xi32, #tpu.memory_space<hbm>>
        %dma_wait3A_173 = tpu.memref_squeeze %dma_wait3A_172 : memref<1x80x128xi32, #tpu.memory_space<hbm>> -> memref<80x128xi32, #tpu.memory_space<hbm>>
        %dma_wait3A_174 = arith.constant 0 : i32
        %dma_wait3A_175 = tpu.memref_slice %dma_wait3A_173[%dma_wait3A_165, %dma_wait3A_174] : memref<80x128xi32, #tpu.memory_space<hbm>> -> memref<1x128xi32, #tpu.memory_space<hbm>>
        %dma_wait3A_176 = tpu.memref_squeeze %dma_wait3A_175 : memref<1x128xi32, #tpu.memory_space<hbm>> -> memref<128xi32, #tpu.memory_space<hbm>>
        %dma_wait3A_177 = arith.constant 0 : i32
        %dma_wait3A_178 = tpu.memref_slice %arg8[%dma_wait3A_166, %dma_wait3A_177] : memref<2x128xi32, #tpu.memory_space<vmem>> -> memref<1x128xi32, #tpu.memory_space<vmem>>
        %dma_wait3A_179 = tpu.memref_squeeze %dma_wait3A_178 : memref<1x128xi32, #tpu.memory_space<vmem>> -> memref<128xi32, #tpu.memory_space<vmem>>
        %dma_wait3A_180 = arith.constant 0 : i32
        %dma_wait3A_181 = arith.constant 0 : i32
        %dma_wait3A_182 = tpu.memref_slice %arg4[%add3A_46, %dma_wait3A_180, %dma_wait3A_181] : memref<32x80x128xi32, #tpu.memory_space<hbm>> -> memref<1x80x128xi32, #tpu.memory_space<hbm>>
        %dma_wait3A_183 = tpu.memref_squeeze %dma_wait3A_182 : memref<1x80x128xi32, #tpu.memory_space<hbm>> -> memref<80x128xi32, #tpu.memory_space<hbm>>
        %dma_wait3A_184 = arith.constant 0 : i32
        %dma_wait3A_185 = tpu.memref_slice %dma_wait3A_183[%dma_wait3A_165, %dma_wait3A_184] : memref<80x128xi32, #tpu.memory_space<hbm>> -> memref<1x128xi32, #tpu.memory_space<hbm>>
        %dma_wait3A_186 = tpu.memref_squeeze %dma_wait3A_185 : memref<1x128xi32, #tpu.memory_space<hbm>> -> memref<128xi32, #tpu.memory_space<hbm>>
        tpu.wait_dma2 semaphore(%arg15 : memref<!tpu.dma_semaphore, #tpu.memory_space<semaphore_mem>>) src(%dma_wait3A_186 : memref<128xi32, #tpu.memory_space<hbm>>) dst(%dma_wait3A_179 : memref<128xi32, #tpu.memory_space<vmem>>)
      } else {
      }
      %run_scoped3A_117 = arith.constant 0 : i32
      %run_scoped3A_118 = arith.constant 0 : i32
      "tpu.region"() ({
        %run_scoped3A_165 = tpu.sem_alloc : memref<!tpu.dma_semaphore, #tpu.memory_space<semaphore_mem>>
        %dma_start3A_166 = arith.constant 0 : i32
        %dma_start3A_167 = arith.constant 0 : i32
        %dma_start3A_168 = tpu.memref_slice %arg9[%run_scoped3A_117, %dma_start3A_166, %dma_start3A_167] : memref<2x128x128xf32, #tpu.memory_space<vmem>> -> memref<1x128x128xf32, #tpu.memory_space<vmem>>
        %dma_start3A_169 = tpu.memref_squeeze %dma_start3A_168 : memref<1x128x128xf32, #tpu.memory_space<vmem>> -> memref<128x128xf32, #tpu.memory_space<vmem>>
        %dma_start3A_170 = arith.constant 0 : i32
        %dma_start3A_171 = tpu.memref_slice %arg8[%run_scoped3A_118, %dma_start3A_170] : memref<2x128xi32, #tpu.memory_space<vmem>> -> memref<1x128xi32, #tpu.memory_space<vmem>>
        %dma_start3A_172 = tpu.memref_squeeze %dma_start3A_171 : memref<1x128xi32, #tpu.memory_space<vmem>> -> memref<128xi32, #tpu.memory_space<vmem>>
        %dma_start3A_173 = arith.constant 0 : i32
        %dma_start3A_174 = arith.constant 0 : i32
        %dma_start3A_175 = tpu.memref_slice %arg10[%dma_start3A_173, %dma_start3A_174] : memref<10240x128xf32, #tpu.memory_space<vmem_shared>> -> memref<10240x128xf32, #tpu.memory_space<vmem_shared>>
        tpu.enqueue_indirect_dma source(%dma_start3A_169 : memref<128x128xf32, #tpu.memory_space<vmem>>) target(%dma_start3A_175 : memref<10240x128xf32, #tpu.memory_space<vmem_shared>>) offsets(%dma_start3A_172 : memref<128xi32, #tpu.memory_space<vmem>>) semaphore(%run_scoped3A_165 : memref<!tpu.dma_semaphore, #tpu.memory_space<semaphore_mem>>) {add = true}
        %dma_wait3A_176 = arith.constant 0 : i32
        %dma_wait3A_177 = arith.constant 0 : i32
        %dma_wait3A_178 = tpu.memref_slice %arg9[%run_scoped3A_117, %dma_wait3A_176, %dma_wait3A_177] : memref<2x128x128xf32, #tpu.memory_space<vmem>> -> memref<1x128x128xf32, #tpu.memory_space<vmem>>
        %dma_wait3A_179 = tpu.memref_squeeze %dma_wait3A_178 : memref<1x128x128xf32, #tpu.memory_space<vmem>> -> memref<128x128xf32, #tpu.memory_space<vmem>>
        %dma_wait3A_180 = arith.constant 0 : i32
        %dma_wait3A_181 = tpu.memref_slice %arg8[%run_scoped3A_118, %dma_wait3A_180] : memref<2x128xi32, #tpu.memory_space<vmem>> -> memref<1x128xi32, #tpu.memory_space<vmem>>
        %dma_wait3A_182 = tpu.memref_squeeze %dma_wait3A_181 : memref<1x128xi32, #tpu.memory_space<vmem>> -> memref<128xi32, #tpu.memory_space<vmem>>
        %dma_wait3A_183 = arith.constant 0 : i32
        %dma_wait3A_184 = arith.constant 0 : i32
        %dma_wait3A_185 = tpu.memref_slice %arg10[%dma_wait3A_183, %dma_wait3A_184] : memref<10240x128xf32, #tpu.memory_space<vmem_shared>> -> memref<10240x128xf32, #tpu.memory_space<vmem_shared>>
        tpu.wait_indirect_dma semaphore(%run_scoped3A_165 : memref<!tpu.dma_semaphore, #tpu.memory_space<semaphore_mem>>) src(%dma_wait3A_179 : memref<128x128xf32, #tpu.memory_space<vmem>>) dst(%dma_wait3A_185 : memref<10240x128xf32, #tpu.memory_space<vmem_shared>>)
        tpu.yield
      }) : () -> ()
      %run_scoped3A_119 = arith.constant 0 : i32
      "tpu.region"() ({
        %run_scoped3A_165 = tpu.sem_alloc : memref<!tpu.dma_semaphore, #tpu.memory_space<semaphore_mem>>
        %dma_start3A_166 = arith.constant 0 : i32
        %dma_start3A_167 = tpu.memref_slice %arg8[%run_scoped3A_119, %dma_start3A_166] : memref<2x128xi32, #tpu.memory_space<vmem>> -> memref<1x128xi32, #tpu.memory_space<vmem>>
        %dma_start3A_168 = tpu.memref_squeeze %dma_start3A_167 : memref<1x128xi32, #tpu.memory_space<vmem>> -> memref<128xi32, #tpu.memory_space<vmem>>
        %dma_start3A_169 = arith.constant 0 : i32
        %dma_start3A_170 = tpu.memref_slice %arg19[%dma_start3A_169] : memref<10240xf32, #tpu.memory_space<vmem_shared>> -> memref<10240xf32, #tpu.memory_space<vmem_shared>>
        tpu.enqueue_indirect_dma source(%arg17 : memref<128xf32, #tpu.memory_space<vmem>>) target(%dma_start3A_170 : memref<10240xf32, #tpu.memory_space<vmem_shared>>) offsets(%dma_start3A_168 : memref<128xi32, #tpu.memory_space<vmem>>) semaphore(%run_scoped3A_165 : memref<!tpu.dma_semaphore, #tpu.memory_space<semaphore_mem>>) {add = true}
        %dma_wait3A_171 = arith.constant 0 : i32
        %dma_wait3A_172 = tpu.memref_slice %arg8[%run_scoped3A_119, %dma_wait3A_171] : memref<2x128xi32, #tpu.memory_space<vmem>> -> memref<1x128xi32, #tpu.memory_space<vmem>>
        %dma_wait3A_173 = tpu.memref_squeeze %dma_wait3A_172 : memref<1x128xi32, #tpu.memory_space<vmem>> -> memref<128xi32, #tpu.memory_space<vmem>>
        %dma_wait3A_174 = arith.constant 0 : i32
        %dma_wait3A_175 = tpu.memref_slice %arg19[%dma_wait3A_174] : memref<10240xf32, #tpu.memory_space<vmem_shared>> -> memref<10240xf32, #tpu.memory_space<vmem_shared>>
        tpu.wait_indirect_dma semaphore(%run_scoped3A_165 : memref<!tpu.dma_semaphore, #tpu.memory_space<semaphore_mem>>) src(%arg17 : memref<128xf32, #tpu.memory_space<vmem>>) dst(%dma_wait3A_175 : memref<10240xf32, #tpu.memory_space<vmem_shared>>)
        tpu.yield
      }) : () -> ()
      %add3A_120 = arith.constant 2 : i32
      %add3A_121 = arith.addi %add3A_97, %add3A_120 : i32
      %lt3A_122 = arith.constant 80 : i32
      %lt3A_123 = arith.cmpi slt, %add3A_121, %lt3A_122 : i32
      %convert_element_type3A_124 = arith.extui %lt3A_123 : i1 to i32
      %cond3A_125 = arith.constant 0 : i32
      %cond3A_126 = arith.cmpi ne, %convert_element_type3A_124, %cond3A_125 : i32
      scf.if %cond3A_126 {
        %add3A_165 = arith.constant 2 : i32
        %add3A_166 = arith.addi %add3A_97, %add3A_165 : i32
        %dma_start3A_167 = arith.constant 0 : i32
        %dma_start3A_168 = arith.constant 0 : i32
        %dma_start3A_169 = tpu.memref_slice %arg8[%dma_start3A_167, %dma_start3A_168] : memref<2x128xi32, #tpu.memory_space<vmem>> -> memref<1x128xi32, #tpu.memory_space<vmem>>
        %dma_start3A_170 = tpu.memref_squeeze %dma_start3A_169 : memref<1x128xi32, #tpu.memory_space<vmem>> -> memref<128xi32, #tpu.memory_space<vmem>>
        %dma_start3A_171 = arith.constant 0 : i32
        %dma_start3A_172 = arith.constant 0 : i32
        %dma_start3A_173 = tpu.memref_slice %arg4[%add3A_46, %dma_start3A_171, %dma_start3A_172] : memref<32x80x128xi32, #tpu.memory_space<hbm>> -> memref<1x80x128xi32, #tpu.memory_space<hbm>>
        %dma_start3A_174 = tpu.memref_squeeze %dma_start3A_173 : memref<1x80x128xi32, #tpu.memory_space<hbm>> -> memref<80x128xi32, #tpu.memory_space<hbm>>
        %dma_start3A_175 = arith.constant 0 : i32
        %dma_start3A_176 = tpu.memref_slice %dma_start3A_174[%add3A_166, %dma_start3A_175] : memref<80x128xi32, #tpu.memory_space<hbm>> -> memref<1x128xi32, #tpu.memory_space<hbm>>
        %dma_start3A_177 = tpu.memref_squeeze %dma_start3A_176 : memref<1x128xi32, #tpu.memory_space<hbm>> -> memref<128xi32, #tpu.memory_space<hbm>>
        %dma_start3A_178 = arith.constant 0 : i32
        %dma_start3A_179 = tpu.memref_slice %arg8[%dma_start3A_167, %dma_start3A_178] : memref<2x128xi32, #tpu.memory_space<vmem>> -> memref<1x128xi32, #tpu.memory_space<vmem>>
        %dma_start3A_180 = tpu.memref_squeeze %dma_start3A_179 : memref<1x128xi32, #tpu.memory_space<vmem>> -> memref<128xi32, #tpu.memory_space<vmem>>
        %dma_start3A_181 = arith.constant 0 : i32
        %dma_start3A_182 = arith.constant 0 : i32
        %dma_start3A_183 = tpu.memref_slice %arg4[%add3A_46, %dma_start3A_181, %dma_start3A_182] : memref<32x80x128xi32, #tpu.memory_space<hbm>> -> memref<1x80x128xi32, #tpu.memory_space<hbm>>
        %dma_start3A_184 = tpu.memref_squeeze %dma_start3A_183 : memref<1x80x128xi32, #tpu.memory_space<hbm>> -> memref<80x128xi32, #tpu.memory_space<hbm>>
        %dma_start3A_185 = arith.constant 0 : i32
        %dma_start3A_186 = tpu.memref_slice %dma_start3A_184[%add3A_166, %dma_start3A_185] : memref<80x128xi32, #tpu.memory_space<hbm>> -> memref<1x128xi32, #tpu.memory_space<hbm>>
        %dma_start3A_187 = tpu.memref_squeeze %dma_start3A_186 : memref<1x128xi32, #tpu.memory_space<hbm>> -> memref<128xi32, #tpu.memory_space<hbm>>
        tpu.enqueue_dma source(%dma_start3A_187 : memref<128xi32, #tpu.memory_space<hbm>>) target(%dma_start3A_180 : memref<128xi32, #tpu.memory_space<vmem>>) target_semaphore(%arg15 : memref<!tpu.dma_semaphore, #tpu.memory_space<semaphore_mem>>)
        %dma_wait3A_188 = arith.constant 0 : i32
        %dma_wait3A_189 = arith.constant 0 : i32
        %dma_wait3A_190 = arith.constant 0 : i32
        %dma_wait3A_191 = tpu.memref_slice %arg7[%dma_wait3A_189, %dma_wait3A_190] : memref<2x128xi32, #tpu.memory_space<vmem>> -> memref<1x128xi32, #tpu.memory_space<vmem>>
        %dma_wait3A_192 = tpu.memref_squeeze %dma_wait3A_191 : memref<1x128xi32, #tpu.memory_space<vmem>> -> memref<128xi32, #tpu.memory_space<vmem>>
        %dma_wait3A_193 = arith.constant 0 : i32
        %dma_wait3A_194 = arith.constant 0 : i32
        %dma_wait3A_195 = tpu.memref_slice %arg3[%add3A_46, %dma_wait3A_193, %dma_wait3A_194] : memref<32x80x128xi32, #tpu.memory_space<hbm>> -> memref<1x80x128xi32, #tpu.memory_space<hbm>>
        %dma_wait3A_196 = tpu.memref_squeeze %dma_wait3A_195 : memref<1x80x128xi32, #tpu.memory_space<hbm>> -> memref<80x128xi32, #tpu.memory_space<hbm>>
        %dma_wait3A_197 = arith.constant 0 : i32
        %dma_wait3A_198 = tpu.memref_slice %dma_wait3A_196[%dma_wait3A_188, %dma_wait3A_197] : memref<80x128xi32, #tpu.memory_space<hbm>> -> memref<1x128xi32, #tpu.memory_space<hbm>>
        %dma_wait3A_199 = tpu.memref_squeeze %dma_wait3A_198 : memref<1x128xi32, #tpu.memory_space<hbm>> -> memref<128xi32, #tpu.memory_space<hbm>>
        %dma_wait3A_200 = arith.constant 0 : i32
        %dma_wait3A_201 = tpu.memref_slice %arg7[%dma_wait3A_189, %dma_wait3A_200] : memref<2x128xi32, #tpu.memory_space<vmem>> -> memref<1x128xi32, #tpu.memory_space<vmem>>
        %dma_wait3A_202 = tpu.memref_squeeze %dma_wait3A_201 : memref<1x128xi32, #tpu.memory_space<vmem>> -> memref<128xi32, #tpu.memory_space<vmem>>
        %dma_wait3A_203 = arith.constant 0 : i32
        %dma_wait3A_204 = arith.constant 0 : i32
        %dma_wait3A_205 = tpu.memref_slice %arg3[%add3A_46, %dma_wait3A_203, %dma_wait3A_204] : memref<32x80x128xi32, #tpu.memory_space<hbm>> -> memref<1x80x128xi32, #tpu.memory_space<hbm>>
        %dma_wait3A_206 = tpu.memref_squeeze %dma_wait3A_205 : memref<1x80x128xi32, #tpu.memory_space<hbm>> -> memref<80x128xi32, #tpu.memory_space<hbm>>
        %dma_wait3A_207 = arith.constant 0 : i32
        %dma_wait3A_208 = tpu.memref_slice %dma_wait3A_206[%dma_wait3A_188, %dma_wait3A_207] : memref<80x128xi32, #tpu.memory_space<hbm>> -> memref<1x128xi32, #tpu.memory_space<hbm>>
        %dma_wait3A_209 = tpu.memref_squeeze %dma_wait3A_208 : memref<1x128xi32, #tpu.memory_space<hbm>> -> memref<128xi32, #tpu.memory_space<hbm>>
        tpu.wait_dma2 semaphore(%arg13 : memref<!tpu.dma_semaphore, #tpu.memory_space<semaphore_mem>>) src(%dma_wait3A_209 : memref<128xi32, #tpu.memory_space<hbm>>) dst(%dma_wait3A_202 : memref<128xi32, #tpu.memory_space<vmem>>)
        %dma_start3A_210 = arith.constant 0 : i32
        %dma_start3A_211 = arith.constant 0 : i32
        %dma_start3A_212 = arith.constant 0 : i32
        %dma_start3A_213 = arith.constant 0 : i32
        %dma_start3A_214 = tpu.memref_slice %arg9[%dma_start3A_211, %dma_start3A_212, %dma_start3A_213] : memref<2x128x128xf32, #tpu.memory_space<vmem>> -> memref<1x128x128xf32, #tpu.memory_space<vmem>>
        %dma_start3A_215 = tpu.memref_squeeze %dma_start3A_214 : memref<1x128x128xf32, #tpu.memory_space<vmem>> -> memref<128x128xf32, #tpu.memory_space<vmem>>
        %dma_start3A_216 = arith.constant 0 : i32
        %dma_start3A_217 = tpu.memref_slice %arg7[%dma_start3A_210, %dma_start3A_216] : memref<2x128xi32, #tpu.memory_space<vmem>> -> memref<1x128xi32, #tpu.memory_space<vmem>>
        %dma_start3A_218 = tpu.memref_squeeze %dma_start3A_217 : memref<1x128xi32, #tpu.memory_space<vmem>> -> memref<128xi32, #tpu.memory_space<vmem>>
        %dma_start3A_219 = arith.constant 0 : i32
        %dma_start3A_220 = arith.constant 0 : i32
        %dma_start3A_221 = tpu.memref_slice %arg2[%dma_start3A_219, %dma_start3A_220] : memref<10240x128xf32, #tpu.memory_space<hbm>> -> memref<10240x128xf32, #tpu.memory_space<hbm>>
        tpu.enqueue_indirect_dma source(%dma_start3A_221 : memref<10240x128xf32, #tpu.memory_space<hbm>>) target(%dma_start3A_215 : memref<128x128xf32, #tpu.memory_space<vmem>>) offsets(%dma_start3A_218 : memref<128xi32, #tpu.memory_space<vmem>>) semaphore(%arg11 : memref<!tpu.dma_semaphore, #tpu.memory_space<semaphore_mem>>)
      } else {
      }
      %mul3A_127 = arith.constant 2 : i32
      %mul3A_128 = arith.muli %scan3A_93, %mul3A_127 : i32
      %add3A_129 = arith.constant 1 : i32
      %add3A_130 = arith.addi %mul3A_128, %add3A_129 : i32
      %dma_wait3A_131 = arith.constant 1 : i32
      %dma_wait3A_132 = arith.constant 1 : i32
      %dma_wait3A_133 = arith.constant 0 : i32
      %dma_wait3A_134 = arith.constant 0 : i32
      %dma_wait3A_135 = tpu.memref_slice %arg9[%dma_wait3A_132, %dma_wait3A_133, %dma_wait3A_134] : memref<2x128x128xf32, #tpu.memory_space<vmem>> -> memref<1x128x128xf32, #tpu.memory_space<vmem>>
      %dma_wait3A_136 = tpu.memref_squeeze %dma_wait3A_135 : memref<1x128x128xf32, #tpu.memory_space<vmem>> -> memref<128x128xf32, #tpu.memory_space<vmem>>
      %dma_wait3A_137 = arith.constant 0 : i32
      %dma_wait3A_138 = tpu.memref_slice %arg7[%dma_wait3A_131, %dma_wait3A_137] : memref<2x128xi32, #tpu.memory_space<vmem>> -> memref<1x128xi32, #tpu.memory_space<vmem>>
      %dma_wait3A_139 = tpu.memref_squeeze %dma_wait3A_138 : memref<1x128xi32, #tpu.memory_space<vmem>> -> memref<128xi32, #tpu.memory_space<vmem>>
      %dma_wait3A_140 = arith.constant 0 : i32
      %dma_wait3A_141 = arith.constant 0 : i32
      %dma_wait3A_142 = tpu.memref_slice %arg2[%dma_wait3A_140, %dma_wait3A_141] : memref<10240x128xf32, #tpu.memory_space<hbm>> -> memref<10240x128xf32, #tpu.memory_space<hbm>>
      tpu.wait_indirect_dma semaphore(%arg12 : memref<!tpu.dma_semaphore, #tpu.memory_space<semaphore_mem>>) src(%dma_wait3A_142 : memref<10240x128xf32, #tpu.memory_space<hbm>>) dst(%dma_wait3A_136 : memref<128x128xf32, #tpu.memory_space<vmem>>)
      %add3A_143 = arith.constant 2 : i32
      %add3A_144 = arith.addi %add3A_130, %add3A_143 : i32
      %lt3A_145 = arith.constant 80 : i32
      %lt3A_146 = arith.cmpi slt, %add3A_144, %lt3A_145 : i32
      %convert_element_type3A_147 = arith.extui %lt3A_146 : i1 to i32
      %cond3A_148 = arith.constant 0 : i32
      %cond3A_149 = arith.cmpi ne, %convert_element_type3A_147, %cond3A_148 : i32
      scf.if %cond3A_149 {
        %add3A_165 = arith.constant 2 : i32
        %add3A_166 = arith.addi %add3A_130, %add3A_165 : i32
        %dma_start3A_167 = arith.constant 1 : i32
        %dma_start3A_168 = arith.constant 0 : i32
        %dma_start3A_169 = tpu.memref_slice %arg7[%dma_start3A_167, %dma_start3A_168] : memref<2x128xi32, #tpu.memory_space<vmem>> -> memref<1x128xi32, #tpu.memory_space<vmem>>
        %dma_start3A_170 = tpu.memref_squeeze %dma_start3A_169 : memref<1x128xi32, #tpu.memory_space<vmem>> -> memref<128xi32, #tpu.memory_space<vmem>>
        %dma_start3A_171 = arith.constant 0 : i32
        %dma_start3A_172 = arith.constant 0 : i32
        %dma_start3A_173 = tpu.memref_slice %arg3[%add3A_46, %dma_start3A_171, %dma_start3A_172] : memref<32x80x128xi32, #tpu.memory_space<hbm>> -> memref<1x80x128xi32, #tpu.memory_space<hbm>>
        %dma_start3A_174 = tpu.memref_squeeze %dma_start3A_173 : memref<1x80x128xi32, #tpu.memory_space<hbm>> -> memref<80x128xi32, #tpu.memory_space<hbm>>
        %dma_start3A_175 = arith.constant 0 : i32
        %dma_start3A_176 = tpu.memref_slice %dma_start3A_174[%add3A_166, %dma_start3A_175] : memref<80x128xi32, #tpu.memory_space<hbm>> -> memref<1x128xi32, #tpu.memory_space<hbm>>
        %dma_start3A_177 = tpu.memref_squeeze %dma_start3A_176 : memref<1x128xi32, #tpu.memory_space<hbm>> -> memref<128xi32, #tpu.memory_space<hbm>>
        %dma_start3A_178 = arith.constant 0 : i32
        %dma_start3A_179 = tpu.memref_slice %arg7[%dma_start3A_167, %dma_start3A_178] : memref<2x128xi32, #tpu.memory_space<vmem>> -> memref<1x128xi32, #tpu.memory_space<vmem>>
        %dma_start3A_180 = tpu.memref_squeeze %dma_start3A_179 : memref<1x128xi32, #tpu.memory_space<vmem>> -> memref<128xi32, #tpu.memory_space<vmem>>
        %dma_start3A_181 = arith.constant 0 : i32
        %dma_start3A_182 = arith.constant 0 : i32
        %dma_start3A_183 = tpu.memref_slice %arg3[%add3A_46, %dma_start3A_181, %dma_start3A_182] : memref<32x80x128xi32, #tpu.memory_space<hbm>> -> memref<1x80x128xi32, #tpu.memory_space<hbm>>
        %dma_start3A_184 = tpu.memref_squeeze %dma_start3A_183 : memref<1x80x128xi32, #tpu.memory_space<hbm>> -> memref<80x128xi32, #tpu.memory_space<hbm>>
        %dma_start3A_185 = arith.constant 0 : i32
        %dma_start3A_186 = tpu.memref_slice %dma_start3A_184[%add3A_166, %dma_start3A_185] : memref<80x128xi32, #tpu.memory_space<hbm>> -> memref<1x128xi32, #tpu.memory_space<hbm>>
        %dma_start3A_187 = tpu.memref_squeeze %dma_start3A_186 : memref<1x128xi32, #tpu.memory_space<hbm>> -> memref<128xi32, #tpu.memory_space<hbm>>
        tpu.enqueue_dma source(%dma_start3A_187 : memref<128xi32, #tpu.memory_space<hbm>>) target(%dma_start3A_180 : memref<128xi32, #tpu.memory_space<vmem>>) target_semaphore(%arg14 : memref<!tpu.dma_semaphore, #tpu.memory_space<semaphore_mem>>)
      } else {
      }
      %ge3A_150 = arith.constant 2 : i32
      %ge3A_151 = arith.cmpi sge, %add3A_130, %ge3A_150 : i32
      %convert_element_type3A_152 = arith.extui %ge3A_151 : i1 to i32
      %cond3A_153 = arith.constant 0 : i32
      %cond3A_154 = arith.cmpi ne, %convert_element_type3A_152, %cond3A_153 : i32
      scf.if %cond3A_154 {
        %dma_wait3A_165 = arith.constant 0 : i32
        %dma_wait3A_166 = arith.constant 1 : i32
        %dma_wait3A_167 = arith.constant 0 : i32
        %dma_wait3A_168 = tpu.memref_slice %arg8[%dma_wait3A_166, %dma_wait3A_167] : memref<2x128xi32, #tpu.memory_space<vmem>> -> memref<1x128xi32, #tpu.memory_space<vmem>>
        %dma_wait3A_169 = tpu.memref_squeeze %dma_wait3A_168 : memref<1x128xi32, #tpu.memory_space<vmem>> -> memref<128xi32, #tpu.memory_space<vmem>>
        %dma_wait3A_170 = arith.constant 0 : i32
        %dma_wait3A_171 = arith.constant 0 : i32
        %dma_wait3A_172 = tpu.memref_slice %arg4[%add3A_46, %dma_wait3A_170, %dma_wait3A_171] : memref<32x80x128xi32, #tpu.memory_space<hbm>> -> memref<1x80x128xi32, #tpu.memory_space<hbm>>
        %dma_wait3A_173 = tpu.memref_squeeze %dma_wait3A_172 : memref<1x80x128xi32, #tpu.memory_space<hbm>> -> memref<80x128xi32, #tpu.memory_space<hbm>>
        %dma_wait3A_174 = arith.constant 0 : i32
        %dma_wait3A_175 = tpu.memref_slice %dma_wait3A_173[%dma_wait3A_165, %dma_wait3A_174] : memref<80x128xi32, #tpu.memory_space<hbm>> -> memref<1x128xi32, #tpu.memory_space<hbm>>
        %dma_wait3A_176 = tpu.memref_squeeze %dma_wait3A_175 : memref<1x128xi32, #tpu.memory_space<hbm>> -> memref<128xi32, #tpu.memory_space<hbm>>
        %dma_wait3A_177 = arith.constant 0 : i32
        %dma_wait3A_178 = tpu.memref_slice %arg8[%dma_wait3A_166, %dma_wait3A_177] : memref<2x128xi32, #tpu.memory_space<vmem>> -> memref<1x128xi32, #tpu.memory_space<vmem>>
        %dma_wait3A_179 = tpu.memref_squeeze %dma_wait3A_178 : memref<1x128xi32, #tpu.memory_space<vmem>> -> memref<128xi32, #tpu.memory_space<vmem>>
        %dma_wait3A_180 = arith.constant 0 : i32
        %dma_wait3A_181 = arith.constant 0 : i32
        %dma_wait3A_182 = tpu.memref_slice %arg4[%add3A_46, %dma_wait3A_180, %dma_wait3A_181] : memref<32x80x128xi32, #tpu.memory_space<hbm>> -> memref<1x80x128xi32, #tpu.memory_space<hbm>>
        %dma_wait3A_183 = tpu.memref_squeeze %dma_wait3A_182 : memref<1x80x128xi32, #tpu.memory_space<hbm>> -> memref<80x128xi32, #tpu.memory_space<hbm>>
        %dma_wait3A_184 = arith.constant 0 : i32
        %dma_wait3A_185 = tpu.memref_slice %dma_wait3A_183[%dma_wait3A_165, %dma_wait3A_184] : memref<80x128xi32, #tpu.memory_space<hbm>> -> memref<1x128xi32, #tpu.memory_space<hbm>>
        %dma_wait3A_186 = tpu.memref_squeeze %dma_wait3A_185 : memref<1x128xi32, #tpu.memory_space<hbm>> -> memref<128xi32, #tpu.memory_space<hbm>>
        tpu.wait_dma2 semaphore(%arg16 : memref<!tpu.dma_semaphore, #tpu.memory_space<semaphore_mem>>) src(%dma_wait3A_186 : memref<128xi32, #tpu.memory_space<hbm>>) dst(%dma_wait3A_179 : memref<128xi32, #tpu.memory_space<vmem>>)
      } else {
      }
      %run_scoped3A_155 = arith.constant 1 : i32
      %run_scoped3A_156 = arith.constant 1 : i32
      "tpu.region"() ({
        %run_scoped3A_165 = tpu.sem_alloc : memref<!tpu.dma_semaphore, #tpu.memory_space<semaphore_mem>>
        %dma_start3A_166 = arith.constant 0 : i32
        %dma_start3A_167 = arith.constant 0 : i32
        %dma_start3A_168 = tpu.memref_slice %arg9[%run_scoped3A_155, %dma_start3A_166, %dma_start3A_167] : memref<2x128x128xf32, #tpu.memory_space<vmem>> -> memref<1x128x128xf32, #tpu.memory_space<vmem>>
        %dma_start3A_169 = tpu.memref_squeeze %dma_start3A_168 : memref<1x128x128xf32, #tpu.memory_space<vmem>> -> memref<128x128xf32, #tpu.memory_space<vmem>>
        %dma_start3A_170 = arith.constant 0 : i32
        %dma_start3A_171 = tpu.memref_slice %arg8[%run_scoped3A_156, %dma_start3A_170] : memref<2x128xi32, #tpu.memory_space<vmem>> -> memref<1x128xi32, #tpu.memory_space<vmem>>
        %dma_start3A_172 = tpu.memref_squeeze %dma_start3A_171 : memref<1x128xi32, #tpu.memory_space<vmem>> -> memref<128xi32, #tpu.memory_space<vmem>>
        %dma_start3A_173 = arith.constant 0 : i32
        %dma_start3A_174 = arith.constant 0 : i32
        %dma_start3A_175 = tpu.memref_slice %arg10[%dma_start3A_173, %dma_start3A_174] : memref<10240x128xf32, #tpu.memory_space<vmem_shared>> -> memref<10240x128xf32, #tpu.memory_space<vmem_shared>>
        tpu.enqueue_indirect_dma source(%dma_start3A_169 : memref<128x128xf32, #tpu.memory_space<vmem>>) target(%dma_start3A_175 : memref<10240x128xf32, #tpu.memory_space<vmem_shared>>) offsets(%dma_start3A_172 : memref<128xi32, #tpu.memory_space<vmem>>) semaphore(%run_scoped3A_165 : memref<!tpu.dma_semaphore, #tpu.memory_space<semaphore_mem>>) {add = true}
        %dma_wait3A_176 = arith.constant 0 : i32
        %dma_wait3A_177 = arith.constant 0 : i32
        %dma_wait3A_178 = tpu.memref_slice %arg9[%run_scoped3A_155, %dma_wait3A_176, %dma_wait3A_177] : memref<2x128x128xf32, #tpu.memory_space<vmem>> -> memref<1x128x128xf32, #tpu.memory_space<vmem>>
        %dma_wait3A_179 = tpu.memref_squeeze %dma_wait3A_178 : memref<1x128x128xf32, #tpu.memory_space<vmem>> -> memref<128x128xf32, #tpu.memory_space<vmem>>
        %dma_wait3A_180 = arith.constant 0 : i32
        %dma_wait3A_181 = tpu.memref_slice %arg8[%run_scoped3A_156, %dma_wait3A_180] : memref<2x128xi32, #tpu.memory_space<vmem>> -> memref<1x128xi32, #tpu.memory_space<vmem>>
        %dma_wait3A_182 = tpu.memref_squeeze %dma_wait3A_181 : memref<1x128xi32, #tpu.memory_space<vmem>> -> memref<128xi32, #tpu.memory_space<vmem>>
        %dma_wait3A_183 = arith.constant 0 : i32
        %dma_wait3A_184 = arith.constant 0 : i32
        %dma_wait3A_185 = tpu.memref_slice %arg10[%dma_wait3A_183, %dma_wait3A_184] : memref<10240x128xf32, #tpu.memory_space<vmem_shared>> -> memref<10240x128xf32, #tpu.memory_space<vmem_shared>>
        tpu.wait_indirect_dma semaphore(%run_scoped3A_165 : memref<!tpu.dma_semaphore, #tpu.memory_space<semaphore_mem>>) src(%dma_wait3A_179 : memref<128x128xf32, #tpu.memory_space<vmem>>) dst(%dma_wait3A_185 : memref<10240x128xf32, #tpu.memory_space<vmem_shared>>)
        tpu.yield
      }) : () -> ()
      %run_scoped3A_157 = arith.constant 1 : i32
      "tpu.region"() ({
        %run_scoped3A_165 = tpu.sem_alloc : memref<!tpu.dma_semaphore, #tpu.memory_space<semaphore_mem>>
        %dma_start3A_166 = arith.constant 0 : i32
        %dma_start3A_167 = tpu.memref_slice %arg8[%run_scoped3A_157, %dma_start3A_166] : memref<2x128xi32, #tpu.memory_space<vmem>> -> memref<1x128xi32, #tpu.memory_space<vmem>>
        %dma_start3A_168 = tpu.memref_squeeze %dma_start3A_167 : memref<1x128xi32, #tpu.memory_space<vmem>> -> memref<128xi32, #tpu.memory_space<vmem>>
        %dma_start3A_169 = arith.constant 0 : i32
        %dma_start3A_170 = tpu.memref_slice %arg19[%dma_start3A_169] : memref<10240xf32, #tpu.memory_space<vmem_shared>> -> memref<10240xf32, #tpu.memory_space<vmem_shared>>
        tpu.enqueue_indirect_dma source(%arg17 : memref<128xf32, #tpu.memory_space<vmem>>) target(%dma_start3A_170 : memref<10240xf32, #tpu.memory_space<vmem_shared>>) offsets(%dma_start3A_168 : memref<128xi32, #tpu.memory_space<vmem>>) semaphore(%run_scoped3A_165 : memref<!tpu.dma_semaphore, #tpu.memory_space<semaphore_mem>>) {add = true}
        %dma_wait3A_171 = arith.constant 0 : i32
        %dma_wait3A_172 = tpu.memref_slice %arg8[%run_scoped3A_157, %dma_wait3A_171] : memref<2x128xi32, #tpu.memory_space<vmem>> -> memref<1x128xi32, #tpu.memory_space<vmem>>
        %dma_wait3A_173 = tpu.memref_squeeze %dma_wait3A_172 : memref<1x128xi32, #tpu.memory_space<vmem>> -> memref<128xi32, #tpu.memory_space<vmem>>
        %dma_wait3A_174 = arith.constant 0 : i32
        %dma_wait3A_175 = tpu.memref_slice %arg19[%dma_wait3A_174] : memref<10240xf32, #tpu.memory_space<vmem_shared>> -> memref<10240xf32, #tpu.memory_space<vmem_shared>>
        tpu.wait_indirect_dma semaphore(%run_scoped3A_165 : memref<!tpu.dma_semaphore, #tpu.memory_space<semaphore_mem>>) src(%arg17 : memref<128xf32, #tpu.memory_space<vmem>>) dst(%dma_wait3A_175 : memref<10240xf32, #tpu.memory_space<vmem_shared>>)
        tpu.yield
      }) : () -> ()
      %add3A_158 = arith.constant 2 : i32
      %add3A_159 = arith.addi %add3A_130, %add3A_158 : i32
      %lt3A_160 = arith.constant 80 : i32
      %lt3A_161 = arith.cmpi slt, %add3A_159, %lt3A_160 : i32
      %convert_element_type3A_162 = arith.extui %lt3A_161 : i1 to i32
      %cond3A_163 = arith.constant 0 : i32
      %cond3A_164 = arith.cmpi ne, %convert_element_type3A_162, %cond3A_163 : i32
      scf.if %cond3A_164 {
        %add3A_165 = arith.constant 2 : i32
        %add3A_166 = arith.addi %add3A_130, %add3A_165 : i32
        %dma_start3A_167 = arith.constant 1 : i32
        %dma_start3A_168 = arith.constant 0 : i32
        %dma_start3A_169 = tpu.memref_slice %arg8[%dma_start3A_167, %dma_start3A_168] : memref<2x128xi32, #tpu.memory_space<vmem>> -> memref<1x128xi32, #tpu.memory_space<vmem>>
        %dma_start3A_170 = tpu.memref_squeeze %dma_start3A_169 : memref<1x128xi32, #tpu.memory_space<vmem>> -> memref<128xi32, #tpu.memory_space<vmem>>
        %dma_start3A_171 = arith.constant 0 : i32
        %dma_start3A_172 = arith.constant 0 : i32
        %dma_start3A_173 = tpu.memref_slice %arg4[%add3A_46, %dma_start3A_171, %dma_start3A_172] : memref<32x80x128xi32, #tpu.memory_space<hbm>> -> memref<1x80x128xi32, #tpu.memory_space<hbm>>
        %dma_start3A_174 = tpu.memref_squeeze %dma_start3A_173 : memref<1x80x128xi32, #tpu.memory_space<hbm>> -> memref<80x128xi32, #tpu.memory_space<hbm>>
        %dma_start3A_175 = arith.constant 0 : i32
        %dma_start3A_176 = tpu.memref_slice %dma_start3A_174[%add3A_166, %dma_start3A_175] : memref<80x128xi32, #tpu.memory_space<hbm>> -> memref<1x128xi32, #tpu.memory_space<hbm>>
        %dma_start3A_177 = tpu.memref_squeeze %dma_start3A_176 : memref<1x128xi32, #tpu.memory_space<hbm>> -> memref<128xi32, #tpu.memory_space<hbm>>
        %dma_start3A_178 = arith.constant 0 : i32
        %dma_start3A_179 = tpu.memref_slice %arg8[%dma_start3A_167, %dma_start3A_178] : memref<2x128xi32, #tpu.memory_space<vmem>> -> memref<1x128xi32, #tpu.memory_space<vmem>>
        %dma_start3A_180 = tpu.memref_squeeze %dma_start3A_179 : memref<1x128xi32, #tpu.memory_space<vmem>> -> memref<128xi32, #tpu.memory_space<vmem>>
        %dma_start3A_181 = arith.constant 0 : i32
        %dma_start3A_182 = arith.constant 0 : i32
        %dma_start3A_183 = tpu.memref_slice %arg4[%add3A_46, %dma_start3A_181, %dma_start3A_182] : memref<32x80x128xi32, #tpu.memory_space<hbm>> -> memref<1x80x128xi32, #tpu.memory_space<hbm>>
        %dma_start3A_184 = tpu.memref_squeeze %dma_start3A_183 : memref<1x80x128xi32, #tpu.memory_space<hbm>> -> memref<80x128xi32, #tpu.memory_space<hbm>>
        %dma_start3A_185 = arith.constant 0 : i32
        %dma_start3A_186 = tpu.memref_slice %dma_start3A_184[%add3A_166, %dma_start3A_185] : memref<80x128xi32, #tpu.memory_space<hbm>> -> memref<1x128xi32, #tpu.memory_space<hbm>>
        %dma_start3A_187 = tpu.memref_squeeze %dma_start3A_186 : memref<1x128xi32, #tpu.memory_space<hbm>> -> memref<128xi32, #tpu.memory_space<hbm>>
        tpu.enqueue_dma source(%dma_start3A_187 : memref<128xi32, #tpu.memory_space<hbm>>) target(%dma_start3A_180 : memref<128xi32, #tpu.memory_space<vmem>>) target_semaphore(%arg16 : memref<!tpu.dma_semaphore, #tpu.memory_space<semaphore_mem>>)
        %dma_wait3A_188 = arith.constant 0 : i32
        %dma_wait3A_189 = arith.constant 1 : i32
        %dma_wait3A_190 = arith.constant 0 : i32
        %dma_wait3A_191 = tpu.memref_slice %arg7[%dma_wait3A_189, %dma_wait3A_190] : memref<2x128xi32, #tpu.memory_space<vmem>> -> memref<1x128xi32, #tpu.memory_space<vmem>>
        %dma_wait3A_192 = tpu.memref_squeeze %dma_wait3A_191 : memref<1x128xi32, #tpu.memory_space<vmem>> -> memref<128xi32, #tpu.memory_space<vmem>>
        %dma_wait3A_193 = arith.constant 0 : i32
        %dma_wait3A_194 = arith.constant 0 : i32
        %dma_wait3A_195 = tpu.memref_slice %arg3[%add3A_46, %dma_wait3A_193, %dma_wait3A_194] : memref<32x80x128xi32, #tpu.memory_space<hbm>> -> memref<1x80x128xi32, #tpu.memory_space<hbm>>
        %dma_wait3A_196 = tpu.memref_squeeze %dma_wait3A_195 : memref<1x80x128xi32, #tpu.memory_space<hbm>> -> memref<80x128xi32, #tpu.memory_space<hbm>>
        %dma_wait3A_197 = arith.constant 0 : i32
        %dma_wait3A_198 = tpu.memref_slice %dma_wait3A_196[%dma_wait3A_188, %dma_wait3A_197] : memref<80x128xi32, #tpu.memory_space<hbm>> -> memref<1x128xi32, #tpu.memory_space<hbm>>
        %dma_wait3A_199 = tpu.memref_squeeze %dma_wait3A_198 : memref<1x128xi32, #tpu.memory_space<hbm>> -> memref<128xi32, #tpu.memory_space<hbm>>
        %dma_wait3A_200 = arith.constant 0 : i32
        %dma_wait3A_201 = tpu.memref_slice %arg7[%dma_wait3A_189, %dma_wait3A_200] : memref<2x128xi32, #tpu.memory_space<vmem>> -> memref<1x128xi32, #tpu.memory_space<vmem>>
        %dma_wait3A_202 = tpu.memref_squeeze %dma_wait3A_201 : memref<1x128xi32, #tpu.memory_space<vmem>> -> memref<128xi32, #tpu.memory_space<vmem>>
        %dma_wait3A_203 = arith.constant 0 : i32
        %dma_wait3A_204 = arith.constant 0 : i32
        %dma_wait3A_205 = tpu.memref_slice %arg3[%add3A_46, %dma_wait3A_203, %dma_wait3A_204] : memref<32x80x128xi32, #tpu.memory_space<hbm>> -> memref<1x80x128xi32, #tpu.memory_space<hbm>>
        %dma_wait3A_206 = tpu.memref_squeeze %dma_wait3A_205 : memref<1x80x128xi32, #tpu.memory_space<hbm>> -> memref<80x128xi32, #tpu.memory_space<hbm>>
        %dma_wait3A_207 = arith.constant 0 : i32
        %dma_wait3A_208 = tpu.memref_slice %dma_wait3A_206[%dma_wait3A_188, %dma_wait3A_207] : memref<80x128xi32, #tpu.memory_space<hbm>> -> memref<1x128xi32, #tpu.memory_space<hbm>>
        %dma_wait3A_209 = tpu.memref_squeeze %dma_wait3A_208 : memref<1x128xi32, #tpu.memory_space<hbm>> -> memref<128xi32, #tpu.memory_space<hbm>>
        tpu.wait_dma2 semaphore(%arg14 : memref<!tpu.dma_semaphore, #tpu.memory_space<semaphore_mem>>) src(%dma_wait3A_209 : memref<128xi32, #tpu.memory_space<hbm>>) dst(%dma_wait3A_202 : memref<128xi32, #tpu.memory_space<vmem>>)
        %dma_start3A_210 = arith.constant 1 : i32
        %dma_start3A_211 = arith.constant 1 : i32
        %dma_start3A_212 = arith.constant 0 : i32
        %dma_start3A_213 = arith.constant 0 : i32
        %dma_start3A_214 = tpu.memref_slice %arg9[%dma_start3A_211, %dma_start3A_212, %dma_start3A_213] : memref<2x128x128xf32, #tpu.memory_space<vmem>> -> memref<1x128x128xf32, #tpu.memory_space<vmem>>
        %dma_start3A_215 = tpu.memref_squeeze %dma_start3A_214 : memref<1x128x128xf32, #tpu.memory_space<vmem>> -> memref<128x128xf32, #tpu.memory_space<vmem>>
        %dma_start3A_216 = arith.constant 0 : i32
        %dma_start3A_217 = tpu.memref_slice %arg7[%dma_start3A_210, %dma_start3A_216] : memref<2x128xi32, #tpu.memory_space<vmem>> -> memref<1x128xi32, #tpu.memory_space<vmem>>
        %dma_start3A_218 = tpu.memref_squeeze %dma_start3A_217 : memref<1x128xi32, #tpu.memory_space<vmem>> -> memref<128xi32, #tpu.memory_space<vmem>>
        %dma_start3A_219 = arith.constant 0 : i32
        %dma_start3A_220 = arith.constant 0 : i32
        %dma_start3A_221 = tpu.memref_slice %arg2[%dma_start3A_219, %dma_start3A_220] : memref<10240x128xf32, #tpu.memory_space<hbm>> -> memref<10240x128xf32, #tpu.memory_space<hbm>>
        tpu.enqueue_indirect_dma source(%dma_start3A_221 : memref<10240x128xf32, #tpu.memory_space<hbm>>) target(%dma_start3A_215 : memref<128x128xf32, #tpu.memory_space<vmem>>) offsets(%dma_start3A_218 : memref<128xi32, #tpu.memory_space<vmem>>) semaphore(%arg12 : memref<!tpu.dma_semaphore, #tpu.memory_space<semaphore_mem>>)
      } else {
      }
    }
    %scan3A_83 = arith.constant 40 : i32
    %barrier3A_84 = arith.constant 0 : index
    tpu.barrier barrier_id(%barrier3A_84)
    %mul3A_85 = arith.constant 640 : i32
    %mul3A_86 = arith.muli %arg1, %mul3A_85 : i32
    %mul3A_87 = arith.constant 640 : i32
    %mul3A_88 = arith.muli %arg1, %mul3A_87 : i32
    "tpu.region"() ({
      %run_scoped3A_93 = tpu.sem_alloc : memref<!tpu.dma_semaphore, #tpu.memory_space<semaphore_mem>>
      %dma_start3A_94 = arith.constant 0 : i32
      %dma_start3A_95 = arith.constant 0 : i32
      %dma_start3A_96 = tpu.memref_slice %arg5[%arg0, %dma_start3A_94, %dma_start3A_95] : memref<2x10240x128xf32, #tpu.memory_space<hbm>> -> memref<1x10240x128xf32, #tpu.memory_space<hbm>>
      %dma_start3A_97 = tpu.memref_squeeze %dma_start3A_96 : memref<1x10240x128xf32, #tpu.memory_space<hbm>> -> memref<10240x128xf32, #tpu.memory_space<hbm>>
      %dma_start3A_98 = arith.constant 0 : i32
      %dma_start3A_99 = tpu.memref_slice %dma_start3A_97[%mul3A_88, %dma_start3A_98] : memref<10240x128xf32, #tpu.memory_space<hbm>> -> memref<640x128xf32, #tpu.memory_space<hbm>>
      %dma_start3A_100 = arith.constant 0 : i32
      %dma_start3A_101 = tpu.memref_slice %arg10[%mul3A_86, %dma_start3A_100] : memref<10240x128xf32, #tpu.memory_space<vmem_shared>> -> memref<640x128xf32, #tpu.memory_space<vmem_shared>>
      tpu.enqueue_dma source(%dma_start3A_101 : memref<640x128xf32, #tpu.memory_space<vmem_shared>>) target(%dma_start3A_99 : memref<640x128xf32, #tpu.memory_space<hbm>>) target_semaphore(%run_scoped3A_93 : memref<!tpu.dma_semaphore, #tpu.memory_space<semaphore_mem>>)
      %dma_wait3A = arith.constant 0 : i32
      %dma_wait3A_102 = arith.constant 0 : i32
      %dma_wait3A_103 = tpu.memref_slice %arg5[%arg0, %dma_wait3A, %dma_wait3A_102] : memref<2x10240x128xf32, #tpu.memory_space<hbm>> -> memref<1x10240x128xf32, #tpu.memory_space<hbm>>
      %dma_wait3A_104 = tpu.memref_squeeze %dma_wait3A_103 : memref<1x10240x128xf32, #tpu.memory_space<hbm>> -> memref<10240x128xf32, #tpu.memory_space<hbm>>
      %dma_wait3A_105 = arith.constant 0 : i32
      %dma_wait3A_106 = tpu.memref_slice %dma_wait3A_104[%mul3A_88, %dma_wait3A_105] : memref<10240x128xf32, #tpu.memory_space<hbm>> -> memref<640x128xf32, #tpu.memory_space<hbm>>
      %dma_wait3A_107 = arith.constant 0 : i32
      %dma_wait3A_108 = tpu.memref_slice %arg10[%mul3A_86, %dma_wait3A_107] : memref<10240x128xf32, #tpu.memory_space<vmem_shared>> -> memref<640x128xf32, #tpu.memory_space<vmem_shared>>
      tpu.wait_dma2 semaphore(%run_scoped3A_93 : memref<!tpu.dma_semaphore, #tpu.memory_space<semaphore_mem>>) src(%dma_wait3A_108 : memref<640x128xf32, #tpu.memory_space<vmem_shared>>) dst(%dma_wait3A_106 : memref<640x128xf32, #tpu.memory_space<hbm>>)
      tpu.yield
    }) : () -> ()
    %mul3A_89 = arith.constant 640 : i32
    %mul3A_90 = arith.muli %arg1, %mul3A_89 : i32
    %mul3A_91 = arith.constant 640 : i32
    %mul3A_92 = arith.muli %arg1, %mul3A_91 : i32
    "tpu.region"() ({
      %run_scoped3A_93 = tpu.sem_alloc : memref<!tpu.dma_semaphore, #tpu.memory_space<semaphore_mem>>
      %dma_start3A_94 = arith.constant 0 : i32
      %dma_start3A_95 = tpu.memref_slice %arg6[%arg0, %dma_start3A_94] : memref<2x10240xf32, #tpu.memory_space<hbm>> -> memref<1x10240xf32, #tpu.memory_space<hbm>>
      %dma_start3A_96 = tpu.memref_squeeze %dma_start3A_95 : memref<1x10240xf32, #tpu.memory_space<hbm>> -> memref<10240xf32, #tpu.memory_space<hbm>>
      %dma_start3A_97 = tpu.memref_slice %dma_start3A_96[%mul3A_92] : memref<10240xf32, #tpu.memory_space<hbm>> -> memref<640xf32, #tpu.memory_space<hbm>>
      %dma_start3A_98 = tpu.memref_slice %arg19[%mul3A_90] : memref<10240xf32, #tpu.memory_space<vmem_shared>> -> memref<640xf32, #tpu.memory_space<vmem_shared>>
      tpu.enqueue_dma source(%dma_start3A_98 : memref<640xf32, #tpu.memory_space<vmem_shared>>) target(%dma_start3A_97 : memref<640xf32, #tpu.memory_space<hbm>>) target_semaphore(%run_scoped3A_93 : memref<!tpu.dma_semaphore, #tpu.memory_space<semaphore_mem>>)
      %dma_wait3A = arith.constant 0 : i32
      %dma_wait3A_99 = tpu.memref_slice %arg6[%arg0, %dma_wait3A] : memref<2x10240xf32, #tpu.memory_space<hbm>> -> memref<1x10240xf32, #tpu.memory_space<hbm>>
      %dma_wait3A_100 = tpu.memref_squeeze %dma_wait3A_99 : memref<1x10240xf32, #tpu.memory_space<hbm>> -> memref<10240xf32, #tpu.memory_space<hbm>>
      %dma_wait3A_101 = tpu.memref_slice %dma_wait3A_100[%mul3A_92] : memref<10240xf32, #tpu.memory_space<hbm>> -> memref<640xf32, #tpu.memory_space<hbm>>
      %dma_wait3A_102 = tpu.memref_slice %arg19[%mul3A_90] : memref<10240xf32, #tpu.memory_space<vmem_shared>> -> memref<640xf32, #tpu.memory_space<vmem_shared>>
      tpu.wait_dma2 semaphore(%run_scoped3A_93 : memref<!tpu.dma_semaphore, #tpu.memory_space<semaphore_mem>>) src(%dma_wait3A_102 : memref<640xf32, #tpu.memory_space<vmem_shared>>) dst(%dma_wait3A_101 : memref<640xf32, #tpu.memory_space<hbm>>)
      tpu.yield
    }) : () -> ()
    return
  }
}

#map = affine_map<(d0, d1) -> (0, 0)>
#map1 = affine_map<(d0, d1) -> (0, 0, 0)>
module attributes {stable_mosaic.version = 14 : i64} {
  func.func @body(%arg0: i32, %arg1: i32, %arg2: memref<10240x128xf32, #tpu.memory_space<hbm>>, %arg3: memref<32x80x128xi32, #tpu.memory_space<hbm>>, %arg4: memref<32x80x128xi32, #tpu.memory_space<hbm>>, %arg5: memref<2x10240x128xf32, #tpu.memory_space<hbm>>, %arg6: memref<2x128xi32, #tpu.memory_space<vmem>>, %arg7: memref<2x128xi32, #tpu.memory_space<vmem>>, %arg8: memref<2x128x128xf32, #tpu.memory_space<vmem>>, %arg9: memref<10240x128xf32, #tpu.memory_space<vmem_shared>>, %arg10: memref<!tpu.dma_semaphore, #tpu.memory_space<semaphore_mem>>, %arg11: memref<!tpu.dma_semaphore, #tpu.memory_space<semaphore_mem>>, %arg12: memref<!tpu.dma_semaphore, #tpu.memory_space<semaphore_mem>>, %arg13: memref<!tpu.dma_semaphore, #tpu.memory_space<semaphore_mem>>, %arg14: memref<!tpu.dma_semaphore, #tpu.memory_space<semaphore_mem>>, %arg15: memref<!tpu.dma_semaphore, #tpu.memory_space<semaphore_mem>>) attributes {dimension_semantics = [#tpu.dimension_semantics<core_parallel>, #tpu.dimension_semantics<subcore_parallel>], iteration_bounds = array<i64: 2, 16>, scalar_prefetch = 0 : i64, scratch_operands = 10 : i64, tpu.core_type = #tpu.core_type<sc_vector_subcore>, window_params = [{transform_indices = #map}, {transform_indices = #map1}, {transform_indices = #map1}, {transform_indices = #map1}]} {
    %broadcast_in_dim3A = arith.constant 0.000000e+00 : f32
    %broadcast_in_dim3A_0 = vector.broadcast %broadcast_in_dim3A : f32 to vector<16xf32>
    %scan3A = arith.constant 0 : i32
    %scan3A_1 = arith.constant 0 : i32
    %scan3A_2 = arith.constant 128 : i32
    %scan3A_3 = arith.addi %scan3A_1, %scan3A_2 : i32
    %scan3A_4 = arith.constant 1 : i32
    scf.for %scan3A_73 = %scan3A_1 to %scan3A_3 step %scan3A_4  : i32 {
      %swap3A = arith.constant 0 : i32
      %swap3A_74 = arith.index_cast %swap3A : i32 to index
      %swap3A_75 = arith.index_cast %scan3A_73 : i32 to index
      %swap3A_76 = arith.constant 0 : index
      %swap3A_77 = tpu.vector_load %arg8[%swap3A_74, %swap3A_75, %swap3A_76] {strides = array<i32>} : memref<2x128x128xf32, #tpu.memory_space<vmem>>, vector<1x1x16xf32>,
      %swap3A_78 = vector.shape_cast %swap3A_77 : vector<1x1x16xf32> to vector<16xf32>
      %swap3A_79 = vector.shape_cast %broadcast_in_dim3A_0 : vector<16xf32> to vector<1x1x16xf32>
      tpu.vector_store %arg8[%swap3A_74, %swap3A_75, %swap3A_76], %swap3A_79 {strides = array<i32>} : memref<2x128x128xf32, #tpu.memory_space<vmem>>, vector<1x1x16xf32>,
      %swap3A_80 = arith.constant 0 : i32
      %swap3A_81 = arith.index_cast %swap3A_80 : i32 to index
      %swap3A_82 = arith.index_cast %scan3A_73 : i32 to index
      %swap3A_83 = arith.constant 16 : index
      %swap3A_84 = tpu.vector_load %arg8[%swap3A_81, %swap3A_82, %swap3A_83] {strides = array<i32>} : memref<2x128x128xf32, #tpu.memory_space<vmem>>, vector<1x1x16xf32>,
      %swap3A_85 = vector.shape_cast %swap3A_84 : vector<1x1x16xf32> to vector<16xf32>
      %swap3A_86 = vector.shape_cast %broadcast_in_dim3A_0 : vector<16xf32> to vector<1x1x16xf32>
      tpu.vector_store %arg8[%swap3A_81, %swap3A_82, %swap3A_83], %swap3A_86 {strides = array<i32>} : memref<2x128x128xf32, #tpu.memory_space<vmem>>, vector<1x1x16xf32>,
      %swap3A_87 = arith.constant 0 : i32
      %swap3A_88 = arith.index_cast %swap3A_87 : i32 to index
      %swap3A_89 = arith.index_cast %scan3A_73 : i32 to index
      %swap3A_90 = arith.constant 32 : index
      %swap3A_91 = tpu.vector_load %arg8[%swap3A_88, %swap3A_89, %swap3A_90] {strides = array<i32>} : memref<2x128x128xf32, #tpu.memory_space<vmem>>, vector<1x1x16xf32>,
      %swap3A_92 = vector.shape_cast %swap3A_91 : vector<1x1x16xf32> to vector<16xf32>
      %swap3A_93 = vector.shape_cast %broadcast_in_dim3A_0 : vector<16xf32> to vector<1x1x16xf32>
      tpu.vector_store %arg8[%swap3A_88, %swap3A_89, %swap3A_90], %swap3A_93 {strides = array<i32>} : memref<2x128x128xf32, #tpu.memory_space<vmem>>, vector<1x1x16xf32>,
      %swap3A_94 = arith.constant 0 : i32
      %swap3A_95 = arith.index_cast %swap3A_94 : i32 to index
      %swap3A_96 = arith.index_cast %scan3A_73 : i32 to index
      %swap3A_97 = arith.constant 48 : index
      %swap3A_98 = tpu.vector_load %arg8[%swap3A_95, %swap3A_96, %swap3A_97] {strides = array<i32>} : memref<2x128x128xf32, #tpu.memory_space<vmem>>, vector<1x1x16xf32>,
      %swap3A_99 = vector.shape_cast %swap3A_98 : vector<1x1x16xf32> to vector<16xf32>
      %swap3A_100 = vector.shape_cast %broadcast_in_dim3A_0 : vector<16xf32> to vector<1x1x16xf32>
      tpu.vector_store %arg8[%swap3A_95, %swap3A_96, %swap3A_97], %swap3A_100 {strides = array<i32>} : memref<2x128x128xf32, #tpu.memory_space<vmem>>, vector<1x1x16xf32>,
      %swap3A_101 = arith.constant 0 : i32
      %swap3A_102 = arith.index_cast %swap3A_101 : i32 to index
      %swap3A_103 = arith.index_cast %scan3A_73 : i32 to index
      %swap3A_104 = arith.constant 64 : index
      %swap3A_105 = tpu.vector_load %arg8[%swap3A_102, %swap3A_103, %swap3A_104] {strides = array<i32>} : memref<2x128x128xf32, #tpu.memory_space<vmem>>, vector<1x1x16xf32>,
      %swap3A_106 = vector.shape_cast %swap3A_105 : vector<1x1x16xf32> to vector<16xf32>
      %swap3A_107 = vector.shape_cast %broadcast_in_dim3A_0 : vector<16xf32> to vector<1x1x16xf32>
      tpu.vector_store %arg8[%swap3A_102, %swap3A_103, %swap3A_104], %swap3A_107 {strides = array<i32>} : memref<2x128x128xf32, #tpu.memory_space<vmem>>, vector<1x1x16xf32>,
      %swap3A_108 = arith.constant 0 : i32
      %swap3A_109 = arith.index_cast %swap3A_108 : i32 to index
      %swap3A_110 = arith.index_cast %scan3A_73 : i32 to index
      %swap3A_111 = arith.constant 80 : index
      %swap3A_112 = tpu.vector_load %arg8[%swap3A_109, %swap3A_110, %swap3A_111] {strides = array<i32>} : memref<2x128x128xf32, #tpu.memory_space<vmem>>, vector<1x1x16xf32>,
      %swap3A_113 = vector.shape_cast %swap3A_112 : vector<1x1x16xf32> to vector<16xf32>
      %swap3A_114 = vector.shape_cast %broadcast_in_dim3A_0 : vector<16xf32> to vector<1x1x16xf32>
      tpu.vector_store %arg8[%swap3A_109, %swap3A_110, %swap3A_111], %swap3A_114 {strides = array<i32>} : memref<2x128x128xf32, #tpu.memory_space<vmem>>, vector<1x1x16xf32>,
      %swap3A_115 = arith.constant 0 : i32
      %swap3A_116 = arith.index_cast %swap3A_115 : i32 to index
      %swap3A_117 = arith.index_cast %scan3A_73 : i32 to index
      %swap3A_118 = arith.constant 96 : index
      %swap3A_119 = tpu.vector_load %arg8[%swap3A_116, %swap3A_117, %swap3A_118] {strides = array<i32>} : memref<2x128x128xf32, #tpu.memory_space<vmem>>, vector<1x1x16xf32>,
      %swap3A_120 = vector.shape_cast %swap3A_119 : vector<1x1x16xf32> to vector<16xf32>
      %swap3A_121 = vector.shape_cast %broadcast_in_dim3A_0 : vector<16xf32> to vector<1x1x16xf32>
      tpu.vector_store %arg8[%swap3A_116, %swap3A_117, %swap3A_118], %swap3A_121 {strides = array<i32>} : memref<2x128x128xf32, #tpu.memory_space<vmem>>, vector<1x1x16xf32>,
      %swap3A_122 = arith.constant 0 : i32
      %swap3A_123 = arith.index_cast %swap3A_122 : i32 to index
      %swap3A_124 = arith.index_cast %scan3A_73 : i32 to index
      %swap3A_125 = arith.constant 112 : index
      %swap3A_126 = tpu.vector_load %arg8[%swap3A_123, %swap3A_124, %swap3A_125] {strides = array<i32>} : memref<2x128x128xf32, #tpu.memory_space<vmem>>, vector<1x1x16xf32>,
      %swap3A_127 = vector.shape_cast %swap3A_126 : vector<1x1x16xf32> to vector<16xf32>
      %swap3A_128 = vector.shape_cast %broadcast_in_dim3A_0 : vector<16xf32> to vector<1x1x16xf32>
      tpu.vector_store %arg8[%swap3A_123, %swap3A_124, %swap3A_125], %swap3A_128 {strides = array<i32>} : memref<2x128x128xf32, #tpu.memory_space<vmem>>, vector<1x1x16xf32>,
    }
    %scan3A_5 = arith.constant 128 : i32
    %mul3A = arith.constant 640 : i32
    %mul3A_6 = arith.muli %arg1, %mul3A : i32
    %add3A = arith.constant 0 : i32
    %add3A_7 = arith.addi %mul3A_6, %add3A : i32
    %run_scoped3A = arith.constant 0 : i32
    "tpu.region"() ({
      %run_scoped3A_73 = tpu.sem_alloc : memref<!tpu.dma_semaphore, #tpu.memory_space<semaphore_mem>>
      %dma_start3A_74 = arith.constant 0 : i32
      %dma_start3A_75 = arith.constant 0 : i32
      %dma_start3A_76 = tpu.memref_slice %arg8[%run_scoped3A, %dma_start3A_74, %dma_start3A_75] : memref<2x128x128xf32, #tpu.memory_space<vmem>> -> memref<1x128x128xf32, #tpu.memory_space<vmem>>
      %dma_start3A_77 = tpu.memref_squeeze %dma_start3A_76 : memref<1x128x128xf32, #tpu.memory_space<vmem>> -> memref<128x128xf32, #tpu.memory_space<vmem>>
      %dma_start3A_78 = arith.constant 0 : i32
      %dma_start3A_79 = tpu.memref_slice %arg9[%add3A_7, %dma_start3A_78] : memref<10240x128xf32, #tpu.memory_space<vmem_shared>> -> memref<128x128xf32, #tpu.memory_space<vmem_shared>>
      %dma_start3A_80 = arith.constant 0 : i32
      %dma_start3A_81 = tpu.memref_slice %arg9[%add3A_7, %dma_start3A_80] : memref<10240x128xf32, #tpu.memory_space<vmem_shared>> -> memref<128x128xf32, #tpu.memory_space<vmem_shared>>
      %dma_start3A_82 = arith.constant 0 : i32
      %dma_start3A_83 = arith.constant 0 : i32
      %dma_start3A_84 = tpu.memref_slice %arg8[%run_scoped3A, %dma_start3A_82, %dma_start3A_83] : memref<2x128x128xf32, #tpu.memory_space<vmem>> -> memref<1x128x128xf32, #tpu.memory_space<vmem>>
      %dma_start3A_85 = tpu.memref_squeeze %dma_start3A_84 : memref<1x128x128xf32, #tpu.memory_space<vmem>> -> memref<128x128xf32, #tpu.memory_space<vmem>>
      tpu.enqueue_dma source(%dma_start3A_85 : memref<128x128xf32, #tpu.memory_space<vmem>>) target(%dma_start3A_81 : memref<128x128xf32, #tpu.memory_space<vmem_shared>>) target_semaphore(%run_scoped3A_73 : memref<!tpu.dma_semaphore, #tpu.memory_space<semaphore_mem>>)
      %dma_wait3A = arith.constant 0 : i32
      %dma_wait3A_86 = arith.constant 0 : i32
      %dma_wait3A_87 = tpu.memref_slice %arg8[%run_scoped3A, %dma_wait3A, %dma_wait3A_86] : memref<2x128x128xf32, #tpu.memory_space<vmem>> -> memref<1x128x128xf32, #tpu.memory_space<vmem>>
      %dma_wait3A_88 = tpu.memref_squeeze %dma_wait3A_87 : memref<1x128x128xf32, #tpu.memory_space<vmem>> -> memref<128x128xf32, #tpu.memory_space<vmem>>
      %dma_wait3A_89 = arith.constant 0 : i32
      %dma_wait3A_90 = tpu.memref_slice %arg9[%add3A_7, %dma_wait3A_89] : memref<10240x128xf32, #tpu.memory_space<vmem_shared>> -> memref<128x128xf32, #tpu.memory_space<vmem_shared>>
      %dma_wait3A_91 = arith.constant 0 : i32
      %dma_wait3A_92 = tpu.memref_slice %arg9[%add3A_7, %dma_wait3A_91] : memref<10240x128xf32, #tpu.memory_space<vmem_shared>> -> memref<128x128xf32, #tpu.memory_space<vmem_shared>>
      %dma_wait3A_93 = arith.constant 0 : i32
      %dma_wait3A_94 = arith.constant 0 : i32
      %dma_wait3A_95 = tpu.memref_slice %arg8[%run_scoped3A, %dma_wait3A_93, %dma_wait3A_94] : memref<2x128x128xf32, #tpu.memory_space<vmem>> -> memref<1x128x128xf32, #tpu.memory_space<vmem>>
      %dma_wait3A_96 = tpu.memref_squeeze %dma_wait3A_95 : memref<1x128x128xf32, #tpu.memory_space<vmem>> -> memref<128x128xf32, #tpu.memory_space<vmem>>
      tpu.wait_dma2 semaphore(%run_scoped3A_73 : memref<!tpu.dma_semaphore, #tpu.memory_space<semaphore_mem>>) src(%dma_wait3A_96 : memref<128x128xf32, #tpu.memory_space<vmem>>) dst(%dma_wait3A_92 : memref<128x128xf32, #tpu.memory_space<vmem_shared>>)
      tpu.yield
    }) : () -> ()
    %mul3A_8 = arith.constant 640 : i32
    %mul3A_9 = arith.muli %arg1, %mul3A_8 : i32
    %add3A_10 = arith.constant 128 : i32
    %add3A_11 = arith.addi %mul3A_9, %add3A_10 : i32
    %run_scoped3A_12 = arith.constant 0 : i32
    "tpu.region"() ({
      %run_scoped3A_73 = tpu.sem_alloc : memref<!tpu.dma_semaphore, #tpu.memory_space<semaphore_mem>>
      %dma_start3A_74 = arith.constant 0 : i32
      %dma_start3A_75 = arith.constant 0 : i32
      %dma_start3A_76 = tpu.memref_slice %arg8[%run_scoped3A_12, %dma_start3A_74, %dma_start3A_75] : memref<2x128x128xf32, #tpu.memory_space<vmem>> -> memref<1x128x128xf32, #tpu.memory_space<vmem>>
      %dma_start3A_77 = tpu.memref_squeeze %dma_start3A_76 : memref<1x128x128xf32, #tpu.memory_space<vmem>> -> memref<128x128xf32, #tpu.memory_space<vmem>>
      %dma_start3A_78 = arith.constant 0 : i32
      %dma_start3A_79 = tpu.memref_slice %arg9[%add3A_11, %dma_start3A_78] : memref<10240x128xf32, #tpu.memory_space<vmem_shared>> -> memref<128x128xf32, #tpu.memory_space<vmem_shared>>
      %dma_start3A_80 = arith.constant 0 : i32
      %dma_start3A_81 = tpu.memref_slice %arg9[%add3A_11, %dma_start3A_80] : memref<10240x128xf32, #tpu.memory_space<vmem_shared>> -> memref<128x128xf32, #tpu.memory_space<vmem_shared>>
      %dma_start3A_82 = arith.constant 0 : i32
      %dma_start3A_83 = arith.constant 0 : i32
      %dma_start3A_84 = tpu.memref_slice %arg8[%run_scoped3A_12, %dma_start3A_82, %dma_start3A_83] : memref<2x128x128xf32, #tpu.memory_space<vmem>> -> memref<1x128x128xf32, #tpu.memory_space<vmem>>
      %dma_start3A_85 = tpu.memref_squeeze %dma_start3A_84 : memref<1x128x128xf32, #tpu.memory_space<vmem>> -> memref<128x128xf32, #tpu.memory_space<vmem>>
      tpu.enqueue_dma source(%dma_start3A_85 : memref<128x128xf32, #tpu.memory_space<vmem>>) target(%dma_start3A_81 : memref<128x128xf32, #tpu.memory_space<vmem_shared>>) target_semaphore(%run_scoped3A_73 : memref<!tpu.dma_semaphore, #tpu.memory_space<semaphore_mem>>)
      %dma_wait3A = arith.constant 0 : i32
      %dma_wait3A_86 = arith.constant 0 : i32
      %dma_wait3A_87 = tpu.memref_slice %arg8[%run_scoped3A_12, %dma_wait3A, %dma_wait3A_86] : memref<2x128x128xf32, #tpu.memory_space<vmem>> -> memref<1x128x128xf32, #tpu.memory_space<vmem>>
      %dma_wait3A_88 = tpu.memref_squeeze %dma_wait3A_87 : memref<1x128x128xf32, #tpu.memory_space<vmem>> -> memref<128x128xf32, #tpu.memory_space<vmem>>
      %dma_wait3A_89 = arith.constant 0 : i32
      %dma_wait3A_90 = tpu.memref_slice %arg9[%add3A_11, %dma_wait3A_89] : memref<10240x128xf32, #tpu.memory_space<vmem_shared>> -> memref<128x128xf32, #tpu.memory_space<vmem_shared>>
      %dma_wait3A_91 = arith.constant 0 : i32
      %dma_wait3A_92 = tpu.memref_slice %arg9[%add3A_11, %dma_wait3A_91] : memref<10240x128xf32, #tpu.memory_space<vmem_shared>> -> memref<128x128xf32, #tpu.memory_space<vmem_shared>>
      %dma_wait3A_93 = arith.constant 0 : i32
      %dma_wait3A_94 = arith.constant 0 : i32
      %dma_wait3A_95 = tpu.memref_slice %arg8[%run_scoped3A_12, %dma_wait3A_93, %dma_wait3A_94] : memref<2x128x128xf32, #tpu.memory_space<vmem>> -> memref<1x128x128xf32, #tpu.memory_space<vmem>>
      %dma_wait3A_96 = tpu.memref_squeeze %dma_wait3A_95 : memref<1x128x128xf32, #tpu.memory_space<vmem>> -> memref<128x128xf32, #tpu.memory_space<vmem>>
      tpu.wait_dma2 semaphore(%run_scoped3A_73 : memref<!tpu.dma_semaphore, #tpu.memory_space<semaphore_mem>>) src(%dma_wait3A_96 : memref<128x128xf32, #tpu.memory_space<vmem>>) dst(%dma_wait3A_92 : memref<128x128xf32, #tpu.memory_space<vmem_shared>>)
      tpu.yield
    }) : () -> ()
    %mul3A_13 = arith.constant 640 : i32
    %mul3A_14 = arith.muli %arg1, %mul3A_13 : i32
    %add3A_15 = arith.constant 256 : i32
    %add3A_16 = arith.addi %mul3A_14, %add3A_15 : i32
    %run_scoped3A_17 = arith.constant 0 : i32
    "tpu.region"() ({
      %run_scoped3A_73 = tpu.sem_alloc : memref<!tpu.dma_semaphore, #tpu.memory_space<semaphore_mem>>
      %dma_start3A_74 = arith.constant 0 : i32
      %dma_start3A_75 = arith.constant 0 : i32
      %dma_start3A_76 = tpu.memref_slice %arg8[%run_scoped3A_17, %dma_start3A_74, %dma_start3A_75] : memref<2x128x128xf32, #tpu.memory_space<vmem>> -> memref<1x128x128xf32, #tpu.memory_space<vmem>>
      %dma_start3A_77 = tpu.memref_squeeze %dma_start3A_76 : memref<1x128x128xf32, #tpu.memory_space<vmem>> -> memref<128x128xf32, #tpu.memory_space<vmem>>
      %dma_start3A_78 = arith.constant 0 : i32
      %dma_start3A_79 = tpu.memref_slice %arg9[%add3A_16, %dma_start3A_78] : memref<10240x128xf32, #tpu.memory_space<vmem_shared>> -> memref<128x128xf32, #tpu.memory_space<vmem_shared>>
      %dma_start3A_80 = arith.constant 0 : i32
      %dma_start3A_81 = tpu.memref_slice %arg9[%add3A_16, %dma_start3A_80] : memref<10240x128xf32, #tpu.memory_space<vmem_shared>> -> memref<128x128xf32, #tpu.memory_space<vmem_shared>>
      %dma_start3A_82 = arith.constant 0 : i32
      %dma_start3A_83 = arith.constant 0 : i32
      %dma_start3A_84 = tpu.memref_slice %arg8[%run_scoped3A_17, %dma_start3A_82, %dma_start3A_83] : memref<2x128x128xf32, #tpu.memory_space<vmem>> -> memref<1x128x128xf32, #tpu.memory_space<vmem>>
      %dma_start3A_85 = tpu.memref_squeeze %dma_start3A_84 : memref<1x128x128xf32, #tpu.memory_space<vmem>> -> memref<128x128xf32, #tpu.memory_space<vmem>>
      tpu.enqueue_dma source(%dma_start3A_85 : memref<128x128xf32, #tpu.memory_space<vmem>>) target(%dma_start3A_81 : memref<128x128xf32, #tpu.memory_space<vmem_shared>>) target_semaphore(%run_scoped3A_73 : memref<!tpu.dma_semaphore, #tpu.memory_space<semaphore_mem>>)
      %dma_wait3A = arith.constant 0 : i32
      %dma_wait3A_86 = arith.constant 0 : i32
      %dma_wait3A_87 = tpu.memref_slice %arg8[%run_scoped3A_17, %dma_wait3A, %dma_wait3A_86] : memref<2x128x128xf32, #tpu.memory_space<vmem>> -> memref<1x128x128xf32, #tpu.memory_space<vmem>>
      %dma_wait3A_88 = tpu.memref_squeeze %dma_wait3A_87 : memref<1x128x128xf32, #tpu.memory_space<vmem>> -> memref<128x128xf32, #tpu.memory_space<vmem>>
      %dma_wait3A_89 = arith.constant 0 : i32
      %dma_wait3A_90 = tpu.memref_slice %arg9[%add3A_16, %dma_wait3A_89] : memref<10240x128xf32, #tpu.memory_space<vmem_shared>> -> memref<128x128xf32, #tpu.memory_space<vmem_shared>>
      %dma_wait3A_91 = arith.constant 0 : i32
      %dma_wait3A_92 = tpu.memref_slice %arg9[%add3A_16, %dma_wait3A_91] : memref<10240x128xf32, #tpu.memory_space<vmem_shared>> -> memref<128x128xf32, #tpu.memory_space<vmem_shared>>
      %dma_wait3A_93 = arith.constant 0 : i32
      %dma_wait3A_94 = arith.constant 0 : i32
      %dma_wait3A_95 = tpu.memref_slice %arg8[%run_scoped3A_17, %dma_wait3A_93, %dma_wait3A_94] : memref<2x128x128xf32, #tpu.memory_space<vmem>> -> memref<1x128x128xf32, #tpu.memory_space<vmem>>
      %dma_wait3A_96 = tpu.memref_squeeze %dma_wait3A_95 : memref<1x128x128xf32, #tpu.memory_space<vmem>> -> memref<128x128xf32, #tpu.memory_space<vmem>>
      tpu.wait_dma2 semaphore(%run_scoped3A_73 : memref<!tpu.dma_semaphore, #tpu.memory_space<semaphore_mem>>) src(%dma_wait3A_96 : memref<128x128xf32, #tpu.memory_space<vmem>>) dst(%dma_wait3A_92 : memref<128x128xf32, #tpu.memory_space<vmem_shared>>)
      tpu.yield
    }) : () -> ()
    %mul3A_18 = arith.constant 640 : i32
    %mul3A_19 = arith.muli %arg1, %mul3A_18 : i32
    %add3A_20 = arith.constant 384 : i32
    %add3A_21 = arith.addi %mul3A_19, %add3A_20 : i32
    %run_scoped3A_22 = arith.constant 0 : i32
    "tpu.region"() ({
      %run_scoped3A_73 = tpu.sem_alloc : memref<!tpu.dma_semaphore, #tpu.memory_space<semaphore_mem>>
      %dma_start3A_74 = arith.constant 0 : i32
      %dma_start3A_75 = arith.constant 0 : i32
      %dma_start3A_76 = tpu.memref_slice %arg8[%run_scoped3A_22, %dma_start3A_74, %dma_start3A_75] : memref<2x128x128xf32, #tpu.memory_space<vmem>> -> memref<1x128x128xf32, #tpu.memory_space<vmem>>
      %dma_start3A_77 = tpu.memref_squeeze %dma_start3A_76 : memref<1x128x128xf32, #tpu.memory_space<vmem>> -> memref<128x128xf32, #tpu.memory_space<vmem>>
      %dma_start3A_78 = arith.constant 0 : i32
      %dma_start3A_79 = tpu.memref_slice %arg9[%add3A_21, %dma_start3A_78] : memref<10240x128xf32, #tpu.memory_space<vmem_shared>> -> memref<128x128xf32, #tpu.memory_space<vmem_shared>>
      %dma_start3A_80 = arith.constant 0 : i32
      %dma_start3A_81 = tpu.memref_slice %arg9[%add3A_21, %dma_start3A_80] : memref<10240x128xf32, #tpu.memory_space<vmem_shared>> -> memref<128x128xf32, #tpu.memory_space<vmem_shared>>
      %dma_start3A_82 = arith.constant 0 : i32
      %dma_start3A_83 = arith.constant 0 : i32
      %dma_start3A_84 = tpu.memref_slice %arg8[%run_scoped3A_22, %dma_start3A_82, %dma_start3A_83] : memref<2x128x128xf32, #tpu.memory_space<vmem>> -> memref<1x128x128xf32, #tpu.memory_space<vmem>>
      %dma_start3A_85 = tpu.memref_squeeze %dma_start3A_84 : memref<1x128x128xf32, #tpu.memory_space<vmem>> -> memref<128x128xf32, #tpu.memory_space<vmem>>
      tpu.enqueue_dma source(%dma_start3A_85 : memref<128x128xf32, #tpu.memory_space<vmem>>) target(%dma_start3A_81 : memref<128x128xf32, #tpu.memory_space<vmem_shared>>) target_semaphore(%run_scoped3A_73 : memref<!tpu.dma_semaphore, #tpu.memory_space<semaphore_mem>>)
      %dma_wait3A = arith.constant 0 : i32
      %dma_wait3A_86 = arith.constant 0 : i32
      %dma_wait3A_87 = tpu.memref_slice %arg8[%run_scoped3A_22, %dma_wait3A, %dma_wait3A_86] : memref<2x128x128xf32, #tpu.memory_space<vmem>> -> memref<1x128x128xf32, #tpu.memory_space<vmem>>
      %dma_wait3A_88 = tpu.memref_squeeze %dma_wait3A_87 : memref<1x128x128xf32, #tpu.memory_space<vmem>> -> memref<128x128xf32, #tpu.memory_space<vmem>>
      %dma_wait3A_89 = arith.constant 0 : i32
      %dma_wait3A_90 = tpu.memref_slice %arg9[%add3A_21, %dma_wait3A_89] : memref<10240x128xf32, #tpu.memory_space<vmem_shared>> -> memref<128x128xf32, #tpu.memory_space<vmem_shared>>
      %dma_wait3A_91 = arith.constant 0 : i32
      %dma_wait3A_92 = tpu.memref_slice %arg9[%add3A_21, %dma_wait3A_91] : memref<10240x128xf32, #tpu.memory_space<vmem_shared>> -> memref<128x128xf32, #tpu.memory_space<vmem_shared>>
      %dma_wait3A_93 = arith.constant 0 : i32
      %dma_wait3A_94 = arith.constant 0 : i32
      %dma_wait3A_95 = tpu.memref_slice %arg8[%run_scoped3A_22, %dma_wait3A_93, %dma_wait3A_94] : memref<2x128x128xf32, #tpu.memory_space<vmem>> -> memref<1x128x128xf32, #tpu.memory_space<vmem>>
      %dma_wait3A_96 = tpu.memref_squeeze %dma_wait3A_95 : memref<1x128x128xf32, #tpu.memory_space<vmem>> -> memref<128x128xf32, #tpu.memory_space<vmem>>
      tpu.wait_dma2 semaphore(%run_scoped3A_73 : memref<!tpu.dma_semaphore, #tpu.memory_space<semaphore_mem>>) src(%dma_wait3A_96 : memref<128x128xf32, #tpu.memory_space<vmem>>) dst(%dma_wait3A_92 : memref<128x128xf32, #tpu.memory_space<vmem_shared>>)
      tpu.yield
    }) : () -> ()
    %mul3A_23 = arith.constant 640 : i32
    %mul3A_24 = arith.muli %arg1, %mul3A_23 : i32
    %add3A_25 = arith.constant 512 : i32
    %add3A_26 = arith.addi %mul3A_24, %add3A_25 : i32
    %run_scoped3A_27 = arith.constant 0 : i32
    "tpu.region"() ({
      %run_scoped3A_73 = tpu.sem_alloc : memref<!tpu.dma_semaphore, #tpu.memory_space<semaphore_mem>>
      %dma_start3A_74 = arith.constant 0 : i32
      %dma_start3A_75 = arith.constant 0 : i32
      %dma_start3A_76 = tpu.memref_slice %arg8[%run_scoped3A_27, %dma_start3A_74, %dma_start3A_75] : memref<2x128x128xf32, #tpu.memory_space<vmem>> -> memref<1x128x128xf32, #tpu.memory_space<vmem>>
      %dma_start3A_77 = tpu.memref_squeeze %dma_start3A_76 : memref<1x128x128xf32, #tpu.memory_space<vmem>> -> memref<128x128xf32, #tpu.memory_space<vmem>>
      %dma_start3A_78 = arith.constant 0 : i32
      %dma_start3A_79 = tpu.memref_slice %arg9[%add3A_26, %dma_start3A_78] : memref<10240x128xf32, #tpu.memory_space<vmem_shared>> -> memref<128x128xf32, #tpu.memory_space<vmem_shared>>
      %dma_start3A_80 = arith.constant 0 : i32
      %dma_start3A_81 = tpu.memref_slice %arg9[%add3A_26, %dma_start3A_80] : memref<10240x128xf32, #tpu.memory_space<vmem_shared>> -> memref<128x128xf32, #tpu.memory_space<vmem_shared>>
      %dma_start3A_82 = arith.constant 0 : i32
      %dma_start3A_83 = arith.constant 0 : i32
      %dma_start3A_84 = tpu.memref_slice %arg8[%run_scoped3A_27, %dma_start3A_82, %dma_start3A_83] : memref<2x128x128xf32, #tpu.memory_space<vmem>> -> memref<1x128x128xf32, #tpu.memory_space<vmem>>
      %dma_start3A_85 = tpu.memref_squeeze %dma_start3A_84 : memref<1x128x128xf32, #tpu.memory_space<vmem>> -> memref<128x128xf32, #tpu.memory_space<vmem>>
      tpu.enqueue_dma source(%dma_start3A_85 : memref<128x128xf32, #tpu.memory_space<vmem>>) target(%dma_start3A_81 : memref<128x128xf32, #tpu.memory_space<vmem_shared>>) target_semaphore(%run_scoped3A_73 : memref<!tpu.dma_semaphore, #tpu.memory_space<semaphore_mem>>)
      %dma_wait3A = arith.constant 0 : i32
      %dma_wait3A_86 = arith.constant 0 : i32
      %dma_wait3A_87 = tpu.memref_slice %arg8[%run_scoped3A_27, %dma_wait3A, %dma_wait3A_86] : memref<2x128x128xf32, #tpu.memory_space<vmem>> -> memref<1x128x128xf32, #tpu.memory_space<vmem>>
      %dma_wait3A_88 = tpu.memref_squeeze %dma_wait3A_87 : memref<1x128x128xf32, #tpu.memory_space<vmem>> -> memref<128x128xf32, #tpu.memory_space<vmem>>
      %dma_wait3A_89 = arith.constant 0 : i32
      %dma_wait3A_90 = tpu.memref_slice %arg9[%add3A_26, %dma_wait3A_89] : memref<10240x128xf32, #tpu.memory_space<vmem_shared>> -> memref<128x128xf32, #tpu.memory_space<vmem_shared>>
      %dma_wait3A_91 = arith.constant 0 : i32
      %dma_wait3A_92 = tpu.memref_slice %arg9[%add3A_26, %dma_wait3A_91] : memref<10240x128xf32, #tpu.memory_space<vmem_shared>> -> memref<128x128xf32, #tpu.memory_space<vmem_shared>>
      %dma_wait3A_93 = arith.constant 0 : i32
      %dma_wait3A_94 = arith.constant 0 : i32
      %dma_wait3A_95 = tpu.memref_slice %arg8[%run_scoped3A_27, %dma_wait3A_93, %dma_wait3A_94] : memref<2x128x128xf32, #tpu.memory_space<vmem>> -> memref<1x128x128xf32, #tpu.memory_space<vmem>>
      %dma_wait3A_96 = tpu.memref_squeeze %dma_wait3A_95 : memref<1x128x128xf32, #tpu.memory_space<vmem>> -> memref<128x128xf32, #tpu.memory_space<vmem>>
      tpu.wait_dma2 semaphore(%run_scoped3A_73 : memref<!tpu.dma_semaphore, #tpu.memory_space<semaphore_mem>>) src(%dma_wait3A_96 : memref<128x128xf32, #tpu.memory_space<vmem>>) dst(%dma_wait3A_92 : memref<128x128xf32, #tpu.memory_space<vmem_shared>>)
      tpu.yield
    }) : () -> ()
    %barrier3A = arith.constant 0 : index
    tpu.barrier barrier_id(%barrier3A)
    %mul3A_28 = arith.constant 2 : i32
    %mul3A_29 = arith.muli %arg1, %mul3A_28 : i32
    %add3A_30 = arith.addi %mul3A_29, %arg0 : i32
    %run_scoped3A_31 = arith.constant 0 : i32
    %run_scoped3A_32 = arith.constant 0 : i32
    "tpu.region"() ({
      %run_scoped3A_73 = tpu.sem_alloc : memref<!tpu.dma_semaphore, #tpu.memory_space<semaphore_mem>>
      %dma_start3A_74 = arith.constant 0 : i32
      %dma_start3A_75 = tpu.memref_slice %arg6[%run_scoped3A_32, %dma_start3A_74] : memref<2x128xi32, #tpu.memory_space<vmem>> -> memref<1x128xi32, #tpu.memory_space<vmem>>
      %dma_start3A_76 = tpu.memref_squeeze %dma_start3A_75 : memref<1x128xi32, #tpu.memory_space<vmem>> -> memref<128xi32, #tpu.memory_space<vmem>>
      %dma_start3A_77 = arith.constant 0 : i32
      %dma_start3A_78 = arith.constant 0 : i32
      %dma_start3A_79 = tpu.memref_slice %arg3[%add3A_30, %dma_start3A_77, %dma_start3A_78] : memref<32x80x128xi32, #tpu.memory_space<hbm>> -> memref<1x80x128xi32, #tpu.memory_space<hbm>>
      %dma_start3A_80 = tpu.memref_squeeze %dma_start3A_79 : memref<1x80x128xi32, #tpu.memory_space<hbm>> -> memref<80x128xi32, #tpu.memory_space<hbm>>
      %dma_start3A_81 = arith.constant 0 : i32
      %dma_start3A_82 = tpu.memref_slice %dma_start3A_80[%run_scoped3A_31, %dma_start3A_81] : memref<80x128xi32, #tpu.memory_space<hbm>> -> memref<1x128xi32, #tpu.memory_space<hbm>>
      %dma_start3A_83 = tpu.memref_squeeze %dma_start3A_82 : memref<1x128xi32, #tpu.memory_space<hbm>> -> memref<128xi32, #tpu.memory_space<hbm>>
      %dma_start3A_84 = arith.constant 0 : i32
      %dma_start3A_85 = tpu.memref_slice %arg6[%run_scoped3A_32, %dma_start3A_84] : memref<2x128xi32, #tpu.memory_space<vmem>> -> memref<1x128xi32, #tpu.memory_space<vmem>>
      %dma_start3A_86 = tpu.memref_squeeze %dma_start3A_85 : memref<1x128xi32, #tpu.memory_space<vmem>> -> memref<128xi32, #tpu.memory_space<vmem>>
      %dma_start3A_87 = arith.constant 0 : i32
      %dma_start3A_88 = arith.constant 0 : i32
      %dma_start3A_89 = tpu.memref_slice %arg3[%add3A_30, %dma_start3A_87, %dma_start3A_88] : memref<32x80x128xi32, #tpu.memory_space<hbm>> -> memref<1x80x128xi32, #tpu.memory_space<hbm>>
      %dma_start3A_90 = tpu.memref_squeeze %dma_start3A_89 : memref<1x80x128xi32, #tpu.memory_space<hbm>> -> memref<80x128xi32, #tpu.memory_space<hbm>>
      %dma_start3A_91 = arith.constant 0 : i32
      %dma_start3A_92 = tpu.memref_slice %dma_start3A_90[%run_scoped3A_31, %dma_start3A_91] : memref<80x128xi32, #tpu.memory_space<hbm>> -> memref<1x128xi32, #tpu.memory_space<hbm>>
      %dma_start3A_93 = tpu.memref_squeeze %dma_start3A_92 : memref<1x128xi32, #tpu.memory_space<hbm>> -> memref<128xi32, #tpu.memory_space<hbm>>
      tpu.enqueue_dma source(%dma_start3A_93 : memref<128xi32, #tpu.memory_space<hbm>>) target(%dma_start3A_86 : memref<128xi32, #tpu.memory_space<vmem>>) target_semaphore(%run_scoped3A_73 : memref<!tpu.dma_semaphore, #tpu.memory_space<semaphore_mem>>)
      %dma_wait3A = arith.constant 0 : i32
      %dma_wait3A_94 = tpu.memref_slice %arg6[%run_scoped3A_32, %dma_wait3A] : memref<2x128xi32, #tpu.memory_space<vmem>> -> memref<1x128xi32, #tpu.memory_space<vmem>>
      %dma_wait3A_95 = tpu.memref_squeeze %dma_wait3A_94 : memref<1x128xi32, #tpu.memory_space<vmem>> -> memref<128xi32, #tpu.memory_space<vmem>>
      %dma_wait3A_96 = arith.constant 0 : i32
      %dma_wait3A_97 = arith.constant 0 : i32
      %dma_wait3A_98 = tpu.memref_slice %arg3[%add3A_30, %dma_wait3A_96, %dma_wait3A_97] : memref<32x80x128xi32, #tpu.memory_space<hbm>> -> memref<1x80x128xi32, #tpu.memory_space<hbm>>
      %dma_wait3A_99 = tpu.memref_squeeze %dma_wait3A_98 : memref<1x80x128xi32, #tpu.memory_space<hbm>> -> memref<80x128xi32, #tpu.memory_space<hbm>>
      %dma_wait3A_100 = arith.constant 0 : i32
      %dma_wait3A_101 = tpu.memref_slice %dma_wait3A_99[%run_scoped3A_31, %dma_wait3A_100] : memref<80x128xi32, #tpu.memory_space<hbm>> -> memref<1x128xi32, #tpu.memory_space<hbm>>
      %dma_wait3A_102 = tpu.memref_squeeze %dma_wait3A_101 : memref<1x128xi32, #tpu.memory_space<hbm>> -> memref<128xi32, #tpu.memory_space<hbm>>
      %dma_wait3A_103 = arith.constant 0 : i32
      %dma_wait3A_104 = tpu.memref_slice %arg6[%run_scoped3A_32, %dma_wait3A_103] : memref<2x128xi32, #tpu.memory_space<vmem>> -> memref<1x128xi32, #tpu.memory_space<vmem>>
      %dma_wait3A_105 = tpu.memref_squeeze %dma_wait3A_104 : memref<1x128xi32, #tpu.memory_space<vmem>> -> memref<128xi32, #tpu.memory_space<vmem>>
      %dma_wait3A_106 = arith.constant 0 : i32
      %dma_wait3A_107 = arith.constant 0 : i32
      %dma_wait3A_108 = tpu.memref_slice %arg3[%add3A_30, %dma_wait3A_106, %dma_wait3A_107] : memref<32x80x128xi32, #tpu.memory_space<hbm>> -> memref<1x80x128xi32, #tpu.memory_space<hbm>>
      %dma_wait3A_109 = tpu.memref_squeeze %dma_wait3A_108 : memref<1x80x128xi32, #tpu.memory_space<hbm>> -> memref<80x128xi32, #tpu.memory_space<hbm>>
      %dma_wait3A_110 = arith.constant 0 : i32
      %dma_wait3A_111 = tpu.memref_slice %dma_wait3A_109[%run_scoped3A_31, %dma_wait3A_110] : memref<80x128xi32, #tpu.memory_space<hbm>> -> memref<1x128xi32, #tpu.memory_space<hbm>>
      %dma_wait3A_112 = tpu.memref_squeeze %dma_wait3A_111 : memref<1x128xi32, #tpu.memory_space<hbm>> -> memref<128xi32, #tpu.memory_space<hbm>>
      tpu.wait_dma2 semaphore(%run_scoped3A_73 : memref<!tpu.dma_semaphore, #tpu.memory_space<semaphore_mem>>) src(%dma_wait3A_112 : memref<128xi32, #tpu.memory_space<hbm>>) dst(%dma_wait3A_105 : memref<128xi32, #tpu.memory_space<vmem>>)
      tpu.yield
    }) : () -> ()
    %run_scoped3A_33 = arith.constant 0 : i32
    %run_scoped3A_34 = arith.constant 0 : i32
    "tpu.region"() ({
      %run_scoped3A_73 = tpu.sem_alloc : memref<!tpu.dma_semaphore, #tpu.memory_space<semaphore_mem>>
      %dma_start3A_74 = arith.constant 0 : i32
      %dma_start3A_75 = tpu.memref_slice %arg7[%run_scoped3A_34, %dma_start3A_74] : memref<2x128xi32, #tpu.memory_space<vmem>> -> memref<1x128xi32, #tpu.memory_space<vmem>>
      %dma_start3A_76 = tpu.memref_squeeze %dma_start3A_75 : memref<1x128xi32, #tpu.memory_space<vmem>> -> memref<128xi32, #tpu.memory_space<vmem>>
      %dma_start3A_77 = arith.constant 0 : i32
      %dma_start3A_78 = arith.constant 0 : i32
      %dma_start3A_79 = tpu.memref_slice %arg4[%add3A_30, %dma_start3A_77, %dma_start3A_78] : memref<32x80x128xi32, #tpu.memory_space<hbm>> -> memref<1x80x128xi32, #tpu.memory_space<hbm>>
      %dma_start3A_80 = tpu.memref_squeeze %dma_start3A_79 : memref<1x80x128xi32, #tpu.memory_space<hbm>> -> memref<80x128xi32, #tpu.memory_space<hbm>>
      %dma_start3A_81 = arith.constant 0 : i32
      %dma_start3A_82 = tpu.memref_slice %dma_start3A_80[%run_scoped3A_33, %dma_start3A_81] : memref<80x128xi32, #tpu.memory_space<hbm>> -> memref<1x128xi32, #tpu.memory_space<hbm>>
      %dma_start3A_83 = tpu.memref_squeeze %dma_start3A_82 : memref<1x128xi32, #tpu.memory_space<hbm>> -> memref<128xi32, #tpu.memory_space<hbm>>
      %dma_start3A_84 = arith.constant 0 : i32
      %dma_start3A_85 = tpu.memref_slice %arg7[%run_scoped3A_34, %dma_start3A_84] : memref<2x128xi32, #tpu.memory_space<vmem>> -> memref<1x128xi32, #tpu.memory_space<vmem>>
      %dma_start3A_86 = tpu.memref_squeeze %dma_start3A_85 : memref<1x128xi32, #tpu.memory_space<vmem>> -> memref<128xi32, #tpu.memory_space<vmem>>
      %dma_start3A_87 = arith.constant 0 : i32
      %dma_start3A_88 = arith.constant 0 : i32
      %dma_start3A_89 = tpu.memref_slice %arg4[%add3A_30, %dma_start3A_87, %dma_start3A_88] : memref<32x80x128xi32, #tpu.memory_space<hbm>> -> memref<1x80x128xi32, #tpu.memory_space<hbm>>
      %dma_start3A_90 = tpu.memref_squeeze %dma_start3A_89 : memref<1x80x128xi32, #tpu.memory_space<hbm>> -> memref<80x128xi32, #tpu.memory_space<hbm>>
      %dma_start3A_91 = arith.constant 0 : i32
      %dma_start3A_92 = tpu.memref_slice %dma_start3A_90[%run_scoped3A_33, %dma_start3A_91] : memref<80x128xi32, #tpu.memory_space<hbm>> -> memref<1x128xi32, #tpu.memory_space<hbm>>
      %dma_start3A_93 = tpu.memref_squeeze %dma_start3A_92 : memref<1x128xi32, #tpu.memory_space<hbm>> -> memref<128xi32, #tpu.memory_space<hbm>>
      tpu.enqueue_dma source(%dma_start3A_93 : memref<128xi32, #tpu.memory_space<hbm>>) target(%dma_start3A_86 : memref<128xi32, #tpu.memory_space<vmem>>) target_semaphore(%run_scoped3A_73 : memref<!tpu.dma_semaphore, #tpu.memory_space<semaphore_mem>>)
      %dma_wait3A = arith.constant 0 : i32
      %dma_wait3A_94 = tpu.memref_slice %arg7[%run_scoped3A_34, %dma_wait3A] : memref<2x128xi32, #tpu.memory_space<vmem>> -> memref<1x128xi32, #tpu.memory_space<vmem>>
      %dma_wait3A_95 = tpu.memref_squeeze %dma_wait3A_94 : memref<1x128xi32, #tpu.memory_space<vmem>> -> memref<128xi32, #tpu.memory_space<vmem>>
      %dma_wait3A_96 = arith.constant 0 : i32
      %dma_wait3A_97 = arith.constant 0 : i32
      %dma_wait3A_98 = tpu.memref_slice %arg4[%add3A_30, %dma_wait3A_96, %dma_wait3A_97] : memref<32x80x128xi32, #tpu.memory_space<hbm>> -> memref<1x80x128xi32, #tpu.memory_space<hbm>>
      %dma_wait3A_99 = tpu.memref_squeeze %dma_wait3A_98 : memref<1x80x128xi32, #tpu.memory_space<hbm>> -> memref<80x128xi32, #tpu.memory_space<hbm>>
      %dma_wait3A_100 = arith.constant 0 : i32
      %dma_wait3A_101 = tpu.memref_slice %dma_wait3A_99[%run_scoped3A_33, %dma_wait3A_100] : memref<80x128xi32, #tpu.memory_space<hbm>> -> memref<1x128xi32, #tpu.memory_space<hbm>>
      %dma_wait3A_102 = tpu.memref_squeeze %dma_wait3A_101 : memref<1x128xi32, #tpu.memory_space<hbm>> -> memref<128xi32, #tpu.memory_space<hbm>>
      %dma_wait3A_103 = arith.constant 0 : i32
      %dma_wait3A_104 = tpu.memref_slice %arg7[%run_scoped3A_34, %dma_wait3A_103] : memref<2x128xi32, #tpu.memory_space<vmem>> -> memref<1x128xi32, #tpu.memory_space<vmem>>
      %dma_wait3A_105 = tpu.memref_squeeze %dma_wait3A_104 : memref<1x128xi32, #tpu.memory_space<vmem>> -> memref<128xi32, #tpu.memory_space<vmem>>
      %dma_wait3A_106 = arith.constant 0 : i32
      %dma_wait3A_107 = arith.constant 0 : i32
      %dma_wait3A_108 = tpu.memref_slice %arg4[%add3A_30, %dma_wait3A_106, %dma_wait3A_107] : memref<32x80x128xi32, #tpu.memory_space<hbm>> -> memref<1x80x128xi32, #tpu.memory_space<hbm>>
      %dma_wait3A_109 = tpu.memref_squeeze %dma_wait3A_108 : memref<1x80x128xi32, #tpu.memory_space<hbm>> -> memref<80x128xi32, #tpu.memory_space<hbm>>
      %dma_wait3A_110 = arith.constant 0 : i32
      %dma_wait3A_111 = tpu.memref_slice %dma_wait3A_109[%run_scoped3A_33, %dma_wait3A_110] : memref<80x128xi32, #tpu.memory_space<hbm>> -> memref<1x128xi32, #tpu.memory_space<hbm>>
      %dma_wait3A_112 = tpu.memref_squeeze %dma_wait3A_111 : memref<1x128xi32, #tpu.memory_space<hbm>> -> memref<128xi32, #tpu.memory_space<hbm>>
      tpu.wait_dma2 semaphore(%run_scoped3A_73 : memref<!tpu.dma_semaphore, #tpu.memory_space<semaphore_mem>>) src(%dma_wait3A_112 : memref<128xi32, #tpu.memory_space<hbm>>) dst(%dma_wait3A_105 : memref<128xi32, #tpu.memory_space<vmem>>)
      tpu.yield
    }) : () -> ()
    %dma_start3A = arith.constant 0 : i32
    %dma_start3A_35 = arith.constant 0 : i32
    %dma_start3A_36 = arith.constant 0 : i32
    %dma_start3A_37 = arith.constant 0 : i32
    %dma_start3A_38 = tpu.memref_slice %arg8[%dma_start3A_35, %dma_start3A_36, %dma_start3A_37] : memref<2x128x128xf32, #tpu.memory_space<vmem>> -> memref<1x128x128xf32, #tpu.memory_space<vmem>>
    %dma_start3A_39 = tpu.memref_squeeze %dma_start3A_38 : memref<1x128x128xf32, #tpu.memory_space<vmem>> -> memref<128x128xf32, #tpu.memory_space<vmem>>
    %dma_start3A_40 = arith.constant 0 : i32
    %dma_start3A_41 = tpu.memref_slice %arg6[%dma_start3A, %dma_start3A_40] : memref<2x128xi32, #tpu.memory_space<vmem>> -> memref<1x128xi32, #tpu.memory_space<vmem>>
    %dma_start3A_42 = tpu.memref_squeeze %dma_start3A_41 : memref<1x128xi32, #tpu.memory_space<vmem>> -> memref<128xi32, #tpu.memory_space<vmem>>
    %dma_start3A_43 = arith.constant 0 : i32
    %dma_start3A_44 = arith.constant 0 : i32
    %dma_start3A_45 = tpu.memref_slice %arg2[%dma_start3A_43, %dma_start3A_44] : memref<10240x128xf32, #tpu.memory_space<hbm>> -> memref<10240x128xf32, #tpu.memory_space<hbm>>
    tpu.enqueue_indirect_dma source(%dma_start3A_45 : memref<10240x128xf32, #tpu.memory_space<hbm>>) target(%dma_start3A_39 : memref<128x128xf32, #tpu.memory_space<vmem>>) offsets(%dma_start3A_42 : memref<128xi32, #tpu.memory_space<vmem>>) semaphore(%arg10 : memref<!tpu.dma_semaphore, #tpu.memory_space<semaphore_mem>>)
    %run_scoped3A_46 = arith.constant 1 : i32
    %run_scoped3A_47 = arith.constant 1 : i32
    "tpu.region"() ({
      %run_scoped3A_73 = tpu.sem_alloc : memref<!tpu.dma_semaphore, #tpu.memory_space<semaphore_mem>>
      %dma_start3A_74 = arith.constant 0 : i32
      %dma_start3A_75 = tpu.memref_slice %arg6[%run_scoped3A_47, %dma_start3A_74] : memref<2x128xi32, #tpu.memory_space<vmem>> -> memref<1x128xi32, #tpu.memory_space<vmem>>
      %dma_start3A_76 = tpu.memref_squeeze %dma_start3A_75 : memref<1x128xi32, #tpu.memory_space<vmem>> -> memref<128xi32, #tpu.memory_space<vmem>>
      %dma_start3A_77 = arith.constant 0 : i32
      %dma_start3A_78 = arith.constant 0 : i32
      %dma_start3A_79 = tpu.memref_slice %arg3[%add3A_30, %dma_start3A_77, %dma_start3A_78] : memref<32x80x128xi32, #tpu.memory_space<hbm>> -> memref<1x80x128xi32, #tpu.memory_space<hbm>>
      %dma_start3A_80 = tpu.memref_squeeze %dma_start3A_79 : memref<1x80x128xi32, #tpu.memory_space<hbm>> -> memref<80x128xi32, #tpu.memory_space<hbm>>
      %dma_start3A_81 = arith.constant 0 : i32
      %dma_start3A_82 = tpu.memref_slice %dma_start3A_80[%run_scoped3A_46, %dma_start3A_81] : memref<80x128xi32, #tpu.memory_space<hbm>> -> memref<1x128xi32, #tpu.memory_space<hbm>>
      %dma_start3A_83 = tpu.memref_squeeze %dma_start3A_82 : memref<1x128xi32, #tpu.memory_space<hbm>> -> memref<128xi32, #tpu.memory_space<hbm>>
      %dma_start3A_84 = arith.constant 0 : i32
      %dma_start3A_85 = tpu.memref_slice %arg6[%run_scoped3A_47, %dma_start3A_84] : memref<2x128xi32, #tpu.memory_space<vmem>> -> memref<1x128xi32, #tpu.memory_space<vmem>>
      %dma_start3A_86 = tpu.memref_squeeze %dma_start3A_85 : memref<1x128xi32, #tpu.memory_space<vmem>> -> memref<128xi32, #tpu.memory_space<vmem>>
      %dma_start3A_87 = arith.constant 0 : i32
      %dma_start3A_88 = arith.constant 0 : i32
      %dma_start3A_89 = tpu.memref_slice %arg3[%add3A_30, %dma_start3A_87, %dma_start3A_88] : memref<32x80x128xi32, #tpu.memory_space<hbm>> -> memref<1x80x128xi32, #tpu.memory_space<hbm>>
      %dma_start3A_90 = tpu.memref_squeeze %dma_start3A_89 : memref<1x80x128xi32, #tpu.memory_space<hbm>> -> memref<80x128xi32, #tpu.memory_space<hbm>>
      %dma_start3A_91 = arith.constant 0 : i32
      %dma_start3A_92 = tpu.memref_slice %dma_start3A_90[%run_scoped3A_46, %dma_start3A_91] : memref<80x128xi32, #tpu.memory_space<hbm>> -> memref<1x128xi32, #tpu.memory_space<hbm>>
      %dma_start3A_93 = tpu.memref_squeeze %dma_start3A_92 : memref<1x128xi32, #tpu.memory_space<hbm>> -> memref<128xi32, #tpu.memory_space<hbm>>
      tpu.enqueue_dma source(%dma_start3A_93 : memref<128xi32, #tpu.memory_space<hbm>>) target(%dma_start3A_86 : memref<128xi32, #tpu.memory_space<vmem>>) target_semaphore(%run_scoped3A_73 : memref<!tpu.dma_semaphore, #tpu.memory_space<semaphore_mem>>)
      %dma_wait3A = arith.constant 0 : i32
      %dma_wait3A_94 = tpu.memref_slice %arg6[%run_scoped3A_47, %dma_wait3A] : memref<2x128xi32, #tpu.memory_space<vmem>> -> memref<1x128xi32, #tpu.memory_space<vmem>>
      %dma_wait3A_95 = tpu.memref_squeeze %dma_wait3A_94 : memref<1x128xi32, #tpu.memory_space<vmem>> -> memref<128xi32, #tpu.memory_space<vmem>>
      %dma_wait3A_96 = arith.constant 0 : i32
      %dma_wait3A_97 = arith.constant 0 : i32
      %dma_wait3A_98 = tpu.memref_slice %arg3[%add3A_30, %dma_wait3A_96, %dma_wait3A_97] : memref<32x80x128xi32, #tpu.memory_space<hbm>> -> memref<1x80x128xi32, #tpu.memory_space<hbm>>
      %dma_wait3A_99 = tpu.memref_squeeze %dma_wait3A_98 : memref<1x80x128xi32, #tpu.memory_space<hbm>> -> memref<80x128xi32, #tpu.memory_space<hbm>>
      %dma_wait3A_100 = arith.constant 0 : i32
      %dma_wait3A_101 = tpu.memref_slice %dma_wait3A_99[%run_scoped3A_46, %dma_wait3A_100] : memref<80x128xi32, #tpu.memory_space<hbm>> -> memref<1x128xi32, #tpu.memory_space<hbm>>
      %dma_wait3A_102 = tpu.memref_squeeze %dma_wait3A_101 : memref<1x128xi32, #tpu.memory_space<hbm>> -> memref<128xi32, #tpu.memory_space<hbm>>
      %dma_wait3A_103 = arith.constant 0 : i32
      %dma_wait3A_104 = tpu.memref_slice %arg6[%run_scoped3A_47, %dma_wait3A_103] : memref<2x128xi32, #tpu.memory_space<vmem>> -> memref<1x128xi32, #tpu.memory_space<vmem>>
      %dma_wait3A_105 = tpu.memref_squeeze %dma_wait3A_104 : memref<1x128xi32, #tpu.memory_space<vmem>> -> memref<128xi32, #tpu.memory_space<vmem>>
      %dma_wait3A_106 = arith.constant 0 : i32
      %dma_wait3A_107 = arith.constant 0 : i32
      %dma_wait3A_108 = tpu.memref_slice %arg3[%add3A_30, %dma_wait3A_106, %dma_wait3A_107] : memref<32x80x128xi32, #tpu.memory_space<hbm>> -> memref<1x80x128xi32, #tpu.memory_space<hbm>>
      %dma_wait3A_109 = tpu.memref_squeeze %dma_wait3A_108 : memref<1x80x128xi32, #tpu.memory_space<hbm>> -> memref<80x128xi32, #tpu.memory_space<hbm>>
      %dma_wait3A_110 = arith.constant 0 : i32
      %dma_wait3A_111 = tpu.memref_slice %dma_wait3A_109[%run_scoped3A_46, %dma_wait3A_110] : memref<80x128xi32, #tpu.memory_space<hbm>> -> memref<1x128xi32, #tpu.memory_space<hbm>>
      %dma_wait3A_112 = tpu.memref_squeeze %dma_wait3A_111 : memref<1x128xi32, #tpu.memory_space<hbm>> -> memref<128xi32, #tpu.memory_space<hbm>>
      tpu.wait_dma2 semaphore(%run_scoped3A_73 : memref<!tpu.dma_semaphore, #tpu.memory_space<semaphore_mem>>) src(%dma_wait3A_112 : memref<128xi32, #tpu.memory_space<hbm>>) dst(%dma_wait3A_105 : memref<128xi32, #tpu.memory_space<vmem>>)
      tpu.yield
    }) : () -> ()
    %run_scoped3A_48 = arith.constant 1 : i32
    %run_scoped3A_49 = arith.constant 1 : i32
    "tpu.region"() ({
      %run_scoped3A_73 = tpu.sem_alloc : memref<!tpu.dma_semaphore, #tpu.memory_space<semaphore_mem>>
      %dma_start3A_74 = arith.constant 0 : i32
      %dma_start3A_75 = tpu.memref_slice %arg7[%run_scoped3A_49, %dma_start3A_74] : memref<2x128xi32, #tpu.memory_space<vmem>> -> memref<1x128xi32, #tpu.memory_space<vmem>>
      %dma_start3A_76 = tpu.memref_squeeze %dma_start3A_75 : memref<1x128xi32, #tpu.memory_space<vmem>> -> memref<128xi32, #tpu.memory_space<vmem>>
      %dma_start3A_77 = arith.constant 0 : i32
      %dma_start3A_78 = arith.constant 0 : i32
      %dma_start3A_79 = tpu.memref_slice %arg4[%add3A_30, %dma_start3A_77, %dma_start3A_78] : memref<32x80x128xi32, #tpu.memory_space<hbm>> -> memref<1x80x128xi32, #tpu.memory_space<hbm>>
      %dma_start3A_80 = tpu.memref_squeeze %dma_start3A_79 : memref<1x80x128xi32, #tpu.memory_space<hbm>> -> memref<80x128xi32, #tpu.memory_space<hbm>>
      %dma_start3A_81 = arith.constant 0 : i32
      %dma_start3A_82 = tpu.memref_slice %dma_start3A_80[%run_scoped3A_48, %dma_start3A_81] : memref<80x128xi32, #tpu.memory_space<hbm>> -> memref<1x128xi32, #tpu.memory_space<hbm>>
      %dma_start3A_83 = tpu.memref_squeeze %dma_start3A_82 : memref<1x128xi32, #tpu.memory_space<hbm>> -> memref<128xi32, #tpu.memory_space<hbm>>
      %dma_start3A_84 = arith.constant 0 : i32
      %dma_start3A_85 = tpu.memref_slice %arg7[%run_scoped3A_49, %dma_start3A_84] : memref<2x128xi32, #tpu.memory_space<vmem>> -> memref<1x128xi32, #tpu.memory_space<vmem>>
      %dma_start3A_86 = tpu.memref_squeeze %dma_start3A_85 : memref<1x128xi32, #tpu.memory_space<vmem>> -> memref<128xi32, #tpu.memory_space<vmem>>
      %dma_start3A_87 = arith.constant 0 : i32
      %dma_start3A_88 = arith.constant 0 : i32
      %dma_start3A_89 = tpu.memref_slice %arg4[%add3A_30, %dma_start3A_87, %dma_start3A_88] : memref<32x80x128xi32, #tpu.memory_space<hbm>> -> memref<1x80x128xi32, #tpu.memory_space<hbm>>
      %dma_start3A_90 = tpu.memref_squeeze %dma_start3A_89 : memref<1x80x128xi32, #tpu.memory_space<hbm>> -> memref<80x128xi32, #tpu.memory_space<hbm>>
      %dma_start3A_91 = arith.constant 0 : i32
      %dma_start3A_92 = tpu.memref_slice %dma_start3A_90[%run_scoped3A_48, %dma_start3A_91] : memref<80x128xi32, #tpu.memory_space<hbm>> -> memref<1x128xi32, #tpu.memory_space<hbm>>
      %dma_start3A_93 = tpu.memref_squeeze %dma_start3A_92 : memref<1x128xi32, #tpu.memory_space<hbm>> -> memref<128xi32, #tpu.memory_space<hbm>>
      tpu.enqueue_dma source(%dma_start3A_93 : memref<128xi32, #tpu.memory_space<hbm>>) target(%dma_start3A_86 : memref<128xi32, #tpu.memory_space<vmem>>) target_semaphore(%run_scoped3A_73 : memref<!tpu.dma_semaphore, #tpu.memory_space<semaphore_mem>>)
      %dma_wait3A = arith.constant 0 : i32
      %dma_wait3A_94 = tpu.memref_slice %arg7[%run_scoped3A_49, %dma_wait3A] : memref<2x128xi32, #tpu.memory_space<vmem>> -> memref<1x128xi32, #tpu.memory_space<vmem>>
      %dma_wait3A_95 = tpu.memref_squeeze %dma_wait3A_94 : memref<1x128xi32, #tpu.memory_space<vmem>> -> memref<128xi32, #tpu.memory_space<vmem>>
      %dma_wait3A_96 = arith.constant 0 : i32
      %dma_wait3A_97 = arith.constant 0 : i32
      %dma_wait3A_98 = tpu.memref_slice %arg4[%add3A_30, %dma_wait3A_96, %dma_wait3A_97] : memref<32x80x128xi32, #tpu.memory_space<hbm>> -> memref<1x80x128xi32, #tpu.memory_space<hbm>>
      %dma_wait3A_99 = tpu.memref_squeeze %dma_wait3A_98 : memref<1x80x128xi32, #tpu.memory_space<hbm>> -> memref<80x128xi32, #tpu.memory_space<hbm>>
      %dma_wait3A_100 = arith.constant 0 : i32
      %dma_wait3A_101 = tpu.memref_slice %dma_wait3A_99[%run_scoped3A_48, %dma_wait3A_100] : memref<80x128xi32, #tpu.memory_space<hbm>> -> memref<1x128xi32, #tpu.memory_space<hbm>>
      %dma_wait3A_102 = tpu.memref_squeeze %dma_wait3A_101 : memref<1x128xi32, #tpu.memory_space<hbm>> -> memref<128xi32, #tpu.memory_space<hbm>>
      %dma_wait3A_103 = arith.constant 0 : i32
      %dma_wait3A_104 = tpu.memref_slice %arg7[%run_scoped3A_49, %dma_wait3A_103] : memref<2x128xi32, #tpu.memory_space<vmem>> -> memref<1x128xi32, #tpu.memory_space<vmem>>
      %dma_wait3A_105 = tpu.memref_squeeze %dma_wait3A_104 : memref<1x128xi32, #tpu.memory_space<vmem>> -> memref<128xi32, #tpu.memory_space<vmem>>
      %dma_wait3A_106 = arith.constant 0 : i32
      %dma_wait3A_107 = arith.constant 0 : i32
      %dma_wait3A_108 = tpu.memref_slice %arg4[%add3A_30, %dma_wait3A_106, %dma_wait3A_107] : memref<32x80x128xi32, #tpu.memory_space<hbm>> -> memref<1x80x128xi32, #tpu.memory_space<hbm>>
      %dma_wait3A_109 = tpu.memref_squeeze %dma_wait3A_108 : memref<1x80x128xi32, #tpu.memory_space<hbm>> -> memref<80x128xi32, #tpu.memory_space<hbm>>
      %dma_wait3A_110 = arith.constant 0 : i32
      %dma_wait3A_111 = tpu.memref_slice %dma_wait3A_109[%run_scoped3A_48, %dma_wait3A_110] : memref<80x128xi32, #tpu.memory_space<hbm>> -> memref<1x128xi32, #tpu.memory_space<hbm>>
      %dma_wait3A_112 = tpu.memref_squeeze %dma_wait3A_111 : memref<1x128xi32, #tpu.memory_space<hbm>> -> memref<128xi32, #tpu.memory_space<hbm>>
      tpu.wait_dma2 semaphore(%run_scoped3A_73 : memref<!tpu.dma_semaphore, #tpu.memory_space<semaphore_mem>>) src(%dma_wait3A_112 : memref<128xi32, #tpu.memory_space<hbm>>) dst(%dma_wait3A_105 : memref<128xi32, #tpu.memory_space<vmem>>)
      tpu.yield
    }) : () -> ()
    %dma_start3A_50 = arith.constant 1 : i32
    %dma_start3A_51 = arith.constant 1 : i32
    %dma_start3A_52 = arith.constant 0 : i32
    %dma_start3A_53 = arith.constant 0 : i32
    %dma_start3A_54 = tpu.memref_slice %arg8[%dma_start3A_51, %dma_start3A_52, %dma_start3A_53] : memref<2x128x128xf32, #tpu.memory_space<vmem>> -> memref<1x128x128xf32, #tpu.memory_space<vmem>>
    %dma_start3A_55 = tpu.memref_squeeze %dma_start3A_54 : memref<1x128x128xf32, #tpu.memory_space<vmem>> -> memref<128x128xf32, #tpu.memory_space<vmem>>
    %dma_start3A_56 = arith.constant 0 : i32
    %dma_start3A_57 = tpu.memref_slice %arg6[%dma_start3A_50, %dma_start3A_56] : memref<2x128xi32, #tpu.memory_space<vmem>> -> memref<1x128xi32, #tpu.memory_space<vmem>>
    %dma_start3A_58 = tpu.memref_squeeze %dma_start3A_57 : memref<1x128xi32, #tpu.memory_space<vmem>> -> memref<128xi32, #tpu.memory_space<vmem>>
    %dma_start3A_59 = arith.constant 0 : i32
    %dma_start3A_60 = arith.constant 0 : i32
    %dma_start3A_61 = tpu.memref_slice %arg2[%dma_start3A_59, %dma_start3A_60] : memref<10240x128xf32, #tpu.memory_space<hbm>> -> memref<10240x128xf32, #tpu.memory_space<hbm>>
    tpu.enqueue_indirect_dma source(%dma_start3A_61 : memref<10240x128xf32, #tpu.memory_space<hbm>>) target(%dma_start3A_55 : memref<128x128xf32, #tpu.memory_space<vmem>>) offsets(%dma_start3A_58 : memref<128xi32, #tpu.memory_space<vmem>>) semaphore(%arg11 : memref<!tpu.dma_semaphore, #tpu.memory_space<semaphore_mem>>)
    %scan3A_62 = arith.constant 0 : i32
    %scan3A_63 = arith.constant 0 : i32
    %scan3A_64 = arith.constant 40 : i32
    %scan3A_65 = arith.addi %scan3A_63, %scan3A_64 : i32
    %scan3A_66 = arith.constant 1 : i32
    scf.for %scan3A_73 = %scan3A_63 to %scan3A_65 step %scan3A_66  : i32 {
      %mul3A_74 = arith.constant 2 : i32
      %mul3A_75 = arith.muli %scan3A_73, %mul3A_74 : i32
      %add3A_76 = arith.constant 0 : i32
      %add3A_77 = arith.addi %mul3A_75, %add3A_76 : i32
      %dma_wait3A = arith.constant 0 : i32
      %dma_wait3A_78 = arith.constant 0 : i32
      %dma_wait3A_79 = arith.constant 0 : i32
      %dma_wait3A_80 = arith.constant 0 : i32
      %dma_wait3A_81 = tpu.memref_slice %arg8[%dma_wait3A_78, %dma_wait3A_79, %dma_wait3A_80] : memref<2x128x128xf32, #tpu.memory_space<vmem>> -> memref<1x128x128xf32, #tpu.memory_space<vmem>>
      %dma_wait3A_82 = tpu.memref_squeeze %dma_wait3A_81 : memref<1x128x128xf32, #tpu.memory_space<vmem>> -> memref<128x128xf32, #tpu.memory_space<vmem>>
      %dma_wait3A_83 = arith.constant 0 : i32
      %dma_wait3A_84 = tpu.memref_slice %arg6[%dma_wait3A, %dma_wait3A_83] : memref<2x128xi32, #tpu.memory_space<vmem>> -> memref<1x128xi32, #tpu.memory_space<vmem>>
      %dma_wait3A_85 = tpu.memref_squeeze %dma_wait3A_84 : memref<1x128xi32, #tpu.memory_space<vmem>> -> memref<128xi32, #tpu.memory_space<vmem>>
      %dma_wait3A_86 = arith.constant 0 : i32
      %dma_wait3A_87 = arith.constant 0 : i32
      %dma_wait3A_88 = tpu.memref_slice %arg2[%dma_wait3A_86, %dma_wait3A_87] : memref<10240x128xf32, #tpu.memory_space<hbm>> -> memref<10240x128xf32, #tpu.memory_space<hbm>>
      tpu.wait_indirect_dma semaphore(%arg10 : memref<!tpu.dma_semaphore, #tpu.memory_space<semaphore_mem>>) src(%dma_wait3A_88 : memref<10240x128xf32, #tpu.memory_space<hbm>>) dst(%dma_wait3A_82 : memref<128x128xf32, #tpu.memory_space<vmem>>)
      %add3A_89 = arith.constant 2 : i32
      %add3A_90 = arith.addi %add3A_77, %add3A_89 : i32
      %lt3A = arith.constant 80 : i32
      %lt3A_91 = arith.cmpi slt, %add3A_90, %lt3A : i32
      %convert_element_type3A = arith.extui %lt3A_91 : i1 to i32
      %cond3A = arith.constant 0 : i32
      %cond3A_92 = arith.cmpi ne, %convert_element_type3A, %cond3A : i32
      scf.if %cond3A_92 {
        %add3A_143 = arith.constant 2 : i32
        %add3A_144 = arith.addi %add3A_77, %add3A_143 : i32
        %dma_start3A_145 = arith.constant 0 : i32
        %dma_start3A_146 = arith.constant 0 : i32
        %dma_start3A_147 = tpu.memref_slice %arg6[%dma_start3A_145, %dma_start3A_146] : memref<2x128xi32, #tpu.memory_space<vmem>> -> memref<1x128xi32, #tpu.memory_space<vmem>>
        %dma_start3A_148 = tpu.memref_squeeze %dma_start3A_147 : memref<1x128xi32, #tpu.memory_space<vmem>> -> memref<128xi32, #tpu.memory_space<vmem>>
        %dma_start3A_149 = arith.constant 0 : i32
        %dma_start3A_150 = arith.constant 0 : i32
        %dma_start3A_151 = tpu.memref_slice %arg3[%add3A_30, %dma_start3A_149, %dma_start3A_150] : memref<32x80x128xi32, #tpu.memory_space<hbm>> -> memref<1x80x128xi32, #tpu.memory_space<hbm>>
        %dma_start3A_152 = tpu.memref_squeeze %dma_start3A_151 : memref<1x80x128xi32, #tpu.memory_space<hbm>> -> memref<80x128xi32, #tpu.memory_space<hbm>>
        %dma_start3A_153 = arith.constant 0 : i32
        %dma_start3A_154 = tpu.memref_slice %dma_start3A_152[%add3A_144, %dma_start3A_153] : memref<80x128xi32, #tpu.memory_space<hbm>> -> memref<1x128xi32, #tpu.memory_space<hbm>>
        %dma_start3A_155 = tpu.memref_squeeze %dma_start3A_154 : memref<1x128xi32, #tpu.memory_space<hbm>> -> memref<128xi32, #tpu.memory_space<hbm>>
        %dma_start3A_156 = arith.constant 0 : i32
        %dma_start3A_157 = tpu.memref_slice %arg6[%dma_start3A_145, %dma_start3A_156] : memref<2x128xi32, #tpu.memory_space<vmem>> -> memref<1x128xi32, #tpu.memory_space<vmem>>
        %dma_start3A_158 = tpu.memref_squeeze %dma_start3A_157 : memref<1x128xi32, #tpu.memory_space<vmem>> -> memref<128xi32, #tpu.memory_space<vmem>>
        %dma_start3A_159 = arith.constant 0 : i32
        %dma_start3A_160 = arith.constant 0 : i32
        %dma_start3A_161 = tpu.memref_slice %arg3[%add3A_30, %dma_start3A_159, %dma_start3A_160] : memref<32x80x128xi32, #tpu.memory_space<hbm>> -> memref<1x80x128xi32, #tpu.memory_space<hbm>>
        %dma_start3A_162 = tpu.memref_squeeze %dma_start3A_161 : memref<1x80x128xi32, #tpu.memory_space<hbm>> -> memref<80x128xi32, #tpu.memory_space<hbm>>
        %dma_start3A_163 = arith.constant 0 : i32
        %dma_start3A_164 = tpu.memref_slice %dma_start3A_162[%add3A_144, %dma_start3A_163] : memref<80x128xi32, #tpu.memory_space<hbm>> -> memref<1x128xi32, #tpu.memory_space<hbm>>
        %dma_start3A_165 = tpu.memref_squeeze %dma_start3A_164 : memref<1x128xi32, #tpu.memory_space<hbm>> -> memref<128xi32, #tpu.memory_space<hbm>>
        tpu.enqueue_dma source(%dma_start3A_165 : memref<128xi32, #tpu.memory_space<hbm>>) target(%dma_start3A_158 : memref<128xi32, #tpu.memory_space<vmem>>) target_semaphore(%arg12 : memref<!tpu.dma_semaphore, #tpu.memory_space<semaphore_mem>>)
      } else {
      }
      %ge3A = arith.constant 2 : i32
      %ge3A_93 = arith.cmpi sge, %add3A_77, %ge3A : i32
      %convert_element_type3A_94 = arith.extui %ge3A_93 : i1 to i32
      %cond3A_95 = arith.constant 0 : i32
      %cond3A_96 = arith.cmpi ne, %convert_element_type3A_94, %cond3A_95 : i32
      scf.if %cond3A_96 {
        %dma_wait3A_143 = arith.constant 0 : i32
        %dma_wait3A_144 = arith.constant 0 : i32
        %dma_wait3A_145 = arith.constant 0 : i32
        %dma_wait3A_146 = tpu.memref_slice %arg7[%dma_wait3A_144, %dma_wait3A_145] : memref<2x128xi32, #tpu.memory_space<vmem>> -> memref<1x128xi32, #tpu.memory_space<vmem>>
        %dma_wait3A_147 = tpu.memref_squeeze %dma_wait3A_146 : memref<1x128xi32, #tpu.memory_space<vmem>> -> memref<128xi32, #tpu.memory_space<vmem>>
        %dma_wait3A_148 = arith.constant 0 : i32
        %dma_wait3A_149 = arith.constant 0 : i32
        %dma_wait3A_150 = tpu.memref_slice %arg4[%add3A_30, %dma_wait3A_148, %dma_wait3A_149] : memref<32x80x128xi32, #tpu.memory_space<hbm>> -> memref<1x80x128xi32, #tpu.memory_space<hbm>>
        %dma_wait3A_151 = tpu.memref_squeeze %dma_wait3A_150 : memref<1x80x128xi32, #tpu.memory_space<hbm>> -> memref<80x128xi32, #tpu.memory_space<hbm>>
        %dma_wait3A_152 = arith.constant 0 : i32
        %dma_wait3A_153 = tpu.memref_slice %dma_wait3A_151[%dma_wait3A_143, %dma_wait3A_152] : memref<80x128xi32, #tpu.memory_space<hbm>> -> memref<1x128xi32, #tpu.memory_space<hbm>>
        %dma_wait3A_154 = tpu.memref_squeeze %dma_wait3A_153 : memref<1x128xi32, #tpu.memory_space<hbm>> -> memref<128xi32, #tpu.memory_space<hbm>>
        %dma_wait3A_155 = arith.constant 0 : i32
        %dma_wait3A_156 = tpu.memref_slice %arg7[%dma_wait3A_144, %dma_wait3A_155] : memref<2x128xi32, #tpu.memory_space<vmem>> -> memref<1x128xi32, #tpu.memory_space<vmem>>
        %dma_wait3A_157 = tpu.memref_squeeze %dma_wait3A_156 : memref<1x128xi32, #tpu.memory_space<vmem>> -> memref<128xi32, #tpu.memory_space<vmem>>
        %dma_wait3A_158 = arith.constant 0 : i32
        %dma_wait3A_159 = arith.constant 0 : i32
        %dma_wait3A_160 = tpu.memref_slice %arg4[%add3A_30, %dma_wait3A_158, %dma_wait3A_159] : memref<32x80x128xi32, #tpu.memory_space<hbm>> -> memref<1x80x128xi32, #tpu.memory_space<hbm>>
        %dma_wait3A_161 = tpu.memref_squeeze %dma_wait3A_160 : memref<1x80x128xi32, #tpu.memory_space<hbm>> -> memref<80x128xi32, #tpu.memory_space<hbm>>
        %dma_wait3A_162 = arith.constant 0 : i32
        %dma_wait3A_163 = tpu.memref_slice %dma_wait3A_161[%dma_wait3A_143, %dma_wait3A_162] : memref<80x128xi32, #tpu.memory_space<hbm>> -> memref<1x128xi32, #tpu.memory_space<hbm>>
        %dma_wait3A_164 = tpu.memref_squeeze %dma_wait3A_163 : memref<1x128xi32, #tpu.memory_space<hbm>> -> memref<128xi32, #tpu.memory_space<hbm>>
        tpu.wait_dma2 semaphore(%arg14 : memref<!tpu.dma_semaphore, #tpu.memory_space<semaphore_mem>>) src(%dma_wait3A_164 : memref<128xi32, #tpu.memory_space<hbm>>) dst(%dma_wait3A_157 : memref<128xi32, #tpu.memory_space<vmem>>)
      } else {
      }
      %run_scoped3A_97 = arith.constant 0 : i32
      %run_scoped3A_98 = arith.constant 0 : i32
      "tpu.region"() ({
        %run_scoped3A_143 = tpu.sem_alloc : memref<!tpu.dma_semaphore, #tpu.memory_space<semaphore_mem>>
        %dma_start3A_144 = arith.constant 0 : i32
        %dma_start3A_145 = arith.constant 0 : i32
        %dma_start3A_146 = tpu.memref_slice %arg8[%run_scoped3A_97, %dma_start3A_144, %dma_start3A_145] : memref<2x128x128xf32, #tpu.memory_space<vmem>> -> memref<1x128x128xf32, #tpu.memory_space<vmem>>
        %dma_start3A_147 = tpu.memref_squeeze %dma_start3A_146 : memref<1x128x128xf32, #tpu.memory_space<vmem>> -> memref<128x128xf32, #tpu.memory_space<vmem>>
        %dma_start3A_148 = arith.constant 0 : i32
        %dma_start3A_149 = tpu.memref_slice %arg7[%run_scoped3A_98, %dma_start3A_148] : memref<2x128xi32, #tpu.memory_space<vmem>> -> memref<1x128xi32, #tpu.memory_space<vmem>>
        %dma_start3A_150 = tpu.memref_squeeze %dma_start3A_149 : memref<1x128xi32, #tpu.memory_space<vmem>> -> memref<128xi32, #tpu.memory_space<vmem>>
        %dma_start3A_151 = arith.constant 0 : i32
        %dma_start3A_152 = arith.constant 0 : i32
        %dma_start3A_153 = tpu.memref_slice %arg9[%dma_start3A_151, %dma_start3A_152] : memref<10240x128xf32, #tpu.memory_space<vmem_shared>> -> memref<10240x128xf32, #tpu.memory_space<vmem_shared>>
        tpu.enqueue_indirect_dma source(%dma_start3A_147 : memref<128x128xf32, #tpu.memory_space<vmem>>) target(%dma_start3A_153 : memref<10240x128xf32, #tpu.memory_space<vmem_shared>>) offsets(%dma_start3A_150 : memref<128xi32, #tpu.memory_space<vmem>>) semaphore(%run_scoped3A_143 : memref<!tpu.dma_semaphore, #tpu.memory_space<semaphore_mem>>) {add = true}
        %dma_wait3A_154 = arith.constant 0 : i32
        %dma_wait3A_155 = arith.constant 0 : i32
        %dma_wait3A_156 = tpu.memref_slice %arg8[%run_scoped3A_97, %dma_wait3A_154, %dma_wait3A_155] : memref<2x128x128xf32, #tpu.memory_space<vmem>> -> memref<1x128x128xf32, #tpu.memory_space<vmem>>
        %dma_wait3A_157 = tpu.memref_squeeze %dma_wait3A_156 : memref<1x128x128xf32, #tpu.memory_space<vmem>> -> memref<128x128xf32, #tpu.memory_space<vmem>>
        %dma_wait3A_158 = arith.constant 0 : i32
        %dma_wait3A_159 = tpu.memref_slice %arg7[%run_scoped3A_98, %dma_wait3A_158] : memref<2x128xi32, #tpu.memory_space<vmem>> -> memref<1x128xi32, #tpu.memory_space<vmem>>
        %dma_wait3A_160 = tpu.memref_squeeze %dma_wait3A_159 : memref<1x128xi32, #tpu.memory_space<vmem>> -> memref<128xi32, #tpu.memory_space<vmem>>
        %dma_wait3A_161 = arith.constant 0 : i32
        %dma_wait3A_162 = arith.constant 0 : i32
        %dma_wait3A_163 = tpu.memref_slice %arg9[%dma_wait3A_161, %dma_wait3A_162] : memref<10240x128xf32, #tpu.memory_space<vmem_shared>> -> memref<10240x128xf32, #tpu.memory_space<vmem_shared>>
        tpu.wait_indirect_dma semaphore(%run_scoped3A_143 : memref<!tpu.dma_semaphore, #tpu.memory_space<semaphore_mem>>) src(%dma_wait3A_157 : memref<128x128xf32, #tpu.memory_space<vmem>>) dst(%dma_wait3A_163 : memref<10240x128xf32, #tpu.memory_space<vmem_shared>>)
        tpu.yield
      }) : () -> ()
      %add3A_99 = arith.constant 2 : i32
      %add3A_100 = arith.addi %add3A_77, %add3A_99 : i32
      %lt3A_101 = arith.constant 80 : i32
      %lt3A_102 = arith.cmpi slt, %add3A_100, %lt3A_101 : i32
      %convert_element_type3A_103 = arith.extui %lt3A_102 : i1 to i32
      %cond3A_104 = arith.constant 0 : i32
      %cond3A_105 = arith.cmpi ne, %convert_element_type3A_103, %cond3A_104 : i32
      scf.if %cond3A_105 {
        %add3A_143 = arith.constant 2 : i32
        %add3A_144 = arith.addi %add3A_77, %add3A_143 : i32
        %dma_start3A_145 = arith.constant 0 : i32
        %dma_start3A_146 = arith.constant 0 : i32
        %dma_start3A_147 = tpu.memref_slice %arg7[%dma_start3A_145, %dma_start3A_146] : memref<2x128xi32, #tpu.memory_space<vmem>> -> memref<1x128xi32, #tpu.memory_space<vmem>>
        %dma_start3A_148 = tpu.memref_squeeze %dma_start3A_147 : memref<1x128xi32, #tpu.memory_space<vmem>> -> memref<128xi32, #tpu.memory_space<vmem>>
        %dma_start3A_149 = arith.constant 0 : i32
        %dma_start3A_150 = arith.constant 0 : i32
        %dma_start3A_151 = tpu.memref_slice %arg4[%add3A_30, %dma_start3A_149, %dma_start3A_150] : memref<32x80x128xi32, #tpu.memory_space<hbm>> -> memref<1x80x128xi32, #tpu.memory_space<hbm>>
        %dma_start3A_152 = tpu.memref_squeeze %dma_start3A_151 : memref<1x80x128xi32, #tpu.memory_space<hbm>> -> memref<80x128xi32, #tpu.memory_space<hbm>>
        %dma_start3A_153 = arith.constant 0 : i32
        %dma_start3A_154 = tpu.memref_slice %dma_start3A_152[%add3A_144, %dma_start3A_153] : memref<80x128xi32, #tpu.memory_space<hbm>> -> memref<1x128xi32, #tpu.memory_space<hbm>>
        %dma_start3A_155 = tpu.memref_squeeze %dma_start3A_154 : memref<1x128xi32, #tpu.memory_space<hbm>> -> memref<128xi32, #tpu.memory_space<hbm>>
        %dma_start3A_156 = arith.constant 0 : i32
        %dma_start3A_157 = tpu.memref_slice %arg7[%dma_start3A_145, %dma_start3A_156] : memref<2x128xi32, #tpu.memory_space<vmem>> -> memref<1x128xi32, #tpu.memory_space<vmem>>
        %dma_start3A_158 = tpu.memref_squeeze %dma_start3A_157 : memref<1x128xi32, #tpu.memory_space<vmem>> -> memref<128xi32, #tpu.memory_space<vmem>>
        %dma_start3A_159 = arith.constant 0 : i32
        %dma_start3A_160 = arith.constant 0 : i32
        %dma_start3A_161 = tpu.memref_slice %arg4[%add3A_30, %dma_start3A_159, %dma_start3A_160] : memref<32x80x128xi32, #tpu.memory_space<hbm>> -> memref<1x80x128xi32, #tpu.memory_space<hbm>>
        %dma_start3A_162 = tpu.memref_squeeze %dma_start3A_161 : memref<1x80x128xi32, #tpu.memory_space<hbm>> -> memref<80x128xi32, #tpu.memory_space<hbm>>
        %dma_start3A_163 = arith.constant 0 : i32
        %dma_start3A_164 = tpu.memref_slice %dma_start3A_162[%add3A_144, %dma_start3A_163] : memref<80x128xi32, #tpu.memory_space<hbm>> -> memref<1x128xi32, #tpu.memory_space<hbm>>
        %dma_start3A_165 = tpu.memref_squeeze %dma_start3A_164 : memref<1x128xi32, #tpu.memory_space<hbm>> -> memref<128xi32, #tpu.memory_space<hbm>>
        tpu.enqueue_dma source(%dma_start3A_165 : memref<128xi32, #tpu.memory_space<hbm>>) target(%dma_start3A_158 : memref<128xi32, #tpu.memory_space<vmem>>) target_semaphore(%arg14 : memref<!tpu.dma_semaphore, #tpu.memory_space<semaphore_mem>>)
        %dma_wait3A_166 = arith.constant 0 : i32
        %dma_wait3A_167 = arith.constant 0 : i32
        %dma_wait3A_168 = arith.constant 0 : i32
        %dma_wait3A_169 = tpu.memref_slice %arg6[%dma_wait3A_167, %dma_wait3A_168] : memref<2x128xi32, #tpu.memory_space<vmem>> -> memref<1x128xi32, #tpu.memory_space<vmem>>
        %dma_wait3A_170 = tpu.memref_squeeze %dma_wait3A_169 : memref<1x128xi32, #tpu.memory_space<vmem>> -> memref<128xi32, #tpu.memory_space<vmem>>
        %dma_wait3A_171 = arith.constant 0 : i32
        %dma_wait3A_172 = arith.constant 0 : i32
        %dma_wait3A_173 = tpu.memref_slice %arg3[%add3A_30, %dma_wait3A_171, %dma_wait3A_172] : memref<32x80x128xi32, #tpu.memory_space<hbm>> -> memref<1x80x128xi32, #tpu.memory_space<hbm>>
        %dma_wait3A_174 = tpu.memref_squeeze %dma_wait3A_173 : memref<1x80x128xi32, #tpu.memory_space<hbm>> -> memref<80x128xi32, #tpu.memory_space<hbm>>
        %dma_wait3A_175 = arith.constant 0 : i32
        %dma_wait3A_176 = tpu.memref_slice %dma_wait3A_174[%dma_wait3A_166, %dma_wait3A_175] : memref<80x128xi32, #tpu.memory_space<hbm>> -> memref<1x128xi32, #tpu.memory_space<hbm>>
        %dma_wait3A_177 = tpu.memref_squeeze %dma_wait3A_176 : memref<1x128xi32, #tpu.memory_space<hbm>> -> memref<128xi32, #tpu.memory_space<hbm>>
        %dma_wait3A_178 = arith.constant 0 : i32
        %dma_wait3A_179 = tpu.memref_slice %arg6[%dma_wait3A_167, %dma_wait3A_178] : memref<2x128xi32, #tpu.memory_space<vmem>> -> memref<1x128xi32, #tpu.memory_space<vmem>>
        %dma_wait3A_180 = tpu.memref_squeeze %dma_wait3A_179 : memref<1x128xi32, #tpu.memory_space<vmem>> -> memref<128xi32, #tpu.memory_space<vmem>>
        %dma_wait3A_181 = arith.constant 0 : i32
        %dma_wait3A_182 = arith.constant 0 : i32
        %dma_wait3A_183 = tpu.memref_slice %arg3[%add3A_30, %dma_wait3A_181, %dma_wait3A_182] : memref<32x80x128xi32, #tpu.memory_space<hbm>> -> memref<1x80x128xi32, #tpu.memory_space<hbm>>
        %dma_wait3A_184 = tpu.memref_squeeze %dma_wait3A_183 : memref<1x80x128xi32, #tpu.memory_space<hbm>> -> memref<80x128xi32, #tpu.memory_space<hbm>>
        %dma_wait3A_185 = arith.constant 0 : i32
        %dma_wait3A_186 = tpu.memref_slice %dma_wait3A_184[%dma_wait3A_166, %dma_wait3A_185] : memref<80x128xi32, #tpu.memory_space<hbm>> -> memref<1x128xi32, #tpu.memory_space<hbm>>
        %dma_wait3A_187 = tpu.memref_squeeze %dma_wait3A_186 : memref<1x128xi32, #tpu.memory_space<hbm>> -> memref<128xi32, #tpu.memory_space<hbm>>
        tpu.wait_dma2 semaphore(%arg12 : memref<!tpu.dma_semaphore, #tpu.memory_space<semaphore_mem>>) src(%dma_wait3A_187 : memref<128xi32, #tpu.memory_space<hbm>>) dst(%dma_wait3A_180 : memref<128xi32, #tpu.memory_space<vmem>>)
        %dma_start3A_188 = arith.constant 0 : i32
        %dma_start3A_189 = arith.constant 0 : i32
        %dma_start3A_190 = arith.constant 0 : i32
        %dma_start3A_191 = arith.constant 0 : i32
        %dma_start3A_192 = tpu.memref_slice %arg8[%dma_start3A_189, %dma_start3A_190, %dma_start3A_191] : memref<2x128x128xf32, #tpu.memory_space<vmem>> -> memref<1x128x128xf32, #tpu.memory_space<vmem>>
        %dma_start3A_193 = tpu.memref_squeeze %dma_start3A_192 : memref<1x128x128xf32, #tpu.memory_space<vmem>> -> memref<128x128xf32, #tpu.memory_space<vmem>>
        %dma_start3A_194 = arith.constant 0 : i32
        %dma_start3A_195 = tpu.memref_slice %arg6[%dma_start3A_188, %dma_start3A_194] : memref<2x128xi32, #tpu.memory_space<vmem>> -> memref<1x128xi32, #tpu.memory_space<vmem>>
        %dma_start3A_196 = tpu.memref_squeeze %dma_start3A_195 : memref<1x128xi32, #tpu.memory_space<vmem>> -> memref<128xi32, #tpu.memory_space<vmem>>
        %dma_start3A_197 = arith.constant 0 : i32
        %dma_start3A_198 = arith.constant 0 : i32
        %dma_start3A_199 = tpu.memref_slice %arg2[%dma_start3A_197, %dma_start3A_198] : memref<10240x128xf32, #tpu.memory_space<hbm>> -> memref<10240x128xf32, #tpu.memory_space<hbm>>
        tpu.enqueue_indirect_dma source(%dma_start3A_199 : memref<10240x128xf32, #tpu.memory_space<hbm>>) target(%dma_start3A_193 : memref<128x128xf32, #tpu.memory_space<vmem>>) offsets(%dma_start3A_196 : memref<128xi32, #tpu.memory_space<vmem>>) semaphore(%arg10 : memref<!tpu.dma_semaphore, #tpu.memory_space<semaphore_mem>>)
      } else {
      }
      %mul3A_106 = arith.constant 2 : i32
      %mul3A_107 = arith.muli %scan3A_73, %mul3A_106 : i32
      %add3A_108 = arith.constant 1 : i32
      %add3A_109 = arith.addi %mul3A_107, %add3A_108 : i32
      %dma_wait3A_110 = arith.constant 1 : i32
      %dma_wait3A_111 = arith.constant 1 : i32
      %dma_wait3A_112 = arith.constant 0 : i32
      %dma_wait3A_113 = arith.constant 0 : i32
      %dma_wait3A_114 = tpu.memref_slice %arg8[%dma_wait3A_111, %dma_wait3A_112, %dma_wait3A_113] : memref<2x128x128xf32, #tpu.memory_space<vmem>> -> memref<1x128x128xf32, #tpu.memory_space<vmem>>
      %dma_wait3A_115 = tpu.memref_squeeze %dma_wait3A_114 : memref<1x128x128xf32, #tpu.memory_space<vmem>> -> memref<128x128xf32, #tpu.memory_space<vmem>>
      %dma_wait3A_116 = arith.constant 0 : i32
      %dma_wait3A_117 = tpu.memref_slice %arg6[%dma_wait3A_110, %dma_wait3A_116] : memref<2x128xi32, #tpu.memory_space<vmem>> -> memref<1x128xi32, #tpu.memory_space<vmem>>
      %dma_wait3A_118 = tpu.memref_squeeze %dma_wait3A_117 : memref<1x128xi32, #tpu.memory_space<vmem>> -> memref<128xi32, #tpu.memory_space<vmem>>
      %dma_wait3A_119 = arith.constant 0 : i32
      %dma_wait3A_120 = arith.constant 0 : i32
      %dma_wait3A_121 = tpu.memref_slice %arg2[%dma_wait3A_119, %dma_wait3A_120] : memref<10240x128xf32, #tpu.memory_space<hbm>> -> memref<10240x128xf32, #tpu.memory_space<hbm>>
      tpu.wait_indirect_dma semaphore(%arg11 : memref<!tpu.dma_semaphore, #tpu.memory_space<semaphore_mem>>) src(%dma_wait3A_121 : memref<10240x128xf32, #tpu.memory_space<hbm>>) dst(%dma_wait3A_115 : memref<128x128xf32, #tpu.memory_space<vmem>>)
      %add3A_122 = arith.constant 2 : i32
      %add3A_123 = arith.addi %add3A_109, %add3A_122 : i32
      %lt3A_124 = arith.constant 80 : i32
      %lt3A_125 = arith.cmpi slt, %add3A_123, %lt3A_124 : i32
      %convert_element_type3A_126 = arith.extui %lt3A_125 : i1 to i32
      %cond3A_127 = arith.constant 0 : i32
      %cond3A_128 = arith.cmpi ne, %convert_element_type3A_126, %cond3A_127 : i32
      scf.if %cond3A_128 {
        %add3A_143 = arith.constant 2 : i32
        %add3A_144 = arith.addi %add3A_109, %add3A_143 : i32
        %dma_start3A_145 = arith.constant 1 : i32
        %dma_start3A_146 = arith.constant 0 : i32
        %dma_start3A_147 = tpu.memref_slice %arg6[%dma_start3A_145, %dma_start3A_146] : memref<2x128xi32, #tpu.memory_space<vmem>> -> memref<1x128xi32, #tpu.memory_space<vmem>>
        %dma_start3A_148 = tpu.memref_squeeze %dma_start3A_147 : memref<1x128xi32, #tpu.memory_space<vmem>> -> memref<128xi32, #tpu.memory_space<vmem>>
        %dma_start3A_149 = arith.constant 0 : i32
        %dma_start3A_150 = arith.constant 0 : i32
        %dma_start3A_151 = tpu.memref_slice %arg3[%add3A_30, %dma_start3A_149, %dma_start3A_150] : memref<32x80x128xi32, #tpu.memory_space<hbm>> -> memref<1x80x128xi32, #tpu.memory_space<hbm>>
        %dma_start3A_152 = tpu.memref_squeeze %dma_start3A_151 : memref<1x80x128xi32, #tpu.memory_space<hbm>> -> memref<80x128xi32, #tpu.memory_space<hbm>>
        %dma_start3A_153 = arith.constant 0 : i32
        %dma_start3A_154 = tpu.memref_slice %dma_start3A_152[%add3A_144, %dma_start3A_153] : memref<80x128xi32, #tpu.memory_space<hbm>> -> memref<1x128xi32, #tpu.memory_space<hbm>>
        %dma_start3A_155 = tpu.memref_squeeze %dma_start3A_154 : memref<1x128xi32, #tpu.memory_space<hbm>> -> memref<128xi32, #tpu.memory_space<hbm>>
        %dma_start3A_156 = arith.constant 0 : i32
        %dma_start3A_157 = tpu.memref_slice %arg6[%dma_start3A_145, %dma_start3A_156] : memref<2x128xi32, #tpu.memory_space<vmem>> -> memref<1x128xi32, #tpu.memory_space<vmem>>
        %dma_start3A_158 = tpu.memref_squeeze %dma_start3A_157 : memref<1x128xi32, #tpu.memory_space<vmem>> -> memref<128xi32, #tpu.memory_space<vmem>>
        %dma_start3A_159 = arith.constant 0 : i32
        %dma_start3A_160 = arith.constant 0 : i32
        %dma_start3A_161 = tpu.memref_slice %arg3[%add3A_30, %dma_start3A_159, %dma_start3A_160] : memref<32x80x128xi32, #tpu.memory_space<hbm>> -> memref<1x80x128xi32, #tpu.memory_space<hbm>>
        %dma_start3A_162 = tpu.memref_squeeze %dma_start3A_161 : memref<1x80x128xi32, #tpu.memory_space<hbm>> -> memref<80x128xi32, #tpu.memory_space<hbm>>
        %dma_start3A_163 = arith.constant 0 : i32
        %dma_start3A_164 = tpu.memref_slice %dma_start3A_162[%add3A_144, %dma_start3A_163] : memref<80x128xi32, #tpu.memory_space<hbm>> -> memref<1x128xi32, #tpu.memory_space<hbm>>
        %dma_start3A_165 = tpu.memref_squeeze %dma_start3A_164 : memref<1x128xi32, #tpu.memory_space<hbm>> -> memref<128xi32, #tpu.memory_space<hbm>>
        tpu.enqueue_dma source(%dma_start3A_165 : memref<128xi32, #tpu.memory_space<hbm>>) target(%dma_start3A_158 : memref<128xi32, #tpu.memory_space<vmem>>) target_semaphore(%arg13 : memref<!tpu.dma_semaphore, #tpu.memory_space<semaphore_mem>>)
      } else {
      }
      %ge3A_129 = arith.constant 2 : i32
      %ge3A_130 = arith.cmpi sge, %add3A_109, %ge3A_129 : i32
      %convert_element_type3A_131 = arith.extui %ge3A_130 : i1 to i32
      %cond3A_132 = arith.constant 0 : i32
      %cond3A_133 = arith.cmpi ne, %convert_element_type3A_131, %cond3A_132 : i32
      scf.if %cond3A_133 {
        %dma_wait3A_143 = arith.constant 0 : i32
        %dma_wait3A_144 = arith.constant 1 : i32
        %dma_wait3A_145 = arith.constant 0 : i32
        %dma_wait3A_146 = tpu.memref_slice %arg7[%dma_wait3A_144, %dma_wait3A_145] : memref<2x128xi32, #tpu.memory_space<vmem>> -> memref<1x128xi32, #tpu.memory_space<vmem>>
        %dma_wait3A_147 = tpu.memref_squeeze %dma_wait3A_146 : memref<1x128xi32, #tpu.memory_space<vmem>> -> memref<128xi32, #tpu.memory_space<vmem>>
        %dma_wait3A_148 = arith.constant 0 : i32
        %dma_wait3A_149 = arith.constant 0 : i32
        %dma_wait3A_150 = tpu.memref_slice %arg4[%add3A_30, %dma_wait3A_148, %dma_wait3A_149] : memref<32x80x128xi32, #tpu.memory_space<hbm>> -> memref<1x80x128xi32, #tpu.memory_space<hbm>>
        %dma_wait3A_151 = tpu.memref_squeeze %dma_wait3A_150 : memref<1x80x128xi32, #tpu.memory_space<hbm>> -> memref<80x128xi32, #tpu.memory_space<hbm>>
        %dma_wait3A_152 = arith.constant 0 : i32
        %dma_wait3A_153 = tpu.memref_slice %dma_wait3A_151[%dma_wait3A_143, %dma_wait3A_152] : memref<80x128xi32, #tpu.memory_space<hbm>> -> memref<1x128xi32, #tpu.memory_space<hbm>>
        %dma_wait3A_154 = tpu.memref_squeeze %dma_wait3A_153 : memref<1x128xi32, #tpu.memory_space<hbm>> -> memref<128xi32, #tpu.memory_space<hbm>>
        %dma_wait3A_155 = arith.constant 0 : i32
        %dma_wait3A_156 = tpu.memref_slice %arg7[%dma_wait3A_144, %dma_wait3A_155] : memref<2x128xi32, #tpu.memory_space<vmem>> -> memref<1x128xi32, #tpu.memory_space<vmem>>
        %dma_wait3A_157 = tpu.memref_squeeze %dma_wait3A_156 : memref<1x128xi32, #tpu.memory_space<vmem>> -> memref<128xi32, #tpu.memory_space<vmem>>
        %dma_wait3A_158 = arith.constant 0 : i32
        %dma_wait3A_159 = arith.constant 0 : i32
        %dma_wait3A_160 = tpu.memref_slice %arg4[%add3A_30, %dma_wait3A_158, %dma_wait3A_159] : memref<32x80x128xi32, #tpu.memory_space<hbm>> -> memref<1x80x128xi32, #tpu.memory_space<hbm>>
        %dma_wait3A_161 = tpu.memref_squeeze %dma_wait3A_160 : memref<1x80x128xi32, #tpu.memory_space<hbm>> -> memref<80x128xi32, #tpu.memory_space<hbm>>
        %dma_wait3A_162 = arith.constant 0 : i32
        %dma_wait3A_163 = tpu.memref_slice %dma_wait3A_161[%dma_wait3A_143, %dma_wait3A_162] : memref<80x128xi32, #tpu.memory_space<hbm>> -> memref<1x128xi32, #tpu.memory_space<hbm>>
        %dma_wait3A_164 = tpu.memref_squeeze %dma_wait3A_163 : memref<1x128xi32, #tpu.memory_space<hbm>> -> memref<128xi32, #tpu.memory_space<hbm>>
        tpu.wait_dma2 semaphore(%arg15 : memref<!tpu.dma_semaphore, #tpu.memory_space<semaphore_mem>>) src(%dma_wait3A_164 : memref<128xi32, #tpu.memory_space<hbm>>) dst(%dma_wait3A_157 : memref<128xi32, #tpu.memory_space<vmem>>)
      } else {
      }
      %run_scoped3A_134 = arith.constant 1 : i32
      %run_scoped3A_135 = arith.constant 1 : i32
      "tpu.region"() ({
        %run_scoped3A_143 = tpu.sem_alloc : memref<!tpu.dma_semaphore, #tpu.memory_space<semaphore_mem>>
        %dma_start3A_144 = arith.constant 0 : i32
        %dma_start3A_145 = arith.constant 0 : i32
        %dma_start3A_146 = tpu.memref_slice %arg8[%run_scoped3A_134, %dma_start3A_144, %dma_start3A_145] : memref<2x128x128xf32, #tpu.memory_space<vmem>> -> memref<1x128x128xf32, #tpu.memory_space<vmem>>
        %dma_start3A_147 = tpu.memref_squeeze %dma_start3A_146 : memref<1x128x128xf32, #tpu.memory_space<vmem>> -> memref<128x128xf32, #tpu.memory_space<vmem>>
        %dma_start3A_148 = arith.constant 0 : i32
        %dma_start3A_149 = tpu.memref_slice %arg7[%run_scoped3A_135, %dma_start3A_148] : memref<2x128xi32, #tpu.memory_space<vmem>> -> memref<1x128xi32, #tpu.memory_space<vmem>>
        %dma_start3A_150 = tpu.memref_squeeze %dma_start3A_149 : memref<1x128xi32, #tpu.memory_space<vmem>> -> memref<128xi32, #tpu.memory_space<vmem>>
        %dma_start3A_151 = arith.constant 0 : i32
        %dma_start3A_152 = arith.constant 0 : i32
        %dma_start3A_153 = tpu.memref_slice %arg9[%dma_start3A_151, %dma_start3A_152] : memref<10240x128xf32, #tpu.memory_space<vmem_shared>> -> memref<10240x128xf32, #tpu.memory_space<vmem_shared>>
        tpu.enqueue_indirect_dma source(%dma_start3A_147 : memref<128x128xf32, #tpu.memory_space<vmem>>) target(%dma_start3A_153 : memref<10240x128xf32, #tpu.memory_space<vmem_shared>>) offsets(%dma_start3A_150 : memref<128xi32, #tpu.memory_space<vmem>>) semaphore(%run_scoped3A_143 : memref<!tpu.dma_semaphore, #tpu.memory_space<semaphore_mem>>) {add = true}
        %dma_wait3A_154 = arith.constant 0 : i32
        %dma_wait3A_155 = arith.constant 0 : i32
        %dma_wait3A_156 = tpu.memref_slice %arg8[%run_scoped3A_134, %dma_wait3A_154, %dma_wait3A_155] : memref<2x128x128xf32, #tpu.memory_space<vmem>> -> memref<1x128x128xf32, #tpu.memory_space<vmem>>
        %dma_wait3A_157 = tpu.memref_squeeze %dma_wait3A_156 : memref<1x128x128xf32, #tpu.memory_space<vmem>> -> memref<128x128xf32, #tpu.memory_space<vmem>>
        %dma_wait3A_158 = arith.constant 0 : i32
        %dma_wait3A_159 = tpu.memref_slice %arg7[%run_scoped3A_135, %dma_wait3A_158] : memref<2x128xi32, #tpu.memory_space<vmem>> -> memref<1x128xi32, #tpu.memory_space<vmem>>
        %dma_wait3A_160 = tpu.memref_squeeze %dma_wait3A_159 : memref<1x128xi32, #tpu.memory_space<vmem>> -> memref<128xi32, #tpu.memory_space<vmem>>
        %dma_wait3A_161 = arith.constant 0 : i32
        %dma_wait3A_162 = arith.constant 0 : i32
        %dma_wait3A_163 = tpu.memref_slice %arg9[%dma_wait3A_161, %dma_wait3A_162] : memref<10240x128xf32, #tpu.memory_space<vmem_shared>> -> memref<10240x128xf32, #tpu.memory_space<vmem_shared>>
        tpu.wait_indirect_dma semaphore(%run_scoped3A_143 : memref<!tpu.dma_semaphore, #tpu.memory_space<semaphore_mem>>) src(%dma_wait3A_157 : memref<128x128xf32, #tpu.memory_space<vmem>>) dst(%dma_wait3A_163 : memref<10240x128xf32, #tpu.memory_space<vmem_shared>>)
        tpu.yield
      }) : () -> ()
      %add3A_136 = arith.constant 2 : i32
      %add3A_137 = arith.addi %add3A_109, %add3A_136 : i32
      %lt3A_138 = arith.constant 80 : i32
      %lt3A_139 = arith.cmpi slt, %add3A_137, %lt3A_138 : i32
      %convert_element_type3A_140 = arith.extui %lt3A_139 : i1 to i32
      %cond3A_141 = arith.constant 0 : i32
      %cond3A_142 = arith.cmpi ne, %convert_element_type3A_140, %cond3A_141 : i32
      scf.if %cond3A_142 {
        %add3A_143 = arith.constant 2 : i32
        %add3A_144 = arith.addi %add3A_109, %add3A_143 : i32
        %dma_start3A_145 = arith.constant 1 : i32
        %dma_start3A_146 = arith.constant 0 : i32
        %dma_start3A_147 = tpu.memref_slice %arg7[%dma_start3A_145, %dma_start3A_146] : memref<2x128xi32, #tpu.memory_space<vmem>> -> memref<1x128xi32, #tpu.memory_space<vmem>>
        %dma_start3A_148 = tpu.memref_squeeze %dma_start3A_147 : memref<1x128xi32, #tpu.memory_space<vmem>> -> memref<128xi32, #tpu.memory_space<vmem>>
        %dma_start3A_149 = arith.constant 0 : i32
        %dma_start3A_150 = arith.constant 0 : i32
        %dma_start3A_151 = tpu.memref_slice %arg4[%add3A_30, %dma_start3A_149, %dma_start3A_150] : memref<32x80x128xi32, #tpu.memory_space<hbm>> -> memref<1x80x128xi32, #tpu.memory_space<hbm>>
        %dma_start3A_152 = tpu.memref_squeeze %dma_start3A_151 : memref<1x80x128xi32, #tpu.memory_space<hbm>> -> memref<80x128xi32, #tpu.memory_space<hbm>>
        %dma_start3A_153 = arith.constant 0 : i32
        %dma_start3A_154 = tpu.memref_slice %dma_start3A_152[%add3A_144, %dma_start3A_153] : memref<80x128xi32, #tpu.memory_space<hbm>> -> memref<1x128xi32, #tpu.memory_space<hbm>>
        %dma_start3A_155 = tpu.memref_squeeze %dma_start3A_154 : memref<1x128xi32, #tpu.memory_space<hbm>> -> memref<128xi32, #tpu.memory_space<hbm>>
        %dma_start3A_156 = arith.constant 0 : i32
        %dma_start3A_157 = tpu.memref_slice %arg7[%dma_start3A_145, %dma_start3A_156] : memref<2x128xi32, #tpu.memory_space<vmem>> -> memref<1x128xi32, #tpu.memory_space<vmem>>
        %dma_start3A_158 = tpu.memref_squeeze %dma_start3A_157 : memref<1x128xi32, #tpu.memory_space<vmem>> -> memref<128xi32, #tpu.memory_space<vmem>>
        %dma_start3A_159 = arith.constant 0 : i32
        %dma_start3A_160 = arith.constant 0 : i32
        %dma_start3A_161 = tpu.memref_slice %arg4[%add3A_30, %dma_start3A_159, %dma_start3A_160] : memref<32x80x128xi32, #tpu.memory_space<hbm>> -> memref<1x80x128xi32, #tpu.memory_space<hbm>>
        %dma_start3A_162 = tpu.memref_squeeze %dma_start3A_161 : memref<1x80x128xi32, #tpu.memory_space<hbm>> -> memref<80x128xi32, #tpu.memory_space<hbm>>
        %dma_start3A_163 = arith.constant 0 : i32
        %dma_start3A_164 = tpu.memref_slice %dma_start3A_162[%add3A_144, %dma_start3A_163] : memref<80x128xi32, #tpu.memory_space<hbm>> -> memref<1x128xi32, #tpu.memory_space<hbm>>
        %dma_start3A_165 = tpu.memref_squeeze %dma_start3A_164 : memref<1x128xi32, #tpu.memory_space<hbm>> -> memref<128xi32, #tpu.memory_space<hbm>>
        tpu.enqueue_dma source(%dma_start3A_165 : memref<128xi32, #tpu.memory_space<hbm>>) target(%dma_start3A_158 : memref<128xi32, #tpu.memory_space<vmem>>) target_semaphore(%arg15 : memref<!tpu.dma_semaphore, #tpu.memory_space<semaphore_mem>>)
        %dma_wait3A_166 = arith.constant 0 : i32
        %dma_wait3A_167 = arith.constant 1 : i32
        %dma_wait3A_168 = arith.constant 0 : i32
        %dma_wait3A_169 = tpu.memref_slice %arg6[%dma_wait3A_167, %dma_wait3A_168] : memref<2x128xi32, #tpu.memory_space<vmem>> -> memref<1x128xi32, #tpu.memory_space<vmem>>
        %dma_wait3A_170 = tpu.memref_squeeze %dma_wait3A_169 : memref<1x128xi32, #tpu.memory_space<vmem>> -> memref<128xi32, #tpu.memory_space<vmem>>
        %dma_wait3A_171 = arith.constant 0 : i32
        %dma_wait3A_172 = arith.constant 0 : i32
        %dma_wait3A_173 = tpu.memref_slice %arg3[%add3A_30, %dma_wait3A_171, %dma_wait3A_172] : memref<32x80x128xi32, #tpu.memory_space<hbm>> -> memref<1x80x128xi32, #tpu.memory_space<hbm>>
        %dma_wait3A_174 = tpu.memref_squeeze %dma_wait3A_173 : memref<1x80x128xi32, #tpu.memory_space<hbm>> -> memref<80x128xi32, #tpu.memory_space<hbm>>
        %dma_wait3A_175 = arith.constant 0 : i32
        %dma_wait3A_176 = tpu.memref_slice %dma_wait3A_174[%dma_wait3A_166, %dma_wait3A_175] : memref<80x128xi32, #tpu.memory_space<hbm>> -> memref<1x128xi32, #tpu.memory_space<hbm>>
        %dma_wait3A_177 = tpu.memref_squeeze %dma_wait3A_176 : memref<1x128xi32, #tpu.memory_space<hbm>> -> memref<128xi32, #tpu.memory_space<hbm>>
        %dma_wait3A_178 = arith.constant 0 : i32
        %dma_wait3A_179 = tpu.memref_slice %arg6[%dma_wait3A_167, %dma_wait3A_178] : memref<2x128xi32, #tpu.memory_space<vmem>> -> memref<1x128xi32, #tpu.memory_space<vmem>>
        %dma_wait3A_180 = tpu.memref_squeeze %dma_wait3A_179 : memref<1x128xi32, #tpu.memory_space<vmem>> -> memref<128xi32, #tpu.memory_space<vmem>>
        %dma_wait3A_181 = arith.constant 0 : i32
        %dma_wait3A_182 = arith.constant 0 : i32
        %dma_wait3A_183 = tpu.memref_slice %arg3[%add3A_30, %dma_wait3A_181, %dma_wait3A_182] : memref<32x80x128xi32, #tpu.memory_space<hbm>> -> memref<1x80x128xi32, #tpu.memory_space<hbm>>
        %dma_wait3A_184 = tpu.memref_squeeze %dma_wait3A_183 : memref<1x80x128xi32, #tpu.memory_space<hbm>> -> memref<80x128xi32, #tpu.memory_space<hbm>>
        %dma_wait3A_185 = arith.constant 0 : i32
        %dma_wait3A_186 = tpu.memref_slice %dma_wait3A_184[%dma_wait3A_166, %dma_wait3A_185] : memref<80x128xi32, #tpu.memory_space<hbm>> -> memref<1x128xi32, #tpu.memory_space<hbm>>
        %dma_wait3A_187 = tpu.memref_squeeze %dma_wait3A_186 : memref<1x128xi32, #tpu.memory_space<hbm>> -> memref<128xi32, #tpu.memory_space<hbm>>
        tpu.wait_dma2 semaphore(%arg13 : memref<!tpu.dma_semaphore, #tpu.memory_space<semaphore_mem>>) src(%dma_wait3A_187 : memref<128xi32, #tpu.memory_space<hbm>>) dst(%dma_wait3A_180 : memref<128xi32, #tpu.memory_space<vmem>>)
        %dma_start3A_188 = arith.constant 1 : i32
        %dma_start3A_189 = arith.constant 1 : i32
        %dma_start3A_190 = arith.constant 0 : i32
        %dma_start3A_191 = arith.constant 0 : i32
        %dma_start3A_192 = tpu.memref_slice %arg8[%dma_start3A_189, %dma_start3A_190, %dma_start3A_191] : memref<2x128x128xf32, #tpu.memory_space<vmem>> -> memref<1x128x128xf32, #tpu.memory_space<vmem>>
        %dma_start3A_193 = tpu.memref_squeeze %dma_start3A_192 : memref<1x128x128xf32, #tpu.memory_space<vmem>> -> memref<128x128xf32, #tpu.memory_space<vmem>>
        %dma_start3A_194 = arith.constant 0 : i32
        %dma_start3A_195 = tpu.memref_slice %arg6[%dma_start3A_188, %dma_start3A_194] : memref<2x128xi32, #tpu.memory_space<vmem>> -> memref<1x128xi32, #tpu.memory_space<vmem>>
        %dma_start3A_196 = tpu.memref_squeeze %dma_start3A_195 : memref<1x128xi32, #tpu.memory_space<vmem>> -> memref<128xi32, #tpu.memory_space<vmem>>
        %dma_start3A_197 = arith.constant 0 : i32
        %dma_start3A_198 = arith.constant 0 : i32
        %dma_start3A_199 = tpu.memref_slice %arg2[%dma_start3A_197, %dma_start3A_198] : memref<10240x128xf32, #tpu.memory_space<hbm>> -> memref<10240x128xf32, #tpu.memory_space<hbm>>
        tpu.enqueue_indirect_dma source(%dma_start3A_199 : memref<10240x128xf32, #tpu.memory_space<hbm>>) target(%dma_start3A_193 : memref<128x128xf32, #tpu.memory_space<vmem>>) offsets(%dma_start3A_196 : memref<128xi32, #tpu.memory_space<vmem>>) semaphore(%arg11 : memref<!tpu.dma_semaphore, #tpu.memory_space<semaphore_mem>>)
      } else {
      }
    }
    %scan3A_67 = arith.constant 40 : i32
    %barrier3A_68 = arith.constant 0 : index
    tpu.barrier barrier_id(%barrier3A_68)
    %mul3A_69 = arith.constant 640 : i32
    %mul3A_70 = arith.muli %arg1, %mul3A_69 : i32
    %mul3A_71 = arith.constant 640 : i32
    %mul3A_72 = arith.muli %arg1, %mul3A_71 : i32
    "tpu.region"() ({
      %run_scoped3A_73 = tpu.sem_alloc : memref<!tpu.dma_semaphore, #tpu.memory_space<semaphore_mem>>
      %dma_start3A_74 = arith.constant 0 : i32
      %dma_start3A_75 = arith.constant 0 : i32
      %dma_start3A_76 = tpu.memref_slice %arg5[%arg0, %dma_start3A_74, %dma_start3A_75] : memref<2x10240x128xf32, #tpu.memory_space<hbm>> -> memref<1x10240x128xf32, #tpu.memory_space<hbm>>
      %dma_start3A_77 = tpu.memref_squeeze %dma_start3A_76 : memref<1x10240x128xf32, #tpu.memory_space<hbm>> -> memref<10240x128xf32, #tpu.memory_space<hbm>>
      %dma_start3A_78 = arith.constant 0 : i32
      %dma_start3A_79 = tpu.memref_slice %dma_start3A_77[%mul3A_72, %dma_start3A_78] : memref<10240x128xf32, #tpu.memory_space<hbm>> -> memref<640x128xf32, #tpu.memory_space<hbm>>
      %dma_start3A_80 = arith.constant 0 : i32
      %dma_start3A_81 = tpu.memref_slice %arg9[%mul3A_70, %dma_start3A_80] : memref<10240x128xf32, #tpu.memory_space<vmem_shared>> -> memref<640x128xf32, #tpu.memory_space<vmem_shared>>
      tpu.enqueue_dma source(%dma_start3A_81 : memref<640x128xf32, #tpu.memory_space<vmem_shared>>) target(%dma_start3A_79 : memref<640x128xf32, #tpu.memory_space<hbm>>) target_semaphore(%run_scoped3A_73 : memref<!tpu.dma_semaphore, #tpu.memory_space<semaphore_mem>>)
      %dma_wait3A = arith.constant 0 : i32
      %dma_wait3A_82 = arith.constant 0 : i32
      %dma_wait3A_83 = tpu.memref_slice %arg5[%arg0, %dma_wait3A, %dma_wait3A_82] : memref<2x10240x128xf32, #tpu.memory_space<hbm>> -> memref<1x10240x128xf32, #tpu.memory_space<hbm>>
      %dma_wait3A_84 = tpu.memref_squeeze %dma_wait3A_83 : memref<1x10240x128xf32, #tpu.memory_space<hbm>> -> memref<10240x128xf32, #tpu.memory_space<hbm>>
      %dma_wait3A_85 = arith.constant 0 : i32
      %dma_wait3A_86 = tpu.memref_slice %dma_wait3A_84[%mul3A_72, %dma_wait3A_85] : memref<10240x128xf32, #tpu.memory_space<hbm>> -> memref<640x128xf32, #tpu.memory_space<hbm>>
      %dma_wait3A_87 = arith.constant 0 : i32
      %dma_wait3A_88 = tpu.memref_slice %arg9[%mul3A_70, %dma_wait3A_87] : memref<10240x128xf32, #tpu.memory_space<vmem_shared>> -> memref<640x128xf32, #tpu.memory_space<vmem_shared>>
      tpu.wait_dma2 semaphore(%run_scoped3A_73 : memref<!tpu.dma_semaphore, #tpu.memory_space<semaphore_mem>>) src(%dma_wait3A_88 : memref<640x128xf32, #tpu.memory_space<vmem_shared>>) dst(%dma_wait3A_86 : memref<640x128xf32, #tpu.memory_space<hbm>>)
      tpu.yield
    }) : () -> ()
    return
  }
}

#map = affine_map<(d0, d1) -> (0, 0)>
#map1 = affine_map<(d0, d1) -> (0, 0, 0)>
module attributes {stable_mosaic.version = 14 : i64} {
  func.func @body(%arg0: i32, %arg1: i32, %arg2: memref<10240x128xf32, #tpu.memory_space<hbm>>, %arg3: memref<32x80x128xi32, #tpu.memory_space<hbm>>, %arg4: memref<32x80x128xi32, #tpu.memory_space<hbm>>, %arg5: memref<2x10240x128xf32, #tpu.memory_space<hbm>>, %arg6: memref<2x128xi32, #tpu.memory_space<vmem>>, %arg7: memref<2x128xi32, #tpu.memory_space<vmem>>, %arg8: memref<2x128x128xf32, #tpu.memory_space<vmem>>, %arg9: memref<10240x128xf32, #tpu.memory_space<vmem_shared>>, %arg10: memref<!tpu.dma_semaphore, #tpu.memory_space<semaphore_mem>>, %arg11: memref<!tpu.dma_semaphore, #tpu.memory_space<semaphore_mem>>, %arg12: memref<!tpu.dma_semaphore, #tpu.memory_space<semaphore_mem>>, %arg13: memref<!tpu.dma_semaphore, #tpu.memory_space<semaphore_mem>>, %arg14: memref<!tpu.dma_semaphore, #tpu.memory_space<semaphore_mem>>, %arg15: memref<!tpu.dma_semaphore, #tpu.memory_space<semaphore_mem>>) attributes {dimension_semantics = [#tpu.dimension_semantics<core_parallel>, #tpu.dimension_semantics<subcore_parallel>], iteration_bounds = array<i64: 2, 16>, scalar_prefetch = 0 : i64, scratch_operands = 10 : i64, tpu.core_type = #tpu.core_type<sc_vector_subcore>, window_params = [{transform_indices = #map}, {transform_indices = #map1}, {transform_indices = #map1}, {transform_indices = #map1}]} {
    %broadcast_in_dim3A = arith.constant 0.000000e+00 : f32
    %broadcast_in_dim3A_0 = vector.broadcast %broadcast_in_dim3A : f32 to vector<16xf32>
    %scan3A = arith.constant 0 : i32
    %scan3A_1 = arith.constant 0 : i32
    %scan3A_2 = arith.constant 128 : i32
    %scan3A_3 = arith.addi %scan3A_1, %scan3A_2 : i32
    %scan3A_4 = arith.constant 1 : i32
    scf.for %scan3A_73 = %scan3A_1 to %scan3A_3 step %scan3A_4  : i32 {
      %swap3A = arith.constant 0 : i32
      %swap3A_74 = arith.index_cast %swap3A : i32 to index
      %swap3A_75 = arith.index_cast %scan3A_73 : i32 to index
      %swap3A_76 = arith.constant 0 : index
      %swap3A_77 = tpu.vector_load %arg8[%swap3A_74, %swap3A_75, %swap3A_76] {strides = array<i32>} : memref<2x128x128xf32, #tpu.memory_space<vmem>>, vector<1x1x16xf32>,
      %swap3A_78 = vector.shape_cast %swap3A_77 : vector<1x1x16xf32> to vector<16xf32>
      %swap3A_79 = vector.shape_cast %broadcast_in_dim3A_0 : vector<16xf32> to vector<1x1x16xf32>
      tpu.vector_store %arg8[%swap3A_74, %swap3A_75, %swap3A_76], %swap3A_79 {strides = array<i32>} : memref<2x128x128xf32, #tpu.memory_space<vmem>>, vector<1x1x16xf32>,
      %swap3A_80 = arith.constant 0 : i32
      %swap3A_81 = arith.index_cast %swap3A_80 : i32 to index
      %swap3A_82 = arith.index_cast %scan3A_73 : i32 to index
      %swap3A_83 = arith.constant 16 : index
      %swap3A_84 = tpu.vector_load %arg8[%swap3A_81, %swap3A_82, %swap3A_83] {strides = array<i32>} : memref<2x128x128xf32, #tpu.memory_space<vmem>>, vector<1x1x16xf32>,
      %swap3A_85 = vector.shape_cast %swap3A_84 : vector<1x1x16xf32> to vector<16xf32>
      %swap3A_86 = vector.shape_cast %broadcast_in_dim3A_0 : vector<16xf32> to vector<1x1x16xf32>
      tpu.vector_store %arg8[%swap3A_81, %swap3A_82, %swap3A_83], %swap3A_86 {strides = array<i32>} : memref<2x128x128xf32, #tpu.memory_space<vmem>>, vector<1x1x16xf32>,
      %swap3A_87 = arith.constant 0 : i32
      %swap3A_88 = arith.index_cast %swap3A_87 : i32 to index
      %swap3A_89 = arith.index_cast %scan3A_73 : i32 to index
      %swap3A_90 = arith.constant 32 : index
      %swap3A_91 = tpu.vector_load %arg8[%swap3A_88, %swap3A_89, %swap3A_90] {strides = array<i32>} : memref<2x128x128xf32, #tpu.memory_space<vmem>>, vector<1x1x16xf32>,
      %swap3A_92 = vector.shape_cast %swap3A_91 : vector<1x1x16xf32> to vector<16xf32>
      %swap3A_93 = vector.shape_cast %broadcast_in_dim3A_0 : vector<16xf32> to vector<1x1x16xf32>
      tpu.vector_store %arg8[%swap3A_88, %swap3A_89, %swap3A_90], %swap3A_93 {strides = array<i32>} : memref<2x128x128xf32, #tpu.memory_space<vmem>>, vector<1x1x16xf32>,
      %swap3A_94 = arith.constant 0 : i32
      %swap3A_95 = arith.index_cast %swap3A_94 : i32 to index
      %swap3A_96 = arith.index_cast %scan3A_73 : i32 to index
      %swap3A_97 = arith.constant 48 : index
      %swap3A_98 = tpu.vector_load %arg8[%swap3A_95, %swap3A_96, %swap3A_97] {strides = array<i32>} : memref<2x128x128xf32, #tpu.memory_space<vmem>>, vector<1x1x16xf32>,
      %swap3A_99 = vector.shape_cast %swap3A_98 : vector<1x1x16xf32> to vector<16xf32>
      %swap3A_100 = vector.shape_cast %broadcast_in_dim3A_0 : vector<16xf32> to vector<1x1x16xf32>
      tpu.vector_store %arg8[%swap3A_95, %swap3A_96, %swap3A_97], %swap3A_100 {strides = array<i32>} : memref<2x128x128xf32, #tpu.memory_space<vmem>>, vector<1x1x16xf32>,
      %swap3A_101 = arith.constant 0 : i32
      %swap3A_102 = arith.index_cast %swap3A_101 : i32 to index
      %swap3A_103 = arith.index_cast %scan3A_73 : i32 to index
      %swap3A_104 = arith.constant 64 : index
      %swap3A_105 = tpu.vector_load %arg8[%swap3A_102, %swap3A_103, %swap3A_104] {strides = array<i32>} : memref<2x128x128xf32, #tpu.memory_space<vmem>>, vector<1x1x16xf32>,
      %swap3A_106 = vector.shape_cast %swap3A_105 : vector<1x1x16xf32> to vector<16xf32>
      %swap3A_107 = vector.shape_cast %broadcast_in_dim3A_0 : vector<16xf32> to vector<1x1x16xf32>
      tpu.vector_store %arg8[%swap3A_102, %swap3A_103, %swap3A_104], %swap3A_107 {strides = array<i32>} : memref<2x128x128xf32, #tpu.memory_space<vmem>>, vector<1x1x16xf32>,
      %swap3A_108 = arith.constant 0 : i32
      %swap3A_109 = arith.index_cast %swap3A_108 : i32 to index
      %swap3A_110 = arith.index_cast %scan3A_73 : i32 to index
      %swap3A_111 = arith.constant 80 : index
      %swap3A_112 = tpu.vector_load %arg8[%swap3A_109, %swap3A_110, %swap3A_111] {strides = array<i32>} : memref<2x128x128xf32, #tpu.memory_space<vmem>>, vector<1x1x16xf32>,
      %swap3A_113 = vector.shape_cast %swap3A_112 : vector<1x1x16xf32> to vector<16xf32>
      %swap3A_114 = vector.shape_cast %broadcast_in_dim3A_0 : vector<16xf32> to vector<1x1x16xf32>
      tpu.vector_store %arg8[%swap3A_109, %swap3A_110, %swap3A_111], %swap3A_114 {strides = array<i32>} : memref<2x128x128xf32, #tpu.memory_space<vmem>>, vector<1x1x16xf32>,
      %swap3A_115 = arith.constant 0 : i32
      %swap3A_116 = arith.index_cast %swap3A_115 : i32 to index
      %swap3A_117 = arith.index_cast %scan3A_73 : i32 to index
      %swap3A_118 = arith.constant 96 : index
      %swap3A_119 = tpu.vector_load %arg8[%swap3A_116, %swap3A_117, %swap3A_118] {strides = array<i32>} : memref<2x128x128xf32, #tpu.memory_space<vmem>>, vector<1x1x16xf32>,
      %swap3A_120 = vector.shape_cast %swap3A_119 : vector<1x1x16xf32> to vector<16xf32>
      %swap3A_121 = vector.shape_cast %broadcast_in_dim3A_0 : vector<16xf32> to vector<1x1x16xf32>
      tpu.vector_store %arg8[%swap3A_116, %swap3A_117, %swap3A_118], %swap3A_121 {strides = array<i32>} : memref<2x128x128xf32, #tpu.memory_space<vmem>>, vector<1x1x16xf32>,
      %swap3A_122 = arith.constant 0 : i32
      %swap3A_123 = arith.index_cast %swap3A_122 : i32 to index
      %swap3A_124 = arith.index_cast %scan3A_73 : i32 to index
      %swap3A_125 = arith.constant 112 : index
      %swap3A_126 = tpu.vector_load %arg8[%swap3A_123, %swap3A_124, %swap3A_125] {strides = array<i32>} : memref<2x128x128xf32, #tpu.memory_space<vmem>>, vector<1x1x16xf32>,
      %swap3A_127 = vector.shape_cast %swap3A_126 : vector<1x1x16xf32> to vector<16xf32>
      %swap3A_128 = vector.shape_cast %broadcast_in_dim3A_0 : vector<16xf32> to vector<1x1x16xf32>
      tpu.vector_store %arg8[%swap3A_123, %swap3A_124, %swap3A_125], %swap3A_128 {strides = array<i32>} : memref<2x128x128xf32, #tpu.memory_space<vmem>>, vector<1x1x16xf32>,
    }
    %scan3A_5 = arith.constant 128 : i32
    %mul3A = arith.constant 640 : i32
    %mul3A_6 = arith.muli %arg1, %mul3A : i32
    %add3A = arith.constant 0 : i32
    %add3A_7 = arith.addi %mul3A_6, %add3A : i32
    %run_scoped3A = arith.constant 0 : i32
    "tpu.region"() ({
      %run_scoped3A_73 = tpu.sem_alloc : memref<!tpu.dma_semaphore, #tpu.memory_space<semaphore_mem>>
      %dma_start3A_74 = arith.constant 0 : i32
      %dma_start3A_75 = arith.constant 0 : i32
      %dma_start3A_76 = tpu.memref_slice %arg8[%run_scoped3A, %dma_start3A_74, %dma_start3A_75] : memref<2x128x128xf32, #tpu.memory_space<vmem>> -> memref<1x128x128xf32, #tpu.memory_space<vmem>>
      %dma_start3A_77 = tpu.memref_squeeze %dma_start3A_76 : memref<1x128x128xf32, #tpu.memory_space<vmem>> -> memref<128x128xf32, #tpu.memory_space<vmem>>
      %dma_start3A_78 = arith.constant 0 : i32
      %dma_start3A_79 = tpu.memref_slice %arg9[%add3A_7, %dma_start3A_78] : memref<10240x128xf32, #tpu.memory_space<vmem_shared>> -> memref<128x128xf32, #tpu.memory_space<vmem_shared>>
      %dma_start3A_80 = arith.constant 0 : i32
      %dma_start3A_81 = tpu.memref_slice %arg9[%add3A_7, %dma_start3A_80] : memref<10240x128xf32, #tpu.memory_space<vmem_shared>> -> memref<128x128xf32, #tpu.memory_space<vmem_shared>>
      %dma_start3A_82 = arith.constant 0 : i32
      %dma_start3A_83 = arith.constant 0 : i32
      %dma_start3A_84 = tpu.memref_slice %arg8[%run_scoped3A, %dma_start3A_82, %dma_start3A_83] : memref<2x128x128xf32, #tpu.memory_space<vmem>> -> memref<1x128x128xf32, #tpu.memory_space<vmem>>
      %dma_start3A_85 = tpu.memref_squeeze %dma_start3A_84 : memref<1x128x128xf32, #tpu.memory_space<vmem>> -> memref<128x128xf32, #tpu.memory_space<vmem>>
      tpu.enqueue_dma source(%dma_start3A_85 : memref<128x128xf32, #tpu.memory_space<vmem>>) target(%dma_start3A_81 : memref<128x128xf32, #tpu.memory_space<vmem_shared>>) target_semaphore(%run_scoped3A_73 : memref<!tpu.dma_semaphore, #tpu.memory_space<semaphore_mem>>)
      %dma_wait3A = arith.constant 0 : i32
      %dma_wait3A_86 = arith.constant 0 : i32
      %dma_wait3A_87 = tpu.memref_slice %arg8[%run_scoped3A, %dma_wait3A, %dma_wait3A_86] : memref<2x128x128xf32, #tpu.memory_space<vmem>> -> memref<1x128x128xf32, #tpu.memory_space<vmem>>
      %dma_wait3A_88 = tpu.memref_squeeze %dma_wait3A_87 : memref<1x128x128xf32, #tpu.memory_space<vmem>> -> memref<128x128xf32, #tpu.memory_space<vmem>>
      %dma_wait3A_89 = arith.constant 0 : i32
      %dma_wait3A_90 = tpu.memref_slice %arg9[%add3A_7, %dma_wait3A_89] : memref<10240x128xf32, #tpu.memory_space<vmem_shared>> -> memref<128x128xf32, #tpu.memory_space<vmem_shared>>
      %dma_wait3A_91 = arith.constant 0 : i32
      %dma_wait3A_92 = tpu.memref_slice %arg9[%add3A_7, %dma_wait3A_91] : memref<10240x128xf32, #tpu.memory_space<vmem_shared>> -> memref<128x128xf32, #tpu.memory_space<vmem_shared>>
      %dma_wait3A_93 = arith.constant 0 : i32
      %dma_wait3A_94 = arith.constant 0 : i32
      %dma_wait3A_95 = tpu.memref_slice %arg8[%run_scoped3A, %dma_wait3A_93, %dma_wait3A_94] : memref<2x128x128xf32, #tpu.memory_space<vmem>> -> memref<1x128x128xf32, #tpu.memory_space<vmem>>
      %dma_wait3A_96 = tpu.memref_squeeze %dma_wait3A_95 : memref<1x128x128xf32, #tpu.memory_space<vmem>> -> memref<128x128xf32, #tpu.memory_space<vmem>>
      tpu.wait_dma2 semaphore(%run_scoped3A_73 : memref<!tpu.dma_semaphore, #tpu.memory_space<semaphore_mem>>) src(%dma_wait3A_96 : memref<128x128xf32, #tpu.memory_space<vmem>>) dst(%dma_wait3A_92 : memref<128x128xf32, #tpu.memory_space<vmem_shared>>)
      tpu.yield
    }) : () -> ()
    %mul3A_8 = arith.constant 640 : i32
    %mul3A_9 = arith.muli %arg1, %mul3A_8 : i32
    %add3A_10 = arith.constant 128 : i32
    %add3A_11 = arith.addi %mul3A_9, %add3A_10 : i32
    %run_scoped3A_12 = arith.constant 0 : i32
    "tpu.region"() ({
      %run_scoped3A_73 = tpu.sem_alloc : memref<!tpu.dma_semaphore, #tpu.memory_space<semaphore_mem>>
      %dma_start3A_74 = arith.constant 0 : i32
      %dma_start3A_75 = arith.constant 0 : i32
      %dma_start3A_76 = tpu.memref_slice %arg8[%run_scoped3A_12, %dma_start3A_74, %dma_start3A_75] : memref<2x128x128xf32, #tpu.memory_space<vmem>> -> memref<1x128x128xf32, #tpu.memory_space<vmem>>
      %dma_start3A_77 = tpu.memref_squeeze %dma_start3A_76 : memref<1x128x128xf32, #tpu.memory_space<vmem>> -> memref<128x128xf32, #tpu.memory_space<vmem>>
      %dma_start3A_78 = arith.constant 0 : i32
      %dma_start3A_79 = tpu.memref_slice %arg9[%add3A_11, %dma_start3A_78] : memref<10240x128xf32, #tpu.memory_space<vmem_shared>> -> memref<128x128xf32, #tpu.memory_space<vmem_shared>>
      %dma_start3A_80 = arith.constant 0 : i32
      %dma_start3A_81 = tpu.memref_slice %arg9[%add3A_11, %dma_start3A_80] : memref<10240x128xf32, #tpu.memory_space<vmem_shared>> -> memref<128x128xf32, #tpu.memory_space<vmem_shared>>
      %dma_start3A_82 = arith.constant 0 : i32
      %dma_start3A_83 = arith.constant 0 : i32
      %dma_start3A_84 = tpu.memref_slice %arg8[%run_scoped3A_12, %dma_start3A_82, %dma_start3A_83] : memref<2x128x128xf32, #tpu.memory_space<vmem>> -> memref<1x128x128xf32, #tpu.memory_space<vmem>>
      %dma_start3A_85 = tpu.memref_squeeze %dma_start3A_84 : memref<1x128x128xf32, #tpu.memory_space<vmem>> -> memref<128x128xf32, #tpu.memory_space<vmem>>
      tpu.enqueue_dma source(%dma_start3A_85 : memref<128x128xf32, #tpu.memory_space<vmem>>) target(%dma_start3A_81 : memref<128x128xf32, #tpu.memory_space<vmem_shared>>) target_semaphore(%run_scoped3A_73 : memref<!tpu.dma_semaphore, #tpu.memory_space<semaphore_mem>>)
      %dma_wait3A = arith.constant 0 : i32
      %dma_wait3A_86 = arith.constant 0 : i32
      %dma_wait3A_87 = tpu.memref_slice %arg8[%run_scoped3A_12, %dma_wait3A, %dma_wait3A_86] : memref<2x128x128xf32, #tpu.memory_space<vmem>> -> memref<1x128x128xf32, #tpu.memory_space<vmem>>
      %dma_wait3A_88 = tpu.memref_squeeze %dma_wait3A_87 : memref<1x128x128xf32, #tpu.memory_space<vmem>> -> memref<128x128xf32, #tpu.memory_space<vmem>>
      %dma_wait3A_89 = arith.constant 0 : i32
      %dma_wait3A_90 = tpu.memref_slice %arg9[%add3A_11, %dma_wait3A_89] : memref<10240x128xf32, #tpu.memory_space<vmem_shared>> -> memref<128x128xf32, #tpu.memory_space<vmem_shared>>
      %dma_wait3A_91 = arith.constant 0 : i32
      %dma_wait3A_92 = tpu.memref_slice %arg9[%add3A_11, %dma_wait3A_91] : memref<10240x128xf32, #tpu.memory_space<vmem_shared>> -> memref<128x128xf32, #tpu.memory_space<vmem_shared>>
      %dma_wait3A_93 = arith.constant 0 : i32
      %dma_wait3A_94 = arith.constant 0 : i32
      %dma_wait3A_95 = tpu.memref_slice %arg8[%run_scoped3A_12, %dma_wait3A_93, %dma_wait3A_94] : memref<2x128x128xf32, #tpu.memory_space<vmem>> -> memref<1x128x128xf32, #tpu.memory_space<vmem>>
      %dma_wait3A_96 = tpu.memref_squeeze %dma_wait3A_95 : memref<1x128x128xf32, #tpu.memory_space<vmem>> -> memref<128x128xf32, #tpu.memory_space<vmem>>
      tpu.wait_dma2 semaphore(%run_scoped3A_73 : memref<!tpu.dma_semaphore, #tpu.memory_space<semaphore_mem>>) src(%dma_wait3A_96 : memref<128x128xf32, #tpu.memory_space<vmem>>) dst(%dma_wait3A_92 : memref<128x128xf32, #tpu.memory_space<vmem_shared>>)
      tpu.yield
    }) : () -> ()
    %mul3A_13 = arith.constant 640 : i32
    %mul3A_14 = arith.muli %arg1, %mul3A_13 : i32
    %add3A_15 = arith.constant 256 : i32
    %add3A_16 = arith.addi %mul3A_14, %add3A_15 : i32
    %run_scoped3A_17 = arith.constant 0 : i32
    "tpu.region"() ({
      %run_scoped3A_73 = tpu.sem_alloc : memref<!tpu.dma_semaphore, #tpu.memory_space<semaphore_mem>>
      %dma_start3A_74 = arith.constant 0 : i32
      %dma_start3A_75 = arith.constant 0 : i32
      %dma_start3A_76 = tpu.memref_slice %arg8[%run_scoped3A_17, %dma_start3A_74, %dma_start3A_75] : memref<2x128x128xf32, #tpu.memory_space<vmem>> -> memref<1x128x128xf32, #tpu.memory_space<vmem>>
      %dma_start3A_77 = tpu.memref_squeeze %dma_start3A_76 : memref<1x128x128xf32, #tpu.memory_space<vmem>> -> memref<128x128xf32, #tpu.memory_space<vmem>>
      %dma_start3A_78 = arith.constant 0 : i32
      %dma_start3A_79 = tpu.memref_slice %arg9[%add3A_16, %dma_start3A_78] : memref<10240x128xf32, #tpu.memory_space<vmem_shared>> -> memref<128x128xf32, #tpu.memory_space<vmem_shared>>
      %dma_start3A_80 = arith.constant 0 : i32
      %dma_start3A_81 = tpu.memref_slice %arg9[%add3A_16, %dma_start3A_80] : memref<10240x128xf32, #tpu.memory_space<vmem_shared>> -> memref<128x128xf32, #tpu.memory_space<vmem_shared>>
      %dma_start3A_82 = arith.constant 0 : i32
      %dma_start3A_83 = arith.constant 0 : i32
      %dma_start3A_84 = tpu.memref_slice %arg8[%run_scoped3A_17, %dma_start3A_82, %dma_start3A_83] : memref<2x128x128xf32, #tpu.memory_space<vmem>> -> memref<1x128x128xf32, #tpu.memory_space<vmem>>
      %dma_start3A_85 = tpu.memref_squeeze %dma_start3A_84 : memref<1x128x128xf32, #tpu.memory_space<vmem>> -> memref<128x128xf32, #tpu.memory_space<vmem>>
      tpu.enqueue_dma source(%dma_start3A_85 : memref<128x128xf32, #tpu.memory_space<vmem>>) target(%dma_start3A_81 : memref<128x128xf32, #tpu.memory_space<vmem_shared>>) target_semaphore(%run_scoped3A_73 : memref<!tpu.dma_semaphore, #tpu.memory_space<semaphore_mem>>)
      %dma_wait3A = arith.constant 0 : i32
      %dma_wait3A_86 = arith.constant 0 : i32
      %dma_wait3A_87 = tpu.memref_slice %arg8[%run_scoped3A_17, %dma_wait3A, %dma_wait3A_86] : memref<2x128x128xf32, #tpu.memory_space<vmem>> -> memref<1x128x128xf32, #tpu.memory_space<vmem>>
      %dma_wait3A_88 = tpu.memref_squeeze %dma_wait3A_87 : memref<1x128x128xf32, #tpu.memory_space<vmem>> -> memref<128x128xf32, #tpu.memory_space<vmem>>
      %dma_wait3A_89 = arith.constant 0 : i32
      %dma_wait3A_90 = tpu.memref_slice %arg9[%add3A_16, %dma_wait3A_89] : memref<10240x128xf32, #tpu.memory_space<vmem_shared>> -> memref<128x128xf32, #tpu.memory_space<vmem_shared>>
      %dma_wait3A_91 = arith.constant 0 : i32
      %dma_wait3A_92 = tpu.memref_slice %arg9[%add3A_16, %dma_wait3A_91] : memref<10240x128xf32, #tpu.memory_space<vmem_shared>> -> memref<128x128xf32, #tpu.memory_space<vmem_shared>>
      %dma_wait3A_93 = arith.constant 0 : i32
      %dma_wait3A_94 = arith.constant 0 : i32
      %dma_wait3A_95 = tpu.memref_slice %arg8[%run_scoped3A_17, %dma_wait3A_93, %dma_wait3A_94] : memref<2x128x128xf32, #tpu.memory_space<vmem>> -> memref<1x128x128xf32, #tpu.memory_space<vmem>>
      %dma_wait3A_96 = tpu.memref_squeeze %dma_wait3A_95 : memref<1x128x128xf32, #tpu.memory_space<vmem>> -> memref<128x128xf32, #tpu.memory_space<vmem>>
      tpu.wait_dma2 semaphore(%run_scoped3A_73 : memref<!tpu.dma_semaphore, #tpu.memory_space<semaphore_mem>>) src(%dma_wait3A_96 : memref<128x128xf32, #tpu.memory_space<vmem>>) dst(%dma_wait3A_92 : memref<128x128xf32, #tpu.memory_space<vmem_shared>>)
      tpu.yield
    }) : () -> ()
    %mul3A_18 = arith.constant 640 : i32
    %mul3A_19 = arith.muli %arg1, %mul3A_18 : i32
    %add3A_20 = arith.constant 384 : i32
    %add3A_21 = arith.addi %mul3A_19, %add3A_20 : i32
    %run_scoped3A_22 = arith.constant 0 : i32
    "tpu.region"() ({
      %run_scoped3A_73 = tpu.sem_alloc : memref<!tpu.dma_semaphore, #tpu.memory_space<semaphore_mem>>
      %dma_start3A_74 = arith.constant 0 : i32
      %dma_start3A_75 = arith.constant 0 : i32
      %dma_start3A_76 = tpu.memref_slice %arg8[%run_scoped3A_22, %dma_start3A_74, %dma_start3A_75] : memref<2x128x128xf32, #tpu.memory_space<vmem>> -> memref<1x128x128xf32, #tpu.memory_space<vmem>>
      %dma_start3A_77 = tpu.memref_squeeze %dma_start3A_76 : memref<1x128x128xf32, #tpu.memory_space<vmem>> -> memref<128x128xf32, #tpu.memory_space<vmem>>
      %dma_start3A_78 = arith.constant 0 : i32
      %dma_start3A_79 = tpu.memref_slice %arg9[%add3A_21, %dma_start3A_78] : memref<10240x128xf32, #tpu.memory_space<vmem_shared>> -> memref<128x128xf32, #tpu.memory_space<vmem_shared>>
      %dma_start3A_80 = arith.constant 0 : i32
      %dma_start3A_81 = tpu.memref_slice %arg9[%add3A_21, %dma_start3A_80] : memref<10240x128xf32, #tpu.memory_space<vmem_shared>> -> memref<128x128xf32, #tpu.memory_space<vmem_shared>>
      %dma_start3A_82 = arith.constant 0 : i32
      %dma_start3A_83 = arith.constant 0 : i32
      %dma_start3A_84 = tpu.memref_slice %arg8[%run_scoped3A_22, %dma_start3A_82, %dma_start3A_83] : memref<2x128x128xf32, #tpu.memory_space<vmem>> -> memref<1x128x128xf32, #tpu.memory_space<vmem>>
      %dma_start3A_85 = tpu.memref_squeeze %dma_start3A_84 : memref<1x128x128xf32, #tpu.memory_space<vmem>> -> memref<128x128xf32, #tpu.memory_space<vmem>>
      tpu.enqueue_dma source(%dma_start3A_85 : memref<128x128xf32, #tpu.memory_space<vmem>>) target(%dma_start3A_81 : memref<128x128xf32, #tpu.memory_space<vmem_shared>>) target_semaphore(%run_scoped3A_73 : memref<!tpu.dma_semaphore, #tpu.memory_space<semaphore_mem>>)
      %dma_wait3A = arith.constant 0 : i32
      %dma_wait3A_86 = arith.constant 0 : i32
      %dma_wait3A_87 = tpu.memref_slice %arg8[%run_scoped3A_22, %dma_wait3A, %dma_wait3A_86] : memref<2x128x128xf32, #tpu.memory_space<vmem>> -> memref<1x128x128xf32, #tpu.memory_space<vmem>>
      %dma_wait3A_88 = tpu.memref_squeeze %dma_wait3A_87 : memref<1x128x128xf32, #tpu.memory_space<vmem>> -> memref<128x128xf32, #tpu.memory_space<vmem>>
      %dma_wait3A_89 = arith.constant 0 : i32
      %dma_wait3A_90 = tpu.memref_slice %arg9[%add3A_21, %dma_wait3A_89] : memref<10240x128xf32, #tpu.memory_space<vmem_shared>> -> memref<128x128xf32, #tpu.memory_space<vmem_shared>>
      %dma_wait3A_91 = arith.constant 0 : i32
      %dma_wait3A_92 = tpu.memref_slice %arg9[%add3A_21, %dma_wait3A_91] : memref<10240x128xf32, #tpu.memory_space<vmem_shared>> -> memref<128x128xf32, #tpu.memory_space<vmem_shared>>
      %dma_wait3A_93 = arith.constant 0 : i32
      %dma_wait3A_94 = arith.constant 0 : i32
      %dma_wait3A_95 = tpu.memref_slice %arg8[%run_scoped3A_22, %dma_wait3A_93, %dma_wait3A_94] : memref<2x128x128xf32, #tpu.memory_space<vmem>> -> memref<1x128x128xf32, #tpu.memory_space<vmem>>
      %dma_wait3A_96 = tpu.memref_squeeze %dma_wait3A_95 : memref<1x128x128xf32, #tpu.memory_space<vmem>> -> memref<128x128xf32, #tpu.memory_space<vmem>>
      tpu.wait_dma2 semaphore(%run_scoped3A_73 : memref<!tpu.dma_semaphore, #tpu.memory_space<semaphore_mem>>) src(%dma_wait3A_96 : memref<128x128xf32, #tpu.memory_space<vmem>>) dst(%dma_wait3A_92 : memref<128x128xf32, #tpu.memory_space<vmem_shared>>)
      tpu.yield
    }) : () -> ()
    %mul3A_23 = arith.constant 640 : i32
    %mul3A_24 = arith.muli %arg1, %mul3A_23 : i32
    %add3A_25 = arith.constant 512 : i32
    %add3A_26 = arith.addi %mul3A_24, %add3A_25 : i32
    %run_scoped3A_27 = arith.constant 0 : i32
    "tpu.region"() ({
      %run_scoped3A_73 = tpu.sem_alloc : memref<!tpu.dma_semaphore, #tpu.memory_space<semaphore_mem>>
      %dma_start3A_74 = arith.constant 0 : i32
      %dma_start3A_75 = arith.constant 0 : i32
      %dma_start3A_76 = tpu.memref_slice %arg8[%run_scoped3A_27, %dma_start3A_74, %dma_start3A_75] : memref<2x128x128xf32, #tpu.memory_space<vmem>> -> memref<1x128x128xf32, #tpu.memory_space<vmem>>
      %dma_start3A_77 = tpu.memref_squeeze %dma_start3A_76 : memref<1x128x128xf32, #tpu.memory_space<vmem>> -> memref<128x128xf32, #tpu.memory_space<vmem>>
      %dma_start3A_78 = arith.constant 0 : i32
      %dma_start3A_79 = tpu.memref_slice %arg9[%add3A_26, %dma_start3A_78] : memref<10240x128xf32, #tpu.memory_space<vmem_shared>> -> memref<128x128xf32, #tpu.memory_space<vmem_shared>>
      %dma_start3A_80 = arith.constant 0 : i32
      %dma_start3A_81 = tpu.memref_slice %arg9[%add3A_26, %dma_start3A_80] : memref<10240x128xf32, #tpu.memory_space<vmem_shared>> -> memref<128x128xf32, #tpu.memory_space<vmem_shared>>
      %dma_start3A_82 = arith.constant 0 : i32
      %dma_start3A_83 = arith.constant 0 : i32
      %dma_start3A_84 = tpu.memref_slice %arg8[%run_scoped3A_27, %dma_start3A_82, %dma_start3A_83] : memref<2x128x128xf32, #tpu.memory_space<vmem>> -> memref<1x128x128xf32, #tpu.memory_space<vmem>>
      %dma_start3A_85 = tpu.memref_squeeze %dma_start3A_84 : memref<1x128x128xf32, #tpu.memory_space<vmem>> -> memref<128x128xf32, #tpu.memory_space<vmem>>
      tpu.enqueue_dma source(%dma_start3A_85 : memref<128x128xf32, #tpu.memory_space<vmem>>) target(%dma_start3A_81 : memref<128x128xf32, #tpu.memory_space<vmem_shared>>) target_semaphore(%run_scoped3A_73 : memref<!tpu.dma_semaphore, #tpu.memory_space<semaphore_mem>>)
      %dma_wait3A = arith.constant 0 : i32
      %dma_wait3A_86 = arith.constant 0 : i32
      %dma_wait3A_87 = tpu.memref_slice %arg8[%run_scoped3A_27, %dma_wait3A, %dma_wait3A_86] : memref<2x128x128xf32, #tpu.memory_space<vmem>> -> memref<1x128x128xf32, #tpu.memory_space<vmem>>
      %dma_wait3A_88 = tpu.memref_squeeze %dma_wait3A_87 : memref<1x128x128xf32, #tpu.memory_space<vmem>> -> memref<128x128xf32, #tpu.memory_space<vmem>>
      %dma_wait3A_89 = arith.constant 0 : i32
      %dma_wait3A_90 = tpu.memref_slice %arg9[%add3A_26, %dma_wait3A_89] : memref<10240x128xf32, #tpu.memory_space<vmem_shared>> -> memref<128x128xf32, #tpu.memory_space<vmem_shared>>
      %dma_wait3A_91 = arith.constant 0 : i32
      %dma_wait3A_92 = tpu.memref_slice %arg9[%add3A_26, %dma_wait3A_91] : memref<10240x128xf32, #tpu.memory_space<vmem_shared>> -> memref<128x128xf32, #tpu.memory_space<vmem_shared>>
      %dma_wait3A_93 = arith.constant 0 : i32
      %dma_wait3A_94 = arith.constant 0 : i32
      %dma_wait3A_95 = tpu.memref_slice %arg8[%run_scoped3A_27, %dma_wait3A_93, %dma_wait3A_94] : memref<2x128x128xf32, #tpu.memory_space<vmem>> -> memref<1x128x128xf32, #tpu.memory_space<vmem>>
      %dma_wait3A_96 = tpu.memref_squeeze %dma_wait3A_95 : memref<1x128x128xf32, #tpu.memory_space<vmem>> -> memref<128x128xf32, #tpu.memory_space<vmem>>
      tpu.wait_dma2 semaphore(%run_scoped3A_73 : memref<!tpu.dma_semaphore, #tpu.memory_space<semaphore_mem>>) src(%dma_wait3A_96 : memref<128x128xf32, #tpu.memory_space<vmem>>) dst(%dma_wait3A_92 : memref<128x128xf32, #tpu.memory_space<vmem_shared>>)
      tpu.yield
    }) : () -> ()
    %barrier3A = arith.constant 0 : index
    tpu.barrier barrier_id(%barrier3A)
    %mul3A_28 = arith.constant 2 : i32
    %mul3A_29 = arith.muli %arg1, %mul3A_28 : i32
    %add3A_30 = arith.addi %mul3A_29, %arg0 : i32
    %run_scoped3A_31 = arith.constant 0 : i32
    %run_scoped3A_32 = arith.constant 0 : i32
    "tpu.region"() ({
      %run_scoped3A_73 = tpu.sem_alloc : memref<!tpu.dma_semaphore, #tpu.memory_space<semaphore_mem>>
      %dma_start3A_74 = arith.constant 0 : i32
      %dma_start3A_75 = tpu.memref_slice %arg6[%run_scoped3A_32, %dma_start3A_74] : memref<2x128xi32, #tpu.memory_space<vmem>> -> memref<1x128xi32, #tpu.memory_space<vmem>>
      %dma_start3A_76 = tpu.memref_squeeze %dma_start3A_75 : memref<1x128xi32, #tpu.memory_space<vmem>> -> memref<128xi32, #tpu.memory_space<vmem>>
      %dma_start3A_77 = arith.constant 0 : i32
      %dma_start3A_78 = arith.constant 0 : i32
      %dma_start3A_79 = tpu.memref_slice %arg3[%add3A_30, %dma_start3A_77, %dma_start3A_78] : memref<32x80x128xi32, #tpu.memory_space<hbm>> -> memref<1x80x128xi32, #tpu.memory_space<hbm>>
      %dma_start3A_80 = tpu.memref_squeeze %dma_start3A_79 : memref<1x80x128xi32, #tpu.memory_space<hbm>> -> memref<80x128xi32, #tpu.memory_space<hbm>>
      %dma_start3A_81 = arith.constant 0 : i32
      %dma_start3A_82 = tpu.memref_slice %dma_start3A_80[%run_scoped3A_31, %dma_start3A_81] : memref<80x128xi32, #tpu.memory_space<hbm>> -> memref<1x128xi32, #tpu.memory_space<hbm>>
      %dma_start3A_83 = tpu.memref_squeeze %dma_start3A_82 : memref<1x128xi32, #tpu.memory_space<hbm>> -> memref<128xi32, #tpu.memory_space<hbm>>
      %dma_start3A_84 = arith.constant 0 : i32
      %dma_start3A_85 = tpu.memref_slice %arg6[%run_scoped3A_32, %dma_start3A_84] : memref<2x128xi32, #tpu.memory_space<vmem>> -> memref<1x128xi32, #tpu.memory_space<vmem>>
      %dma_start3A_86 = tpu.memref_squeeze %dma_start3A_85 : memref<1x128xi32, #tpu.memory_space<vmem>> -> memref<128xi32, #tpu.memory_space<vmem>>
      %dma_start3A_87 = arith.constant 0 : i32
      %dma_start3A_88 = arith.constant 0 : i32
      %dma_start3A_89 = tpu.memref_slice %arg3[%add3A_30, %dma_start3A_87, %dma_start3A_88] : memref<32x80x128xi32, #tpu.memory_space<hbm>> -> memref<1x80x128xi32, #tpu.memory_space<hbm>>
      %dma_start3A_90 = tpu.memref_squeeze %dma_start3A_89 : memref<1x80x128xi32, #tpu.memory_space<hbm>> -> memref<80x128xi32, #tpu.memory_space<hbm>>
      %dma_start3A_91 = arith.constant 0 : i32
      %dma_start3A_92 = tpu.memref_slice %dma_start3A_90[%run_scoped3A_31, %dma_start3A_91] : memref<80x128xi32, #tpu.memory_space<hbm>> -> memref<1x128xi32, #tpu.memory_space<hbm>>
      %dma_start3A_93 = tpu.memref_squeeze %dma_start3A_92 : memref<1x128xi32, #tpu.memory_space<hbm>> -> memref<128xi32, #tpu.memory_space<hbm>>
      tpu.enqueue_dma source(%dma_start3A_93 : memref<128xi32, #tpu.memory_space<hbm>>) target(%dma_start3A_86 : memref<128xi32, #tpu.memory_space<vmem>>) target_semaphore(%run_scoped3A_73 : memref<!tpu.dma_semaphore, #tpu.memory_space<semaphore_mem>>)
      %dma_wait3A = arith.constant 0 : i32
      %dma_wait3A_94 = tpu.memref_slice %arg6[%run_scoped3A_32, %dma_wait3A] : memref<2x128xi32, #tpu.memory_space<vmem>> -> memref<1x128xi32, #tpu.memory_space<vmem>>
      %dma_wait3A_95 = tpu.memref_squeeze %dma_wait3A_94 : memref<1x128xi32, #tpu.memory_space<vmem>> -> memref<128xi32, #tpu.memory_space<vmem>>
      %dma_wait3A_96 = arith.constant 0 : i32
      %dma_wait3A_97 = arith.constant 0 : i32
      %dma_wait3A_98 = tpu.memref_slice %arg3[%add3A_30, %dma_wait3A_96, %dma_wait3A_97] : memref<32x80x128xi32, #tpu.memory_space<hbm>> -> memref<1x80x128xi32, #tpu.memory_space<hbm>>
      %dma_wait3A_99 = tpu.memref_squeeze %dma_wait3A_98 : memref<1x80x128xi32, #tpu.memory_space<hbm>> -> memref<80x128xi32, #tpu.memory_space<hbm>>
      %dma_wait3A_100 = arith.constant 0 : i32
      %dma_wait3A_101 = tpu.memref_slice %dma_wait3A_99[%run_scoped3A_31, %dma_wait3A_100] : memref<80x128xi32, #tpu.memory_space<hbm>> -> memref<1x128xi32, #tpu.memory_space<hbm>>
      %dma_wait3A_102 = tpu.memref_squeeze %dma_wait3A_101 : memref<1x128xi32, #tpu.memory_space<hbm>> -> memref<128xi32, #tpu.memory_space<hbm>>
      %dma_wait3A_103 = arith.constant 0 : i32
      %dma_wait3A_104 = tpu.memref_slice %arg6[%run_scoped3A_32, %dma_wait3A_103] : memref<2x128xi32, #tpu.memory_space<vmem>> -> memref<1x128xi32, #tpu.memory_space<vmem>>
      %dma_wait3A_105 = tpu.memref_squeeze %dma_wait3A_104 : memref<1x128xi32, #tpu.memory_space<vmem>> -> memref<128xi32, #tpu.memory_space<vmem>>
      %dma_wait3A_106 = arith.constant 0 : i32
      %dma_wait3A_107 = arith.constant 0 : i32
      %dma_wait3A_108 = tpu.memref_slice %arg3[%add3A_30, %dma_wait3A_106, %dma_wait3A_107] : memref<32x80x128xi32, #tpu.memory_space<hbm>> -> memref<1x80x128xi32, #tpu.memory_space<hbm>>
      %dma_wait3A_109 = tpu.memref_squeeze %dma_wait3A_108 : memref<1x80x128xi32, #tpu.memory_space<hbm>> -> memref<80x128xi32, #tpu.memory_space<hbm>>
      %dma_wait3A_110 = arith.constant 0 : i32
      %dma_wait3A_111 = tpu.memref_slice %dma_wait3A_109[%run_scoped3A_31, %dma_wait3A_110] : memref<80x128xi32, #tpu.memory_space<hbm>> -> memref<1x128xi32, #tpu.memory_space<hbm>>
      %dma_wait3A_112 = tpu.memref_squeeze %dma_wait3A_111 : memref<1x128xi32, #tpu.memory_space<hbm>> -> memref<128xi32, #tpu.memory_space<hbm>>
      tpu.wait_dma2 semaphore(%run_scoped3A_73 : memref<!tpu.dma_semaphore, #tpu.memory_space<semaphore_mem>>) src(%dma_wait3A_112 : memref<128xi32, #tpu.memory_space<hbm>>) dst(%dma_wait3A_105 : memref<128xi32, #tpu.memory_space<vmem>>)
      tpu.yield
    }) : () -> ()
    %run_scoped3A_33 = arith.constant 0 : i32
    %run_scoped3A_34 = arith.constant 0 : i32
    "tpu.region"() ({
      %run_scoped3A_73 = tpu.sem_alloc : memref<!tpu.dma_semaphore, #tpu.memory_space<semaphore_mem>>
      %dma_start3A_74 = arith.constant 0 : i32
      %dma_start3A_75 = tpu.memref_slice %arg7[%run_scoped3A_34, %dma_start3A_74] : memref<2x128xi32, #tpu.memory_space<vmem>> -> memref<1x128xi32, #tpu.memory_space<vmem>>
      %dma_start3A_76 = tpu.memref_squeeze %dma_start3A_75 : memref<1x128xi32, #tpu.memory_space<vmem>> -> memref<128xi32, #tpu.memory_space<vmem>>
      %dma_start3A_77 = arith.constant 0 : i32
      %dma_start3A_78 = arith.constant 0 : i32
      %dma_start3A_79 = tpu.memref_slice %arg4[%add3A_30, %dma_start3A_77, %dma_start3A_78] : memref<32x80x128xi32, #tpu.memory_space<hbm>> -> memref<1x80x128xi32, #tpu.memory_space<hbm>>
      %dma_start3A_80 = tpu.memref_squeeze %dma_start3A_79 : memref<1x80x128xi32, #tpu.memory_space<hbm>> -> memref<80x128xi32, #tpu.memory_space<hbm>>
      %dma_start3A_81 = arith.constant 0 : i32
      %dma_start3A_82 = tpu.memref_slice %dma_start3A_80[%run_scoped3A_33, %dma_start3A_81] : memref<80x128xi32, #tpu.memory_space<hbm>> -> memref<1x128xi32, #tpu.memory_space<hbm>>
      %dma_start3A_83 = tpu.memref_squeeze %dma_start3A_82 : memref<1x128xi32, #tpu.memory_space<hbm>> -> memref<128xi32, #tpu.memory_space<hbm>>
      %dma_start3A_84 = arith.constant 0 : i32
      %dma_start3A_85 = tpu.memref_slice %arg7[%run_scoped3A_34, %dma_start3A_84] : memref<2x128xi32, #tpu.memory_space<vmem>> -> memref<1x128xi32, #tpu.memory_space<vmem>>
      %dma_start3A_86 = tpu.memref_squeeze %dma_start3A_85 : memref<1x128xi32, #tpu.memory_space<vmem>> -> memref<128xi32, #tpu.memory_space<vmem>>
      %dma_start3A_87 = arith.constant 0 : i32
      %dma_start3A_88 = arith.constant 0 : i32
      %dma_start3A_89 = tpu.memref_slice %arg4[%add3A_30, %dma_start3A_87, %dma_start3A_88] : memref<32x80x128xi32, #tpu.memory_space<hbm>> -> memref<1x80x128xi32, #tpu.memory_space<hbm>>
      %dma_start3A_90 = tpu.memref_squeeze %dma_start3A_89 : memref<1x80x128xi32, #tpu.memory_space<hbm>> -> memref<80x128xi32, #tpu.memory_space<hbm>>
      %dma_start3A_91 = arith.constant 0 : i32
      %dma_start3A_92 = tpu.memref_slice %dma_start3A_90[%run_scoped3A_33, %dma_start3A_91] : memref<80x128xi32, #tpu.memory_space<hbm>> -> memref<1x128xi32, #tpu.memory_space<hbm>>
      %dma_start3A_93 = tpu.memref_squeeze %dma_start3A_92 : memref<1x128xi32, #tpu.memory_space<hbm>> -> memref<128xi32, #tpu.memory_space<hbm>>
      tpu.enqueue_dma source(%dma_start3A_93 : memref<128xi32, #tpu.memory_space<hbm>>) target(%dma_start3A_86 : memref<128xi32, #tpu.memory_space<vmem>>) target_semaphore(%run_scoped3A_73 : memref<!tpu.dma_semaphore, #tpu.memory_space<semaphore_mem>>)
      %dma_wait3A = arith.constant 0 : i32
      %dma_wait3A_94 = tpu.memref_slice %arg7[%run_scoped3A_34, %dma_wait3A] : memref<2x128xi32, #tpu.memory_space<vmem>> -> memref<1x128xi32, #tpu.memory_space<vmem>>
      %dma_wait3A_95 = tpu.memref_squeeze %dma_wait3A_94 : memref<1x128xi32, #tpu.memory_space<vmem>> -> memref<128xi32, #tpu.memory_space<vmem>>
      %dma_wait3A_96 = arith.constant 0 : i32
      %dma_wait3A_97 = arith.constant 0 : i32
      %dma_wait3A_98 = tpu.memref_slice %arg4[%add3A_30, %dma_wait3A_96, %dma_wait3A_97] : memref<32x80x128xi32, #tpu.memory_space<hbm>> -> memref<1x80x128xi32, #tpu.memory_space<hbm>>
      %dma_wait3A_99 = tpu.memref_squeeze %dma_wait3A_98 : memref<1x80x128xi32, #tpu.memory_space<hbm>> -> memref<80x128xi32, #tpu.memory_space<hbm>>
      %dma_wait3A_100 = arith.constant 0 : i32
      %dma_wait3A_101 = tpu.memref_slice %dma_wait3A_99[%run_scoped3A_33, %dma_wait3A_100] : memref<80x128xi32, #tpu.memory_space<hbm>> -> memref<1x128xi32, #tpu.memory_space<hbm>>
      %dma_wait3A_102 = tpu.memref_squeeze %dma_wait3A_101 : memref<1x128xi32, #tpu.memory_space<hbm>> -> memref<128xi32, #tpu.memory_space<hbm>>
      %dma_wait3A_103 = arith.constant 0 : i32
      %dma_wait3A_104 = tpu.memref_slice %arg7[%run_scoped3A_34, %dma_wait3A_103] : memref<2x128xi32, #tpu.memory_space<vmem>> -> memref<1x128xi32, #tpu.memory_space<vmem>>
      %dma_wait3A_105 = tpu.memref_squeeze %dma_wait3A_104 : memref<1x128xi32, #tpu.memory_space<vmem>> -> memref<128xi32, #tpu.memory_space<vmem>>
      %dma_wait3A_106 = arith.constant 0 : i32
      %dma_wait3A_107 = arith.constant 0 : i32
      %dma_wait3A_108 = tpu.memref_slice %arg4[%add3A_30, %dma_wait3A_106, %dma_wait3A_107] : memref<32x80x128xi32, #tpu.memory_space<hbm>> -> memref<1x80x128xi32, #tpu.memory_space<hbm>>
      %dma_wait3A_109 = tpu.memref_squeeze %dma_wait3A_108 : memref<1x80x128xi32, #tpu.memory_space<hbm>> -> memref<80x128xi32, #tpu.memory_space<hbm>>
      %dma_wait3A_110 = arith.constant 0 : i32
      %dma_wait3A_111 = tpu.memref_slice %dma_wait3A_109[%run_scoped3A_33, %dma_wait3A_110] : memref<80x128xi32, #tpu.memory_space<hbm>> -> memref<1x128xi32, #tpu.memory_space<hbm>>
      %dma_wait3A_112 = tpu.memref_squeeze %dma_wait3A_111 : memref<1x128xi32, #tpu.memory_space<hbm>> -> memref<128xi32, #tpu.memory_space<hbm>>
      tpu.wait_dma2 semaphore(%run_scoped3A_73 : memref<!tpu.dma_semaphore, #tpu.memory_space<semaphore_mem>>) src(%dma_wait3A_112 : memref<128xi32, #tpu.memory_space<hbm>>) dst(%dma_wait3A_105 : memref<128xi32, #tpu.memory_space<vmem>>)
      tpu.yield
    }) : () -> ()
    %dma_start3A = arith.constant 0 : i32
    %dma_start3A_35 = arith.constant 0 : i32
    %dma_start3A_36 = arith.constant 0 : i32
    %dma_start3A_37 = arith.constant 0 : i32
    %dma_start3A_38 = tpu.memref_slice %arg8[%dma_start3A_35, %dma_start3A_36, %dma_start3A_37] : memref<2x128x128xf32, #tpu.memory_space<vmem>> -> memref<1x128x128xf32, #tpu.memory_space<vmem>>
    %dma_start3A_39 = tpu.memref_squeeze %dma_start3A_38 : memref<1x128x128xf32, #tpu.memory_space<vmem>> -> memref<128x128xf32, #tpu.memory_space<vmem>>
    %dma_start3A_40 = arith.constant 0 : i32
    %dma_start3A_41 = tpu.memref_slice %arg6[%dma_start3A, %dma_start3A_40] : memref<2x128xi32, #tpu.memory_space<vmem>> -> memref<1x128xi32, #tpu.memory_space<vmem>>
    %dma_start3A_42 = tpu.memref_squeeze %dma_start3A_41 : memref<1x128xi32, #tpu.memory_space<vmem>> -> memref<128xi32, #tpu.memory_space<vmem>>
    %dma_start3A_43 = arith.constant 0 : i32
    %dma_start3A_44 = arith.constant 0 : i32
    %dma_start3A_45 = tpu.memref_slice %arg2[%dma_start3A_43, %dma_start3A_44] : memref<10240x128xf32, #tpu.memory_space<hbm>> -> memref<10240x128xf32, #tpu.memory_space<hbm>>
    tpu.enqueue_indirect_dma source(%dma_start3A_45 : memref<10240x128xf32, #tpu.memory_space<hbm>>) target(%dma_start3A_39 : memref<128x128xf32, #tpu.memory_space<vmem>>) offsets(%dma_start3A_42 : memref<128xi32, #tpu.memory_space<vmem>>) semaphore(%arg10 : memref<!tpu.dma_semaphore, #tpu.memory_space<semaphore_mem>>)
    %run_scoped3A_46 = arith.constant 1 : i32
    %run_scoped3A_47 = arith.constant 1 : i32
    "tpu.region"() ({
      %run_scoped3A_73 = tpu.sem_alloc : memref<!tpu.dma_semaphore, #tpu.memory_space<semaphore_mem>>
      %dma_start3A_74 = arith.constant 0 : i32
      %dma_start3A_75 = tpu.memref_slice %arg6[%run_scoped3A_47, %dma_start3A_74] : memref<2x128xi32, #tpu.memory_space<vmem>> -> memref<1x128xi32, #tpu.memory_space<vmem>>
      %dma_start3A_76 = tpu.memref_squeeze %dma_start3A_75 : memref<1x128xi32, #tpu.memory_space<vmem>> -> memref<128xi32, #tpu.memory_space<vmem>>
      %dma_start3A_77 = arith.constant 0 : i32
      %dma_start3A_78 = arith.constant 0 : i32
      %dma_start3A_79 = tpu.memref_slice %arg3[%add3A_30, %dma_start3A_77, %dma_start3A_78] : memref<32x80x128xi32, #tpu.memory_space<hbm>> -> memref<1x80x128xi32, #tpu.memory_space<hbm>>
      %dma_start3A_80 = tpu.memref_squeeze %dma_start3A_79 : memref<1x80x128xi32, #tpu.memory_space<hbm>> -> memref<80x128xi32, #tpu.memory_space<hbm>>
      %dma_start3A_81 = arith.constant 0 : i32
      %dma_start3A_82 = tpu.memref_slice %dma_start3A_80[%run_scoped3A_46, %dma_start3A_81] : memref<80x128xi32, #tpu.memory_space<hbm>> -> memref<1x128xi32, #tpu.memory_space<hbm>>
      %dma_start3A_83 = tpu.memref_squeeze %dma_start3A_82 : memref<1x128xi32, #tpu.memory_space<hbm>> -> memref<128xi32, #tpu.memory_space<hbm>>
      %dma_start3A_84 = arith.constant 0 : i32
      %dma_start3A_85 = tpu.memref_slice %arg6[%run_scoped3A_47, %dma_start3A_84] : memref<2x128xi32, #tpu.memory_space<vmem>> -> memref<1x128xi32, #tpu.memory_space<vmem>>
      %dma_start3A_86 = tpu.memref_squeeze %dma_start3A_85 : memref<1x128xi32, #tpu.memory_space<vmem>> -> memref<128xi32, #tpu.memory_space<vmem>>
      %dma_start3A_87 = arith.constant 0 : i32
      %dma_start3A_88 = arith.constant 0 : i32
      %dma_start3A_89 = tpu.memref_slice %arg3[%add3A_30, %dma_start3A_87, %dma_start3A_88] : memref<32x80x128xi32, #tpu.memory_space<hbm>> -> memref<1x80x128xi32, #tpu.memory_space<hbm>>
      %dma_start3A_90 = tpu.memref_squeeze %dma_start3A_89 : memref<1x80x128xi32, #tpu.memory_space<hbm>> -> memref<80x128xi32, #tpu.memory_space<hbm>>
      %dma_start3A_91 = arith.constant 0 : i32
      %dma_start3A_92 = tpu.memref_slice %dma_start3A_90[%run_scoped3A_46, %dma_start3A_91] : memref<80x128xi32, #tpu.memory_space<hbm>> -> memref<1x128xi32, #tpu.memory_space<hbm>>
      %dma_start3A_93 = tpu.memref_squeeze %dma_start3A_92 : memref<1x128xi32, #tpu.memory_space<hbm>> -> memref<128xi32, #tpu.memory_space<hbm>>
      tpu.enqueue_dma source(%dma_start3A_93 : memref<128xi32, #tpu.memory_space<hbm>>) target(%dma_start3A_86 : memref<128xi32, #tpu.memory_space<vmem>>) target_semaphore(%run_scoped3A_73 : memref<!tpu.dma_semaphore, #tpu.memory_space<semaphore_mem>>)
      %dma_wait3A = arith.constant 0 : i32
      %dma_wait3A_94 = tpu.memref_slice %arg6[%run_scoped3A_47, %dma_wait3A] : memref<2x128xi32, #tpu.memory_space<vmem>> -> memref<1x128xi32, #tpu.memory_space<vmem>>
      %dma_wait3A_95 = tpu.memref_squeeze %dma_wait3A_94 : memref<1x128xi32, #tpu.memory_space<vmem>> -> memref<128xi32, #tpu.memory_space<vmem>>
      %dma_wait3A_96 = arith.constant 0 : i32
      %dma_wait3A_97 = arith.constant 0 : i32
      %dma_wait3A_98 = tpu.memref_slice %arg3[%add3A_30, %dma_wait3A_96, %dma_wait3A_97] : memref<32x80x128xi32, #tpu.memory_space<hbm>> -> memref<1x80x128xi32, #tpu.memory_space<hbm>>
      %dma_wait3A_99 = tpu.memref_squeeze %dma_wait3A_98 : memref<1x80x128xi32, #tpu.memory_space<hbm>> -> memref<80x128xi32, #tpu.memory_space<hbm>>
      %dma_wait3A_100 = arith.constant 0 : i32
      %dma_wait3A_101 = tpu.memref_slice %dma_wait3A_99[%run_scoped3A_46, %dma_wait3A_100] : memref<80x128xi32, #tpu.memory_space<hbm>> -> memref<1x128xi32, #tpu.memory_space<hbm>>
      %dma_wait3A_102 = tpu.memref_squeeze %dma_wait3A_101 : memref<1x128xi32, #tpu.memory_space<hbm>> -> memref<128xi32, #tpu.memory_space<hbm>>
      %dma_wait3A_103 = arith.constant 0 : i32
      %dma_wait3A_104 = tpu.memref_slice %arg6[%run_scoped3A_47, %dma_wait3A_103] : memref<2x128xi32, #tpu.memory_space<vmem>> -> memref<1x128xi32, #tpu.memory_space<vmem>>
      %dma_wait3A_105 = tpu.memref_squeeze %dma_wait3A_104 : memref<1x128xi32, #tpu.memory_space<vmem>> -> memref<128xi32, #tpu.memory_space<vmem>>
      %dma_wait3A_106 = arith.constant 0 : i32
      %dma_wait3A_107 = arith.constant 0 : i32
      %dma_wait3A_108 = tpu.memref_slice %arg3[%add3A_30, %dma_wait3A_106, %dma_wait3A_107] : memref<32x80x128xi32, #tpu.memory_space<hbm>> -> memref<1x80x128xi32, #tpu.memory_space<hbm>>
      %dma_wait3A_109 = tpu.memref_squeeze %dma_wait3A_108 : memref<1x80x128xi32, #tpu.memory_space<hbm>> -> memref<80x128xi32, #tpu.memory_space<hbm>>
      %dma_wait3A_110 = arith.constant 0 : i32
      %dma_wait3A_111 = tpu.memref_slice %dma_wait3A_109[%run_scoped3A_46, %dma_wait3A_110] : memref<80x128xi32, #tpu.memory_space<hbm>> -> memref<1x128xi32, #tpu.memory_space<hbm>>
      %dma_wait3A_112 = tpu.memref_squeeze %dma_wait3A_111 : memref<1x128xi32, #tpu.memory_space<hbm>> -> memref<128xi32, #tpu.memory_space<hbm>>
      tpu.wait_dma2 semaphore(%run_scoped3A_73 : memref<!tpu.dma_semaphore, #tpu.memory_space<semaphore_mem>>) src(%dma_wait3A_112 : memref<128xi32, #tpu.memory_space<hbm>>) dst(%dma_wait3A_105 : memref<128xi32, #tpu.memory_space<vmem>>)
      tpu.yield
    }) : () -> ()
    %run_scoped3A_48 = arith.constant 1 : i32
    %run_scoped3A_49 = arith.constant 1 : i32
    "tpu.region"() ({
      %run_scoped3A_73 = tpu.sem_alloc : memref<!tpu.dma_semaphore, #tpu.memory_space<semaphore_mem>>
      %dma_start3A_74 = arith.constant 0 : i32
      %dma_start3A_75 = tpu.memref_slice %arg7[%run_scoped3A_49, %dma_start3A_74] : memref<2x128xi32, #tpu.memory_space<vmem>> -> memref<1x128xi32, #tpu.memory_space<vmem>>
      %dma_start3A_76 = tpu.memref_squeeze %dma_start3A_75 : memref<1x128xi32, #tpu.memory_space<vmem>> -> memref<128xi32, #tpu.memory_space<vmem>>
      %dma_start3A_77 = arith.constant 0 : i32
      %dma_start3A_78 = arith.constant 0 : i32
      %dma_start3A_79 = tpu.memref_slice %arg4[%add3A_30, %dma_start3A_77, %dma_start3A_78] : memref<32x80x128xi32, #tpu.memory_space<hbm>> -> memref<1x80x128xi32, #tpu.memory_space<hbm>>
      %dma_start3A_80 = tpu.memref_squeeze %dma_start3A_79 : memref<1x80x128xi32, #tpu.memory_space<hbm>> -> memref<80x128xi32, #tpu.memory_space<hbm>>
      %dma_start3A_81 = arith.constant 0 : i32
      %dma_start3A_82 = tpu.memref_slice %dma_start3A_80[%run_scoped3A_48, %dma_start3A_81] : memref<80x128xi32, #tpu.memory_space<hbm>> -> memref<1x128xi32, #tpu.memory_space<hbm>>
      %dma_start3A_83 = tpu.memref_squeeze %dma_start3A_82 : memref<1x128xi32, #tpu.memory_space<hbm>> -> memref<128xi32, #tpu.memory_space<hbm>>
      %dma_start3A_84 = arith.constant 0 : i32
      %dma_start3A_85 = tpu.memref_slice %arg7[%run_scoped3A_49, %dma_start3A_84] : memref<2x128xi32, #tpu.memory_space<vmem>> -> memref<1x128xi32, #tpu.memory_space<vmem>>
      %dma_start3A_86 = tpu.memref_squeeze %dma_start3A_85 : memref<1x128xi32, #tpu.memory_space<vmem>> -> memref<128xi32, #tpu.memory_space<vmem>>
      %dma_start3A_87 = arith.constant 0 : i32
      %dma_start3A_88 = arith.constant 0 : i32
      %dma_start3A_89 = tpu.memref_slice %arg4[%add3A_30, %dma_start3A_87, %dma_start3A_88] : memref<32x80x128xi32, #tpu.memory_space<hbm>> -> memref<1x80x128xi32, #tpu.memory_space<hbm>>
      %dma_start3A_90 = tpu.memref_squeeze %dma_start3A_89 : memref<1x80x128xi32, #tpu.memory_space<hbm>> -> memref<80x128xi32, #tpu.memory_space<hbm>>
      %dma_start3A_91 = arith.constant 0 : i32
      %dma_start3A_92 = tpu.memref_slice %dma_start3A_90[%run_scoped3A_48, %dma_start3A_91] : memref<80x128xi32, #tpu.memory_space<hbm>> -> memref<1x128xi32, #tpu.memory_space<hbm>>
      %dma_start3A_93 = tpu.memref_squeeze %dma_start3A_92 : memref<1x128xi32, #tpu.memory_space<hbm>> -> memref<128xi32, #tpu.memory_space<hbm>>
      tpu.enqueue_dma source(%dma_start3A_93 : memref<128xi32, #tpu.memory_space<hbm>>) target(%dma_start3A_86 : memref<128xi32, #tpu.memory_space<vmem>>) target_semaphore(%run_scoped3A_73 : memref<!tpu.dma_semaphore, #tpu.memory_space<semaphore_mem>>)
      %dma_wait3A = arith.constant 0 : i32
      %dma_wait3A_94 = tpu.memref_slice %arg7[%run_scoped3A_49, %dma_wait3A] : memref<2x128xi32, #tpu.memory_space<vmem>> -> memref<1x128xi32, #tpu.memory_space<vmem>>
      %dma_wait3A_95 = tpu.memref_squeeze %dma_wait3A_94 : memref<1x128xi32, #tpu.memory_space<vmem>> -> memref<128xi32, #tpu.memory_space<vmem>>
      %dma_wait3A_96 = arith.constant 0 : i32
      %dma_wait3A_97 = arith.constant 0 : i32
      %dma_wait3A_98 = tpu.memref_slice %arg4[%add3A_30, %dma_wait3A_96, %dma_wait3A_97] : memref<32x80x128xi32, #tpu.memory_space<hbm>> -> memref<1x80x128xi32, #tpu.memory_space<hbm>>
      %dma_wait3A_99 = tpu.memref_squeeze %dma_wait3A_98 : memref<1x80x128xi32, #tpu.memory_space<hbm>> -> memref<80x128xi32, #tpu.memory_space<hbm>>
      %dma_wait3A_100 = arith.constant 0 : i32
      %dma_wait3A_101 = tpu.memref_slice %dma_wait3A_99[%run_scoped3A_48, %dma_wait3A_100] : memref<80x128xi32, #tpu.memory_space<hbm>> -> memref<1x128xi32, #tpu.memory_space<hbm>>
      %dma_wait3A_102 = tpu.memref_squeeze %dma_wait3A_101 : memref<1x128xi32, #tpu.memory_space<hbm>> -> memref<128xi32, #tpu.memory_space<hbm>>
      %dma_wait3A_103 = arith.constant 0 : i32
      %dma_wait3A_104 = tpu.memref_slice %arg7[%run_scoped3A_49, %dma_wait3A_103] : memref<2x128xi32, #tpu.memory_space<vmem>> -> memref<1x128xi32, #tpu.memory_space<vmem>>
      %dma_wait3A_105 = tpu.memref_squeeze %dma_wait3A_104 : memref<1x128xi32, #tpu.memory_space<vmem>> -> memref<128xi32, #tpu.memory_space<vmem>>
      %dma_wait3A_106 = arith.constant 0 : i32
      %dma_wait3A_107 = arith.constant 0 : i32
      %dma_wait3A_108 = tpu.memref_slice %arg4[%add3A_30, %dma_wait3A_106, %dma_wait3A_107] : memref<32x80x128xi32, #tpu.memory_space<hbm>> -> memref<1x80x128xi32, #tpu.memory_space<hbm>>
      %dma_wait3A_109 = tpu.memref_squeeze %dma_wait3A_108 : memref<1x80x128xi32, #tpu.memory_space<hbm>> -> memref<80x128xi32, #tpu.memory_space<hbm>>
      %dma_wait3A_110 = arith.constant 0 : i32
      %dma_wait3A_111 = tpu.memref_slice %dma_wait3A_109[%run_scoped3A_48, %dma_wait3A_110] : memref<80x128xi32, #tpu.memory_space<hbm>> -> memref<1x128xi32, #tpu.memory_space<hbm>>
      %dma_wait3A_112 = tpu.memref_squeeze %dma_wait3A_111 : memref<1x128xi32, #tpu.memory_space<hbm>> -> memref<128xi32, #tpu.memory_space<hbm>>
      tpu.wait_dma2 semaphore(%run_scoped3A_73 : memref<!tpu.dma_semaphore, #tpu.memory_space<semaphore_mem>>) src(%dma_wait3A_112 : memref<128xi32, #tpu.memory_space<hbm>>) dst(%dma_wait3A_105 : memref<128xi32, #tpu.memory_space<vmem>>)
      tpu.yield
    }) : () -> ()
    %dma_start3A_50 = arith.constant 1 : i32
    %dma_start3A_51 = arith.constant 1 : i32
    %dma_start3A_52 = arith.constant 0 : i32
    %dma_start3A_53 = arith.constant 0 : i32
    %dma_start3A_54 = tpu.memref_slice %arg8[%dma_start3A_51, %dma_start3A_52, %dma_start3A_53] : memref<2x128x128xf32, #tpu.memory_space<vmem>> -> memref<1x128x128xf32, #tpu.memory_space<vmem>>
    %dma_start3A_55 = tpu.memref_squeeze %dma_start3A_54 : memref<1x128x128xf32, #tpu.memory_space<vmem>> -> memref<128x128xf32, #tpu.memory_space<vmem>>
    %dma_start3A_56 = arith.constant 0 : i32
    %dma_start3A_57 = tpu.memref_slice %arg6[%dma_start3A_50, %dma_start3A_56] : memref<2x128xi32, #tpu.memory_space<vmem>> -> memref<1x128xi32, #tpu.memory_space<vmem>>
    %dma_start3A_58 = tpu.memref_squeeze %dma_start3A_57 : memref<1x128xi32, #tpu.memory_space<vmem>> -> memref<128xi32, #tpu.memory_space<vmem>>
    %dma_start3A_59 = arith.constant 0 : i32
    %dma_start3A_60 = arith.constant 0 : i32
    %dma_start3A_61 = tpu.memref_slice %arg2[%dma_start3A_59, %dma_start3A_60] : memref<10240x128xf32, #tpu.memory_space<hbm>> -> memref<10240x128xf32, #tpu.memory_space<hbm>>
    tpu.enqueue_indirect_dma source(%dma_start3A_61 : memref<10240x128xf32, #tpu.memory_space<hbm>>) target(%dma_start3A_55 : memref<128x128xf32, #tpu.memory_space<vmem>>) offsets(%dma_start3A_58 : memref<128xi32, #tpu.memory_space<vmem>>) semaphore(%arg11 : memref<!tpu.dma_semaphore, #tpu.memory_space<semaphore_mem>>)
    %scan3A_62 = arith.constant 0 : i32
    %scan3A_63 = arith.constant 0 : i32
    %scan3A_64 = arith.constant 40 : i32
    %scan3A_65 = arith.addi %scan3A_63, %scan3A_64 : i32
    %scan3A_66 = arith.constant 1 : i32
    scf.for %scan3A_73 = %scan3A_63 to %scan3A_65 step %scan3A_66  : i32 {
      %mul3A_74 = arith.constant 2 : i32
      %mul3A_75 = arith.muli %scan3A_73, %mul3A_74 : i32
      %add3A_76 = arith.constant 0 : i32
      %add3A_77 = arith.addi %mul3A_75, %add3A_76 : i32
      %dma_wait3A = arith.constant 0 : i32
      %dma_wait3A_78 = arith.constant 0 : i32
      %dma_wait3A_79 = arith.constant 0 : i32
      %dma_wait3A_80 = arith.constant 0 : i32
      %dma_wait3A_81 = tpu.memref_slice %arg8[%dma_wait3A_78, %dma_wait3A_79, %dma_wait3A_80] : memref<2x128x128xf32, #tpu.memory_space<vmem>> -> memref<1x128x128xf32, #tpu.memory_space<vmem>>
      %dma_wait3A_82 = tpu.memref_squeeze %dma_wait3A_81 : memref<1x128x128xf32, #tpu.memory_space<vmem>> -> memref<128x128xf32, #tpu.memory_space<vmem>>
      %dma_wait3A_83 = arith.constant 0 : i32
      %dma_wait3A_84 = tpu.memref_slice %arg6[%dma_wait3A, %dma_wait3A_83] : memref<2x128xi32, #tpu.memory_space<vmem>> -> memref<1x128xi32, #tpu.memory_space<vmem>>
      %dma_wait3A_85 = tpu.memref_squeeze %dma_wait3A_84 : memref<1x128xi32, #tpu.memory_space<vmem>> -> memref<128xi32, #tpu.memory_space<vmem>>
      %dma_wait3A_86 = arith.constant 0 : i32
      %dma_wait3A_87 = arith.constant 0 : i32
      %dma_wait3A_88 = tpu.memref_slice %arg2[%dma_wait3A_86, %dma_wait3A_87] : memref<10240x128xf32, #tpu.memory_space<hbm>> -> memref<10240x128xf32, #tpu.memory_space<hbm>>
      tpu.wait_indirect_dma semaphore(%arg10 : memref<!tpu.dma_semaphore, #tpu.memory_space<semaphore_mem>>) src(%dma_wait3A_88 : memref<10240x128xf32, #tpu.memory_space<hbm>>) dst(%dma_wait3A_82 : memref<128x128xf32, #tpu.memory_space<vmem>>)
      %add3A_89 = arith.constant 2 : i32
      %add3A_90 = arith.addi %add3A_77, %add3A_89 : i32
      %lt3A = arith.constant 80 : i32
      %lt3A_91 = arith.cmpi slt, %add3A_90, %lt3A : i32
      %convert_element_type3A = arith.extui %lt3A_91 : i1 to i32
      %cond3A = arith.constant 0 : i32
      %cond3A_92 = arith.cmpi ne, %convert_element_type3A, %cond3A : i32
      scf.if %cond3A_92 {
        %add3A_143 = arith.constant 2 : i32
        %add3A_144 = arith.addi %add3A_77, %add3A_143 : i32
        %dma_start3A_145 = arith.constant 0 : i32
        %dma_start3A_146 = arith.constant 0 : i32
        %dma_start3A_147 = tpu.memref_slice %arg6[%dma_start3A_145, %dma_start3A_146] : memref<2x128xi32, #tpu.memory_space<vmem>> -> memref<1x128xi32, #tpu.memory_space<vmem>>
        %dma_start3A_148 = tpu.memref_squeeze %dma_start3A_147 : memref<1x128xi32, #tpu.memory_space<vmem>> -> memref<128xi32, #tpu.memory_space<vmem>>
        %dma_start3A_149 = arith.constant 0 : i32
        %dma_start3A_150 = arith.constant 0 : i32
        %dma_start3A_151 = tpu.memref_slice %arg3[%add3A_30, %dma_start3A_149, %dma_start3A_150] : memref<32x80x128xi32, #tpu.memory_space<hbm>> -> memref<1x80x128xi32, #tpu.memory_space<hbm>>
        %dma_start3A_152 = tpu.memref_squeeze %dma_start3A_151 : memref<1x80x128xi32, #tpu.memory_space<hbm>> -> memref<80x128xi32, #tpu.memory_space<hbm>>
        %dma_start3A_153 = arith.constant 0 : i32
        %dma_start3A_154 = tpu.memref_slice %dma_start3A_152[%add3A_144, %dma_start3A_153] : memref<80x128xi32, #tpu.memory_space<hbm>> -> memref<1x128xi32, #tpu.memory_space<hbm>>
        %dma_start3A_155 = tpu.memref_squeeze %dma_start3A_154 : memref<1x128xi32, #tpu.memory_space<hbm>> -> memref<128xi32, #tpu.memory_space<hbm>>
        %dma_start3A_156 = arith.constant 0 : i32
        %dma_start3A_157 = tpu.memref_slice %arg6[%dma_start3A_145, %dma_start3A_156] : memref<2x128xi32, #tpu.memory_space<vmem>> -> memref<1x128xi32, #tpu.memory_space<vmem>>
        %dma_start3A_158 = tpu.memref_squeeze %dma_start3A_157 : memref<1x128xi32, #tpu.memory_space<vmem>> -> memref<128xi32, #tpu.memory_space<vmem>>
        %dma_start3A_159 = arith.constant 0 : i32
        %dma_start3A_160 = arith.constant 0 : i32
        %dma_start3A_161 = tpu.memref_slice %arg3[%add3A_30, %dma_start3A_159, %dma_start3A_160] : memref<32x80x128xi32, #tpu.memory_space<hbm>> -> memref<1x80x128xi32, #tpu.memory_space<hbm>>
        %dma_start3A_162 = tpu.memref_squeeze %dma_start3A_161 : memref<1x80x128xi32, #tpu.memory_space<hbm>> -> memref<80x128xi32, #tpu.memory_space<hbm>>
        %dma_start3A_163 = arith.constant 0 : i32
        %dma_start3A_164 = tpu.memref_slice %dma_start3A_162[%add3A_144, %dma_start3A_163] : memref<80x128xi32, #tpu.memory_space<hbm>> -> memref<1x128xi32, #tpu.memory_space<hbm>>
        %dma_start3A_165 = tpu.memref_squeeze %dma_start3A_164 : memref<1x128xi32, #tpu.memory_space<hbm>> -> memref<128xi32, #tpu.memory_space<hbm>>
        tpu.enqueue_dma source(%dma_start3A_165 : memref<128xi32, #tpu.memory_space<hbm>>) target(%dma_start3A_158 : memref<128xi32, #tpu.memory_space<vmem>>) target_semaphore(%arg12 : memref<!tpu.dma_semaphore, #tpu.memory_space<semaphore_mem>>)
      } else {
      }
      %ge3A = arith.constant 2 : i32
      %ge3A_93 = arith.cmpi sge, %add3A_77, %ge3A : i32
      %convert_element_type3A_94 = arith.extui %ge3A_93 : i1 to i32
      %cond3A_95 = arith.constant 0 : i32
      %cond3A_96 = arith.cmpi ne, %convert_element_type3A_94, %cond3A_95 : i32
      scf.if %cond3A_96 {
        %dma_wait3A_143 = arith.constant 0 : i32
        %dma_wait3A_144 = arith.constant 0 : i32
        %dma_wait3A_145 = arith.constant 0 : i32
        %dma_wait3A_146 = tpu.memref_slice %arg7[%dma_wait3A_144, %dma_wait3A_145] : memref<2x128xi32, #tpu.memory_space<vmem>> -> memref<1x128xi32, #tpu.memory_space<vmem>>
        %dma_wait3A_147 = tpu.memref_squeeze %dma_wait3A_146 : memref<1x128xi32, #tpu.memory_space<vmem>> -> memref<128xi32, #tpu.memory_space<vmem>>
        %dma_wait3A_148 = arith.constant 0 : i32
        %dma_wait3A_149 = arith.constant 0 : i32
        %dma_wait3A_150 = tpu.memref_slice %arg4[%add3A_30, %dma_wait3A_148, %dma_wait3A_149] : memref<32x80x128xi32, #tpu.memory_space<hbm>> -> memref<1x80x128xi32, #tpu.memory_space<hbm>>
        %dma_wait3A_151 = tpu.memref_squeeze %dma_wait3A_150 : memref<1x80x128xi32, #tpu.memory_space<hbm>> -> memref<80x128xi32, #tpu.memory_space<hbm>>
        %dma_wait3A_152 = arith.constant 0 : i32
        %dma_wait3A_153 = tpu.memref_slice %dma_wait3A_151[%dma_wait3A_143, %dma_wait3A_152] : memref<80x128xi32, #tpu.memory_space<hbm>> -> memref<1x128xi32, #tpu.memory_space<hbm>>
        %dma_wait3A_154 = tpu.memref_squeeze %dma_wait3A_153 : memref<1x128xi32, #tpu.memory_space<hbm>> -> memref<128xi32, #tpu.memory_space<hbm>>
        %dma_wait3A_155 = arith.constant 0 : i32
        %dma_wait3A_156 = tpu.memref_slice %arg7[%dma_wait3A_144, %dma_wait3A_155] : memref<2x128xi32, #tpu.memory_space<vmem>> -> memref<1x128xi32, #tpu.memory_space<vmem>>
        %dma_wait3A_157 = tpu.memref_squeeze %dma_wait3A_156 : memref<1x128xi32, #tpu.memory_space<vmem>> -> memref<128xi32, #tpu.memory_space<vmem>>
        %dma_wait3A_158 = arith.constant 0 : i32
        %dma_wait3A_159 = arith.constant 0 : i32
        %dma_wait3A_160 = tpu.memref_slice %arg4[%add3A_30, %dma_wait3A_158, %dma_wait3A_159] : memref<32x80x128xi32, #tpu.memory_space<hbm>> -> memref<1x80x128xi32, #tpu.memory_space<hbm>>
        %dma_wait3A_161 = tpu.memref_squeeze %dma_wait3A_160 : memref<1x80x128xi32, #tpu.memory_space<hbm>> -> memref<80x128xi32, #tpu.memory_space<hbm>>
        %dma_wait3A_162 = arith.constant 0 : i32
        %dma_wait3A_163 = tpu.memref_slice %dma_wait3A_161[%dma_wait3A_143, %dma_wait3A_162] : memref<80x128xi32, #tpu.memory_space<hbm>> -> memref<1x128xi32, #tpu.memory_space<hbm>>
        %dma_wait3A_164 = tpu.memref_squeeze %dma_wait3A_163 : memref<1x128xi32, #tpu.memory_space<hbm>> -> memref<128xi32, #tpu.memory_space<hbm>>
        tpu.wait_dma2 semaphore(%arg14 : memref<!tpu.dma_semaphore, #tpu.memory_space<semaphore_mem>>) src(%dma_wait3A_164 : memref<128xi32, #tpu.memory_space<hbm>>) dst(%dma_wait3A_157 : memref<128xi32, #tpu.memory_space<vmem>>)
      } else {
      }
      %run_scoped3A_97 = arith.constant 0 : i32
      %run_scoped3A_98 = arith.constant 0 : i32
      "tpu.region"() ({
        %run_scoped3A_143 = tpu.sem_alloc : memref<!tpu.dma_semaphore, #tpu.memory_space<semaphore_mem>>
        %dma_start3A_144 = arith.constant 0 : i32
        %dma_start3A_145 = arith.constant 0 : i32
        %dma_start3A_146 = tpu.memref_slice %arg8[%run_scoped3A_97, %dma_start3A_144, %dma_start3A_145] : memref<2x128x128xf32, #tpu.memory_space<vmem>> -> memref<1x128x128xf32, #tpu.memory_space<vmem>>
        %dma_start3A_147 = tpu.memref_squeeze %dma_start3A_146 : memref<1x128x128xf32, #tpu.memory_space<vmem>> -> memref<128x128xf32, #tpu.memory_space<vmem>>
        %dma_start3A_148 = arith.constant 0 : i32
        %dma_start3A_149 = tpu.memref_slice %arg7[%run_scoped3A_98, %dma_start3A_148] : memref<2x128xi32, #tpu.memory_space<vmem>> -> memref<1x128xi32, #tpu.memory_space<vmem>>
        %dma_start3A_150 = tpu.memref_squeeze %dma_start3A_149 : memref<1x128xi32, #tpu.memory_space<vmem>> -> memref<128xi32, #tpu.memory_space<vmem>>
        %dma_start3A_151 = arith.constant 0 : i32
        %dma_start3A_152 = arith.constant 0 : i32
        %dma_start3A_153 = tpu.memref_slice %arg9[%dma_start3A_151, %dma_start3A_152] : memref<10240x128xf32, #tpu.memory_space<vmem_shared>> -> memref<10240x128xf32, #tpu.memory_space<vmem_shared>>
        tpu.enqueue_indirect_dma source(%dma_start3A_147 : memref<128x128xf32, #tpu.memory_space<vmem>>) target(%dma_start3A_153 : memref<10240x128xf32, #tpu.memory_space<vmem_shared>>) offsets(%dma_start3A_150 : memref<128xi32, #tpu.memory_space<vmem>>) semaphore(%run_scoped3A_143 : memref<!tpu.dma_semaphore, #tpu.memory_space<semaphore_mem>>) {add = true}
        %dma_wait3A_154 = arith.constant 0 : i32
        %dma_wait3A_155 = arith.constant 0 : i32
        %dma_wait3A_156 = tpu.memref_slice %arg8[%run_scoped3A_97, %dma_wait3A_154, %dma_wait3A_155] : memref<2x128x128xf32, #tpu.memory_space<vmem>> -> memref<1x128x128xf32, #tpu.memory_space<vmem>>
        %dma_wait3A_157 = tpu.memref_squeeze %dma_wait3A_156 : memref<1x128x128xf32, #tpu.memory_space<vmem>> -> memref<128x128xf32, #tpu.memory_space<vmem>>
        %dma_wait3A_158 = arith.constant 0 : i32
        %dma_wait3A_159 = tpu.memref_slice %arg7[%run_scoped3A_98, %dma_wait3A_158] : memref<2x128xi32, #tpu.memory_space<vmem>> -> memref<1x128xi32, #tpu.memory_space<vmem>>
        %dma_wait3A_160 = tpu.memref_squeeze %dma_wait3A_159 : memref<1x128xi32, #tpu.memory_space<vmem>> -> memref<128xi32, #tpu.memory_space<vmem>>
        %dma_wait3A_161 = arith.constant 0 : i32
        %dma_wait3A_162 = arith.constant 0 : i32
        %dma_wait3A_163 = tpu.memref_slice %arg9[%dma_wait3A_161, %dma_wait3A_162] : memref<10240x128xf32, #tpu.memory_space<vmem_shared>> -> memref<10240x128xf32, #tpu.memory_space<vmem_shared>>
        tpu.wait_indirect_dma semaphore(%run_scoped3A_143 : memref<!tpu.dma_semaphore, #tpu.memory_space<semaphore_mem>>) src(%dma_wait3A_157 : memref<128x128xf32, #tpu.memory_space<vmem>>) dst(%dma_wait3A_163 : memref<10240x128xf32, #tpu.memory_space<vmem_shared>>)
        tpu.yield
      }) : () -> ()
      %add3A_99 = arith.constant 2 : i32
      %add3A_100 = arith.addi %add3A_77, %add3A_99 : i32
      %lt3A_101 = arith.constant 80 : i32
      %lt3A_102 = arith.cmpi slt, %add3A_100, %lt3A_101 : i32
      %convert_element_type3A_103 = arith.extui %lt3A_102 : i1 to i32
      %cond3A_104 = arith.constant 0 : i32
      %cond3A_105 = arith.cmpi ne, %convert_element_type3A_103, %cond3A_104 : i32
      scf.if %cond3A_105 {
        %add3A_143 = arith.constant 2 : i32
        %add3A_144 = arith.addi %add3A_77, %add3A_143 : i32
        %dma_start3A_145 = arith.constant 0 : i32
        %dma_start3A_146 = arith.constant 0 : i32
        %dma_start3A_147 = tpu.memref_slice %arg7[%dma_start3A_145, %dma_start3A_146] : memref<2x128xi32, #tpu.memory_space<vmem>> -> memref<1x128xi32, #tpu.memory_space<vmem>>
        %dma_start3A_148 = tpu.memref_squeeze %dma_start3A_147 : memref<1x128xi32, #tpu.memory_space<vmem>> -> memref<128xi32, #tpu.memory_space<vmem>>
        %dma_start3A_149 = arith.constant 0 : i32
        %dma_start3A_150 = arith.constant 0 : i32
        %dma_start3A_151 = tpu.memref_slice %arg4[%add3A_30, %dma_start3A_149, %dma_start3A_150] : memref<32x80x128xi32, #tpu.memory_space<hbm>> -> memref<1x80x128xi32, #tpu.memory_space<hbm>>
        %dma_start3A_152 = tpu.memref_squeeze %dma_start3A_151 : memref<1x80x128xi32, #tpu.memory_space<hbm>> -> memref<80x128xi32, #tpu.memory_space<hbm>>
        %dma_start3A_153 = arith.constant 0 : i32
        %dma_start3A_154 = tpu.memref_slice %dma_start3A_152[%add3A_144, %dma_start3A_153] : memref<80x128xi32, #tpu.memory_space<hbm>> -> memref<1x128xi32, #tpu.memory_space<hbm>>
        %dma_start3A_155 = tpu.memref_squeeze %dma_start3A_154 : memref<1x128xi32, #tpu.memory_space<hbm>> -> memref<128xi32, #tpu.memory_space<hbm>>
        %dma_start3A_156 = arith.constant 0 : i32
        %dma_start3A_157 = tpu.memref_slice %arg7[%dma_start3A_145, %dma_start3A_156] : memref<2x128xi32, #tpu.memory_space<vmem>> -> memref<1x128xi32, #tpu.memory_space<vmem>>
        %dma_start3A_158 = tpu.memref_squeeze %dma_start3A_157 : memref<1x128xi32, #tpu.memory_space<vmem>> -> memref<128xi32, #tpu.memory_space<vmem>>
        %dma_start3A_159 = arith.constant 0 : i32
        %dma_start3A_160 = arith.constant 0 : i32
        %dma_start3A_161 = tpu.memref_slice %arg4[%add3A_30, %dma_start3A_159, %dma_start3A_160] : memref<32x80x128xi32, #tpu.memory_space<hbm>> -> memref<1x80x128xi32, #tpu.memory_space<hbm>>
        %dma_start3A_162 = tpu.memref_squeeze %dma_start3A_161 : memref<1x80x128xi32, #tpu.memory_space<hbm>> -> memref<80x128xi32, #tpu.memory_space<hbm>>
        %dma_start3A_163 = arith.constant 0 : i32
        %dma_start3A_164 = tpu.memref_slice %dma_start3A_162[%add3A_144, %dma_start3A_163] : memref<80x128xi32, #tpu.memory_space<hbm>> -> memref<1x128xi32, #tpu.memory_space<hbm>>
        %dma_start3A_165 = tpu.memref_squeeze %dma_start3A_164 : memref<1x128xi32, #tpu.memory_space<hbm>> -> memref<128xi32, #tpu.memory_space<hbm>>
        tpu.enqueue_dma source(%dma_start3A_165 : memref<128xi32, #tpu.memory_space<hbm>>) target(%dma_start3A_158 : memref<128xi32, #tpu.memory_space<vmem>>) target_semaphore(%arg14 : memref<!tpu.dma_semaphore, #tpu.memory_space<semaphore_mem>>)
        %dma_wait3A_166 = arith.constant 0 : i32
        %dma_wait3A_167 = arith.constant 0 : i32
        %dma_wait3A_168 = arith.constant 0 : i32
        %dma_wait3A_169 = tpu.memref_slice %arg6[%dma_wait3A_167, %dma_wait3A_168] : memref<2x128xi32, #tpu.memory_space<vmem>> -> memref<1x128xi32, #tpu.memory_space<vmem>>
        %dma_wait3A_170 = tpu.memref_squeeze %dma_wait3A_169 : memref<1x128xi32, #tpu.memory_space<vmem>> -> memref<128xi32, #tpu.memory_space<vmem>>
        %dma_wait3A_171 = arith.constant 0 : i32
        %dma_wait3A_172 = arith.constant 0 : i32
        %dma_wait3A_173 = tpu.memref_slice %arg3[%add3A_30, %dma_wait3A_171, %dma_wait3A_172] : memref<32x80x128xi32, #tpu.memory_space<hbm>> -> memref<1x80x128xi32, #tpu.memory_space<hbm>>
        %dma_wait3A_174 = tpu.memref_squeeze %dma_wait3A_173 : memref<1x80x128xi32, #tpu.memory_space<hbm>> -> memref<80x128xi32, #tpu.memory_space<hbm>>
        %dma_wait3A_175 = arith.constant 0 : i32
        %dma_wait3A_176 = tpu.memref_slice %dma_wait3A_174[%dma_wait3A_166, %dma_wait3A_175] : memref<80x128xi32, #tpu.memory_space<hbm>> -> memref<1x128xi32, #tpu.memory_space<hbm>>
        %dma_wait3A_177 = tpu.memref_squeeze %dma_wait3A_176 : memref<1x128xi32, #tpu.memory_space<hbm>> -> memref<128xi32, #tpu.memory_space<hbm>>
        %dma_wait3A_178 = arith.constant 0 : i32
        %dma_wait3A_179 = tpu.memref_slice %arg6[%dma_wait3A_167, %dma_wait3A_178] : memref<2x128xi32, #tpu.memory_space<vmem>> -> memref<1x128xi32, #tpu.memory_space<vmem>>
        %dma_wait3A_180 = tpu.memref_squeeze %dma_wait3A_179 : memref<1x128xi32, #tpu.memory_space<vmem>> -> memref<128xi32, #tpu.memory_space<vmem>>
        %dma_wait3A_181 = arith.constant 0 : i32
        %dma_wait3A_182 = arith.constant 0 : i32
        %dma_wait3A_183 = tpu.memref_slice %arg3[%add3A_30, %dma_wait3A_181, %dma_wait3A_182] : memref<32x80x128xi32, #tpu.memory_space<hbm>> -> memref<1x80x128xi32, #tpu.memory_space<hbm>>
        %dma_wait3A_184 = tpu.memref_squeeze %dma_wait3A_183 : memref<1x80x128xi32, #tpu.memory_space<hbm>> -> memref<80x128xi32, #tpu.memory_space<hbm>>
        %dma_wait3A_185 = arith.constant 0 : i32
        %dma_wait3A_186 = tpu.memref_slice %dma_wait3A_184[%dma_wait3A_166, %dma_wait3A_185] : memref<80x128xi32, #tpu.memory_space<hbm>> -> memref<1x128xi32, #tpu.memory_space<hbm>>
        %dma_wait3A_187 = tpu.memref_squeeze %dma_wait3A_186 : memref<1x128xi32, #tpu.memory_space<hbm>> -> memref<128xi32, #tpu.memory_space<hbm>>
        tpu.wait_dma2 semaphore(%arg12 : memref<!tpu.dma_semaphore, #tpu.memory_space<semaphore_mem>>) src(%dma_wait3A_187 : memref<128xi32, #tpu.memory_space<hbm>>) dst(%dma_wait3A_180 : memref<128xi32, #tpu.memory_space<vmem>>)
        %dma_start3A_188 = arith.constant 0 : i32
        %dma_start3A_189 = arith.constant 0 : i32
        %dma_start3A_190 = arith.constant 0 : i32
        %dma_start3A_191 = arith.constant 0 : i32
        %dma_start3A_192 = tpu.memref_slice %arg8[%dma_start3A_189, %dma_start3A_190, %dma_start3A_191] : memref<2x128x128xf32, #tpu.memory_space<vmem>> -> memref<1x128x128xf32, #tpu.memory_space<vmem>>
        %dma_start3A_193 = tpu.memref_squeeze %dma_start3A_192 : memref<1x128x128xf32, #tpu.memory_space<vmem>> -> memref<128x128xf32, #tpu.memory_space<vmem>>
        %dma_start3A_194 = arith.constant 0 : i32
        %dma_start3A_195 = tpu.memref_slice %arg6[%dma_start3A_188, %dma_start3A_194] : memref<2x128xi32, #tpu.memory_space<vmem>> -> memref<1x128xi32, #tpu.memory_space<vmem>>
        %dma_start3A_196 = tpu.memref_squeeze %dma_start3A_195 : memref<1x128xi32, #tpu.memory_space<vmem>> -> memref<128xi32, #tpu.memory_space<vmem>>
        %dma_start3A_197 = arith.constant 0 : i32
        %dma_start3A_198 = arith.constant 0 : i32
        %dma_start3A_199 = tpu.memref_slice %arg2[%dma_start3A_197, %dma_start3A_198] : memref<10240x128xf32, #tpu.memory_space<hbm>> -> memref<10240x128xf32, #tpu.memory_space<hbm>>
        tpu.enqueue_indirect_dma source(%dma_start3A_199 : memref<10240x128xf32, #tpu.memory_space<hbm>>) target(%dma_start3A_193 : memref<128x128xf32, #tpu.memory_space<vmem>>) offsets(%dma_start3A_196 : memref<128xi32, #tpu.memory_space<vmem>>) semaphore(%arg10 : memref<!tpu.dma_semaphore, #tpu.memory_space<semaphore_mem>>)
      } else {
      }
      %mul3A_106 = arith.constant 2 : i32
      %mul3A_107 = arith.muli %scan3A_73, %mul3A_106 : i32
      %add3A_108 = arith.constant 1 : i32
      %add3A_109 = arith.addi %mul3A_107, %add3A_108 : i32
      %dma_wait3A_110 = arith.constant 1 : i32
      %dma_wait3A_111 = arith.constant 1 : i32
      %dma_wait3A_112 = arith.constant 0 : i32
      %dma_wait3A_113 = arith.constant 0 : i32
      %dma_wait3A_114 = tpu.memref_slice %arg8[%dma_wait3A_111, %dma_wait3A_112, %dma_wait3A_113] : memref<2x128x128xf32, #tpu.memory_space<vmem>> -> memref<1x128x128xf32, #tpu.memory_space<vmem>>
      %dma_wait3A_115 = tpu.memref_squeeze %dma_wait3A_114 : memref<1x128x128xf32, #tpu.memory_space<vmem>> -> memref<128x128xf32, #tpu.memory_space<vmem>>
      %dma_wait3A_116 = arith.constant 0 : i32
      %dma_wait3A_117 = tpu.memref_slice %arg6[%dma_wait3A_110, %dma_wait3A_116] : memref<2x128xi32, #tpu.memory_space<vmem>> -> memref<1x128xi32, #tpu.memory_space<vmem>>
      %dma_wait3A_118 = tpu.memref_squeeze %dma_wait3A_117 : memref<1x128xi32, #tpu.memory_space<vmem>> -> memref<128xi32, #tpu.memory_space<vmem>>
      %dma_wait3A_119 = arith.constant 0 : i32
      %dma_wait3A_120 = arith.constant 0 : i32
      %dma_wait3A_121 = tpu.memref_slice %arg2[%dma_wait3A_119, %dma_wait3A_120] : memref<10240x128xf32, #tpu.memory_space<hbm>> -> memref<10240x128xf32, #tpu.memory_space<hbm>>
      tpu.wait_indirect_dma semaphore(%arg11 : memref<!tpu.dma_semaphore, #tpu.memory_space<semaphore_mem>>) src(%dma_wait3A_121 : memref<10240x128xf32, #tpu.memory_space<hbm>>) dst(%dma_wait3A_115 : memref<128x128xf32, #tpu.memory_space<vmem>>)
      %add3A_122 = arith.constant 2 : i32
      %add3A_123 = arith.addi %add3A_109, %add3A_122 : i32
      %lt3A_124 = arith.constant 80 : i32
      %lt3A_125 = arith.cmpi slt, %add3A_123, %lt3A_124 : i32
      %convert_element_type3A_126 = arith.extui %lt3A_125 : i1 to i32
      %cond3A_127 = arith.constant 0 : i32
      %cond3A_128 = arith.cmpi ne, %convert_element_type3A_126, %cond3A_127 : i32
      scf.if %cond3A_128 {
        %add3A_143 = arith.constant 2 : i32
        %add3A_144 = arith.addi %add3A_109, %add3A_143 : i32
        %dma_start3A_145 = arith.constant 1 : i32
        %dma_start3A_146 = arith.constant 0 : i32
        %dma_start3A_147 = tpu.memref_slice %arg6[%dma_start3A_145, %dma_start3A_146] : memref<2x128xi32, #tpu.memory_space<vmem>> -> memref<1x128xi32, #tpu.memory_space<vmem>>
        %dma_start3A_148 = tpu.memref_squeeze %dma_start3A_147 : memref<1x128xi32, #tpu.memory_space<vmem>> -> memref<128xi32, #tpu.memory_space<vmem>>
        %dma_start3A_149 = arith.constant 0 : i32
        %dma_start3A_150 = arith.constant 0 : i32
        %dma_start3A_151 = tpu.memref_slice %arg3[%add3A_30, %dma_start3A_149, %dma_start3A_150] : memref<32x80x128xi32, #tpu.memory_space<hbm>> -> memref<1x80x128xi32, #tpu.memory_space<hbm>>
        %dma_start3A_152 = tpu.memref_squeeze %dma_start3A_151 : memref<1x80x128xi32, #tpu.memory_space<hbm>> -> memref<80x128xi32, #tpu.memory_space<hbm>>
        %dma_start3A_153 = arith.constant 0 : i32
        %dma_start3A_154 = tpu.memref_slice %dma_start3A_152[%add3A_144, %dma_start3A_153] : memref<80x128xi32, #tpu.memory_space<hbm>> -> memref<1x128xi32, #tpu.memory_space<hbm>>
        %dma_start3A_155 = tpu.memref_squeeze %dma_start3A_154 : memref<1x128xi32, #tpu.memory_space<hbm>> -> memref<128xi32, #tpu.memory_space<hbm>>
        %dma_start3A_156 = arith.constant 0 : i32
        %dma_start3A_157 = tpu.memref_slice %arg6[%dma_start3A_145, %dma_start3A_156] : memref<2x128xi32, #tpu.memory_space<vmem>> -> memref<1x128xi32, #tpu.memory_space<vmem>>
        %dma_start3A_158 = tpu.memref_squeeze %dma_start3A_157 : memref<1x128xi32, #tpu.memory_space<vmem>> -> memref<128xi32, #tpu.memory_space<vmem>>
        %dma_start3A_159 = arith.constant 0 : i32
        %dma_start3A_160 = arith.constant 0 : i32
        %dma_start3A_161 = tpu.memref_slice %arg3[%add3A_30, %dma_start3A_159, %dma_start3A_160] : memref<32x80x128xi32, #tpu.memory_space<hbm>> -> memref<1x80x128xi32, #tpu.memory_space<hbm>>
        %dma_start3A_162 = tpu.memref_squeeze %dma_start3A_161 : memref<1x80x128xi32, #tpu.memory_space<hbm>> -> memref<80x128xi32, #tpu.memory_space<hbm>>
        %dma_start3A_163 = arith.constant 0 : i32
        %dma_start3A_164 = tpu.memref_slice %dma_start3A_162[%add3A_144, %dma_start3A_163] : memref<80x128xi32, #tpu.memory_space<hbm>> -> memref<1x128xi32, #tpu.memory_space<hbm>>
        %dma_start3A_165 = tpu.memref_squeeze %dma_start3A_164 : memref<1x128xi32, #tpu.memory_space<hbm>> -> memref<128xi32, #tpu.memory_space<hbm>>
        tpu.enqueue_dma source(%dma_start3A_165 : memref<128xi32, #tpu.memory_space<hbm>>) target(%dma_start3A_158 : memref<128xi32, #tpu.memory_space<vmem>>) target_semaphore(%arg13 : memref<!tpu.dma_semaphore, #tpu.memory_space<semaphore_mem>>)
      } else {
      }
      %ge3A_129 = arith.constant 2 : i32
      %ge3A_130 = arith.cmpi sge, %add3A_109, %ge3A_129 : i32
      %convert_element_type3A_131 = arith.extui %ge3A_130 : i1 to i32
      %cond3A_132 = arith.constant 0 : i32
      %cond3A_133 = arith.cmpi ne, %convert_element_type3A_131, %cond3A_132 : i32
      scf.if %cond3A_133 {
        %dma_wait3A_143 = arith.constant 0 : i32
        %dma_wait3A_144 = arith.constant 1 : i32
        %dma_wait3A_145 = arith.constant 0 : i32
        %dma_wait3A_146 = tpu.memref_slice %arg7[%dma_wait3A_144, %dma_wait3A_145] : memref<2x128xi32, #tpu.memory_space<vmem>> -> memref<1x128xi32, #tpu.memory_space<vmem>>
        %dma_wait3A_147 = tpu.memref_squeeze %dma_wait3A_146 : memref<1x128xi32, #tpu.memory_space<vmem>> -> memref<128xi32, #tpu.memory_space<vmem>>
        %dma_wait3A_148 = arith.constant 0 : i32
        %dma_wait3A_149 = arith.constant 0 : i32
        %dma_wait3A_150 = tpu.memref_slice %arg4[%add3A_30, %dma_wait3A_148, %dma_wait3A_149] : memref<32x80x128xi32, #tpu.memory_space<hbm>> -> memref<1x80x128xi32, #tpu.memory_space<hbm>>
        %dma_wait3A_151 = tpu.memref_squeeze %dma_wait3A_150 : memref<1x80x128xi32, #tpu.memory_space<hbm>> -> memref<80x128xi32, #tpu.memory_space<hbm>>
        %dma_wait3A_152 = arith.constant 0 : i32
        %dma_wait3A_153 = tpu.memref_slice %dma_wait3A_151[%dma_wait3A_143, %dma_wait3A_152] : memref<80x128xi32, #tpu.memory_space<hbm>> -> memref<1x128xi32, #tpu.memory_space<hbm>>
        %dma_wait3A_154 = tpu.memref_squeeze %dma_wait3A_153 : memref<1x128xi32, #tpu.memory_space<hbm>> -> memref<128xi32, #tpu.memory_space<hbm>>
        %dma_wait3A_155 = arith.constant 0 : i32
        %dma_wait3A_156 = tpu.memref_slice %arg7[%dma_wait3A_144, %dma_wait3A_155] : memref<2x128xi32, #tpu.memory_space<vmem>> -> memref<1x128xi32, #tpu.memory_space<vmem>>
        %dma_wait3A_157 = tpu.memref_squeeze %dma_wait3A_156 : memref<1x128xi32, #tpu.memory_space<vmem>> -> memref<128xi32, #tpu.memory_space<vmem>>
        %dma_wait3A_158 = arith.constant 0 : i32
        %dma_wait3A_159 = arith.constant 0 : i32
        %dma_wait3A_160 = tpu.memref_slice %arg4[%add3A_30, %dma_wait3A_158, %dma_wait3A_159] : memref<32x80x128xi32, #tpu.memory_space<hbm>> -> memref<1x80x128xi32, #tpu.memory_space<hbm>>
        %dma_wait3A_161 = tpu.memref_squeeze %dma_wait3A_160 : memref<1x80x128xi32, #tpu.memory_space<hbm>> -> memref<80x128xi32, #tpu.memory_space<hbm>>
        %dma_wait3A_162 = arith.constant 0 : i32
        %dma_wait3A_163 = tpu.memref_slice %dma_wait3A_161[%dma_wait3A_143, %dma_wait3A_162] : memref<80x128xi32, #tpu.memory_space<hbm>> -> memref<1x128xi32, #tpu.memory_space<hbm>>
        %dma_wait3A_164 = tpu.memref_squeeze %dma_wait3A_163 : memref<1x128xi32, #tpu.memory_space<hbm>> -> memref<128xi32, #tpu.memory_space<hbm>>
        tpu.wait_dma2 semaphore(%arg15 : memref<!tpu.dma_semaphore, #tpu.memory_space<semaphore_mem>>) src(%dma_wait3A_164 : memref<128xi32, #tpu.memory_space<hbm>>) dst(%dma_wait3A_157 : memref<128xi32, #tpu.memory_space<vmem>>)
      } else {
      }
      %run_scoped3A_134 = arith.constant 1 : i32
      %run_scoped3A_135 = arith.constant 1 : i32
      "tpu.region"() ({
        %run_scoped3A_143 = tpu.sem_alloc : memref<!tpu.dma_semaphore, #tpu.memory_space<semaphore_mem>>
        %dma_start3A_144 = arith.constant 0 : i32
        %dma_start3A_145 = arith.constant 0 : i32
        %dma_start3A_146 = tpu.memref_slice %arg8[%run_scoped3A_134, %dma_start3A_144, %dma_start3A_145] : memref<2x128x128xf32, #tpu.memory_space<vmem>> -> memref<1x128x128xf32, #tpu.memory_space<vmem>>
        %dma_start3A_147 = tpu.memref_squeeze %dma_start3A_146 : memref<1x128x128xf32, #tpu.memory_space<vmem>> -> memref<128x128xf32, #tpu.memory_space<vmem>>
        %dma_start3A_148 = arith.constant 0 : i32
        %dma_start3A_149 = tpu.memref_slice %arg7[%run_scoped3A_135, %dma_start3A_148] : memref<2x128xi32, #tpu.memory_space<vmem>> -> memref<1x128xi32, #tpu.memory_space<vmem>>
        %dma_start3A_150 = tpu.memref_squeeze %dma_start3A_149 : memref<1x128xi32, #tpu.memory_space<vmem>> -> memref<128xi32, #tpu.memory_space<vmem>>
        %dma_start3A_151 = arith.constant 0 : i32
        %dma_start3A_152 = arith.constant 0 : i32
        %dma_start3A_153 = tpu.memref_slice %arg9[%dma_start3A_151, %dma_start3A_152] : memref<10240x128xf32, #tpu.memory_space<vmem_shared>> -> memref<10240x128xf32, #tpu.memory_space<vmem_shared>>
        tpu.enqueue_indirect_dma source(%dma_start3A_147 : memref<128x128xf32, #tpu.memory_space<vmem>>) target(%dma_start3A_153 : memref<10240x128xf32, #tpu.memory_space<vmem_shared>>) offsets(%dma_start3A_150 : memref<128xi32, #tpu.memory_space<vmem>>) semaphore(%run_scoped3A_143 : memref<!tpu.dma_semaphore, #tpu.memory_space<semaphore_mem>>) {add = true}
        %dma_wait3A_154 = arith.constant 0 : i32
        %dma_wait3A_155 = arith.constant 0 : i32
        %dma_wait3A_156 = tpu.memref_slice %arg8[%run_scoped3A_134, %dma_wait3A_154, %dma_wait3A_155] : memref<2x128x128xf32, #tpu.memory_space<vmem>> -> memref<1x128x128xf32, #tpu.memory_space<vmem>>
        %dma_wait3A_157 = tpu.memref_squeeze %dma_wait3A_156 : memref<1x128x128xf32, #tpu.memory_space<vmem>> -> memref<128x128xf32, #tpu.memory_space<vmem>>
        %dma_wait3A_158 = arith.constant 0 : i32
        %dma_wait3A_159 = tpu.memref_slice %arg7[%run_scoped3A_135, %dma_wait3A_158] : memref<2x128xi32, #tpu.memory_space<vmem>> -> memref<1x128xi32, #tpu.memory_space<vmem>>
        %dma_wait3A_160 = tpu.memref_squeeze %dma_wait3A_159 : memref<1x128xi32, #tpu.memory_space<vmem>> -> memref<128xi32, #tpu.memory_space<vmem>>
        %dma_wait3A_161 = arith.constant 0 : i32
        %dma_wait3A_162 = arith.constant 0 : i32
        %dma_wait3A_163 = tpu.memref_slice %arg9[%dma_wait3A_161, %dma_wait3A_162] : memref<10240x128xf32, #tpu.memory_space<vmem_shared>> -> memref<10240x128xf32, #tpu.memory_space<vmem_shared>>
        tpu.wait_indirect_dma semaphore(%run_scoped3A_143 : memref<!tpu.dma_semaphore, #tpu.memory_space<semaphore_mem>>) src(%dma_wait3A_157 : memref<128x128xf32, #tpu.memory_space<vmem>>) dst(%dma_wait3A_163 : memref<10240x128xf32, #tpu.memory_space<vmem_shared>>)
        tpu.yield
      }) : () -> ()
      %add3A_136 = arith.constant 2 : i32
      %add3A_137 = arith.addi %add3A_109, %add3A_136 : i32
      %lt3A_138 = arith.constant 80 : i32
      %lt3A_139 = arith.cmpi slt, %add3A_137, %lt3A_138 : i32
      %convert_element_type3A_140 = arith.extui %lt3A_139 : i1 to i32
      %cond3A_141 = arith.constant 0 : i32
      %cond3A_142 = arith.cmpi ne, %convert_element_type3A_140, %cond3A_141 : i32
      scf.if %cond3A_142 {
        %add3A_143 = arith.constant 2 : i32
        %add3A_144 = arith.addi %add3A_109, %add3A_143 : i32
        %dma_start3A_145 = arith.constant 1 : i32
        %dma_start3A_146 = arith.constant 0 : i32
        %dma_start3A_147 = tpu.memref_slice %arg7[%dma_start3A_145, %dma_start3A_146] : memref<2x128xi32, #tpu.memory_space<vmem>> -> memref<1x128xi32, #tpu.memory_space<vmem>>
        %dma_start3A_148 = tpu.memref_squeeze %dma_start3A_147 : memref<1x128xi32, #tpu.memory_space<vmem>> -> memref<128xi32, #tpu.memory_space<vmem>>
        %dma_start3A_149 = arith.constant 0 : i32
        %dma_start3A_150 = arith.constant 0 : i32
        %dma_start3A_151 = tpu.memref_slice %arg4[%add3A_30, %dma_start3A_149, %dma_start3A_150] : memref<32x80x128xi32, #tpu.memory_space<hbm>> -> memref<1x80x128xi32, #tpu.memory_space<hbm>>
        %dma_start3A_152 = tpu.memref_squeeze %dma_start3A_151 : memref<1x80x128xi32, #tpu.memory_space<hbm>> -> memref<80x128xi32, #tpu.memory_space<hbm>>
        %dma_start3A_153 = arith.constant 0 : i32
        %dma_start3A_154 = tpu.memref_slice %dma_start3A_152[%add3A_144, %dma_start3A_153] : memref<80x128xi32, #tpu.memory_space<hbm>> -> memref<1x128xi32, #tpu.memory_space<hbm>>
        %dma_start3A_155 = tpu.memref_squeeze %dma_start3A_154 : memref<1x128xi32, #tpu.memory_space<hbm>> -> memref<128xi32, #tpu.memory_space<hbm>>
        %dma_start3A_156 = arith.constant 0 : i32
        %dma_start3A_157 = tpu.memref_slice %arg7[%dma_start3A_145, %dma_start3A_156] : memref<2x128xi32, #tpu.memory_space<vmem>> -> memref<1x128xi32, #tpu.memory_space<vmem>>
        %dma_start3A_158 = tpu.memref_squeeze %dma_start3A_157 : memref<1x128xi32, #tpu.memory_space<vmem>> -> memref<128xi32, #tpu.memory_space<vmem>>
        %dma_start3A_159 = arith.constant 0 : i32
        %dma_start3A_160 = arith.constant 0 : i32
        %dma_start3A_161 = tpu.memref_slice %arg4[%add3A_30, %dma_start3A_159, %dma_start3A_160] : memref<32x80x128xi32, #tpu.memory_space<hbm>> -> memref<1x80x128xi32, #tpu.memory_space<hbm>>
        %dma_start3A_162 = tpu.memref_squeeze %dma_start3A_161 : memref<1x80x128xi32, #tpu.memory_space<hbm>> -> memref<80x128xi32, #tpu.memory_space<hbm>>
        %dma_start3A_163 = arith.constant 0 : i32
        %dma_start3A_164 = tpu.memref_slice %dma_start3A_162[%add3A_144, %dma_start3A_163] : memref<80x128xi32, #tpu.memory_space<hbm>> -> memref<1x128xi32, #tpu.memory_space<hbm>>
        %dma_start3A_165 = tpu.memref_squeeze %dma_start3A_164 : memref<1x128xi32, #tpu.memory_space<hbm>> -> memref<128xi32, #tpu.memory_space<hbm>>
        tpu.enqueue_dma source(%dma_start3A_165 : memref<128xi32, #tpu.memory_space<hbm>>) target(%dma_start3A_158 : memref<128xi32, #tpu.memory_space<vmem>>) target_semaphore(%arg15 : memref<!tpu.dma_semaphore, #tpu.memory_space<semaphore_mem>>)
        %dma_wait3A_166 = arith.constant 0 : i32
        %dma_wait3A_167 = arith.constant 1 : i32
        %dma_wait3A_168 = arith.constant 0 : i32
        %dma_wait3A_169 = tpu.memref_slice %arg6[%dma_wait3A_167, %dma_wait3A_168] : memref<2x128xi32, #tpu.memory_space<vmem>> -> memref<1x128xi32, #tpu.memory_space<vmem>>
        %dma_wait3A_170 = tpu.memref_squeeze %dma_wait3A_169 : memref<1x128xi32, #tpu.memory_space<vmem>> -> memref<128xi32, #tpu.memory_space<vmem>>
        %dma_wait3A_171 = arith.constant 0 : i32
        %dma_wait3A_172 = arith.constant 0 : i32
        %dma_wait3A_173 = tpu.memref_slice %arg3[%add3A_30, %dma_wait3A_171, %dma_wait3A_172] : memref<32x80x128xi32, #tpu.memory_space<hbm>> -> memref<1x80x128xi32, #tpu.memory_space<hbm>>
        %dma_wait3A_174 = tpu.memref_squeeze %dma_wait3A_173 : memref<1x80x128xi32, #tpu.memory_space<hbm>> -> memref<80x128xi32, #tpu.memory_space<hbm>>
        %dma_wait3A_175 = arith.constant 0 : i32
        %dma_wait3A_176 = tpu.memref_slice %dma_wait3A_174[%dma_wait3A_166, %dma_wait3A_175] : memref<80x128xi32, #tpu.memory_space<hbm>> -> memref<1x128xi32, #tpu.memory_space<hbm>>
        %dma_wait3A_177 = tpu.memref_squeeze %dma_wait3A_176 : memref<1x128xi32, #tpu.memory_space<hbm>> -> memref<128xi32, #tpu.memory_space<hbm>>
        %dma_wait3A_178 = arith.constant 0 : i32
        %dma_wait3A_179 = tpu.memref_slice %arg6[%dma_wait3A_167, %dma_wait3A_178] : memref<2x128xi32, #tpu.memory_space<vmem>> -> memref<1x128xi32, #tpu.memory_space<vmem>>
        %dma_wait3A_180 = tpu.memref_squeeze %dma_wait3A_179 : memref<1x128xi32, #tpu.memory_space<vmem>> -> memref<128xi32, #tpu.memory_space<vmem>>
        %dma_wait3A_181 = arith.constant 0 : i32
        %dma_wait3A_182 = arith.constant 0 : i32
        %dma_wait3A_183 = tpu.memref_slice %arg3[%add3A_30, %dma_wait3A_181, %dma_wait3A_182] : memref<32x80x128xi32, #tpu.memory_space<hbm>> -> memref<1x80x128xi32, #tpu.memory_space<hbm>>
        %dma_wait3A_184 = tpu.memref_squeeze %dma_wait3A_183 : memref<1x80x128xi32, #tpu.memory_space<hbm>> -> memref<80x128xi32, #tpu.memory_space<hbm>>
        %dma_wait3A_185 = arith.constant 0 : i32
        %dma_wait3A_186 = tpu.memref_slice %dma_wait3A_184[%dma_wait3A_166, %dma_wait3A_185] : memref<80x128xi32, #tpu.memory_space<hbm>> -> memref<1x128xi32, #tpu.memory_space<hbm>>
        %dma_wait3A_187 = tpu.memref_squeeze %dma_wait3A_186 : memref<1x128xi32, #tpu.memory_space<hbm>> -> memref<128xi32, #tpu.memory_space<hbm>>
        tpu.wait_dma2 semaphore(%arg13 : memref<!tpu.dma_semaphore, #tpu.memory_space<semaphore_mem>>) src(%dma_wait3A_187 : memref<128xi32, #tpu.memory_space<hbm>>) dst(%dma_wait3A_180 : memref<128xi32, #tpu.memory_space<vmem>>)
        %dma_start3A_188 = arith.constant 1 : i32
        %dma_start3A_189 = arith.constant 1 : i32
        %dma_start3A_190 = arith.constant 0 : i32
        %dma_start3A_191 = arith.constant 0 : i32
        %dma_start3A_192 = tpu.memref_slice %arg8[%dma_start3A_189, %dma_start3A_190, %dma_start3A_191] : memref<2x128x128xf32, #tpu.memory_space<vmem>> -> memref<1x128x128xf32, #tpu.memory_space<vmem>>
        %dma_start3A_193 = tpu.memref_squeeze %dma_start3A_192 : memref<1x128x128xf32, #tpu.memory_space<vmem>> -> memref<128x128xf32, #tpu.memory_space<vmem>>
        %dma_start3A_194 = arith.constant 0 : i32
        %dma_start3A_195 = tpu.memref_slice %arg6[%dma_start3A_188, %dma_start3A_194] : memref<2x128xi32, #tpu.memory_space<vmem>> -> memref<1x128xi32, #tpu.memory_space<vmem>>
        %dma_start3A_196 = tpu.memref_squeeze %dma_start3A_195 : memref<1x128xi32, #tpu.memory_space<vmem>> -> memref<128xi32, #tpu.memory_space<vmem>>
        %dma_start3A_197 = arith.constant 0 : i32
        %dma_start3A_198 = arith.constant 0 : i32
        %dma_start3A_199 = tpu.memref_slice %arg2[%dma_start3A_197, %dma_start3A_198] : memref<10240x128xf32, #tpu.memory_space<hbm>> -> memref<10240x128xf32, #tpu.memory_space<hbm>>
        tpu.enqueue_indirect_dma source(%dma_start3A_199 : memref<10240x128xf32, #tpu.memory_space<hbm>>) target(%dma_start3A_193 : memref<128x128xf32, #tpu.memory_space<vmem>>) offsets(%dma_start3A_196 : memref<128xi32, #tpu.memory_space<vmem>>) semaphore(%arg11 : memref<!tpu.dma_semaphore, #tpu.memory_space<semaphore_mem>>)
      } else {
      }
    }
    %scan3A_67 = arith.constant 40 : i32
    %barrier3A_68 = arith.constant 0 : index
    tpu.barrier barrier_id(%barrier3A_68)
    %mul3A_69 = arith.constant 640 : i32
    %mul3A_70 = arith.muli %arg1, %mul3A_69 : i32
    %mul3A_71 = arith.constant 640 : i32
    %mul3A_72 = arith.muli %arg1, %mul3A_71 : i32
    "tpu.region"() ({
      %run_scoped3A_73 = tpu.sem_alloc : memref<!tpu.dma_semaphore, #tpu.memory_space<semaphore_mem>>
      %dma_start3A_74 = arith.constant 0 : i32
      %dma_start3A_75 = arith.constant 0 : i32
      %dma_start3A_76 = tpu.memref_slice %arg5[%arg0, %dma_start3A_74, %dma_start3A_75] : memref<2x10240x128xf32, #tpu.memory_space<hbm>> -> memref<1x10240x128xf32, #tpu.memory_space<hbm>>
      %dma_start3A_77 = tpu.memref_squeeze %dma_start3A_76 : memref<1x10240x128xf32, #tpu.memory_space<hbm>> -> memref<10240x128xf32, #tpu.memory_space<hbm>>
      %dma_start3A_78 = arith.constant 0 : i32
      %dma_start3A_79 = tpu.memref_slice %dma_start3A_77[%mul3A_72, %dma_start3A_78] : memref<10240x128xf32, #tpu.memory_space<hbm>> -> memref<640x128xf32, #tpu.memory_space<hbm>>
      %dma_start3A_80 = arith.constant 0 : i32
      %dma_start3A_81 = tpu.memref_slice %arg9[%mul3A_70, %dma_start3A_80] : memref<10240x128xf32, #tpu.memory_space<vmem_shared>> -> memref<640x128xf32, #tpu.memory_space<vmem_shared>>
      tpu.enqueue_dma source(%dma_start3A_81 : memref<640x128xf32, #tpu.memory_space<vmem_shared>>) target(%dma_start3A_79 : memref<640x128xf32, #tpu.memory_space<hbm>>) target_semaphore(%run_scoped3A_73 : memref<!tpu.dma_semaphore, #tpu.memory_space<semaphore_mem>>)
      %dma_wait3A = arith.constant 0 : i32
      %dma_wait3A_82 = arith.constant 0 : i32
      %dma_wait3A_83 = tpu.memref_slice %arg5[%arg0, %dma_wait3A, %dma_wait3A_82] : memref<2x10240x128xf32, #tpu.memory_space<hbm>> -> memref<1x10240x128xf32, #tpu.memory_space<hbm>>
      %dma_wait3A_84 = tpu.memref_squeeze %dma_wait3A_83 : memref<1x10240x128xf32, #tpu.memory_space<hbm>> -> memref<10240x128xf32, #tpu.memory_space<hbm>>
      %dma_wait3A_85 = arith.constant 0 : i32
      %dma_wait3A_86 = tpu.memref_slice %dma_wait3A_84[%mul3A_72, %dma_wait3A_85] : memref<10240x128xf32, #tpu.memory_space<hbm>> -> memref<640x128xf32, #tpu.memory_space<hbm>>
      %dma_wait3A_87 = arith.constant 0 : i32
      %dma_wait3A_88 = tpu.memref_slice %arg9[%mul3A_70, %dma_wait3A_87] : memref<10240x128xf32, #tpu.memory_space<vmem_shared>> -> memref<640x128xf32, #tpu.memory_space<vmem_shared>>
      tpu.wait_dma2 semaphore(%run_scoped3A_73 : memref<!tpu.dma_semaphore, #tpu.memory_space<semaphore_mem>>) src(%dma_wait3A_88 : memref<640x128xf32, #tpu.memory_space<vmem_shared>>) dst(%dma_wait3A_86 : memref<640x128xf32, #tpu.memory_space<hbm>>)
      tpu.yield
    }) : () -> ()
    return
  }
}

module attributes {stable_mosaic.version = 14 : i64} {
  func.func @_dense_body(%arg0: i32, %arg1: memref<2x1024x128xf32, #tpu.memory_space<vmem>>, %arg2: memref<2x1024x1xf32, #tpu.memory_space<vmem>>, %arg3: memref<1024x128xf32, #tpu.memory_space<vmem>>, %arg4: memref<128x128xf32, #tpu.memory_space<vmem>>, %arg5: memref<128x128xf32, #tpu.memory_space<vmem>>, %arg6: memref<1x128xf32, #tpu.memory_space<vmem>>, %arg7: memref<1024x128xf32, #tpu.memory_space<vmem>>) attributes {dimension_semantics = [#tpu.dimension_semantics<arbitrary>], iteration_bounds = array<i64: 10>, scalar_prefetch = 0 : i64, scratch_operands = 0 : i64, tpu.core_type = #tpu.core_type<tc>, window_params = [{transform_indices = @transform_0, window_bounds = array<i64: 2, 1024, 128>}, {transform_indices = @transform_1, window_bounds = array<i64: 2, 1024, 1>}, {transform_indices = @transform_2, window_bounds = array<i64: 1024, 128>}, {pipeline_mode = #tpu.pipeline_mode<synchronous>, transform_indices = @transform_3, window_bounds = array<i64: 128, 128>}, {pipeline_mode = #tpu.pipeline_mode<synchronous>, transform_indices = @transform_4, window_bounds = array<i64: 128, 128>}, {pipeline_mode = #tpu.pipeline_mode<synchronous>, transform_indices = @transform_5, window_bounds = array<i64: 1, 128>}, {transform_indices = @transform_6, window_bounds = array<i64: 1024, 128>}]} {
    %get3A = arith.constant 0 : index
    %get3A_0 = arith.constant 0 : index
    %get3A_1 = arith.constant 0 : index
    %get3A_2 = vector.load %arg2[%get3A, %get3A_0, %get3A_1] : memref<2x1024x1xf32, #tpu.memory_space<vmem>>, vector<1x1024x1xf32>
    %get3A_3 = vector.shape_cast %get3A_2 : vector<1x1024x1xf32> to vector<1024x1xf32>
    %get3A_4 = arith.constant 1 : index
    %get3A_5 = arith.constant 0 : index
    %get3A_6 = arith.constant 0 : index
    %get3A_7 = vector.load %arg2[%get3A_4, %get3A_5, %get3A_6] : memref<2x1024x1xf32, #tpu.memory_space<vmem>>, vector<1x1024x1xf32>
    %get3A_8 = vector.shape_cast %get3A_7 : vector<1x1024x1xf32> to vector<1024x1xf32>
    %add3A = arith.addf %get3A_3, %get3A_8 : vector<1024x1xf32>
    %max3A = arith.constant 1.000000e+00 : f32
    %max3A_9 = vector.broadcast %max3A : f32 to vector<1024x1xf32>
    %max3A_10 = arith.maximumf %add3A, %max3A_9 : vector<1024x1xf32>
    %div3A = arith.constant 1.000000e+00 : f32
    %div3A_11 = vector.broadcast %div3A : f32 to vector<1024x1xf32>
    %div3A_12 = arith.divf %div3A_11, %max3A_10 : vector<1024x1xf32>
    %get3A_13 = arith.constant 0 : index
    %get3A_14 = arith.constant 0 : index
    %get3A_15 = arith.constant 0 : index
    %get3A_16 = vector.load %arg1[%get3A_13, %get3A_14, %get3A_15] : memref<2x1024x128xf32, #tpu.memory_space<vmem>>, vector<1x1024x128xf32>
    %get3A_17 = vector.shape_cast %get3A_16 : vector<1x1024x128xf32> to vector<1024x128xf32>
    %get3A_18 = arith.constant 1 : index
    %get3A_19 = arith.constant 0 : index
    %get3A_20 = arith.constant 0 : index
    %get3A_21 = vector.load %arg1[%get3A_18, %get3A_19, %get3A_20] : memref<2x1024x128xf32, #tpu.memory_space<vmem>>, vector<1x1024x128xf32>
    %get3A_22 = vector.shape_cast %get3A_21 : vector<1x1024x128xf32> to vector<1024x128xf32>
    %add3A_23 = arith.addf %get3A_17, %get3A_22 : vector<1024x128xf32>
    %mul3A = vector.broadcast %div3A_12 : vector<1024x1xf32> to vector<1024x128xf32>
    %mul3A_24 = arith.mulf %add3A_23, %mul3A : vector<1024x128xf32>
    %get3A_25 = arith.constant 0 : index
    %get3A_26 = arith.constant 0 : index
    %get3A_27 = vector.load %arg4[%get3A_25, %get3A_26] : memref<128x128xf32, #tpu.memory_space<vmem>>, vector<128x128xf32>
    %dot_general3A = arith.constant dense<0.000000e+00> : vector<1024x128xf32>
    %dot_general3A_28 = tpu.matmul %mul3A_24, %get3A_27, %dot_general3A {dimension_numbers = #tpu.dot_dimension_numbers<[1], [0], [0], [1], [0, 0, 1, 1], [], []>, transpose_lhs_hint = false} : vector<1024x128xf32>, vector<128x128xf32>, vector<1024x128xf32> -> vector<1024x128xf32>
    %get3A_29 = arith.constant 0 : index
    %get3A_30 = arith.constant 0 : index
    %get3A_31 = vector.load %arg3[%get3A_29, %get3A_30] : memref<1024x128xf32, #tpu.memory_space<vmem>>, vector<1024x128xf32>
    %get3A_32 = arith.constant 0 : index
    %get3A_33 = arith.constant 0 : index
    %get3A_34 = vector.load %arg5[%get3A_32, %get3A_33] : memref<128x128xf32, #tpu.memory_space<vmem>>, vector<128x128xf32>
    %dot_general3A_35 = arith.constant dense<0.000000e+00> : vector<1024x128xf32>
    %dot_general3A_36 = tpu.matmul %get3A_31, %get3A_34, %dot_general3A_35 {dimension_numbers = #tpu.dot_dimension_numbers<[1], [0], [0], [1], [0, 0, 1, 1], [], []>, transpose_lhs_hint = false} : vector<1024x128xf32>, vector<128x128xf32>, vector<1024x128xf32> -> vector<1024x128xf32>
    %add3A_37 = arith.addf %dot_general3A_28, %dot_general3A_36 : vector<1024x128xf32>
    %get3A_38 = arith.constant 0 : index
    %get3A_39 = arith.constant 0 : index
    %get3A_40 = vector.load %arg6[%get3A_38, %get3A_39] : memref<1x128xf32, #tpu.memory_space<vmem>>, vector<1x128xf32>
    %add3A_41 = vector.broadcast %get3A_40 : vector<1x128xf32> to vector<1024x128xf32>
    %add3A_42 = arith.addf %add3A_37, %add3A_41 : vector<1024x128xf32>
    %max3A_43 = arith.constant 0.000000e+00 : f32
    %max3A_44 = vector.broadcast %max3A_43 : f32 to vector<1024x128xf32>
    %max3A_45 = arith.maximumf %add3A_42, %max3A_44 : vector<1024x128xf32>
    %swap3A = arith.constant 0 : index
    %swap3A_46 = arith.constant 0 : index
    %swap3A_47 = vector.load %arg7[%swap3A, %swap3A_46] : memref<1024x128xf32, #tpu.memory_space<vmem>>, vector<1024x128xf32>
    tpu.vector_store %arg7[%swap3A, %swap3A_46], %max3A_45 {strides = array<i32>} : memref<1024x128xf32, #tpu.memory_space<vmem>>, vector<1024x128xf32>,
    return
  }
  func.func @transform_0(%arg0: i32) -> (i32, i32, i32) {
    %c0_i32 = arith.constant 0 : i32
    %c0_i32_0 = arith.constant 0 : i32
    %c0_i32_1 = arith.constant 0 : i32
    return %c0_i32, %arg0, %c0_i32_0 : i32, i32, i32
  }
  func.func @transform_1(%arg0: i32) -> (i32, i32, i32) {
    %c0_i32 = arith.constant 0 : i32
    %c0_i32_0 = arith.constant 0 : i32
    %c0_i32_1 = arith.constant 0 : i32
    return %c0_i32, %arg0, %c0_i32_0 : i32, i32, i32
  }
  func.func @transform_2(%arg0: i32) -> (i32, i32) {
    %c0_i32 = arith.constant 0 : i32
    %c0_i32_0 = arith.constant 0 : i32
    return %arg0, %c0_i32 : i32, i32
  }
  func.func @transform_3(%arg0: i32) -> (i32, i32) {
    %c0_i32 = arith.constant 0 : i32
    %c0_i32_0 = arith.constant 0 : i32
    %c0_i32_1 = arith.constant 0 : i32
    return %c0_i32, %c0_i32_0 : i32, i32
  }
  func.func @transform_4(%arg0: i32) -> (i32, i32) {
    %c0_i32 = arith.constant 0 : i32
    %c0_i32_0 = arith.constant 0 : i32
    %c0_i32_1 = arith.constant 0 : i32
    return %c0_i32, %c0_i32_0 : i32, i32
  }
  func.func @transform_5(%arg0: i32) -> (i32, i32) {
    %c0_i32 = arith.constant 0 : i32
    %c0_i32_0 = arith.constant 0 : i32
    %c0_i32_1 = arith.constant 0 : i32
    return %c0_i32, %c0_i32_0 : i32, i32
  }
  func.func @transform_6(%arg0: i32) -> (i32, i32) {
    %c0_i32 = arith.constant 0 : i32
    %c0_i32_0 = arith.constant 0 : i32
    return %arg0, %c0_i32 : i32, i32
  }
}

module attributes {stable_mosaic.version = 14 : i64} {
  func.func @_dense_body(%arg0: i32, %arg1: memref<2x1024x128xf32, #tpu.memory_space<vmem>>, %arg2: memref<2x1024x1xf32, #tpu.memory_space<vmem>>, %arg3: memref<1024x128xf32, #tpu.memory_space<vmem>>, %arg4: memref<128x128xf32, #tpu.memory_space<vmem>>, %arg5: memref<128x128xf32, #tpu.memory_space<vmem>>, %arg6: memref<1x128xf32, #tpu.memory_space<vmem>>, %arg7: memref<1024x128xf32, #tpu.memory_space<vmem>>) attributes {dimension_semantics = [#tpu.dimension_semantics<arbitrary>], iteration_bounds = array<i64: 10>, scalar_prefetch = 0 : i64, scratch_operands = 0 : i64, tpu.core_type = #tpu.core_type<tc>, window_params = [{transform_indices = @transform_0, window_bounds = array<i64: 2, 1024, 128>}, {transform_indices = @transform_1, window_bounds = array<i64: 2, 1024, 1>}, {transform_indices = @transform_2, window_bounds = array<i64: 1024, 128>}, {pipeline_mode = #tpu.pipeline_mode<synchronous>, transform_indices = @transform_3, window_bounds = array<i64: 128, 128>}, {pipeline_mode = #tpu.pipeline_mode<synchronous>, transform_indices = @transform_4, window_bounds = array<i64: 128, 128>}, {pipeline_mode = #tpu.pipeline_mode<synchronous>, transform_indices = @transform_5, window_bounds = array<i64: 1, 128>}, {transform_indices = @transform_6, window_bounds = array<i64: 1024, 128>}]} {
    %get3A = arith.constant 0 : index
    %get3A_0 = arith.constant 0 : index
    %get3A_1 = arith.constant 0 : index
    %get3A_2 = vector.load %arg2[%get3A, %get3A_0, %get3A_1] : memref<2x1024x1xf32, #tpu.memory_space<vmem>>, vector<1x1024x1xf32>
    %get3A_3 = vector.shape_cast %get3A_2 : vector<1x1024x1xf32> to vector<1024x1xf32>
    %get3A_4 = arith.constant 1 : index
    %get3A_5 = arith.constant 0 : index
    %get3A_6 = arith.constant 0 : index
    %get3A_7 = vector.load %arg2[%get3A_4, %get3A_5, %get3A_6] : memref<2x1024x1xf32, #tpu.memory_space<vmem>>, vector<1x1024x1xf32>
    %get3A_8 = vector.shape_cast %get3A_7 : vector<1x1024x1xf32> to vector<1024x1xf32>
    %add3A = arith.addf %get3A_3, %get3A_8 : vector<1024x1xf32>
    %max3A = arith.constant 1.000000e+00 : f32
    %max3A_9 = vector.broadcast %max3A : f32 to vector<1024x1xf32>
    %max3A_10 = arith.maximumf %add3A, %max3A_9 : vector<1024x1xf32>
    %div3A = arith.constant 1.000000e+00 : f32
    %div3A_11 = vector.broadcast %div3A : f32 to vector<1024x1xf32>
    %div3A_12 = arith.divf %div3A_11, %max3A_10 : vector<1024x1xf32>
    %get3A_13 = arith.constant 0 : index
    %get3A_14 = arith.constant 0 : index
    %get3A_15 = arith.constant 0 : index
    %get3A_16 = vector.load %arg1[%get3A_13, %get3A_14, %get3A_15] : memref<2x1024x128xf32, #tpu.memory_space<vmem>>, vector<1x1024x128xf32>
    %get3A_17 = vector.shape_cast %get3A_16 : vector<1x1024x128xf32> to vector<1024x128xf32>
    %get3A_18 = arith.constant 1 : index
    %get3A_19 = arith.constant 0 : index
    %get3A_20 = arith.constant 0 : index
    %get3A_21 = vector.load %arg1[%get3A_18, %get3A_19, %get3A_20] : memref<2x1024x128xf32, #tpu.memory_space<vmem>>, vector<1x1024x128xf32>
    %get3A_22 = vector.shape_cast %get3A_21 : vector<1x1024x128xf32> to vector<1024x128xf32>
    %add3A_23 = arith.addf %get3A_17, %get3A_22 : vector<1024x128xf32>
    %mul3A = vector.broadcast %div3A_12 : vector<1024x1xf32> to vector<1024x128xf32>
    %mul3A_24 = arith.mulf %add3A_23, %mul3A : vector<1024x128xf32>
    %get3A_25 = arith.constant 0 : index
    %get3A_26 = arith.constant 0 : index
    %get3A_27 = vector.load %arg4[%get3A_25, %get3A_26] : memref<128x128xf32, #tpu.memory_space<vmem>>, vector<128x128xf32>
    %dot_general3A = arith.constant dense<0.000000e+00> : vector<1024x128xf32>
    %dot_general3A_28 = tpu.matmul %mul3A_24, %get3A_27, %dot_general3A {dimension_numbers = #tpu.dot_dimension_numbers<[1], [0], [0], [1], [0, 0, 1, 1], [], []>, transpose_lhs_hint = false} : vector<1024x128xf32>, vector<128x128xf32>, vector<1024x128xf32> -> vector<1024x128xf32>
    %get3A_29 = arith.constant 0 : index
    %get3A_30 = arith.constant 0 : index
    %get3A_31 = vector.load %arg3[%get3A_29, %get3A_30] : memref<1024x128xf32, #tpu.memory_space<vmem>>, vector<1024x128xf32>
    %get3A_32 = arith.constant 0 : index
    %get3A_33 = arith.constant 0 : index
    %get3A_34 = vector.load %arg5[%get3A_32, %get3A_33] : memref<128x128xf32, #tpu.memory_space<vmem>>, vector<128x128xf32>
    %dot_general3A_35 = arith.constant dense<0.000000e+00> : vector<1024x128xf32>
    %dot_general3A_36 = tpu.matmul %get3A_31, %get3A_34, %dot_general3A_35 {dimension_numbers = #tpu.dot_dimension_numbers<[1], [0], [0], [1], [0, 0, 1, 1], [], []>, transpose_lhs_hint = false} : vector<1024x128xf32>, vector<128x128xf32>, vector<1024x128xf32> -> vector<1024x128xf32>
    %add3A_37 = arith.addf %dot_general3A_28, %dot_general3A_36 : vector<1024x128xf32>
    %get3A_38 = arith.constant 0 : index
    %get3A_39 = arith.constant 0 : index
    %get3A_40 = vector.load %arg6[%get3A_38, %get3A_39] : memref<1x128xf32, #tpu.memory_space<vmem>>, vector<1x128xf32>
    %add3A_41 = vector.broadcast %get3A_40 : vector<1x128xf32> to vector<1024x128xf32>
    %add3A_42 = arith.addf %add3A_37, %add3A_41 : vector<1024x128xf32>
    %max3A_43 = arith.constant 0.000000e+00 : f32
    %max3A_44 = vector.broadcast %max3A_43 : f32 to vector<1024x128xf32>
    %max3A_45 = arith.maximumf %add3A_42, %max3A_44 : vector<1024x128xf32>
    %reduce_max3A = arith.constant dense<0xFF800000> : vector<1024xf32>
    %reduce_max3A_46 = vector.multi_reduction <maximumf>, %max3A_45, %reduce_max3A [1] : vector<1024x128xf32> to vector<1024xf32>
    %broadcast_in_dim3A = vector.shape_cast %reduce_max3A_46 : vector<1024xf32> to vector<1024x1xf32>
    %sub3A = vector.broadcast %broadcast_in_dim3A : vector<1024x1xf32> to vector<1024x128xf32>
    %sub3A_47 = arith.subf %max3A_45, %sub3A : vector<1024x128xf32>
    %exp3A = math.exp %sub3A_47 : vector<1024x128xf32>
    %reduce_sum3A = arith.constant dense<0.000000e+00> : vector<1024xf32>
    %reduce_sum3A_48 = vector.multi_reduction <add>, %exp3A, %reduce_sum3A [1] : vector<1024x128xf32> to vector<1024xf32>
    %broadcast_in_dim3A_49 = vector.shape_cast %reduce_sum3A_48 : vector<1024xf32> to vector<1024x1xf32>
    %sub3A_50 = vector.broadcast %broadcast_in_dim3A : vector<1024x1xf32> to vector<1024x128xf32>
    %sub3A_51 = arith.subf %max3A_45, %sub3A_50 : vector<1024x128xf32>
    %log3A = math.log %broadcast_in_dim3A_49 : vector<1024x1xf32>
    %sub3A_52 = vector.broadcast %log3A : vector<1024x1xf32> to vector<1024x128xf32>
    %sub3A_53 = arith.subf %sub3A_51, %sub3A_52 : vector<1024x128xf32>
    %swap3A = arith.constant 0 : index
    %swap3A_54 = arith.constant 0 : index
    %swap3A_55 = vector.load %arg7[%swap3A, %swap3A_54] : memref<1024x128xf32, #tpu.memory_space<vmem>>, vector<1024x128xf32>
    tpu.vector_store %arg7[%swap3A, %swap3A_54], %sub3A_53 {strides = array<i32>} : memref<1024x128xf32, #tpu.memory_space<vmem>>, vector<1024x128xf32>,
    return
  }
  func.func @transform_0(%arg0: i32) -> (i32, i32, i32) {
    %c0_i32 = arith.constant 0 : i32
    %c0_i32_0 = arith.constant 0 : i32
    %c0_i32_1 = arith.constant 0 : i32
    return %c0_i32, %arg0, %c0_i32_0 : i32, i32, i32
  }
  func.func @transform_1(%arg0: i32) -> (i32, i32, i32) {
    %c0_i32 = arith.constant 0 : i32
    %c0_i32_0 = arith.constant 0 : i32
    %c0_i32_1 = arith.constant 0 : i32
    return %c0_i32, %arg0, %c0_i32_0 : i32, i32, i32
  }
  func.func @transform_2(%arg0: i32) -> (i32, i32) {
    %c0_i32 = arith.constant 0 : i32
    %c0_i32_0 = arith.constant 0 : i32
    return %arg0, %c0_i32 : i32, i32
  }
  func.func @transform_3(%arg0: i32) -> (i32, i32) {
    %c0_i32 = arith.constant 0 : i32
    %c0_i32_0 = arith.constant 0 : i32
    %c0_i32_1 = arith.constant 0 : i32
    return %c0_i32, %c0_i32_0 : i32, i32
  }
  func.func @transform_4(%arg0: i32) -> (i32, i32) {
    %c0_i32 = arith.constant 0 : i32
    %c0_i32_0 = arith.constant 0 : i32
    %c0_i32_1 = arith.constant 0 : i32
    return %c0_i32, %c0_i32_0 : i32, i32
  }
  func.func @transform_5(%arg0: i32) -> (i32, i32) {
    %c0_i32 = arith.constant 0 : i32
    %c0_i32_0 = arith.constant 0 : i32
    %c0_i32_1 = arith.constant 0 : i32
    return %c0_i32, %c0_i32_0 : i32, i32
  }
  func.func @transform_6(%arg0: i32) -> (i32, i32) {
    %c0_i32 = arith.constant 0 : i32
    %c0_i32_0 = arith.constant 0 : i32
    return %arg0, %c0_i32 : i32, i32
  }
}

</mosaic_0001>

<sc_bundles>
// kernel: kernel.11.cloned.1.call-start
scs
__scs_entry_jumppad:
0x0: {  	(pc) =	sbr.rel $0x88, $3  }
0x1: {  	(tag) =	ssettag $0x0;
	lr =	simm.s32 $0x1  }
0x2: {  	[smem:$0x3F96] =	sst lr;
	_ =	strace $0xD0000000  }
0x3: {  	_ = 	snop  }
0x4: {  	_ = 	snop  }
0x5: {  	_ = 	snop  }
0x6: {  	_ = 	snop  }
0x7: {  	_ = 	snop  }
__scs_overlays_trampoline_lowered:
0x8: {  	[smem:$0x3FA5] =	sst s0  }
0x9: {  	[smem:$0x3FA6] =	sst s1  }
0xa: {  	[smem:$0x3FA7] =	sst s2  }
0xb: {  	[smem:$0x3FA8] =	sst s3  }
0xc: {  	[smem:$0x3FA9] =	sst s4  }
0xd: {  	[smem:$0x3FAA] =	sst s5  }
0xe: {  	[smem:$0x3FAB] =	sst s6  }
0xf: {  	[smem:$0x3FAC] =	sst s7  }
0x10: {  	[smem:$0x3FAD] =	sst s8  }
0x11: {  	[smem:$0x3FAE] =	sst s9;
	s0 =	simm.s32 @!p0 $0x0  }
0x12: {  	s1 =	sld [smem:$0x3F94];
	s0 =	simm.s32 @p0 $0x1  }
0x13: {  	[smem:$0x3FAF] =	sst s0;
	s0 =	simm.s32 @!p1 $0x0  }
0x14: {  	s2 =	sld [smem:$0x3F93];
	s0 =	simm.s32 @p1 $0x1  }
0x15: {  	[smem:$0x3FB0] =	sst s0;
	s0 =	simm.s32 @!p2 $0x0  }
0x16: {  	s3 =	sld [smem:$0x3FDB];
	s0 =	simm.s32 @p2 $0x1  }
0x17: {  	s4 =	simm.s32 $0x1BF5;
	[smem:$0x3FB2] =	sst s0  }
0x18: {  	s0 =	sld [smem:$0x3F95];
	_ =	swait.ge [sflag:s4], $0x0  }
0x19: {  	s7 =	sld [smem:$0x3F96]  }
0x1a: {  	s8 =	sadd.s32 $0xFFFFE003, lr  }
0x1b: {  	s9 =	sadd.s32 $0xFFFFFEF7, lr;
	s5 =	simm.s32 $0xFFFFFFFF;
	p2 =	slt.u32 s8, $0xFFFFF086  }
0x1c: {  	p1 =	slt.u32 s9, $0xF7A;
	s5 =	simm.s32 @!p2 $0x0  }
0x1d: {  	s5 =	simm.s32 @p1 $0x1;
	p0 =	seq.s32 s7, s2  }
0x1e: {  	s7 =	smul.u32 @!p0 $0xF7A, s2;
	p2 =	seq.s32 @!p0 s5, $0x0  }
0x1f: {  	s9 =	smul.u32 $0xF7A, s1;
	s8 =	simm.s32 @!p0 $0x1BF5;
	p2 =	por !p2, p0  }
0x20: {  	[sflag:s8] =	ssyncset.s32 @!p0 $0xFFFFF086;
	s6 =	sadd.s32 @!p0 s3, s7;
	s7 =	simm.s32 @!p0 $0x108  }
0x21: {  	s3 =	sadd.s32 s3, s9;
	s6 =	sadd.s32 @!p0 $0x88, s6;
	s7 =	simm.s32 @p2 $0x1082  }
0x22: {  	[simem:s7], [sflag:s8] =	dma.local @!p0 [hbm:s6], $0xF7A  }
0x23: {  	s9 =	sor.u32 $0xD0000000, s2;
	s6 =	simm.s32 $0x108;
	_ =	swait.ge @!p0 [sflag:s8], $0x0  }
0x24: {  	s3 =	sadd.s32 $0x88, s3;
	s6 =	simm.s32 @!p1 $0x1082;
	[sflag:s4] =	ssyncset.s32 $0xFFFFF086  }
0x25: {  	[simem:s6], [sflag:s4] =	dma.local [hbm:s3], $0xF7A  }
0x26: {  	[smem:$0x3F96] =	sst s1;
	(tag) =	ssettag s2;
	_ =	strace s9  }
0x27: {  	s1 =	sld [smem:$0x3FA6]  }
0x28: {  	s2 =	sld [smem:$0x3FA7]  }
0x29: {  	s4 =	sld [smem:$0x3FA9]  }
0x2a: {  	p0 =	seq.s32 s5, $0x0;
	s5 =	sld [smem:$0x3FAA]  }
0x2b: {  	s6 =	sld [smem:$0x3FAB]  }
0x2c: {  	s7 =	sld [smem:$0x3FAC]  }
0x2d: {  	s3 =	simm.s32 $0x108;
	s8 =	sld [smem:$0x3FAD]  }
0x2e: {  	s3 =	simm.s32 @!p0 $0x1082;
	s9 =	sld [smem:$0x3FAE]  }
0x2f: {  	lr =	sadd.s32 s0, s3;
	s0 =	sld [smem:$0x3FA5]  }
0x30: {  	s3 =	sld [smem:$0x3FA8]  }
0x31: {  	[smem:$0x3FB1] =	sst s10  }
0x32: {  	s10 =	sld [smem:$0x3FAF];
	_ =	sdelay $0x3  }
0x33: {  	p0 =	seq.s32 s10, $0x1;
	s10 =	sld [smem:$0x3FB1];
	_ =	sdelay $0x3  }
0x34: {  	[smem:$0x3FB1] =	sst s10  }
0x35: {  	s10 =	sld [smem:$0x3FB0];
	_ =	sdelay $0x3  }
0x36: {  	p1 =	seq.s32 s10, $0x1;
	s10 =	sld [smem:$0x3FB1];
	_ =	sdelay $0x3  }
0x37: {  	[smem:$0x3FB1] =	sst s10  }
0x38: {  	s10 =	sld [smem:$0x3FB2]  }
0x39: {  	_ = 	snop;
	(pc) =	sbr.ind lr, $3  }
0x3a: {  	_ = 	snop  }
0x3b: {  	_ = 	snop  }
0x3c: {  	p2 =	seq.s32 s10, $0x1;
	s10 =	sld [smem:$0x3FB1]  }
0x3d: {  	_ =	shalt  }
0x3e: {  	_ =	shalt  }
0x3f: {  	_ =	shalt  }
0x40: {  	_ =	shalt  }
0x41: {  	_ =	shalt  }
0x42: {  	_ =	shalt  }
0x43: {  	_ =	shalt  }
0x44: {  	_ =	shalt  }
0x45: {  	_ =	shalt  }
0x46: {  	_ =	shalt  }
0x47: {  	_ =	shalt  }
0x48: {  	_ =	shalt  }
0x49: {  	_ =	shalt  }
0x4a: {  	_ =	shalt  }
0x4b: {  	_ =	shalt  }
0x4c: {  	_ =	shalt  }
0x4d: {  	_ =	shalt  }
0x4e: {  	_ =	shalt  }
0x4f: {  	_ =	shalt  }
0x50: {  	_ =	shalt  }
0x51: {  	_ =	shalt  }
0x52: {  	_ =	shalt  }
0x53: {  	_ =	shalt  }
0x54: {  	_ =	shalt  }
0x55: {  	_ =	shalt  }
0x56: {  	_ =	shalt  }
0x57: {  	_ =	shalt  }
0x58: {  	_ =	shalt  }
0x59: {  	_ =	shalt  }
0x5a: {  	_ =	shalt  }
0x5b: {  	_ =	shalt  }
0x5c: {  	_ =	shalt  }
0x5d: {  	_ =	shalt  }
0x5e: {  	_ =	shalt  }
0x5f: {  	_ =	shalt  }
0x60: {  	_ =	shalt  }
0x61: {  	_ =	shalt  }
0x62: {  	_ =	shalt  }
0x63: {  	_ =	shalt  }
0x64: {  	_ =	shalt  }
0x65: {  	_ =	shalt  }
0x66: {  	_ =	shalt  }
0x67: {  	_ =	shalt  }
0x68: {  	_ =	shalt  }
0x69: {  	_ =	shalt  }
0x6a: {  	_ =	shalt  }
0x6b: {  	_ =	shalt  }
0x6c: {  	_ =	shalt  }
0x6d: {  	_ =	shalt  }
0x6e: {  	_ =	shalt  }
0x6f: {  	_ =	shalt  }
0x70: {  	_ =	shalt  }
0x71: {  	_ =	shalt  }
0x72: {  	_ =	shalt  }
0x73: {  	_ =	shalt  }
0x74: {  	_ =	shalt  }
0x75: {  	_ =	shalt  }
0x76: {  	_ =	shalt  }
0x77: {  	_ =	shalt  }
0x78: {  	_ =	shalt  }
0x79: {  	_ =	shalt  }
0x7a: {  	_ =	shalt  }
0x7b: {  	_ =	shalt  }
0x7c: {  	_ =	shalt  }
0x7d: {  	_ =	shalt  }
0x7e: {  	_ =	shalt  }
0x7f: {  	_ =	shalt  }
0x80: {  	_ =	shalt  }
0x81: {  	_ =	shalt  }
0x82: {  	_ =	shalt  }
0x83: {  	_ =	shalt  }
0x84: {  	_ =	shalt  }
0x85: {  	_ =	shalt  }
0x86: {  	_ =	shalt  }
0x87: {  	_ =	shalt  }
.Lfunc_end0:
.L_simem_size_0:
called_computation.1_lowered:
.L_overlay_start_0:
0x88: {  	s2 =	sld [smem:$0x3FD9]  }
0x89: {  	s3 =	sld [smem:$0x3FFE];
	_ =	sdelay $0x1  }
0x8a: {  	s1 =	srdreg.scid  }
0x8b: {  	s0 =	sand.u32 $0x1, s1  }
0x8c: {  	s17 =	sshll.u32 s0, $0xA;
	s2 =	sadd.s32 s3, s2  }
0x8d: {  	s2 =	sadd.s32 s2, s17  }
0x8e: {  	[smem:$0x3FBD] =	sst s2  }
0x8f: {  	_ = 	snop  }
0x90: {  	s2 =	sld [smem:$0x3FD0];
	(tm) =	ssettm $0x1  }
0x91: {  	s18 =	sld [smem:$0x3FFB];
	_ =	sdelay $0x3  }
0x92: {  	_ =	strace s18  }
0x93: {  	s3 =	sld [smem:$0x3FFC];
	_ =	sdelay $0x3  }
0x94: {  	_ =	strace s3  }
0x95: {  	s3 =	sld [smem:$0x3FFD];
	_ =	sdelay $0x3  }
0x96: {  	_ =	strace s3  }
0x97: {  	_ =	strace $0x8FFFFFFF  }
0x98: {  	s19 =	sld [smem:$0x3FDB];
	_ =	sdelay $0x1  }
0x99: {  	s4 =	simm.s32 $_scs_section_size  }
0x9a: {  	s5 =	simm.s32 $_size__tile_overlayer_lowered;
	s6 =	simm.s32 $_tile_overlayer_lowered  }
0x9b: {  	s22 =	simm.s32 $0x1BFF;
	s21 =	sshll.u32 s6, $0x1;
	s3 =	sadd.s32 s4, s19  }
0x9c: {  	s7 =	simm.s32 $0x0;
	s20 =	sshll.u32 s5, $0x1;
	s5 =	sadd.s32 s21, s3  }
0x9d: {  	[timem:s7], [sflag:s22] =	dma.local [hbm:s5], s20  }
0x9e: {  	_ =	swait.ge [sflag:s22], s20  }
0x9f: {  	s4 =	ssub.s32 $0x0, s20;
	[sflag:s22] =	ssyncset.done $0x0  }
0xa0: {  	[sflag:s22] =	ssyncadd.s32 s4;
	_ =	sdelay $0x1  }
0xa1: {  	s23 =	simm.s32 $0x1B8B  }
0xa2: {  	_ =	swait.ge [sflag:s23], $0x1  }
0xa3: {  	[sflag:s23] =	ssyncset.done $0x0  }
0xa4: {  	s25 =	simm.s32 $0x1B8E;
	s24 =	sld [smem:$0x3FFE];
	[sflag:s23] =	ssyncadd.s32 $0xFFFFFFFF  }
0xa5: {  	s26 =	simm.s32 $execute0_lowered;
	[smem:$0x3FD2] =	sst s25  }
0xa6: {  	s5 =	sshll.u32 s26, $0x1;
	_ =	strace $0x80000049;
	[dreg:$0x1] =	wrdreg $0xFFFFFFFF  }
0xa7: {  	s28 =	simm.s32 $_size_execute0_lowered;
	s3 =	sadd.s32 s3, s5;
	[dreg:$0x0] =	wrdreg $0x0  }
0xa8: {  	s5 =	sshll.u32 s28, $0x1;
	[dreg:$0x2] =	wrdreg s3  }
0xa9: {  	[dreg:$0x3] =	wrdreg s5  }
0xaa: {  	[dreg:$0x4] =	wrdreg $0xC0  }
0xab: {  	_ =	task [dreg:s7], $0x5FFFF  }
0xac: {  	[dreg:$0x1] =	wrdreg $0xFFFFFFFF  }
0xad: {  	[dreg:$0x0] =	wrdreg $0x60  }
0xae: {  	[dreg:$0x2] =	wrdreg s24  }
0xaf: {  	[dreg:$0x3] =	wrdreg s2  }
0xb0: {  	[dreg:$0x4] =	wrdreg $0x82000  }
0xb1: {  	[dreg:$0x5] =	wrdreg $0x9  }
0xb2: {  	_ =	task.clear_ibuf [dreg:s7], $0x6FFFF;
	_ =	strace $0x90000049  }
0xb3: {  	s29 =	simm.s32 $0x9;
	_ =	strace $0x8000004B  }
0xb4: {  	_ =	swait.ge [sflag:s29], $0x1  }
0xb5: {  	[sflag:s29] =	ssyncadd.s32 $0xFFFFFFFF  }
0xb6: {  	_ =	strace $0x9000004B  }
0xb7: {  	_ =	sfence  }
0xb8: {  	s30 =	sld [smem:$0x0];
	_ =	sdelay $0x2  }
0xb9: {  	s31 =	sshll.u32 s1, $0xD;
	s1 =	sshrl.u32 s1, $0x2  }
0xba: {  	s3 =	sand.u32 $0x4000, s31;
	s1 =	sadd.s32 s1, s30  }
0xbb: {  	s0 =	sor.u32 s3, s0;
	s1 =	sshll.u32 s1, $0x11  }
0xbc: {  	s0 =	sor.u32 s1, s0  }
0xbd: {  	s0 =	sadd.s32 $0x8F2B, s0  }
0xbe: {  	[sflag:s0] =	ssyncadd.remote.s32 $0x1  }
0xbf: {  	_ =	sfence.sel $0xFFFF  }
0xc0: {  	[dreg:$0x0] =	wrdreg $0xFFFFFFFF;
	(pc) =	sbr.abs _section_cstart, $3  }
0xc1: {  	[dreg:$0x1] =	wrdreg $0xFFFFFFFF  }
0xc2: {  	_ =	task.clear_ibuf [dreg:s7], $0x2FFFF;
	_ =	strace $0x9FFFFFFF  }
0xc3: {  	(tm) =	ssettm $0x7FFFFFFF  }
tec
execute0_lowered:
.L_overlay_start_1:
0x0: {  	(tag) =	ssettag $0x1  }
0x1: {  	s5 =	rddreg [dreg:$0x0]  }
0x2: {  	s10 =	rddreg [dreg:$0x1]  }
0x3: {  	s1 =	srdreg.scid;
	s0 =	stileid.u32  }
0x4: {  	s2 =	rddreg [dreg:$0x2];
	s3 =	simm.s32 $0x0;
	s15 =	simm.s32 $0x100  }
0x5: {  	s16 =	simm.s32 $0x80;
	s19 =	simm.s32 $0x180;
	s20 =	simm.s32 $0x4200  }
0x6: {  	s21 =	simm.s32 $0x1;
	s22 =	simm.s32 $0x3;
	s23 =	simm.s32 $0x2  }
0x7: {  	s26 =	simm.s32 $0x6;
	s28 =	simm.s32 $0x0;
	s7 =	smul.u32 $0x50000, s0  }
0x8: {  	s6 =	sand.u32 $0x1, s1;
	s4 =	sshll.u32 s0, $0x1;
	s25 =	smul.u32 $0x2800, s0  }
0x9: {  	[smem:$0x7FF] =	sst s3;
	s4 =	sor.u32 s6, s4;
	s8 =	smul.u32 $0x28000, s6  }
0xa: {  	_ =	strace $0x8000004A;
	s6 =	ssub.s32 $0x2, s6;
	s11 =	smul.u32 $0x500, s4  }
0xb: {  	s4 =	sadd.s32 $0xD200, s5;
	s9 =	sshrl.u32 s6, $0x1;
	s7 =	sshrl.u32 s7, $0x2  }
0xc: {  	s13 =	sadd.s32 s8, s5;
	s14 =	ssub.s32 s6, s9;
	s12 =	sadd.s32 s11, s5  }
0xd: {  	s5 =	sadd.s32 s7, s2;
	s10 =	sadd.s32 s10, s11;
	s24 =	sadd.s32 $0x35200, s13  }
.Ltmp0:
0xe: {  	s13 =	simm.s32 $0x200;
	s30 =	sadd.s32 $0x4000, s5;
	(pc) =	sbr.rel .LBB2_1-.Ltmp0, $4  }
0xf: {  	s31 =	sadd.s32 $0x8000, s5;
	s8 =	sadd.s32 $0xC000, s5;
	s9 =	sadd.s32 $0x10000, s5  }
0x10: {  	s11 =	sadd.s32 $0x3200, s12;
	s12 =	smax.u32 s14, $0x1;
	s14 =	simm.s32 $0x7  }
0x11: {  	s17 =	sadd.s32 $0x10, s10;
	s24 =	sadd.s32 s25, s24;
	[dreg:$0x4] =	wrdreg s30  }
0x12: {  	v0 =	vimm.f32 $0.0e+00;
	s25 =	simm.s32 $0x4;
	[dreg:$0x5] =	wrdreg s31;
	s18 =	sadd.s32 $0x10, s11  }
.LBB2_6:
0x13: {  	_ =	swait.ge [sflag:s26], $0x80  }
0x14: {  	[sflag:s26] =	ssyncset.done $0x0  }
0x15: {  	[sflag:s26] =	ssyncadd.s32 $0xFFFFFF80  }
0x16: {  	[spmem:s2] =	stream.indirect.scatter.add.f32 [tilespmem:s20], [sflag:$0x7], $0x80, s19, s16, $0xb8;
	[tilespmem:$0x1C200] =	vst v63  }
0x17: {  	s0 =	stileid.u32;
	_ =	swait.ge [sflag:s14], $0x4000  }
0x18: {  	s1 =	sshrl.u32 s5, $0x3;
	s28 =	sadd.s32 $0x1, s28;
	[sflag:s14] =	ssyncset.done $0x0  }
0x19: {  	s0 =	sshll.u32 s0, $0x6;
	p0 =	sne.s32 s28, s12;
	[sflag:s14] =	ssyncadd.s32 $0xFFFFC000  }
.Ltmp1:
0x1a: {  	s0 =	sor.u32 $0x1C07, s0;
	[bflag:$0x0] =	sbarrier.arrive $0xFFFF;
	(pc) =	sbr.rel @!p0 .LBB2_7-.Ltmp1, $4  }
0x1b: {  	[hbm:s24], [sflag:s0] =	dma.local [spmem:s1], $0x2800  }
0x1c: {  	_ =	swait.ge [sflag:s14], $0x2800  }
0x1d: {  	[sflag:s14] =	ssyncset.done $0x0  }
0x1e: {  	[sflag:s14] =	ssyncadd.s32 $0xFFFFD800  }
.LBB2_1:
0x1f: {  	s29 =	simm.s32 $0x0;
	s30 =	simm.s32 $0x200  }
.LBB2_2:
0x20: {  	p0 =	sne.s32 s30, $0xFE00;
	[tilespmem:s29+$0x270] =	vst v0  }
0x21: {  	[tilespmem:s29+$0x200] =	vst v0  }
0x22: {  	[tilespmem:s29+$0x210] =	vst v0  }
.Ltmp2:
0x23: {  	[tilespmem:s29+$0x220] =	vst v0;
	(pc) =	sbr.rel @p0 .LBB2_2-.Ltmp2, $4  }
0x24: {  	[tilespmem:s29+$0x230] =	vst v0  }
0x25: {  	[tilespmem:s29+$0x240] =	vst v0  }
0x26: {  	[tilespmem:s29+$0x250] =	vst v0  }
0x27: {  	[tilespmem:s29+$0x260] =	vst v0;
	s29 =	sshra.s32 s30, $0x2;
	s30 =	sadd.s32 $0x200, s30  }
0x28: {  	[tilespmem:s29+$0x270] =	vst v0  }
0x29: {  	[tilespmem:s29+$0x200] =	vst v0  }
0x2a: {  	[tilespmem:s29+$0x210] =	vst v0  }
0x2b: {  	[tilespmem:s29+$0x220] =	vst v0  }
0x2c: {  	[tilespmem:s29+$0x230] =	vst v0  }
0x2d: {  	[tilespmem:s29+$0x240] =	vst v0  }
0x2e: {  	[tilespmem:s29+$0x250] =	vst v0  }
0x2f: {  	[tilespmem:s29+$0x260] =	vst v0  }
0x30: {  	[spmem:s5] =	stream.linear.scatter [tilespmem:s13], [sflag:$0x7], $0x4000, $0x38;
	[tilespmem:$0x1C200] =	vst v63  }
0x31: {  	_ =	swait.ge [sflag:s14], $0x4000  }
0x32: {  	[sflag:s14] =	ssyncset.done $0x0  }
0x33: {  	s0 =	rddreg [dreg:$0x4];
	[sflag:s14] =	ssyncadd.s32 $0xFFFFC000  }
0x34: {  	[spmem:s0] =	stream.linear.scatter [tilespmem:s13], [sflag:$0x7], $0x4000, $0x38;
	[tilespmem:$0x1C200] =	vst v63  }
0x35: {  	_ =	swait.ge [sflag:s14], $0x4000  }
0x36: {  	[sflag:s14] =	ssyncset.done $0x0  }
0x37: {  	s31 =	rddreg [dreg:$0x5];
	[sflag:s14] =	ssyncadd.s32 $0xFFFFC000  }
0x38: {  	[spmem:s31] =	stream.linear.scatter [tilespmem:s13], [sflag:$0x7], $0x4000, $0x38;
	[tilespmem:$0x1C200] =	vst v63  }
0x39: {  	_ =	swait.ge [sflag:s14], $0x4000  }
0x3a: {  	[sflag:s14] =	ssyncset.done $0x0  }
0x3b: {  	[sflag:s14] =	ssyncadd.s32 $0xFFFFC000  }
0x3c: {  	[spmem:s8] =	stream.linear.scatter [tilespmem:s13], [sflag:$0x7], $0x4000, $0x38;
	[tilespmem:$0x1C200] =	vst v63  }
0x3d: {  	_ =	swait.ge [sflag:s14], $0x4000  }
0x3e: {  	[sflag:s14] =	ssyncset.done $0x0  }
0x3f: {  	[sflag:s14] =	ssyncadd.s32 $0xFFFFC000  }
0x40: {  	[spmem:s9] =	stream.linear.scatter [tilespmem:s13], [sflag:$0x7], $0x4000, $0x38;
	[tilespmem:$0x1C200] =	vst v63  }
0x41: {  	_ =	swait.ge [sflag:s14], $0x4000  }
0x42: {  	[sflag:s14] =	ssyncset.done $0x0  }
0x43: {  	[sflag:s14] =	ssyncadd.s32 $0xFFFFC000  }
0x44: {  	[bflag:$0x0] =	sbarrier.arrive $0xFFFF  }
0x45: {  	[tilespmem:s3], [sflag:$0x7] =	stream.linear.gather [hbm4b:s10+s3], $0x80, $0x38;
	[tilespmem:$0x1C200] =	vst v63  }
0x46: {  	_ =	swait.ge [sflag:s14], $0x80  }
0x47: {  	[sflag:s14] =	ssyncset.done $0x0  }
0x48: {  	[sflag:s14] =	ssyncadd.s32 $0xFFFFFF80  }
0x49: {  	[tilespmem:s15], [sflag:$0x7] =	stream.linear.gather [hbm4b:s11+s3], $0x80, $0x38;
	[tilespmem:$0x1C200] =	vst v63  }
0x4a: {  	_ =	swait.ge [sflag:s14], $0x80  }
0x4b: {  	[sflag:s14] =	ssyncset.done $0x0  }
0x4c: {  	[sflag:s14] =	ssyncadd.s32 $0xFFFFFF80  }
0x4d: {  	[tilespmem:s13], [sflag:$0x1] =	stream.indirect.gather [hbm4b:s4+s16], $0x80, s3, s16, $0xb8;
	[tilespmem:$0x1C200] =	vst v63  }
0x4e: {  	_ = 	snop  }
0x4f: {  	[tilespmem:s16], [sflag:$0x7] =	stream.linear.gather [hbm4b:s17+s3], $0x80, $0x38;
	[tilespmem:$0x1C200] =	vst v63  }
0x50: {  	_ =	swait.ge [sflag:s14], $0x80  }
0x51: {  	[sflag:s14] =	ssyncset.done $0x0  }
0x52: {  	[sflag:s14] =	ssyncadd.s32 $0xFFFFFF80  }
0x53: {  	[tilespmem:s19], [sflag:$0x7] =	stream.linear.gather [hbm4b:s18+s3], $0x80, $0x38;
	[tilespmem:$0x1C200] =	vst v63  }
0x54: {  	_ =	swait.ge [sflag:s14], $0x80  }
0x55: {  	[sflag:s14] =	ssyncset.done $0x0  }
0x56: {  	[sflag:s14] =	ssyncadd.s32 $0xFFFFFF80  }
0x57: {  	[tilespmem:s20], [sflag:$0x2] =	stream.indirect.gather [hbm4b:s4+s16], $0x80, s16, s16, $0xb8;
	[tilespmem:$0x1C200] =	vst v63  }
0x58: {  	_ =	swait.ge [sflag:s21], $0x4000  }
0x59: {  	[sflag:s21] =	ssyncset.done $0x0  }
0x5a: {  	s29 =	sadd.s32 $0x20, s10;
	[sflag:s21] =	ssyncadd.s32 $0xFFFFC000  }
0x5b: {  	[tilespmem:s3], [sflag:$0x3] =	stream.linear.gather [hbm4b:s29+s3], $0x80, $0x38;
	[tilespmem:$0x1C200] =	vst v63  }
0x5c: {  	_ = 	snop  }
0x5d: {  	[spmem:s2] =	stream.indirect.scatter.add.f32 [tilespmem:s13], [sflag:$0x7], $0x80, s15, s16, $0xb8;
	[tilespmem:$0x1C200] =	vst v63  }
0x5e: {  	_ =	swait.ge [sflag:s14], $0x4000  }
0x5f: {  	[sflag:s14] =	ssyncset.done $0x0  }
0x60: {  	s29 =	sadd.s32 $0x20, s11;
	[sflag:s14] =	ssyncadd.s32 $0xFFFFC000  }
0x61: {  	[tilespmem:s15], [sflag:$0x5] =	stream.linear.gather [hbm4b:s29+s3], $0x80, $0x38;
	[tilespmem:$0x1C200] =	vst v63  }
0x62: {  	_ =	swait.ge [sflag:s22], $0x80  }
0x63: {  	[sflag:s22] =	ssyncset.done $0x0  }
0x64: {  	[sflag:s22] =	ssyncadd.s32 $0xFFFFFF80  }
0x65: {  	[tilespmem:s13], [sflag:$0x1] =	stream.indirect.gather [hbm4b:s4+s16], $0x80, s3, s16, $0xb8;
	[tilespmem:$0x1C200] =	vst v63  }
0x66: {  	_ =	swait.ge [sflag:s23], $0x4000  }
0x67: {  	[sflag:s23] =	ssyncset.done $0x0  }
0x68: {  	s29 =	sadd.s32 $0x30, s10;
	[sflag:s23] =	ssyncadd.s32 $0xFFFFC000  }
0x69: {  	[tilespmem:s16], [sflag:$0x4] =	stream.linear.gather [hbm4b:s29+s3], $0x80, $0x38;
	[tilespmem:$0x1C200] =	vst v63  }
0x6a: {  	_ = 	snop  }
0x6b: {  	[spmem:s2] =	stream.indirect.scatter.add.f32 [tilespmem:s20], [sflag:$0x7], $0x80, s19, s16, $0xb8;
	[tilespmem:$0x1C200] =	vst v63  }
0x6c: {  	_ =	swait.ge [sflag:s14], $0x4000  }
0x6d: {  	[sflag:s14] =	ssyncset.done $0x0  }
0x6e: {  	s29 =	sadd.s32 $0x30, s11;
	[sflag:s14] =	ssyncadd.s32 $0xFFFFC000  }
0x6f: {  	[tilespmem:s19], [sflag:$0x6] =	stream.linear.gather [hbm4b:s29+s3], $0x80, $0x38;
	[tilespmem:$0x1C200] =	vst v63  }
0x70: {  	_ =	swait.ge [sflag:s25], $0x80  }
0x71: {  	[sflag:s25] =	ssyncset.done $0x0  }
0x72: {  	s29 =	simm.s32 $0xFFFFFB40;
	[sflag:s25] =	ssyncadd.s32 $0xFFFFFF80  }
0x73: {  	[tilespmem:s20], [sflag:$0x2] =	stream.indirect.gather [hbm4b:s4+s16], $0x80, s16, s16, $0xb8;
	[tilespmem:$0x1C200] =	vst v63  }
.LBB2_4:
0x74: {  	_ =	swait.ge [sflag:s21], $0x4000  }
0x75: {  	p0 =	seq.s32 s29, $0x0;
	[sflag:s21] =	ssyncset.done $0x0  }
0x76: {  	s30 =	simm.s32 @p0 $0x5;
	[sflag:s21] =	ssyncadd.s32 $0xFFFFC000  }
0x77: {  	_ =	swait.ge @p0 [sflag:s30], $0x80  }
0x78: {  	s31 =	simm.s32 @p0 $0x100;
	[sflag:s30] =	ssyncset.done @p0 $0x0  }
0x79: {  	s1 =	simm.s32 @p0 $0x200;
	[sflag:s30] =	ssyncadd.s32 @p0 $0xFFFFFF80;
	s30 =	simm.s32 @p0 $0x80  }
0x7a: {  	[spmem:s2] =	stream.indirect.scatter.add.f32 @p0 [tilespmem:s1], [sflag:$0x7], $0x80, s31, s30, $0xb8;
	[tilespmem:$0x1C200] =	vst v63  }
0x7b: {  	s1 =	simm.s32 @p0 $0x7  }
0x7c: {  	_ =	swait.ge @p0 [sflag:s1], $0x4000  }
0x7d: {  	s30 =	sadd.s32 @!p0 s29, s10;
	[sflag:s1] =	ssyncset.done @p0 $0x0  }
0x7e: {  	[sflag:s1] =	ssyncadd.s32 @p0 $0xFFFFC000;
	s1 =	sadd.s32 @!p0 $0x500, s30;
	s30 =	simm.s32 @!p0 $0x0  }
0x7f: {  	[tilespmem:s30], [sflag:$0x3] =	stream.linear.gather @!p0 [hbm4b:s1+s30], $0x80, $0x38;
	[tilespmem:$0x1C200] =	vst v63  }
0x80: {  	s1 =	simm.s32 @!p0 $0x5  }
0x81: {  	_ =	swait.ge @!p0 [sflag:s1], $0x80  }
0x82: {  	s0 =	simm.s32 @!p0 $0x200;
	s6 =	simm.s32 @!p0 $0x7;
	[sflag:s1] =	ssyncset.done @!p0 $0x0  }
0x83: {  	s31 =	simm.s32 @!p0 $0x100;
	[sflag:s1] =	ssyncadd.s32 @!p0 $0xFFFFFF80;
	s1 =	simm.s32 @!p0 $0x80  }
0x84: {  	[spmem:s2] =	stream.indirect.scatter.add.f32 @!p0 [tilespmem:s0], [sflag:$0x7], $0x80, s31, s1, $0xb8;
	[tilespmem:$0x1C200] =	vst v63  }
0x85: {  	_ =	swait.ge @!p0 [sflag:s6], $0x4000  }
0x86: {  	s7 =	sadd.s32 @!p0 s29, s11;
	[sflag:s6] =	ssyncset.done @!p0 $0x0  }
0x87: {  	[sflag:s6] =	ssyncadd.s32 @!p0 $0xFFFFC000;
	s6 =	sadd.s32 @!p0 $0x500, s7  }
0x88: {  	[tilespmem:s31], [sflag:$0x5] =	stream.linear.gather @!p0 [hbm4b:s6+s30], $0x80, $0x38;
	[tilespmem:$0x1C200] =	vst v63  }
0x89: {  	s6 =	simm.s32 @!p0 $0x3  }
0x8a: {  	_ =	swait.ge @!p0 [sflag:s6], $0x80  }
0x8b: {  	[sflag:s6] =	ssyncset.done @!p0 $0x0  }
.Ltmp3:
0x8c: {  	[sflag:s6] =	ssyncadd.s32 @!p0 $0xFFFFFF80;
	(pc) =	sbr.rel @p0 .LBB2_6-.Ltmp3, $4  }
0x8d: {  	[tilespmem:s0], [sflag:$0x1] =	stream.indirect.gather @!p0 [hbm4b:s4+s1], $0x80, s30, s1, $0xb8;
	[tilespmem:$0x1C200] =	vst v63  }
0x8e: {  	_ =	swait.ge [sflag:s23], $0x4000  }
0x8f: {  	[sflag:s23] =	ssyncset.done $0x0  }
0x90: {  	[sflag:s23] =	ssyncadd.s32 $0xFFFFC000  }
0x91: {  	s0 =	sadd.s32 s29, s10  }
0x92: {  	s0 =	sadd.s32 $0x510, s0  }
0x93: {  	[tilespmem:s16], [sflag:$0x4] =	stream.linear.gather [hbm4b:s0+s3], $0x80, $0x38;
	[tilespmem:$0x1C200] =	vst v63  }
0x94: {  	_ =	swait.ge [sflag:s26], $0x80  }
0x95: {  	[sflag:s26] =	ssyncset.done $0x0  }
0x96: {  	[sflag:s26] =	ssyncadd.s32 $0xFFFFFF80  }
0x97: {  	[spmem:s2] =	stream.indirect.scatter.add.f32 [tilespmem:s20], [sflag:$0x7], $0x80, s19, s16, $0xb8;
	[tilespmem:$0x1C200] =	vst v63  }
0x98: {  	_ =	swait.ge [sflag:s14], $0x4000  }
0x99: {  	s31 =	sadd.s32 s29, s11;
	[sflag:s14] =	ssyncset.done $0x0  }
0x9a: {  	s0 =	sadd.s32 $0x510, s31;
	[sflag:s14] =	ssyncadd.s32 $0xFFFFC000  }
0x9b: {  	[tilespmem:s19], [sflag:$0x6] =	stream.linear.gather [hbm4b:s0+s3], $0x80, $0x38;
	[tilespmem:$0x1C200] =	vst v63  }
.Ltmp4:
0x9c: {  	_ = 	snop;
	(pc) =	sbr.rel .LBB2_4-.Ltmp4, $4  }
0x9d: {  	_ =	swait.ge [sflag:s25], $0x80  }
0x9e: {  	[sflag:s25] =	ssyncset.done $0x0  }
0x9f: {  	s29 =	sadd.s32 $0x20, s29;
	[sflag:s25] =	ssyncadd.s32 $0xFFFFFF80  }
0xa0: {  	[tilespmem:s20], [sflag:$0x2] =	stream.indirect.gather [hbm4b:s4+s16], $0x80, s16, s16, $0xb8;
	[tilespmem:$0x1C200] =	vst v63  }
.LBB2_7:
0xa1: {  	_ =	sfence.sel $0x180000  }
0xa2: {  	[bflag:$0x0] =	sbarrier.arrive $0xFFFF  }
0xa3: {  	_ =	strace $0x9000004A  }
0xa4: {  	s0 =	stileid.u32;
	[bflag:$0x2] =	sbarrier.arrive $0xFFFF  }
0xa5: {  	p0 =	sne.s32 s0, $0x0;
	s0 =	rddreg [dreg:$0x3]  }
0xa6: {  	s0 =	sadd.s32 @!p0 $0x100000, s0  }
0xa7: {  	[sflag:s0] =	ssyncadd.tile.s32 @!p0 $0x1;
	_ =	shalt  }
.Lfunc_end2:
_tile_overlayer_lowered:
.L_overlay_start_2:
0xa8: {  	(tag) =	ssettag $0x2  }
0xa9: {  	s0 =	rddreg [dreg:$0x0];
	s2 =	stileid.u32  }
0xaa: {  	s1 =	rddreg [dreg:$0x1];
	p0 =	sne.s32 s2, $0x0  }
0xab: {  	s3 =	rddreg [dreg:$0x2];
	[bflag:$0x3] =	sbarrier.arrive $0xFFFF;
	s2 =	simm.s32 @!p0 $0x1C07  }
0xac: {  	[timem:s3], [sflag:s2] =	dma.local @!p0 [hbm:s0], s1  }
0xad: {  	s0 =	simm.s32 @!p0 $0x7  }
0xae: {  	_ =	swait.ge @!p0 [sflag:s0], s1  }
0xaf: {  	s1 =	ssub.s32 @!p0 $0x0, s1;
	[sflag:s0] =	ssyncset.done @!p0 $0x0  }
0xb0: {  	[sflag:s0] =	ssyncadd.s32 @!p0 s1  }
0xb1: {  	[bflag:$0x3] =	sbarrier.arrive $0xFFFF  }
0xb2: {  	_ =	shalt  }

// kernel: kernel.14.cloned.1.call-start
scs
__scs_entry_jumppad:
0x0: {  	(pc) =	sbr.rel $0x88, $3  }
0x1: {  	(tag) =	ssettag $0x0;
	lr =	simm.s32 $0x1  }
0x2: {  	[smem:$0x3F96] =	sst lr;
	_ =	strace $0xD0000000  }
0x3: {  	_ = 	snop  }
0x4: {  	_ = 	snop  }
0x5: {  	_ = 	snop  }
0x6: {  	_ = 	snop  }
0x7: {  	_ = 	snop  }
__scs_overlays_trampoline_lowered:
0x8: {  	[smem:$0x3FA5] =	sst s0  }
0x9: {  	[smem:$0x3FA6] =	sst s1  }
0xa: {  	[smem:$0x3FA7] =	sst s2  }
0xb: {  	[smem:$0x3FA8] =	sst s3  }
0xc: {  	[smem:$0x3FA9] =	sst s4  }
0xd: {  	[smem:$0x3FAA] =	sst s5  }
0xe: {  	[smem:$0x3FAB] =	sst s6  }
0xf: {  	[smem:$0x3FAC] =	sst s7  }
0x10: {  	[smem:$0x3FAD] =	sst s8  }
0x11: {  	[smem:$0x3FAE] =	sst s9;
	s0 =	simm.s32 @!p0 $0x0  }
0x12: {  	s1 =	sld [smem:$0x3F94];
	s0 =	simm.s32 @p0 $0x1  }
0x13: {  	[smem:$0x3FAF] =	sst s0;
	s0 =	simm.s32 @!p1 $0x0  }
0x14: {  	s2 =	sld [smem:$0x3F93];
	s0 =	simm.s32 @p1 $0x1  }
0x15: {  	[smem:$0x3FB0] =	sst s0;
	s0 =	simm.s32 @!p2 $0x0  }
0x16: {  	s3 =	sld [smem:$0x3FDB];
	s0 =	simm.s32 @p2 $0x1  }
0x17: {  	s4 =	simm.s32 $0x1BF5;
	[smem:$0x3FB2] =	sst s0  }
0x18: {  	s0 =	sld [smem:$0x3F95];
	_ =	swait.ge [sflag:s4], $0x0  }
0x19: {  	s7 =	sld [smem:$0x3F96]  }
0x1a: {  	s8 =	sadd.s32 $0xFFFFE003, lr  }
0x1b: {  	s9 =	sadd.s32 $0xFFFFFEF7, lr;
	s5 =	simm.s32 $0xFFFFFFFF;
	p2 =	slt.u32 s8, $0xFFFFF086  }
0x1c: {  	p1 =	slt.u32 s9, $0xF7A;
	s5 =	simm.s32 @!p2 $0x0  }
0x1d: {  	s5 =	simm.s32 @p1 $0x1;
	p0 =	seq.s32 s7, s2  }
0x1e: {  	s7 =	smul.u32 @!p0 $0xF7A, s2;
	p2 =	seq.s32 @!p0 s5, $0x0  }
0x1f: {  	s9 =	smul.u32 $0xF7A, s1;
	s8 =	simm.s32 @!p0 $0x1BF5;
	p2 =	por !p2, p0  }
0x20: {  	[sflag:s8] =	ssyncset.s32 @!p0 $0xFFFFF086;
	s6 =	sadd.s32 @!p0 s3, s7;
	s7 =	simm.s32 @!p0 $0x108  }
0x21: {  	s3 =	sadd.s32 s3, s9;
	s6 =	sadd.s32 @!p0 $0x88, s6;
	s7 =	simm.s32 @p2 $0x1082  }
0x22: {  	[simem:s7], [sflag:s8] =	dma.local @!p0 [hbm:s6], $0xF7A  }
0x23: {  	s9 =	sor.u32 $0xD0000000, s2;
	s6 =	simm.s32 $0x108;
	_ =	swait.ge @!p0 [sflag:s8], $0x0  }
0x24: {  	s3 =	sadd.s32 $0x88, s3;
	s6 =	simm.s32 @!p1 $0x1082;
	[sflag:s4] =	ssyncset.s32 $0xFFFFF086  }
0x25: {  	[simem:s6], [sflag:s4] =	dma.local [hbm:s3], $0xF7A  }
0x26: {  	[smem:$0x3F96] =	sst s1;
	(tag) =	ssettag s2;
	_ =	strace s9  }
0x27: {  	s1 =	sld [smem:$0x3FA6]  }
0x28: {  	s2 =	sld [smem:$0x3FA7]  }
0x29: {  	s4 =	sld [smem:$0x3FA9]  }
0x2a: {  	p0 =	seq.s32 s5, $0x0;
	s5 =	sld [smem:$0x3FAA]  }
0x2b: {  	s6 =	sld [smem:$0x3FAB]  }
0x2c: {  	s7 =	sld [smem:$0x3FAC]  }
0x2d: {  	s3 =	simm.s32 $0x108;
	s8 =	sld [smem:$0x3FAD]  }
0x2e: {  	s3 =	simm.s32 @!p0 $0x1082;
	s9 =	sld [smem:$0x3FAE]  }
0x2f: {  	lr =	sadd.s32 s0, s3;
	s0 =	sld [smem:$0x3FA5]  }
0x30: {  	s3 =	sld [smem:$0x3FA8]  }
0x31: {  	[smem:$0x3FB1] =	sst s10  }
0x32: {  	s10 =	sld [smem:$0x3FAF];
	_ =	sdelay $0x3  }
0x33: {  	p0 =	seq.s32 s10, $0x1;
	s10 =	sld [smem:$0x3FB1];
	_ =	sdelay $0x3  }
0x34: {  	[smem:$0x3FB1] =	sst s10  }
0x35: {  	s10 =	sld [smem:$0x3FB0];
	_ =	sdelay $0x3  }
0x36: {  	p1 =	seq.s32 s10, $0x1;
	s10 =	sld [smem:$0x3FB1];
	_ =	sdelay $0x3  }
0x37: {  	[smem:$0x3FB1] =	sst s10  }
0x38: {  	s10 =	sld [smem:$0x3FB2]  }
0x39: {  	_ = 	snop;
	(pc) =	sbr.ind lr, $3  }
0x3a: {  	_ = 	snop  }
0x3b: {  	_ = 	snop  }
0x3c: {  	p2 =	seq.s32 s10, $0x1;
	s10 =	sld [smem:$0x3FB1]  }
0x3d: {  	_ =	shalt  }
0x3e: {  	_ =	shalt  }
0x3f: {  	_ =	shalt  }
0x40: {  	_ =	shalt  }
0x41: {  	_ =	shalt  }
0x42: {  	_ =	shalt  }
0x43: {  	_ =	shalt  }
0x44: {  	_ =	shalt  }
0x45: {  	_ =	shalt  }
0x46: {  	_ =	shalt  }
0x47: {  	_ =	shalt  }
0x48: {  	_ =	shalt  }
0x49: {  	_ =	shalt  }
0x4a: {  	_ =	shalt  }
0x4b: {  	_ =	shalt  }
0x4c: {  	_ =	shalt  }
0x4d: {  	_ =	shalt  }
0x4e: {  	_ =	shalt  }
0x4f: {  	_ =	shalt  }
0x50: {  	_ =	shalt  }
0x51: {  	_ =	shalt  }
0x52: {  	_ =	shalt  }
0x53: {  	_ =	shalt  }
0x54: {  	_ =	shalt  }
0x55: {  	_ =	shalt  }
0x56: {  	_ =	shalt  }
0x57: {  	_ =	shalt  }
0x58: {  	_ =	shalt  }
0x59: {  	_ =	shalt  }
0x5a: {  	_ =	shalt  }
0x5b: {  	_ =	shalt  }
0x5c: {  	_ =	shalt  }
0x5d: {  	_ =	shalt  }
0x5e: {  	_ =	shalt  }
0x5f: {  	_ =	shalt  }
0x60: {  	_ =	shalt  }
0x61: {  	_ =	shalt  }
0x62: {  	_ =	shalt  }
0x63: {  	_ =	shalt  }
0x64: {  	_ =	shalt  }
0x65: {  	_ =	shalt  }
0x66: {  	_ =	shalt  }
0x67: {  	_ =	shalt  }
0x68: {  	_ =	shalt  }
0x69: {  	_ =	shalt  }
0x6a: {  	_ =	shalt  }
0x6b: {  	_ =	shalt  }
0x6c: {  	_ =	shalt  }
0x6d: {  	_ =	shalt  }
0x6e: {  	_ =	shalt  }
0x6f: {  	_ =	shalt  }
0x70: {  	_ =	shalt  }
0x71: {  	_ =	shalt  }
0x72: {  	_ =	shalt  }
0x73: {  	_ =	shalt  }
0x74: {  	_ =	shalt  }
0x75: {  	_ =	shalt  }
0x76: {  	_ =	shalt  }
0x77: {  	_ =	shalt  }
0x78: {  	_ =	shalt  }
0x79: {  	_ =	shalt  }
0x7a: {  	_ =	shalt  }
0x7b: {  	_ =	shalt  }
0x7c: {  	_ =	shalt  }
0x7d: {  	_ =	shalt  }
0x7e: {  	_ =	shalt  }
0x7f: {  	_ =	shalt  }
0x80: {  	_ =	shalt  }
0x81: {  	_ =	shalt  }
0x82: {  	_ =	shalt  }
0x83: {  	_ =	shalt  }
0x84: {  	_ =	shalt  }
0x85: {  	_ =	shalt  }
0x86: {  	_ =	shalt  }
0x87: {  	_ =	shalt  }
.Lfunc_end0:
.L_simem_size_0:
called_computation.2_lowered:
.L_overlay_start_0:
0x88: {  	s2 =	sld [smem:$0x3FD9]  }
0x89: {  	s3 =	sld [smem:$0x3FFE];
	_ =	sdelay $0x1  }
0x8a: {  	s1 =	srdreg.scid  }
0x8b: {  	s0 =	sand.u32 $0x1, s1  }
0x8c: {  	s17 =	sshll.u32 s0, $0xA;
	s2 =	sadd.s32 s3, s2  }
0x8d: {  	s2 =	sadd.s32 s2, s17  }
0x8e: {  	[smem:$0x3FBD] =	sst s2  }
0x8f: {  	_ = 	snop  }
0x90: {  	s2 =	sld [smem:$0x3FD0];
	(tm) =	ssettm $0x1  }
0x91: {  	s18 =	sld [smem:$0x3FFB];
	_ =	sdelay $0x3  }
0x92: {  	_ =	strace s18  }
0x93: {  	s3 =	sld [smem:$0x3FFC];
	_ =	sdelay $0x3  }
0x94: {  	_ =	strace s3  }
0x95: {  	s3 =	sld [smem:$0x3FFD];
	_ =	sdelay $0x3  }
0x96: {  	_ =	strace s3  }
0x97: {  	_ =	strace $0x8FFFFFFF  }
0x98: {  	s19 =	sld [smem:$0x3FDB];
	_ =	sdelay $0x1  }
0x99: {  	s4 =	simm.s32 $_scs_section_size  }
0x9a: {  	s5 =	simm.s32 $_size__tile_overlayer_lowered;
	s6 =	simm.s32 $_tile_overlayer_lowered  }
0x9b: {  	s22 =	simm.s32 $0x1BFF;
	s21 =	sshll.u32 s6, $0x1;
	s3 =	sadd.s32 s4, s19  }
0x9c: {  	s7 =	simm.s32 $0x0;
	s20 =	sshll.u32 s5, $0x1;
	s5 =	sadd.s32 s21, s3  }
0x9d: {  	[timem:s7], [sflag:s22] =	dma.local [hbm:s5], s20  }
0x9e: {  	_ =	swait.ge [sflag:s22], s20  }
0x9f: {  	s4 =	ssub.s32 $0x0, s20;
	[sflag:s22] =	ssyncset.done $0x0  }
0xa0: {  	[sflag:s22] =	ssyncadd.s32 s4;
	_ =	sdelay $0x1  }
0xa1: {  	s23 =	simm.s32 $0x1B8B  }
0xa2: {  	_ =	swait.ge [sflag:s23], $0x1  }
0xa3: {  	[sflag:s23] =	ssyncset.done $0x0  }
0xa4: {  	s25 =	simm.s32 $0x1B8E;
	s24 =	sld [smem:$0x3FFE];
	[sflag:s23] =	ssyncadd.s32 $0xFFFFFFFF  }
0xa5: {  	s26 =	simm.s32 $execute0_lowered;
	[smem:$0x3FD2] =	sst s25  }
0xa6: {  	s5 =	sshll.u32 s26, $0x1;
	_ =	strace $0x8000004C;
	[dreg:$0x1] =	wrdreg $0xFFFFFFFF  }
0xa7: {  	s28 =	simm.s32 $_size_execute0_lowered;
	s3 =	sadd.s32 s3, s5;
	[dreg:$0x0] =	wrdreg $0x0  }
0xa8: {  	s5 =	sshll.u32 s28, $0x1;
	[dreg:$0x2] =	wrdreg s3  }
0xa9: {  	[dreg:$0x3] =	wrdreg s5  }
0xaa: {  	[dreg:$0x4] =	wrdreg $0xC0  }
0xab: {  	_ =	task [dreg:s7], $0x5FFFF  }
0xac: {  	[dreg:$0x1] =	wrdreg $0xFFFFFFFF  }
0xad: {  	[dreg:$0x0] =	wrdreg $0x60  }
0xae: {  	[dreg:$0x2] =	wrdreg s24  }
0xaf: {  	[dreg:$0x3] =	wrdreg s2  }
0xb0: {  	[dreg:$0x4] =	wrdreg $0x82000  }
0xb1: {  	[dreg:$0x5] =	wrdreg $0x9  }
0xb2: {  	_ =	task.clear_ibuf [dreg:s7], $0x6FFFF;
	_ =	strace $0x9000004C  }
0xb3: {  	s29 =	simm.s32 $0x9;
	_ =	strace $0x8000004E  }
0xb4: {  	_ =	swait.ge [sflag:s29], $0x1  }
0xb5: {  	[sflag:s29] =	ssyncadd.s32 $0xFFFFFFFF  }
0xb6: {  	_ =	strace $0x9000004E  }
0xb7: {  	_ =	sfence  }
0xb8: {  	s30 =	sld [smem:$0x0];
	_ =	sdelay $0x2  }
0xb9: {  	s31 =	sshll.u32 s1, $0xD;
	s1 =	sshrl.u32 s1, $0x2  }
0xba: {  	s3 =	sand.u32 $0x4000, s31;
	s1 =	sadd.s32 s1, s30  }
0xbb: {  	s0 =	sor.u32 s3, s0;
	s1 =	sshll.u32 s1, $0x11  }
0xbc: {  	s0 =	sor.u32 s1, s0  }
0xbd: {  	s0 =	sadd.s32 $0x8F2B, s0  }
0xbe: {  	[sflag:s0] =	ssyncadd.remote.s32 $0x1  }
0xbf: {  	_ =	sfence.sel $0xFFFF  }
0xc0: {  	[dreg:$0x0] =	wrdreg $0xFFFFFFFF;
	(pc) =	sbr.abs _section_cstart, $3  }
0xc1: {  	[dreg:$0x1] =	wrdreg $0xFFFFFFFF  }
0xc2: {  	_ =	task.clear_ibuf [dreg:s7], $0x2FFFF;
	_ =	strace $0x9FFFFFFF  }
0xc3: {  	(tm) =	ssettm $0x7FFFFFFF  }
tec
execute0_lowered:
.L_overlay_start_1:
0x0: {  	(tag) =	ssettag $0x1  }
0x1: {  	s5 =	rddreg [dreg:$0x0]  }
0x2: {  	s10 =	rddreg [dreg:$0x1]  }
0x3: {  	s1 =	srdreg.scid;
	s0 =	stileid.u32  }
0x4: {  	s2 =	rddreg [dreg:$0x2];
	s3 =	simm.s32 $0x0;
	s15 =	simm.s32 $0x100  }
0x5: {  	s16 =	simm.s32 $0x80;
	s19 =	simm.s32 $0x180;
	s20 =	simm.s32 $0x4200  }
0x6: {  	s21 =	simm.s32 $0x1;
	s22 =	simm.s32 $0x3;
	s23 =	simm.s32 $0x2  }
0x7: {  	s26 =	simm.s32 $0x6;
	s28 =	simm.s32 $0x0;
	s7 =	smul.u32 $0x50000, s0  }
0x8: {  	s6 =	sand.u32 $0x1, s1;
	s4 =	sshll.u32 s0, $0x1;
	s25 =	smul.u32 $0x2800, s0  }
0x9: {  	[smem:$0x7FF] =	sst s3;
	s4 =	sor.u32 s6, s4;
	s8 =	smul.u32 $0x28000, s6  }
0xa: {  	_ =	strace $0x8000004D;
	s6 =	ssub.s32 $0x2, s6;
	s11 =	smul.u32 $0x500, s4  }
0xb: {  	s4 =	sadd.s32 $0xD200, s5;
	s9 =	sshrl.u32 s6, $0x1;
	s7 =	sshrl.u32 s7, $0x2  }
0xc: {  	s13 =	sadd.s32 s8, s5;
	s14 =	ssub.s32 s6, s9;
	s12 =	sadd.s32 s11, s5  }
0xd: {  	s5 =	sadd.s32 s7, s2;
	s10 =	sadd.s32 s10, s11;
	s24 =	sadd.s32 $0x35200, s13  }
.Ltmp0:
0xe: {  	s13 =	simm.s32 $0x200;
	s30 =	sadd.s32 $0x4000, s5;
	(pc) =	sbr.rel .LBB2_1-.Ltmp0, $4  }
0xf: {  	s31 =	sadd.s32 $0x8000, s5;
	s8 =	sadd.s32 $0xC000, s5;
	s9 =	sadd.s32 $0x10000, s5  }
0x10: {  	s11 =	sadd.s32 $0x3200, s12;
	s12 =	smax.u32 s14, $0x1;
	s14 =	simm.s32 $0x7  }
0x11: {  	s17 =	sadd.s32 $0x10, s10;
	s24 =	sadd.s32 s25, s24;
	[dreg:$0x4] =	wrdreg s30  }
0x12: {  	v0 =	vimm.f32 $0.0e+00;
	s25 =	simm.s32 $0x4;
	[dreg:$0x5] =	wrdreg s31;
	s18 =	sadd.s32 $0x10, s11  }
.LBB2_6:
0x13: {  	_ =	swait.ge [sflag:s26], $0x80  }
0x14: {  	[sflag:s26] =	ssyncset.done $0x0  }
0x15: {  	[sflag:s26] =	ssyncadd.s32 $0xFFFFFF80  }
0x16: {  	[spmem:s2] =	stream.indirect.scatter.add.f32 [tilespmem:s20], [sflag:$0x7], $0x80, s19, s16, $0xb8;
	[tilespmem:$0x1C200] =	vst v63  }
0x17: {  	s0 =	stileid.u32;
	_ =	swait.ge [sflag:s14], $0x4000  }
0x18: {  	s1 =	sshrl.u32 s5, $0x3;
	s28 =	sadd.s32 $0x1, s28;
	[sflag:s14] =	ssyncset.done $0x0  }
0x19: {  	s0 =	sshll.u32 s0, $0x6;
	p0 =	sne.s32 s28, s12;
	[sflag:s14] =	ssyncadd.s32 $0xFFFFC000  }
.Ltmp1:
0x1a: {  	s0 =	sor.u32 $0x1C07, s0;
	[bflag:$0x0] =	sbarrier.arrive $0xFFFF;
	(pc) =	sbr.rel @!p0 .LBB2_7-.Ltmp1, $4  }
0x1b: {  	[hbm:s24], [sflag:s0] =	dma.local [spmem:s1], $0x2800  }
0x1c: {  	_ =	swait.ge [sflag:s14], $0x2800  }
0x1d: {  	[sflag:s14] =	ssyncset.done $0x0  }
0x1e: {  	[sflag:s14] =	ssyncadd.s32 $0xFFFFD800  }
.LBB2_1:
0x1f: {  	s29 =	simm.s32 $0x0;
	s30 =	simm.s32 $0x200  }
.LBB2_2:
0x20: {  	p0 =	sne.s32 s30, $0xFE00;
	[tilespmem:s29+$0x270] =	vst v0  }
0x21: {  	[tilespmem:s29+$0x200] =	vst v0  }
0x22: {  	[tilespmem:s29+$0x210] =	vst v0  }
.Ltmp2:
0x23: {  	[tilespmem:s29+$0x220] =	vst v0;
	(pc) =	sbr.rel @p0 .LBB2_2-.Ltmp2, $4  }
0x24: {  	[tilespmem:s29+$0x230] =	vst v0  }
0x25: {  	[tilespmem:s29+$0x240] =	vst v0  }
0x26: {  	[tilespmem:s29+$0x250] =	vst v0  }
0x27: {  	[tilespmem:s29+$0x260] =	vst v0;
	s29 =	sshra.s32 s30, $0x2;
	s30 =	sadd.s32 $0x200, s30  }
0x28: {  	[tilespmem:s29+$0x270] =	vst v0  }
0x29: {  	[tilespmem:s29+$0x200] =	vst v0  }
0x2a: {  	[tilespmem:s29+$0x210] =	vst v0  }
0x2b: {  	[tilespmem:s29+$0x220] =	vst v0  }
0x2c: {  	[tilespmem:s29+$0x230] =	vst v0  }
0x2d: {  	[tilespmem:s29+$0x240] =	vst v0  }
0x2e: {  	[tilespmem:s29+$0x250] =	vst v0  }
0x2f: {  	[tilespmem:s29+$0x260] =	vst v0  }
0x30: {  	[spmem:s5] =	stream.linear.scatter [tilespmem:s13], [sflag:$0x7], $0x4000, $0x38;
	[tilespmem:$0x1C200] =	vst v63  }
0x31: {  	_ =	swait.ge [sflag:s14], $0x4000  }
0x32: {  	[sflag:s14] =	ssyncset.done $0x0  }
0x33: {  	s0 =	rddreg [dreg:$0x4];
	[sflag:s14] =	ssyncadd.s32 $0xFFFFC000  }
0x34: {  	[spmem:s0] =	stream.linear.scatter [tilespmem:s13], [sflag:$0x7], $0x4000, $0x38;
	[tilespmem:$0x1C200] =	vst v63  }
0x35: {  	_ =	swait.ge [sflag:s14], $0x4000  }
0x36: {  	[sflag:s14] =	ssyncset.done $0x0  }
0x37: {  	s31 =	rddreg [dreg:$0x5];
	[sflag:s14] =	ssyncadd.s32 $0xFFFFC000  }
0x38: {  	[spmem:s31] =	stream.linear.scatter [tilespmem:s13], [sflag:$0x7], $0x4000, $0x38;
	[tilespmem:$0x1C200] =	vst v63  }
0x39: {  	_ =	swait.ge [sflag:s14], $0x4000  }
0x3a: {  	[sflag:s14] =	ssyncset.done $0x0  }
0x3b: {  	[sflag:s14] =	ssyncadd.s32 $0xFFFFC000  }
0x3c: {  	[spmem:s8] =	stream.linear.scatter [tilespmem:s13], [sflag:$0x7], $0x4000, $0x38;
	[tilespmem:$0x1C200] =	vst v63  }
0x3d: {  	_ =	swait.ge [sflag:s14], $0x4000  }
0x3e: {  	[sflag:s14] =	ssyncset.done $0x0  }
0x3f: {  	[sflag:s14] =	ssyncadd.s32 $0xFFFFC000  }
0x40: {  	[spmem:s9] =	stream.linear.scatter [tilespmem:s13], [sflag:$0x7], $0x4000, $0x38;
	[tilespmem:$0x1C200] =	vst v63  }
0x41: {  	_ =	swait.ge [sflag:s14], $0x4000  }
0x42: {  	[sflag:s14] =	ssyncset.done $0x0  }
0x43: {  	[sflag:s14] =	ssyncadd.s32 $0xFFFFC000  }
0x44: {  	[bflag:$0x0] =	sbarrier.arrive $0xFFFF  }
0x45: {  	[tilespmem:s3], [sflag:$0x7] =	stream.linear.gather [hbm4b:s10+s3], $0x80, $0x38;
	[tilespmem:$0x1C200] =	vst v63  }
0x46: {  	_ =	swait.ge [sflag:s14], $0x80  }
0x47: {  	[sflag:s14] =	ssyncset.done $0x0  }
0x48: {  	[sflag:s14] =	ssyncadd.s32 $0xFFFFFF80  }
0x49: {  	[tilespmem:s15], [sflag:$0x7] =	stream.linear.gather [hbm4b:s11+s3], $0x80, $0x38;
	[tilespmem:$0x1C200] =	vst v63  }
0x4a: {  	_ =	swait.ge [sflag:s14], $0x80  }
0x4b: {  	[sflag:s14] =	ssyncset.done $0x0  }
0x4c: {  	[sflag:s14] =	ssyncadd.s32 $0xFFFFFF80  }
0x4d: {  	[tilespmem:s13], [sflag:$0x1] =	stream.indirect.gather [hbm4b:s4+s16], $0x80, s3, s16, $0xb8;
	[tilespmem:$0x1C200] =	vst v63  }
0x4e: {  	_ = 	snop  }
0x4f: {  	[tilespmem:s16], [sflag:$0x7] =	stream.linear.gather [hbm4b:s17+s3], $0x80, $0x38;
	[tilespmem:$0x1C200] =	vst v63  }
0x50: {  	_ =	swait.ge [sflag:s14], $0x80  }
0x51: {  	[sflag:s14] =	ssyncset.done $0x0  }
0x52: {  	[sflag:s14] =	ssyncadd.s32 $0xFFFFFF80  }
0x53: {  	[tilespmem:s19], [sflag:$0x7] =	stream.linear.gather [hbm4b:s18+s3], $0x80, $0x38;
	[tilespmem:$0x1C200] =	vst v63  }
0x54: {  	_ =	swait.ge [sflag:s14], $0x80  }
0x55: {  	[sflag:s14] =	ssyncset.done $0x0  }
0x56: {  	[sflag:s14] =	ssyncadd.s32 $0xFFFFFF80  }
0x57: {  	[tilespmem:s20], [sflag:$0x2] =	stream.indirect.gather [hbm4b:s4+s16], $0x80, s16, s16, $0xb8;
	[tilespmem:$0x1C200] =	vst v63  }
0x58: {  	_ =	swait.ge [sflag:s21], $0x4000  }
0x59: {  	[sflag:s21] =	ssyncset.done $0x0  }
0x5a: {  	s29 =	sadd.s32 $0x20, s10;
	[sflag:s21] =	ssyncadd.s32 $0xFFFFC000  }
0x5b: {  	[tilespmem:s3], [sflag:$0x3] =	stream.linear.gather [hbm4b:s29+s3], $0x80, $0x38;
	[tilespmem:$0x1C200] =	vst v63  }
0x5c: {  	_ = 	snop  }
0x5d: {  	[spmem:s2] =	stream.indirect.scatter.add.f32 [tilespmem:s13], [sflag:$0x7], $0x80, s15, s16, $0xb8;
	[tilespmem:$0x1C200] =	vst v63  }
0x5e: {  	_ =	swait.ge [sflag:s14], $0x4000  }
0x5f: {  	[sflag:s14] =	ssyncset.done $0x0  }
0x60: {  	s29 =	sadd.s32 $0x20, s11;
	[sflag:s14] =	ssyncadd.s32 $0xFFFFC000  }
0x61: {  	[tilespmem:s15], [sflag:$0x5] =	stream.linear.gather [hbm4b:s29+s3], $0x80, $0x38;
	[tilespmem:$0x1C200] =	vst v63  }
0x62: {  	_ =	swait.ge [sflag:s22], $0x80  }
0x63: {  	[sflag:s22] =	ssyncset.done $0x0  }
0x64: {  	[sflag:s22] =	ssyncadd.s32 $0xFFFFFF80  }
0x65: {  	[tilespmem:s13], [sflag:$0x1] =	stream.indirect.gather [hbm4b:s4+s16], $0x80, s3, s16, $0xb8;
	[tilespmem:$0x1C200] =	vst v63  }
0x66: {  	_ =	swait.ge [sflag:s23], $0x4000  }
0x67: {  	[sflag:s23] =	ssyncset.done $0x0  }
0x68: {  	s29 =	sadd.s32 $0x30, s10;
	[sflag:s23] =	ssyncadd.s32 $0xFFFFC000  }
0x69: {  	[tilespmem:s16], [sflag:$0x4] =	stream.linear.gather [hbm4b:s29+s3], $0x80, $0x38;
	[tilespmem:$0x1C200] =	vst v63  }
0x6a: {  	_ = 	snop  }
0x6b: {  	[spmem:s2] =	stream.indirect.scatter.add.f32 [tilespmem:s20], [sflag:$0x7], $0x80, s19, s16, $0xb8;
	[tilespmem:$0x1C200] =	vst v63  }
0x6c: {  	_ =	swait.ge [sflag:s14], $0x4000  }
0x6d: {  	[sflag:s14] =	ssyncset.done $0x0  }
0x6e: {  	s29 =	sadd.s32 $0x30, s11;
	[sflag:s14] =	ssyncadd.s32 $0xFFFFC000  }
0x6f: {  	[tilespmem:s19], [sflag:$0x6] =	stream.linear.gather [hbm4b:s29+s3], $0x80, $0x38;
	[tilespmem:$0x1C200] =	vst v63  }
0x70: {  	_ =	swait.ge [sflag:s25], $0x80  }
0x71: {  	[sflag:s25] =	ssyncset.done $0x0  }
0x72: {  	s29 =	simm.s32 $0xFFFFFB40;
	[sflag:s25] =	ssyncadd.s32 $0xFFFFFF80  }
0x73: {  	[tilespmem:s20], [sflag:$0x2] =	stream.indirect.gather [hbm4b:s4+s16], $0x80, s16, s16, $0xb8;
	[tilespmem:$0x1C200] =	vst v63  }
.LBB2_4:
0x74: {  	_ =	swait.ge [sflag:s21], $0x4000  }
0x75: {  	p0 =	seq.s32 s29, $0x0;
	[sflag:s21] =	ssyncset.done $0x0  }
0x76: {  	s30 =	simm.s32 @p0 $0x5;
	[sflag:s21] =	ssyncadd.s32 $0xFFFFC000  }
0x77: {  	_ =	swait.ge @p0 [sflag:s30], $0x80  }
0x78: {  	s31 =	simm.s32 @p0 $0x100;
	[sflag:s30] =	ssyncset.done @p0 $0x0  }
0x79: {  	s1 =	simm.s32 @p0 $0x200;
	[sflag:s30] =	ssyncadd.s32 @p0 $0xFFFFFF80;
	s30 =	simm.s32 @p0 $0x80  }
0x7a: {  	[spmem:s2] =	stream.indirect.scatter.add.f32 @p0 [tilespmem:s1], [sflag:$0x7], $0x80, s31, s30, $0xb8;
	[tilespmem:$0x1C200] =	vst v63  }
0x7b: {  	s1 =	simm.s32 @p0 $0x7  }
0x7c: {  	_ =	swait.ge @p0 [sflag:s1], $0x4000  }
0x7d: {  	s30 =	sadd.s32 @!p0 s29, s10;
	[sflag:s1] =	ssyncset.done @p0 $0x0  }
0x7e: {  	[sflag:s1] =	ssyncadd.s32 @p0 $0xFFFFC000;
	s1 =	sadd.s32 @!p0 $0x500, s30;
	s30 =	simm.s32 @!p0 $0x0  }
0x7f: {  	[tilespmem:s30], [sflag:$0x3] =	stream.linear.gather @!p0 [hbm4b:s1+s30], $0x80, $0x38;
	[tilespmem:$0x1C200] =	vst v63  }
0x80: {  	s1 =	simm.s32 @!p0 $0x5  }
0x81: {  	_ =	swait.ge @!p0 [sflag:s1], $0x80  }
0x82: {  	s0 =	simm.s32 @!p0 $0x200;
	s6 =	simm.s32 @!p0 $0x7;
	[sflag:s1] =	ssyncset.done @!p0 $0x0  }
0x83: {  	s31 =	simm.s32 @!p0 $0x100;
	[sflag:s1] =	ssyncadd.s32 @!p0 $0xFFFFFF80;
	s1 =	simm.s32 @!p0 $0x80  }
0x84: {  	[spmem:s2] =	stream.indirect.scatter.add.f32 @!p0 [tilespmem:s0], [sflag:$0x7], $0x80, s31, s1, $0xb8;
	[tilespmem:$0x1C200] =	vst v63  }
0x85: {  	_ =	swait.ge @!p0 [sflag:s6], $0x4000  }
0x86: {  	s7 =	sadd.s32 @!p0 s29, s11;
	[sflag:s6] =	ssyncset.done @!p0 $0x0  }
0x87: {  	[sflag:s6] =	ssyncadd.s32 @!p0 $0xFFFFC000;
	s6 =	sadd.s32 @!p0 $0x500, s7  }
0x88: {  	[tilespmem:s31], [sflag:$0x5] =	stream.linear.gather @!p0 [hbm4b:s6+s30], $0x80, $0x38;
	[tilespmem:$0x1C200] =	vst v63  }
0x89: {  	s6 =	simm.s32 @!p0 $0x3  }
0x8a: {  	_ =	swait.ge @!p0 [sflag:s6], $0x80  }
0x8b: {  	[sflag:s6] =	ssyncset.done @!p0 $0x0  }
.Ltmp3:
0x8c: {  	[sflag:s6] =	ssyncadd.s32 @!p0 $0xFFFFFF80;
	(pc) =	sbr.rel @p0 .LBB2_6-.Ltmp3, $4  }
0x8d: {  	[tilespmem:s0], [sflag:$0x1] =	stream.indirect.gather @!p0 [hbm4b:s4+s1], $0x80, s30, s1, $0xb8;
	[tilespmem:$0x1C200] =	vst v63  }
0x8e: {  	_ =	swait.ge [sflag:s23], $0x4000  }
0x8f: {  	[sflag:s23] =	ssyncset.done $0x0  }
0x90: {  	[sflag:s23] =	ssyncadd.s32 $0xFFFFC000  }
0x91: {  	s0 =	sadd.s32 s29, s10  }
0x92: {  	s0 =	sadd.s32 $0x510, s0  }
0x93: {  	[tilespmem:s16], [sflag:$0x4] =	stream.linear.gather [hbm4b:s0+s3], $0x80, $0x38;
	[tilespmem:$0x1C200] =	vst v63  }
0x94: {  	_ =	swait.ge [sflag:s26], $0x80  }
0x95: {  	[sflag:s26] =	ssyncset.done $0x0  }
0x96: {  	[sflag:s26] =	ssyncadd.s32 $0xFFFFFF80  }
0x97: {  	[spmem:s2] =	stream.indirect.scatter.add.f32 [tilespmem:s20], [sflag:$0x7], $0x80, s19, s16, $0xb8;
	[tilespmem:$0x1C200] =	vst v63  }
0x98: {  	_ =	swait.ge [sflag:s14], $0x4000  }
0x99: {  	s31 =	sadd.s32 s29, s11;
	[sflag:s14] =	ssyncset.done $0x0  }
0x9a: {  	s0 =	sadd.s32 $0x510, s31;
	[sflag:s14] =	ssyncadd.s32 $0xFFFFC000  }
0x9b: {  	[tilespmem:s19], [sflag:$0x6] =	stream.linear.gather [hbm4b:s0+s3], $0x80, $0x38;
	[tilespmem:$0x1C200] =	vst v63  }
.Ltmp4:
0x9c: {  	_ = 	snop;
	(pc) =	sbr.rel .LBB2_4-.Ltmp4, $4  }
0x9d: {  	_ =	swait.ge [sflag:s25], $0x80  }
0x9e: {  	[sflag:s25] =	ssyncset.done $0x0  }
0x9f: {  	s29 =	sadd.s32 $0x20, s29;
	[sflag:s25] =	ssyncadd.s32 $0xFFFFFF80  }
0xa0: {  	[tilespmem:s20], [sflag:$0x2] =	stream.indirect.gather [hbm4b:s4+s16], $0x80, s16, s16, $0xb8;
	[tilespmem:$0x1C200] =	vst v63  }
.LBB2_7:
0xa1: {  	_ =	sfence.sel $0x180000  }
0xa2: {  	[bflag:$0x0] =	sbarrier.arrive $0xFFFF  }
0xa3: {  	_ =	strace $0x9000004D  }
0xa4: {  	s0 =	stileid.u32;
	[bflag:$0x2] =	sbarrier.arrive $0xFFFF  }
0xa5: {  	p0 =	sne.s32 s0, $0x0;
	s0 =	rddreg [dreg:$0x3]  }
0xa6: {  	s0 =	sadd.s32 @!p0 $0x100000, s0  }
0xa7: {  	[sflag:s0] =	ssyncadd.tile.s32 @!p0 $0x1;
	_ =	shalt  }
.Lfunc_end2:
_tile_overlayer_lowered:
.L_overlay_start_2:
0xa8: {  	(tag) =	ssettag $0x2  }
0xa9: {  	s0 =	rddreg [dreg:$0x0];
	s2 =	stileid.u32  }
0xaa: {  	s1 =	rddreg [dreg:$0x1];
	p0 =	sne.s32 s2, $0x0  }
0xab: {  	s3 =	rddreg [dreg:$0x2];
	[bflag:$0x3] =	sbarrier.arrive $0xFFFF;
	s2 =	simm.s32 @!p0 $0x1C07  }
0xac: {  	[timem:s3], [sflag:s2] =	dma.local @!p0 [hbm:s0], s1  }
0xad: {  	s0 =	simm.s32 @!p0 $0x7  }
0xae: {  	_ =	swait.ge @!p0 [sflag:s0], s1  }
0xaf: {  	s1 =	ssub.s32 @!p0 $0x0, s1;
	[sflag:s0] =	ssyncset.done @!p0 $0x0  }
0xb0: {  	[sflag:s0] =	ssyncadd.s32 @!p0 s1  }
0xb1: {  	[bflag:$0x3] =	sbarrier.arrive $0xFFFF  }
0xb2: {  	_ =	shalt  }

// kernel: kernel.8.cloned.1.call-start
scs
__scs_entry_jumppad:
0x0: {  	(pc) =	sbr.rel $0x88, $3  }
0x1: {  	(tag) =	ssettag $0x0;
	lr =	simm.s32 $0x1  }
0x2: {  	[smem:$0x3F96] =	sst lr;
	_ =	strace $0xD0000000  }
0x3: {  	_ = 	snop  }
0x4: {  	_ = 	snop  }
0x5: {  	_ = 	snop  }
0x6: {  	_ = 	snop  }
0x7: {  	_ = 	snop  }
__scs_overlays_trampoline_lowered:
0x8: {  	[smem:$0x3FA5] =	sst s0  }
0x9: {  	[smem:$0x3FA6] =	sst s1  }
0xa: {  	[smem:$0x3FA7] =	sst s2  }
0xb: {  	[smem:$0x3FA8] =	sst s3  }
0xc: {  	[smem:$0x3FA9] =	sst s4  }
0xd: {  	[smem:$0x3FAA] =	sst s5  }
0xe: {  	[smem:$0x3FAB] =	sst s6  }
0xf: {  	[smem:$0x3FAC] =	sst s7  }
0x10: {  	[smem:$0x3FAD] =	sst s8  }
0x11: {  	[smem:$0x3FAE] =	sst s9;
	s0 =	simm.s32 @!p0 $0x0  }
0x12: {  	s1 =	sld [smem:$0x3F94];
	s0 =	simm.s32 @p0 $0x1  }
0x13: {  	[smem:$0x3FAF] =	sst s0;
	s0 =	simm.s32 @!p1 $0x0  }
0x14: {  	s2 =	sld [smem:$0x3F93];
	s0 =	simm.s32 @p1 $0x1  }
0x15: {  	[smem:$0x3FB0] =	sst s0;
	s0 =	simm.s32 @!p2 $0x0  }
0x16: {  	s3 =	sld [smem:$0x3FDB];
	s0 =	simm.s32 @p2 $0x1  }
0x17: {  	s4 =	simm.s32 $0x1BF5;
	[smem:$0x3FB2] =	sst s0  }
0x18: {  	s0 =	sld [smem:$0x3F95];
	_ =	swait.ge [sflag:s4], $0x0  }
0x19: {  	s7 =	sld [smem:$0x3F96]  }
0x1a: {  	s8 =	sadd.s32 $0xFFFFE003, lr  }
0x1b: {  	s9 =	sadd.s32 $0xFFFFFEF7, lr;
	s5 =	simm.s32 $0xFFFFFFFF;
	p2 =	slt.u32 s8, $0xFFFFF086  }
0x1c: {  	p1 =	slt.u32 s9, $0xF7A;
	s5 =	simm.s32 @!p2 $0x0  }
0x1d: {  	s5 =	simm.s32 @p1 $0x1;
	p0 =	seq.s32 s7, s2  }
0x1e: {  	s7 =	smul.u32 @!p0 $0xF7A, s2;
	p2 =	seq.s32 @!p0 s5, $0x0  }
0x1f: {  	s9 =	smul.u32 $0xF7A, s1;
	s8 =	simm.s32 @!p0 $0x1BF5;
	p2 =	por !p2, p0  }
0x20: {  	[sflag:s8] =	ssyncset.s32 @!p0 $0xFFFFF086;
	s6 =	sadd.s32 @!p0 s3, s7;
	s7 =	simm.s32 @!p0 $0x108  }
0x21: {  	s3 =	sadd.s32 s3, s9;
	s6 =	sadd.s32 @!p0 $0x88, s6;
	s7 =	simm.s32 @p2 $0x1082  }
0x22: {  	[simem:s7], [sflag:s8] =	dma.local @!p0 [hbm:s6], $0xF7A  }
0x23: {  	s9 =	sor.u32 $0xD0000000, s2;
	s6 =	simm.s32 $0x108;
	_ =	swait.ge @!p0 [sflag:s8], $0x0  }
0x24: {  	s3 =	sadd.s32 $0x88, s3;
	s6 =	simm.s32 @!p1 $0x1082;
	[sflag:s4] =	ssyncset.s32 $0xFFFFF086  }
0x25: {  	[simem:s6], [sflag:s4] =	dma.local [hbm:s3], $0xF7A  }
0x26: {  	[smem:$0x3F96] =	sst s1;
	(tag) =	ssettag s2;
	_ =	strace s9  }
0x27: {  	s1 =	sld [smem:$0x3FA6]  }
0x28: {  	s2 =	sld [smem:$0x3FA7]  }
0x29: {  	s4 =	sld [smem:$0x3FA9]  }
0x2a: {  	p0 =	seq.s32 s5, $0x0;
	s5 =	sld [smem:$0x3FAA]  }
0x2b: {  	s6 =	sld [smem:$0x3FAB]  }
0x2c: {  	s7 =	sld [smem:$0x3FAC]  }
0x2d: {  	s3 =	simm.s32 $0x108;
	s8 =	sld [smem:$0x3FAD]  }
0x2e: {  	s3 =	simm.s32 @!p0 $0x1082;
	s9 =	sld [smem:$0x3FAE]  }
0x2f: {  	lr =	sadd.s32 s0, s3;
	s0 =	sld [smem:$0x3FA5]  }
0x30: {  	s3 =	sld [smem:$0x3FA8]  }
0x31: {  	[smem:$0x3FB1] =	sst s10  }
0x32: {  	s10 =	sld [smem:$0x3FAF];
	_ =	sdelay $0x3  }
0x33: {  	p0 =	seq.s32 s10, $0x1;
	s10 =	sld [smem:$0x3FB1];
	_ =	sdelay $0x3  }
0x34: {  	[smem:$0x3FB1] =	sst s10  }
0x35: {  	s10 =	sld [smem:$0x3FB0];
	_ =	sdelay $0x3  }
0x36: {  	p1 =	seq.s32 s10, $0x1;
	s10 =	sld [smem:$0x3FB1];
	_ =	sdelay $0x3  }
0x37: {  	[smem:$0x3FB1] =	sst s10  }
0x38: {  	s10 =	sld [smem:$0x3FB2]  }
0x39: {  	_ = 	snop;
	(pc) =	sbr.ind lr, $3  }
0x3a: {  	_ = 	snop  }
0x3b: {  	_ = 	snop  }
0x3c: {  	p2 =	seq.s32 s10, $0x1;
	s10 =	sld [smem:$0x3FB1]  }
0x3d: {  	_ =	shalt  }
0x3e: {  	_ =	shalt  }
0x3f: {  	_ =	shalt  }
0x40: {  	_ =	shalt  }
0x41: {  	_ =	shalt  }
0x42: {  	_ =	shalt  }
0x43: {  	_ =	shalt  }
0x44: {  	_ =	shalt  }
0x45: {  	_ =	shalt  }
0x46: {  	_ =	shalt  }
0x47: {  	_ =	shalt  }
0x48: {  	_ =	shalt  }
0x49: {  	_ =	shalt  }
0x4a: {  	_ =	shalt  }
0x4b: {  	_ =	shalt  }
0x4c: {  	_ =	shalt  }
0x4d: {  	_ =	shalt  }
0x4e: {  	_ =	shalt  }
0x4f: {  	_ =	shalt  }
0x50: {  	_ =	shalt  }
0x51: {  	_ =	shalt  }
0x52: {  	_ =	shalt  }
0x53: {  	_ =	shalt  }
0x54: {  	_ =	shalt  }
0x55: {  	_ =	shalt  }
0x56: {  	_ =	shalt  }
0x57: {  	_ =	shalt  }
0x58: {  	_ =	shalt  }
0x59: {  	_ =	shalt  }
0x5a: {  	_ =	shalt  }
0x5b: {  	_ =	shalt  }
0x5c: {  	_ =	shalt  }
0x5d: {  	_ =	shalt  }
0x5e: {  	_ =	shalt  }
0x5f: {  	_ =	shalt  }
0x60: {  	_ =	shalt  }
0x61: {  	_ =	shalt  }
0x62: {  	_ =	shalt  }
0x63: {  	_ =	shalt  }
0x64: {  	_ =	shalt  }
0x65: {  	_ =	shalt  }
0x66: {  	_ =	shalt  }
0x67: {  	_ =	shalt  }
0x68: {  	_ =	shalt  }
0x69: {  	_ =	shalt  }
0x6a: {  	_ =	shalt  }
0x6b: {  	_ =	shalt  }
0x6c: {  	_ =	shalt  }
0x6d: {  	_ =	shalt  }
0x6e: {  	_ =	shalt  }
0x6f: {  	_ =	shalt  }
0x70: {  	_ =	shalt  }
0x71: {  	_ =	shalt  }
0x72: {  	_ =	shalt  }
0x73: {  	_ =	shalt  }
0x74: {  	_ =	shalt  }
0x75: {  	_ =	shalt  }
0x76: {  	_ =	shalt  }
0x77: {  	_ =	shalt  }
0x78: {  	_ =	shalt  }
0x79: {  	_ =	shalt  }
0x7a: {  	_ =	shalt  }
0x7b: {  	_ =	shalt  }
0x7c: {  	_ =	shalt  }
0x7d: {  	_ =	shalt  }
0x7e: {  	_ =	shalt  }
0x7f: {  	_ =	shalt  }
0x80: {  	_ =	shalt  }
0x81: {  	_ =	shalt  }
0x82: {  	_ =	shalt  }
0x83: {  	_ =	shalt  }
0x84: {  	_ =	shalt  }
0x85: {  	_ =	shalt  }
0x86: {  	_ =	shalt  }
0x87: {  	_ =	shalt  }
.Lfunc_end0:
.L_simem_size_0:
called_computation_lowered:
.L_overlay_start_0:
0x88: {  	s2 =	sld [smem:$0x3FD9]  }
0x89: {  	s3 =	sld [smem:$0x3FFE];
	_ =	sdelay $0x1  }
0x8a: {  	s1 =	srdreg.scid  }
0x8b: {  	s0 =	sand.u32 $0x1, s1  }
0x8c: {  	s17 =	sshll.u32 s0, $0xA;
	s2 =	sadd.s32 s3, s2  }
0x8d: {  	s2 =	sadd.s32 s2, s17  }
0x8e: {  	[smem:$0x3FBD] =	sst s2  }
0x8f: {  	_ = 	snop  }
0x90: {  	s2 =	sld [smem:$0x3FD0];
	(tm) =	ssettm $0x1  }
0x91: {  	s18 =	sld [smem:$0x3FFB];
	_ =	sdelay $0x3  }
0x92: {  	_ =	strace s18  }
0x93: {  	s3 =	sld [smem:$0x3FFC];
	_ =	sdelay $0x3  }
0x94: {  	_ =	strace s3  }
0x95: {  	s3 =	sld [smem:$0x3FFD];
	_ =	sdelay $0x3  }
0x96: {  	_ =	strace s3  }
0x97: {  	_ =	strace $0x8FFFFFFF  }
0x98: {  	s19 =	sld [smem:$0x3FDB];
	_ =	sdelay $0x1  }
0x99: {  	s4 =	simm.s32 $_scs_section_size  }
0x9a: {  	s5 =	simm.s32 $_size__tile_overlayer_lowered;
	s6 =	simm.s32 $_tile_overlayer_lowered  }
0x9b: {  	s22 =	simm.s32 $0x1BFF;
	s21 =	sshll.u32 s6, $0x1;
	s3 =	sadd.s32 s4, s19  }
0x9c: {  	s7 =	simm.s32 $0x0;
	s20 =	sshll.u32 s5, $0x1;
	s5 =	sadd.s32 s21, s3  }
0x9d: {  	[timem:s7], [sflag:s22] =	dma.local [hbm:s5], s20  }
0x9e: {  	_ =	swait.ge [sflag:s22], s20  }
0x9f: {  	s4 =	ssub.s32 $0x0, s20;
	[sflag:s22] =	ssyncset.done $0x0  }
0xa0: {  	[sflag:s22] =	ssyncadd.s32 s4;
	_ =	sdelay $0x1  }
0xa1: {  	s23 =	simm.s32 $0x1B8B  }
0xa2: {  	_ =	swait.ge [sflag:s23], $0x1  }
0xa3: {  	[sflag:s23] =	ssyncset.done $0x0  }
0xa4: {  	s25 =	simm.s32 $0x1B8E;
	s24 =	sld [smem:$0x3FFE];
	[sflag:s23] =	ssyncadd.s32 $0xFFFFFFFF  }
0xa5: {  	s26 =	simm.s32 $execute0_lowered;
	[smem:$0x3FD2] =	sst s25  }
0xa6: {  	s5 =	sshll.u32 s26, $0x1;
	_ =	strace $0x80000046;
	[dreg:$0x1] =	wrdreg $0xFFFFFFFF  }
0xa7: {  	s28 =	simm.s32 $_size_execute0_lowered;
	s3 =	sadd.s32 s3, s5;
	[dreg:$0x0] =	wrdreg $0x0  }
0xa8: {  	s5 =	sshll.u32 s28, $0x1;
	[dreg:$0x2] =	wrdreg s3  }
0xa9: {  	[dreg:$0x3] =	wrdreg s5  }
0xaa: {  	[dreg:$0x4] =	wrdreg $0xC0  }
0xab: {  	_ =	task [dreg:s7], $0x5FFFF  }
0xac: {  	[dreg:$0x1] =	wrdreg $0xFFFFFFFF  }
0xad: {  	[dreg:$0x0] =	wrdreg $0x60  }
0xae: {  	[dreg:$0x2] =	wrdreg s24  }
0xaf: {  	[dreg:$0x3] =	wrdreg s2  }
0xb0: {  	[dreg:$0x4] =	wrdreg $0x82000  }
0xb1: {  	[dreg:$0x5] =	wrdreg $0x1C5000  }
0xb2: {  	[dreg:$0x6] =	wrdreg $0x9  }
0xb3: {  	_ =	task.clear_ibuf [dreg:s7], $0x7FFFF;
	_ =	strace $0x90000046  }
0xb4: {  	s29 =	simm.s32 $0x9;
	_ =	strace $0x80000048  }
0xb5: {  	_ =	swait.ge [sflag:s29], $0x1  }
0xb6: {  	[sflag:s29] =	ssyncadd.s32 $0xFFFFFFFF  }
0xb7: {  	_ =	strace $0x90000048  }
0xb8: {  	_ =	sfence  }
0xb9: {  	s30 =	sld [smem:$0x0];
	_ =	sdelay $0x2  }
0xba: {  	s31 =	sshll.u32 s1, $0xD;
	s1 =	sshrl.u32 s1, $0x2  }
0xbb: {  	s3 =	sand.u32 $0x4000, s31;
	s1 =	sadd.s32 s1, s30  }
0xbc: {  	s0 =	sor.u32 s3, s0;
	s1 =	sshll.u32 s1, $0x11  }
0xbd: {  	s0 =	sor.u32 s1, s0  }
0xbe: {  	s0 =	sadd.s32 $0x8F2B, s0  }
0xbf: {  	[sflag:s0] =	ssyncadd.remote.s32 $0x1  }
0xc0: {  	_ =	sfence.sel $0xFFFF  }
0xc1: {  	[dreg:$0x0] =	wrdreg $0xFFFFFFFF;
	(pc) =	sbr.abs _section_cstart, $3  }
0xc2: {  	[dreg:$0x1] =	wrdreg $0xFFFFFFFF  }
0xc3: {  	_ =	task.clear_ibuf [dreg:s7], $0x2FFFF;
	_ =	strace $0x9FFFFFFF  }
0xc4: {  	(tm) =	ssettm $0x7FFFFFFF  }
0xc5: {  	_ =	shalt  }
tec
execute0_lowered:
.L_overlay_start_1:
0x0: {  	(tag) =	ssettag $0x1  }
0x1: {  	s0 =	rddreg [dreg:$0x0]  }
0x2: {  	s1 =	rddreg [dreg:$0x1]  }
0x3: {  	s2 =	rddreg [dreg:$0x2];
	s4 =	srdreg.scid  }
0x4: {  	s16 =	stileid.u32;
	s3 =	rddreg [dreg:$0x3];
	s18 =	simm.s32 $0x100  }
0x5: {  	s19 =	simm.s32 $0x80;
	s20 =	simm.s32 $0x180;
	s21 =	simm.s32 $0x4200  }
0x6: {  	s23 =	simm.s32 $0x1;
	s25 =	simm.s32 $0x1C200;
	s8 =	smul.u32 $0x50000, s16  }
0x7: {  	s30 =	simm.s32 $0x4;
	s31 =	simm.s32 $0x5;
	s10 =	smul.u32 $0xA00, s16  }
0x8: {  	s6 =	sand.u32 $0x1, s4;
	s5 =	sshll.u32 s16, $0x1;
	s29 =	smul.u32 $0x2800, s16  }
0x9: {  	s4 =	simm.s32 $0x0;
	s24 =	smul.u32 $0xA0, s16;
	s16 =	simm.s32 $0x7  }
0xa: {  	s5 =	sor.u32 s6, s5;
	[smem:$0x7FF] =	sst s4;
	s7 =	smul.u32 $0x28000, s6  }
0xb: {  	s26 =	sshll.u32 s6, $0x4;
	s6 =	ssub.s32 $0x2, s6;
	s12 =	smul.u32 $0x500, s5  }
0xc: {  	_ =	strace $0x80000047;
	s5 =	sadd.s32 $0xD200, s0;
	s9 =	sshrl.u32 s6, $0x1  }
0xd: {  	s8 =	sshrl.u32 s8, $0x2;
	s11 =	sshrl.u32 s10, $0x2;
	s14 =	sadd.s32 s7, s0  }
0xe: {  	s15 =	ssub.s32 s6, s9;
	s6 =	sadd.s32 s8, s2;
	s11 =	sadd.s32 s11, s3  }
0xf: {  	s13 =	sadd.s32 s12, s0;
	s0 =	sadd.s32 s26, s0;
	s28 =	sadd.s32 $0x4000, s6  }
.Ltmp0:
0x10: {  	s8 =	sadd.s32 $0x8000, s6;
	s9 =	sadd.s32 $0xC000, s6;
	(pc) =	sbr.rel .LBB2_1-.Ltmp0, $4  }
0x11: {  	s10 =	sadd.s32 $0x10000, s6;
	s12 =	sadd.s32 s1, s12;
	s17 =	sadd.s32 $0x35C00, s14  }
0x12: {  	s14 =	smax.u32 s15, $0x1;
	s15 =	simm.s32 $0x200;
	s26 =	simm.s32 $0x2  }
0x13: {  	s1 =	simm.s32 $0x0;
	[dreg:$0x5] =	wrdreg s28;
	s0 =	sadd.s32 $0x35200, s0  }
0x14: {  	v0 =	vimm.f32 $0.0e+00;
	v1 =	vimm.f32 $1.000000000e+00;
	s13 =	sadd.s32 $0x3200, s13;
	s22 =	sadd.s32 s29, s17;
	s24 =	sadd.s32 s24, s0  }
.LBB2_9:
0x15: {  	s0 =	stileid.u32  }
0x16: {  	s0 =	sshll.u32 s0, $0x6  }
0x17: {  	[bflag:$0x0] =	sbarrier.arrive $0xFFFF;
	s7 =	sshrl.u32 s6, $0x3;
	s0 =	sor.u32 $0x1C07, s0  }
0x18: {  	[hbm:s22], [sflag:s0] =	dma.local [spmem:s7], $0x2800  }
0x19: {  	s29 =	sshrl.u32 s11, $0x3;
	s1 =	sadd.s32 $0x1, s1;
	_ =	swait.ge [sflag:s16], $0x2800  }
0x1a: {  	s17 =	simm.s32 $0x20;
	p0 =	sne.s32 s1, s14;
	[sflag:s16] =	ssyncset.done $0x0  }
.Ltmp1:
0x1b: {  	s28 =	simm.s32 $0x10;
	[sflag:s16] =	ssyncadd.s32 $0xFFFFD800;
	(pc) =	sbr.rel @!p0 .LBB2_10-.Ltmp1, $4  }
0x1c: {  	[hbm:s24@s17], [sflag:s0] =	dma.strided [spmem:s29@s28], $0x50, s23, $0x10   }
0x1d: {  	_ =	swait.ge [sflag:s16], $0x50  }
0x1e: {  	[sflag:s16] =	ssyncset.done $0x0  }
0x1f: {  	[sflag:s16] =	ssyncadd.s32 $0xFFFFFFB0  }
.LBB2_1:
0x20: {  	s0 =	simm.s32 $0x0;
	s17 =	simm.s32 $0x200  }
.LBB2_2:
0x21: {  	p0 =	sne.s32 s17, $0xFE00;
	[tilespmem:s0+$0x270] =	vst v0  }
0x22: {  	[tilespmem:s0+$0x200] =	vst v0  }
0x23: {  	[tilespmem:s0+$0x210] =	vst v0  }
.Ltmp2:
0x24: {  	[tilespmem:s0+$0x220] =	vst v0;
	(pc) =	sbr.rel @p0 .LBB2_2-.Ltmp2, $4  }
0x25: {  	[tilespmem:s0+$0x230] =	vst v0  }
0x26: {  	[tilespmem:s0+$0x240] =	vst v0  }
0x27: {  	[tilespmem:s0+$0x250] =	vst v0  }
0x28: {  	[tilespmem:s0+$0x260] =	vst v0;
	s0 =	sshra.s32 s17, $0x2;
	s17 =	sadd.s32 $0x200, s17  }
0x29: {  	[tilespmem:s0+$0x270] =	vst v0  }
0x2a: {  	[tilespmem:s0+$0x200] =	vst v0  }
0x2b: {  	[tilespmem:s0+$0x210] =	vst v0  }
0x2c: {  	[tilespmem:s0+$0x220] =	vst v0  }
0x2d: {  	[tilespmem:s0+$0x230] =	vst v0  }
0x2e: {  	[tilespmem:s0+$0x240] =	vst v0  }
0x2f: {  	[tilespmem:s0+$0x250] =	vst v0  }
0x30: {  	[tilespmem:s0+$0x260] =	vst v0  }
0x31: {  	[spmem:s6] =	stream.linear.scatter [tilespmem:s15], [sflag:$0x7], $0x4000, $0x38;
	[tilespmem:$0x1C780] =	vst v63  }
0x32: {  	_ =	swait.ge [sflag:s16], $0x4000  }
0x33: {  	[sflag:s16] =	ssyncset.done $0x0  }
0x34: {  	s7 =	rddreg [dreg:$0x5];
	[sflag:s16] =	ssyncadd.s32 $0xFFFFC000  }
0x35: {  	[spmem:s7] =	stream.linear.scatter [tilespmem:s15], [sflag:$0x7], $0x4000, $0x38;
	[tilespmem:$0x1C780] =	vst v63  }
0x36: {  	_ =	swait.ge [sflag:s16], $0x4000  }
0x37: {  	[sflag:s16] =	ssyncset.done $0x0  }
0x38: {  	[sflag:s16] =	ssyncadd.s32 $0xFFFFC000  }
0x39: {  	[spmem:s8] =	stream.linear.scatter [tilespmem:s15], [sflag:$0x7], $0x4000, $0x38;
	[tilespmem:$0x1C780] =	vst v63  }
0x3a: {  	_ =	swait.ge [sflag:s16], $0x4000  }
0x3b: {  	[sflag:s16] =	ssyncset.done $0x0  }
0x3c: {  	[sflag:s16] =	ssyncadd.s32 $0xFFFFC000  }
0x3d: {  	[spmem:s9] =	stream.linear.scatter [tilespmem:s15], [sflag:$0x7], $0x4000, $0x38;
	[tilespmem:$0x1C780] =	vst v63  }
0x3e: {  	_ =	swait.ge [sflag:s16], $0x4000  }
0x3f: {  	[sflag:s16] =	ssyncset.done $0x0  }
0x40: {  	[sflag:s16] =	ssyncadd.s32 $0xFFFFC000  }
0x41: {  	[spmem:s10] =	stream.linear.scatter [tilespmem:s15], [sflag:$0x7], $0x4000, $0x38;
	[tilespmem:$0x1C780] =	vst v63  }
0x42: {  	_ =	swait.ge [sflag:s16], $0x4000  }
0x43: {  	[sflag:s16] =	ssyncset.done $0x0  }
0x44: {  	[sflag:s16] =	ssyncadd.s32 $0xFFFFC000  }
0x45: {  	[tilespmem:$0x1C200] =	vst v1  }
0x46: {  	[tilespmem:$0x1C210] =	vst v1  }
0x47: {  	[tilespmem:$0x1C220] =	vst v1  }
0x48: {  	[tilespmem:$0x1C230] =	vst v1  }
0x49: {  	[tilespmem:$0x1C240] =	vst v1  }
0x4a: {  	[tilespmem:$0x1C250] =	vst v1  }
0x4b: {  	[tilespmem:$0x1C260] =	vst v1  }
0x4c: {  	[tilespmem:$0x1C270] =	vst v1  }
0x4d: {  	[tilespmem:$0x1C280] =	vst v0  }
0x4e: {  	[tilespmem:$0x1C290] =	vst v0  }
0x4f: {  	[tilespmem:$0x1C2A0] =	vst v0  }
0x50: {  	[tilespmem:$0x1C2B0] =	vst v0  }
0x51: {  	[tilespmem:$0x1C2C0] =	vst v0  }
0x52: {  	[tilespmem:$0x1C2D0] =	vst v0  }
0x53: {  	[tilespmem:$0x1C2E0] =	vst v0  }
0x54: {  	[tilespmem:$0x1C2F0] =	vst v0  }
0x55: {  	[tilespmem:$0x1C300] =	vst v0  }
0x56: {  	[tilespmem:$0x1C310] =	vst v0  }
0x57: {  	[tilespmem:$0x1C320] =	vst v0  }
0x58: {  	[tilespmem:$0x1C330] =	vst v0  }
0x59: {  	[tilespmem:$0x1C340] =	vst v0  }
0x5a: {  	[tilespmem:$0x1C350] =	vst v0  }
0x5b: {  	[tilespmem:$0x1C360] =	vst v0  }
0x5c: {  	[tilespmem:$0x1C370] =	vst v0  }
0x5d: {  	[tilespmem:$0x1C380] =	vst v0  }
0x5e: {  	[tilespmem:$0x1C390] =	vst v0  }
0x5f: {  	[tilespmem:$0x1C3A0] =	vst v0  }
0x60: {  	[tilespmem:$0x1C3B0] =	vst v0  }
0x61: {  	[tilespmem:$0x1C3C0] =	vst v0  }
0x62: {  	[tilespmem:$0x1C3D0] =	vst v0  }
0x63: {  	[tilespmem:$0x1C3E0] =	vst v0  }
0x64: {  	[tilespmem:$0x1C3F0] =	vst v0  }
0x65: {  	[tilespmem:$0x1C400] =	vst v0  }
0x66: {  	[tilespmem:$0x1C410] =	vst v0  }
0x67: {  	[tilespmem:$0x1C420] =	vst v0  }
0x68: {  	[tilespmem:$0x1C430] =	vst v0  }
0x69: {  	[tilespmem:$0x1C440] =	vst v0  }
0x6a: {  	[tilespmem:$0x1C450] =	vst v0  }
0x6b: {  	[tilespmem:$0x1C460] =	vst v0  }
0x6c: {  	[tilespmem:$0x1C470] =	vst v0  }
0x6d: {  	[tilespmem:$0x1C480] =	vst v0  }
0x6e: {  	[tilespmem:$0x1C490] =	vst v0  }
0x6f: {  	[tilespmem:$0x1C4A0] =	vst v0  }
0x70: {  	[tilespmem:$0x1C4B0] =	vst v0  }
0x71: {  	[tilespmem:$0x1C4C0] =	vst v0  }
0x72: {  	[tilespmem:$0x1C4D0] =	vst v0  }
0x73: {  	[tilespmem:$0x1C4E0] =	vst v0  }
0x74: {  	s17 =	simm.s32 $0x1C280;
	[tilespmem:$0x1C4F0] =	vst v0  }
0x75: {  	[spmem:s11] =	stream.linear.scatter [tilespmem:s17], [sflag:$0x7], $0x280, $0x38;
	[tilespmem:$0x1C780] =	vst v63  }
0x76: {  	_ =	swait.ge [sflag:s16], $0x280  }
0x77: {  	[sflag:s16] =	ssyncset.done $0x0  }
0x78: {  	[sflag:s16] =	ssyncadd.s32 $0xFFFFFD80  }
0x79: {  	s17 =	simm.s32 $0x0;
	[bflag:$0x0] =	sbarrier.arrive $0xFFFF  }
0x7a: {  	[tilespmem:s17], [sflag:$0x7] =	stream.linear.gather [hbm4b:s12+s17], $0x80, $0x38;
	[tilespmem:$0x1C780] =	vst v63  }
0x7b: {  	_ =	swait.ge [sflag:s16], $0x80  }
0x7c: {  	[sflag:s16] =	ssyncset.done $0x0  }
0x7d: {  	[sflag:s16] =	ssyncadd.s32 $0xFFFFFF80  }
0x7e: {  	[tilespmem:s18], [sflag:$0x7] =	stream.linear.gather [hbm4b:s13+s17], $0x80, $0x38;
	[tilespmem:$0x1C780] =	vst v63  }
0x7f: {  	_ =	swait.ge [sflag:s16], $0x80  }
0x80: {  	[sflag:s16] =	ssyncset.done $0x0  }
0x81: {  	[sflag:s16] =	ssyncadd.s32 $0xFFFFFF80  }
0x82: {  	[tilespmem:s15], [sflag:$0x1] =	stream.indirect.gather [hbm4b:s5+s19], $0x80, s17, s19, $0xb8;
	[tilespmem:$0x1C780] =	vst v63  }
0x83: {  	s28 =	sadd.s32 $0x10, s12  }
0x84: {  	[tilespmem:s19], [sflag:$0x7] =	stream.linear.gather [hbm4b:s28+s17], $0x80, $0x38;
	[tilespmem:$0x1C780] =	vst v63  }
0x85: {  	_ =	swait.ge [sflag:s16], $0x80  }
0x86: {  	[sflag:s16] =	ssyncset.done $0x0  }
0x87: {  	s29 =	sadd.s32 $0x10, s13;
	[sflag:s16] =	ssyncadd.s32 $0xFFFFFF80  }
0x88: {  	[tilespmem:s20], [sflag:$0x7] =	stream.linear.gather [hbm4b:s29+s17], $0x80, $0x38;
	[tilespmem:$0x1C780] =	vst v63  }
0x89: {  	_ =	swait.ge [sflag:s16], $0x80  }
0x8a: {  	[sflag:s16] =	ssyncset.done $0x0  }
0x8b: {  	[sflag:s16] =	ssyncadd.s32 $0xFFFFFF80  }
0x8c: {  	[tilespmem:s21], [sflag:$0x2] =	stream.indirect.gather [hbm4b:s5+s19], $0x80, s19, s19, $0xb8;
	[tilespmem:$0x1C780] =	vst v63  }
.LBB2_4:
0x8d: {  	p0 =	seq.s32 s17, $0x4E0  }
0x8e: {  	p1 =	seq.s32 @!p0 s17, $0x0  }
0x8f: {  	p1 =	por p0, !p1  }
.Ltmp3:
0x90: {  	_ = 	snop;
	(pc) =	sbr.rel @!p1 .LBB2_5-.Ltmp3, $4  }
0x91: {  	_ =	swait.ge [sflag:s23], $0x4000  }
0x92: {  	[sflag:s23] =	ssyncset.done $0x0;
	s0 =	sadd.s32 @!p0 s17, s12  }
0x93: {  	s28 =	simm.s32 @!p0 $0x0;
	[sflag:s23] =	ssyncadd.s32 $0xFFFFC000;
	s29 =	sadd.s32 @!p0 $0x20, s0  }
0x94: {  	[tilespmem:s28], [sflag:$0x3] =	stream.linear.gather @!p0 [hbm4b:s29+s28], $0x80, $0x38;
	[tilespmem:$0x1C780] =	vst v63  }
.Ltmp4:
0x95: {  	(pc) =	sbr.rel .LBB2_7-.Ltmp4, $4  }
0x96: {  	_ = 	snop  }
0x97: {  	_ =	swait.ge [sflag:s31], $0x80  }
0x98: {  	[sflag:s31] =	ssyncset.done $0x0  }
0x99: {  	p1 =	por $0x0, $0x0;
	[sflag:s31] =	ssyncadd.s32 $0xFFFFFF80  }
.LBB2_5:
0x9a: {  	p1 =	por @!p0 $0x1, $0x1  }
.LBB2_7:
0x9b: {  	[spmem:s2] =	stream.indirect.scatter.add.f32 [tilespmem:s15], [sflag:$0x7], $0x80, s18, s19, $0xb8;
	[tilespmem:$0x1C780] =	vst v63  }
0x9c: {  	_ =	swait.ge [sflag:s16], $0x4000  }
0x9d: {  	[sflag:s16] =	ssyncset.done $0x0  }
0x9e: {  	[sflag:s16] =	ssyncadd.s32 $0xFFFFC000  }
0x9f: {  	[spmem:s3] =	stream.indirect.scatter.add.f32 [tilespmem:s25], [sflag:$0x7], $0x1, s18, s19, $0xb8;
	[tilespmem:$0x1C780] =	vst v63  }
0xa0: {  	_ =	swait.ge [sflag:s16], $0x80  }
0xa1: {  	s29 =	sadd.s32 @!p0 s17, s13;
	[sflag:s16] =	ssyncset.done $0x0  }
0xa2: {  	s7 =	simm.s32 @!p0 $0x100;
	s29 =	sadd.s32 @!p0 $0x20, s29;
	[sflag:s16] =	ssyncadd.s32 $0xFFFFFF80  }
0xa3: {  	[tilespmem:s7], [sflag:$0x5] =	stream.linear.gather @!p0 [hbm4b:s29+s28], $0x80, $0x38;
	[tilespmem:$0x1C780] =	vst v63  }
0xa4: {  	s7 =	simm.s32 @!p0 $0x3  }
0xa5: {  	_ =	swait.ge @!p0 [sflag:s7], $0x80  }
0xa6: {  	[sflag:s7] =	ssyncset.done @!p0 $0x0  }
0xa7: {  	s29 =	simm.s32 @!p0 $0x200;
	[sflag:s7] =	ssyncadd.s32 @!p0 $0xFFFFFF80;
	s7 =	simm.s32 @!p0 $0x80  }
0xa8: {  	[tilespmem:s29], [sflag:$0x1] =	stream.indirect.gather @!p0 [hbm4b:s5+s7], $0x80, s28, s7, $0xb8;
	[tilespmem:$0x1C780] =	vst v63  }
0xa9: {  	_ =	swait.ge [sflag:s26], $0x4000  }
0xaa: {  	[sflag:s26] =	ssyncset.done $0x0  }
0xab: {  	s0 =	sadd.s32 @!p0 $0x30, s0;
	[sflag:s26] =	ssyncadd.s32 $0xFFFFC000  }
0xac: {  	[tilespmem:s7], [sflag:$0x4] =	stream.linear.gather @!p0 [hbm4b:s0+s28], $0x80, $0x38;
	[tilespmem:$0x1C780] =	vst v63  }
0xad: {  	s0 =	simm.s32 @!p1 $0x6  }
0xae: {  	_ =	swait.ge @!p1 [sflag:s0], $0x80  }
0xaf: {  	[sflag:s0] =	ssyncset.done @!p1 $0x0  }
0xb0: {  	[sflag:s0] =	ssyncadd.s32 @!p1 $0xFFFFFF80  }
0xb1: {  	[spmem:s2] =	stream.indirect.scatter.add.f32 [tilespmem:s21], [sflag:$0x7], $0x80, s20, s19, $0xb8;
	[tilespmem:$0x1C780] =	vst v63  }
0xb2: {  	_ =	swait.ge [sflag:s16], $0x4000  }
0xb3: {  	[sflag:s16] =	ssyncset.done $0x0  }
.Ltmp5:
0xb4: {  	[sflag:s16] =	ssyncadd.s32 $0xFFFFC000;
	(pc) =	sbr.rel @p0 .LBB2_9-.Ltmp5, $4  }
0xb5: {  	[spmem:s3] =	stream.indirect.scatter.add.f32 [tilespmem:s25], [sflag:$0x7], $0x1, s20, s19, $0xb8;
	[tilespmem:$0x1C780] =	vst v63  }
0xb6: {  	_ =	swait.ge [sflag:s16], $0x80  }
0xb7: {  	[sflag:s16] =	ssyncset.done $0x0  }
0xb8: {  	[sflag:s16] =	ssyncadd.s32 $0xFFFFFF80  }
0xb9: {  	s0 =	sadd.s32 s17, s13  }
0xba: {  	s0 =	sadd.s32 $0x30, s0  }
0xbb: {  	[tilespmem:s20], [sflag:$0x6] =	stream.linear.gather [hbm4b:s0+s4], $0x80, $0x38;
	[tilespmem:$0x1C780] =	vst v63  }
.Ltmp6:
0xbc: {  	_ = 	snop;
	(pc) =	sbr.rel .LBB2_4-.Ltmp6, $4  }
0xbd: {  	_ =	swait.ge [sflag:s30], $0x80  }
0xbe: {  	[sflag:s30] =	ssyncset.done $0x0  }
0xbf: {  	s17 =	sadd.s32 $0x20, s17;
	[sflag:s30] =	ssyncadd.s32 $0xFFFFFF80  }
0xc0: {  	[tilespmem:s21], [sflag:$0x2] =	stream.indirect.gather [hbm4b:s5+s19], $0x80, s19, s19, $0xb8;
	[tilespmem:$0x1C780] =	vst v63  }
.LBB2_10:
0xc1: {  	_ =	sfence.sel $0x180000  }
0xc2: {  	[bflag:$0x0] =	sbarrier.arrive $0xFFFF  }
0xc3: {  	_ =	strace $0x90000047  }
0xc4: {  	s0 =	stileid.u32;
	[bflag:$0x2] =	sbarrier.arrive $0xFFFF  }
0xc5: {  	p0 =	sne.s32 s0, $0x0;
	s0 =	rddreg [dreg:$0x4]  }
0xc6: {  	s0 =	sadd.s32 @!p0 $0x100000, s0  }
0xc7: {  	[sflag:s0] =	ssyncadd.tile.s32 @!p0 $0x1;
	_ =	shalt  }
.Lfunc_end2:
_tile_overlayer_lowered:
.L_overlay_start_2:
0xc8: {  	(tag) =	ssettag $0x2  }
0xc9: {  	s0 =	rddreg [dreg:$0x0];
	s2 =	stileid.u32  }
0xca: {  	s1 =	rddreg [dreg:$0x1];
	p0 =	sne.s32 s2, $0x0  }
0xcb: {  	s3 =	rddreg [dreg:$0x2];
	[bflag:$0x3] =	sbarrier.arrive $0xFFFF;
	s2 =	simm.s32 @!p0 $0x1C07  }
0xcc: {  	[timem:s3], [sflag:s2] =	dma.local @!p0 [hbm:s0], s1  }
0xcd: {  	s0 =	simm.s32 @!p0 $0x7  }
0xce: {  	_ =	swait.ge @!p0 [sflag:s0], s1  }
0xcf: {  	s1 =	ssub.s32 @!p0 $0x0, s1;
	[sflag:s0] =	ssyncset.done @!p0 $0x0  }
0xd0: {  	[sflag:s0] =	ssyncadd.s32 @!p0 s1  }
0xd1: {  	[bflag:$0x3] =	sbarrier.arrive $0xFFFF  }
0xd2: {  	_ =	shalt  }

</sc_bundles>
